<compile_context>
chip_gen: v7x
topology: tpu7x:2x2x1
jax: 0.10.2.dev20260603
libtpu: 0.0.44.dev20260713+nightly
codegen_flags: <defaults>
</compile_context>

<pallas_src>
import jax
import jax.numpy as jnp
from jax import lax
from jax.experimental import pallas as pl
from jax.experimental.pallas import tpu as pltpu
from jax.experimental.pallas import tpu_sc as plsc

N = 10000
E = 320000
F = 128
H1 = 128
H2 = 16
C = 9

B = 80
NB = E // B
NB_PAD = 4096
NC = 2
NS = 16
NW = NC * NS
RPW = NB_PAD // NW
KG = 8
GROUPS = RPW // KG
N_PAD = 10240
RPT = N_PAD // NS

_MESH = dict(core_axis_name="c", subcore_axis_name="s")


def _sc_agg(D, feature_split):
    groups = (NB_PAD // NS if feature_split else RPW) // KG

    def body(g_hbm, src_hbm, dst_hbm, z_hbm, out_hbm, src_v, dst_v, rows_v,
             acc, sem):
        c = lax.axis_index("c")
        s = lax.axis_index("s")
        pltpu.sync_copy(z_hbm.at[pl.ds(s * RPT, RPT)],
                        acc.at[pl.ds(s * RPT, RPT)])
        plsc.subcore_barrier()
        if feature_split:
            base = s * (NB_PAD // NS)
            gsrc = g_hbm.at[c]
        else:
            base = (s * NC + c) * RPW
            gsrc = g_hbm

        @pl.loop(0, groups)
        def _(i):
            r0 = base + i * KG
            pltpu.sync_copy(src_hbm.at[pl.ds(r0, KG)], src_v)
            pltpu.sync_copy(dst_hbm.at[pl.ds(r0, KG)], dst_v)
            descs = [
                pltpu.async_copy(gsrc.at[src_v.at[j]], rows_v.at[j], sem)
                for j in range(KG)
            ]
            for d in descs:
                d.wait()
            for j in range(KG):
                pltpu.sync_copy(rows_v.at[j], acc.at[dst_v.at[j]], add=True)

        plsc.subcore_barrier()
        pltpu.sync_copy(acc.at[pl.ds(s * RPT, RPT)],
                        out_hbm.at[c].at[pl.ds(s * RPT, RPT)])

    return pl.kernel(
        body,
        out_type=jax.ShapeDtypeStruct((NC, N_PAD, D), jnp.float32),
        mesh=plsc.VectorSubcoreMesh(**_MESH),
        compiler_params=pltpu.CompilerParams(use_tc_tiling_on_sc=False),
        scratch_types=[
            pltpu.VMEM((KG, B), jnp.int32),
            pltpu.VMEM((KG, B), jnp.int32),
            pltpu.VMEM((KG, B, D), jnp.float32),
            pltpu.VMEM_SHARED((N_PAD, D), jnp.float32),
            pltpu.SemaphoreType.DMA,
        ],
    )


def _sc_deg_body(dst_hbm, z_hbm, out_hbm, dst_v, ones_v, acc, sem):
    c = lax.axis_index("c")
    s = lax.axis_index("s")
    wid = s * NC + c
    for r in range(B):
        ones_v[r] = jnp.full((16,), 1.0, jnp.float32)
    pltpu.sync_copy(z_hbm.at[pl.ds(s * RPT, RPT)], acc.at[pl.ds(s * RPT, RPT)])
    plsc.subcore_barrier()
    base = wid * RPW

    @pl.loop(0, GROUPS)
    def _(i):
        r0 = base + i * KG
        pltpu.sync_copy(dst_hbm.at[pl.ds(r0, KG)], dst_v)
        for j in range(KG):
            pltpu.sync_copy(ones_v, acc.at[dst_v.at[j]], add=True)

    plsc.subcore_barrier()
    pltpu.sync_copy(acc.at[pl.ds(s * RPT, RPT)],
                    out_hbm.at[c].at[pl.ds(s * RPT, RPT)])


_sc_deg = pl.kernel(
    _sc_deg_body,
    out_type=jax.ShapeDtypeStruct((NC, N_PAD, 16), jnp.float32),
    mesh=plsc.VectorSubcoreMesh(**_MESH),
    compiler_params=pltpu.CompilerParams(use_tc_tiling_on_sc=False),
    scratch_types=[
        pltpu.VMEM((KG, B), jnp.int32),
        pltpu.VMEM((B, 16), jnp.float32),
        pltpu.VMEM_SHARED((N_PAD, 16), jnp.float32),
        pltpu.SemaphoreType.DMA,
    ],
)


M_BLK = 400
GRID = N // M_BLK


def _tc1_body(x_ref, w1_ref, hist_ref, g1_ref, dinv_ref):
    h = jnp.dot(x_ref[...], w1_ref[...], preferred_element_type=jnp.float32)
    deg = hist_ref[0, :, 0:1] + hist_ref[1, :, 0:1] + 1.0
    dinv = lax.rsqrt(deg)
    g = h * dinv
    g1_ref[0] = g[:, :64]
    g1_ref[1] = g[:, 64:]
    dinv_ref[...] = dinv


def _tc2_body(s1_ref, g1_ref, dinv_ref, b1_ref, w2_ref, g2_ref):
    dinv = dinv_ref[...]
    h = jnp.concatenate([s1_ref[0] + g1_ref[0], s1_ref[1] + g1_ref[1]],
                        axis=1)
    h = jnp.maximum(h * dinv + b1_ref[...], 0.0)
    g2_ref[...] = jnp.dot(h, w2_ref[...],
                          preferred_element_type=jnp.float32) * dinv


def _tc3_body(s2_ref, g2_ref, dinv_ref, b2_ref, wl_ref, bl_ref, out_ref):
    dinv = dinv_ref[...]
    h = (s2_ref[0] + s2_ref[1] + g2_ref[...]) * dinv + b2_ref[...]
    h = jnp.maximum(h, 0.0)
    out_ref[...] = jnp.dot(h, wl_ref[...],
                           preferred_element_type=jnp.float32) + bl_ref[...]


def _row_blk(d):
    return pl.BlockSpec((M_BLK, d), lambda i: (i, 0))


def _pair_blk(d):
    return pl.BlockSpec((2, M_BLK, d), lambda i: (0, i, 0))


def _full_blk(shape):
    return pl.BlockSpec(shape, lambda i: tuple(0 for _ in shape))


_tc1 = pl.pallas_call(
    _tc1_body,
    grid=(GRID,),
    in_specs=[_row_blk(F), _full_blk((F, H1)), _pair_blk(16)],
    out_specs=[_pair_blk(64), _row_blk(1)],
    out_shape=[
        jax.ShapeDtypeStruct((2, N, 64), jnp.float32),
        jax.ShapeDtypeStruct((N, 1), jnp.float32),
    ],
)

_tc2 = pl.pallas_call(
    _tc2_body,
    grid=(GRID,),
    in_specs=[_pair_blk(64), _pair_blk(64), _row_blk(1), _full_blk((1, H1)),
              _full_blk((H1, H2))],
    out_specs=_row_blk(H2),
    out_shape=jax.ShapeDtypeStruct((N, H2), jnp.float32),
)

_tc3 = pl.pallas_call(
    _tc3_body,
    grid=(GRID,),
    in_specs=[_pair_blk(H2), _row_blk(H2), _row_blk(1), _full_blk((1, H2)),
              _full_blk((H2, C)), _full_blk((1, C))],
    out_specs=_row_blk(C),
    out_shape=jax.ShapeDtypeStruct((N, C), jnp.float32),
)

_agg1 = _sc_agg(64, feature_split=True)
_agg2 = _sc_agg(H2, feature_split=False)


def kernel(x, edge_index, W1, b1, W2, b2, Wl, bl):
    ei = edge_index.astype(jnp.int32)
    pad = NB_PAD - NB
    src2 = jnp.concatenate(
        [ei[0].reshape(NB, B), jnp.zeros((pad, B), jnp.int32)])
    dst2 = jnp.concatenate(
        [ei[1].reshape(NB, B), jnp.full((pad, B), N, jnp.int32)])
    z64 = jnp.zeros((N_PAD, 64), jnp.float32)
    z16 = jnp.zeros((N_PAD, 16), jnp.float32)

    hist = _sc_deg(dst2, z16)
    g1, dinv = _tc1(x, W1, hist)
    s1 = _agg1(g1, src2, dst2, z64)
    g2 = _tc2(s1, g1, dinv, b1.reshape(1, H1), W2)
    s2 = _agg2(g2, src2, dst2, z16)
    out = _tc3(s2, g2, dinv, b2.reshape(1, H2), Wl, bl.reshape(1, C))
    return out

# --- scband reference (transcript-rebuilt; emitter-appended) ---
"""Pipeline reference for scband-rock-facies-classifier-11914239279182 (READ-ONLY COPY).

The authoritative reference and input builder live on the scoring server;
editing this copy changes nothing except your own understanding.
"""

import jax, jax.numpy as jnp
import numpy as np

NUM_NODES = 10000
NUM_EDGES = 320000
NUM_FEATURES = 128
HIDDEN1 = 128
HIDDEN2 = 16
NUM_CLASSES = 9


def gcn_conv(x, edge_index, W, b):
    # Faithful GCNConv (PyG defaults): h = x @ W; add self-loops; symmetric norm; scatter-add; + bias
    n = x.shape[0]
    h = x @ W
    loop = jnp.arange(n, dtype=edge_index.dtype)
    src = jnp.concatenate([edge_index[0], loop])
    dst = jnp.concatenate([edge_index[1], loop])
    ones = jnp.ones(src.shape[0], dtype=h.dtype)
    deg = jnp.zeros(n, dtype=h.dtype).at[dst].add(ones)
    deg_inv_sqrt = jnp.where(deg > 0, deg ** -0.5, 0.0)
    norm = deg_inv_sqrt[src] * deg_inv_sqrt[dst]
    msg = h[src] * norm[:, None]
    out = jnp.zeros((n, h.shape[1]), dtype=h.dtype).at[dst].add(msg)
    return out + b


def setup_inputs(seed: int = 0) -> dict:
    key = jax.random.key(seed)
    ks = jax.random.split(key, 8)
    x = jax.random.normal(ks[0], (NUM_NODES, NUM_FEATURES), dtype=jnp.float32)
    edge_index = jax.random.randint(ks[1], (2, NUM_EDGES), 0, NUM_NODES, dtype=jnp.int64)
    s1 = (1.0 / NUM_FEATURES) ** 0.5
    s2 = (1.0 / HIDDEN1) ** 0.5
    s3 = (1.0 / HIDDEN2) ** 0.5
    W1 = jax.random.uniform(ks[2], (NUM_FEATURES, HIDDEN1), jnp.float32, -s1, s1)
    b1 = jnp.zeros((HIDDEN1,), dtype=jnp.float32)
    W2 = jax.random.uniform(ks[3], (HIDDEN1, HIDDEN2), jnp.float32, -s2, s2)
    b2 = jnp.zeros((HIDDEN2,), dtype=jnp.float32)
    Wl = jax.random.uniform(ks[4], (HIDDEN2, NUM_CLASSES), jnp.float32, -s3, s3)
    bl = jax.random.uniform(ks[5], (NUM_CLASSES,), jnp.float32, -s3, s3)
    return {"x": x, "edge_index": edge_index, "W1": W1, "b1": b1, "W2": W2, "b2": b2, "Wl": Wl, "bl": bl}


def reference(x, edge_index, W1, b1, W2, b2, Wl, bl):
    h = gcn_conv(x, edge_index, W1, b1)
    h = jax.nn.relu(h)
    h = gcn_conv(h, edge_index, W2, b2)
    h = jax.nn.relu(h)
    out = h @ Wl + bl
    return out

if __name__ == "__main__":
    import jax
    _d = setup_inputs()
    print(jax.jit(kernel)(*tuple(_d.values())))

</pallas_src>

<mosaic_0001>
#map = affine_map<(d0, d1) -> (0, 0)>
#map1 = affine_map<(d0, d1) -> (0, 0, 0)>
module attributes {stable_mosaic.version = 14 : i64} {
  func.func @body(%arg0: i32, %arg1: i32, %arg2: memref<10000x16xf32, #tpu.memory_space<hbm>>, %arg3: memref<4096x80xi32, #tpu.memory_space<hbm>>, %arg4: memref<4096x80xi32, #tpu.memory_space<hbm>>, %arg5: memref<10240x16xf32, #tpu.memory_space<hbm>>, %arg6: memref<2x10240x16xf32, #tpu.memory_space<hbm>>, %arg7: memref<8x80xi32, #tpu.memory_space<vmem>>, %arg8: memref<8x80xi32, #tpu.memory_space<vmem>>, %arg9: memref<8x80x16xf32, #tpu.memory_space<vmem>>, %arg10: memref<10240x16xf32, #tpu.memory_space<vmem_shared>>, %arg11: memref<!tpu.dma_semaphore, #tpu.memory_space<semaphore_mem>>) attributes {dimension_semantics = [#tpu.dimension_semantics<core_parallel>, #tpu.dimension_semantics<subcore_parallel>], iteration_bounds = array<i64: 2, 16>, scalar_prefetch = 0 : i64, scratch_operands = 5 : i64, tpu.core_type = #tpu.core_type<sc_vector_subcore>, window_params = [{transform_indices = #map}, {transform_indices = #map}, {transform_indices = #map}, {transform_indices = #map}, {transform_indices = #map1}]} {
    %mul3A = arith.constant 640 : i32
    %mul3A_0 = arith.muli %arg1, %mul3A : i32
    %mul3A_1 = arith.constant 640 : i32
    %mul3A_2 = arith.muli %arg1, %mul3A_1 : i32
    "tpu.region"() ({
      %run_scoped3A = tpu.sem_alloc : memref<!tpu.dma_semaphore, #tpu.memory_space<semaphore_mem>>
      %dma_start3A = arith.constant 0 : i32
      %dma_start3A_16 = tpu.memref_slice %arg10[%mul3A_2, %dma_start3A] : memref<10240x16xf32, #tpu.memory_space<vmem_shared>> -> memref<640x16xf32, #tpu.memory_space<vmem_shared>>
      %dma_start3A_17 = arith.constant 0 : i32
      %dma_start3A_18 = tpu.memref_slice %arg5[%mul3A_0, %dma_start3A_17] : memref<10240x16xf32, #tpu.memory_space<hbm>> -> memref<640x16xf32, #tpu.memory_space<hbm>>
      tpu.enqueue_dma source(%dma_start3A_18 : memref<640x16xf32, #tpu.memory_space<hbm>>) target(%dma_start3A_16 : memref<640x16xf32, #tpu.memory_space<vmem_shared>>) target_semaphore(%run_scoped3A : memref<!tpu.dma_semaphore, #tpu.memory_space<semaphore_mem>>)
      %dma_wait3A = arith.constant 0 : i32
      %dma_wait3A_19 = tpu.memref_slice %arg10[%mul3A_2, %dma_wait3A] : memref<10240x16xf32, #tpu.memory_space<vmem_shared>> -> memref<640x16xf32, #tpu.memory_space<vmem_shared>>
      %dma_wait3A_20 = arith.constant 0 : i32
      %dma_wait3A_21 = tpu.memref_slice %arg5[%mul3A_0, %dma_wait3A_20] : memref<10240x16xf32, #tpu.memory_space<hbm>> -> memref<640x16xf32, #tpu.memory_space<hbm>>
      tpu.wait_dma2 semaphore(%run_scoped3A : memref<!tpu.dma_semaphore, #tpu.memory_space<semaphore_mem>>) src(%dma_wait3A_21 : memref<640x16xf32, #tpu.memory_space<hbm>>) dst(%dma_wait3A_19 : memref<640x16xf32, #tpu.memory_space<vmem_shared>>)
      tpu.yield
    }) : () -> ()
    %barrier3A = arith.constant 0 : index
    tpu.barrier barrier_id(%barrier3A)
    %mul3A_3 = arith.constant 2 : i32
    %mul3A_4 = arith.muli %arg1, %mul3A_3 : i32
    %add3A = arith.addi %mul3A_4, %arg0 : i32
    %mul3A_5 = arith.constant 128 : i32
    %mul3A_6 = arith.muli %add3A, %mul3A_5 : i32
    %scan3A = arith.constant 0 : i32
    %scan3A_7 = arith.constant 16 : i32
    %scan3A_8 = arith.addi %scan3A, %scan3A_7 : i32
    %scan3A_9 = arith.constant 1 : i32
    scf.for %scan3A_16 = %scan3A to %scan3A_8 step %scan3A_9  : i32 {
      %mul3A_17 = arith.constant 1 : i32
      %mul3A_18 = arith.muli %scan3A_16, %mul3A_17 : i32
      %add3A_19 = arith.constant 0 : i32
      %add3A_20 = arith.addi %add3A_19, %mul3A_18 : i32
      %mul3A_21 = arith.constant 8 : i32
      %mul3A_22 = arith.muli %add3A_20, %mul3A_21 : i32
      %add3A_23 = arith.addi %mul3A_6, %mul3A_22 : i32
      "tpu.region"() ({
        %run_scoped3A_229 = tpu.sem_alloc : memref<!tpu.dma_semaphore, #tpu.memory_space<semaphore_mem>>
        %dma_start3A_230 = arith.constant 0 : i32
        %dma_start3A_231 = tpu.memref_slice %arg3[%add3A_23, %dma_start3A_230] : memref<4096x80xi32, #tpu.memory_space<hbm>> -> memref<8x80xi32, #tpu.memory_space<hbm>>
        %dma_start3A_232 = arith.constant 0 : i32
        %dma_start3A_233 = tpu.memref_slice %arg3[%add3A_23, %dma_start3A_232] : memref<4096x80xi32, #tpu.memory_space<hbm>> -> memref<8x80xi32, #tpu.memory_space<hbm>>
        tpu.enqueue_dma source(%dma_start3A_233 : memref<8x80xi32, #tpu.memory_space<hbm>>) target(%arg7 : memref<8x80xi32, #tpu.memory_space<vmem>>) target_semaphore(%run_scoped3A_229 : memref<!tpu.dma_semaphore, #tpu.memory_space<semaphore_mem>>)
        %dma_wait3A_234 = arith.constant 0 : i32
        %dma_wait3A_235 = tpu.memref_slice %arg3[%add3A_23, %dma_wait3A_234] : memref<4096x80xi32, #tpu.memory_space<hbm>> -> memref<8x80xi32, #tpu.memory_space<hbm>>
        %dma_wait3A_236 = arith.constant 0 : i32
        %dma_wait3A_237 = tpu.memref_slice %arg3[%add3A_23, %dma_wait3A_236] : memref<4096x80xi32, #tpu.memory_space<hbm>> -> memref<8x80xi32, #tpu.memory_space<hbm>>
        tpu.wait_dma2 semaphore(%run_scoped3A_229 : memref<!tpu.dma_semaphore, #tpu.memory_space<semaphore_mem>>) src(%dma_wait3A_237 : memref<8x80xi32, #tpu.memory_space<hbm>>) dst(%arg7 : memref<8x80xi32, #tpu.memory_space<vmem>>)
        tpu.yield
      }) : () -> ()
      "tpu.region"() ({
        %run_scoped3A_229 = tpu.sem_alloc : memref<!tpu.dma_semaphore, #tpu.memory_space<semaphore_mem>>
        %dma_start3A_230 = arith.constant 0 : i32
        %dma_start3A_231 = tpu.memref_slice %arg4[%add3A_23, %dma_start3A_230] : memref<4096x80xi32, #tpu.memory_space<hbm>> -> memref<8x80xi32, #tpu.memory_space<hbm>>
        %dma_start3A_232 = arith.constant 0 : i32
        %dma_start3A_233 = tpu.memref_slice %arg4[%add3A_23, %dma_start3A_232] : memref<4096x80xi32, #tpu.memory_space<hbm>> -> memref<8x80xi32, #tpu.memory_space<hbm>>
        tpu.enqueue_dma source(%dma_start3A_233 : memref<8x80xi32, #tpu.memory_space<hbm>>) target(%arg8 : memref<8x80xi32, #tpu.memory_space<vmem>>) target_semaphore(%run_scoped3A_229 : memref<!tpu.dma_semaphore, #tpu.memory_space<semaphore_mem>>)
        %dma_wait3A_234 = arith.constant 0 : i32
        %dma_wait3A_235 = tpu.memref_slice %arg4[%add3A_23, %dma_wait3A_234] : memref<4096x80xi32, #tpu.memory_space<hbm>> -> memref<8x80xi32, #tpu.memory_space<hbm>>
        %dma_wait3A_236 = arith.constant 0 : i32
        %dma_wait3A_237 = tpu.memref_slice %arg4[%add3A_23, %dma_wait3A_236] : memref<4096x80xi32, #tpu.memory_space<hbm>> -> memref<8x80xi32, #tpu.memory_space<hbm>>
        tpu.wait_dma2 semaphore(%run_scoped3A_229 : memref<!tpu.dma_semaphore, #tpu.memory_space<semaphore_mem>>) src(%dma_wait3A_237 : memref<8x80xi32, #tpu.memory_space<hbm>>) dst(%arg8 : memref<8x80xi32, #tpu.memory_space<vmem>>)
        tpu.yield
      }) : () -> ()
      %dma_start3A = arith.constant 0 : i32
      %dma_start3A_24 = arith.constant 0 : i32
      %dma_start3A_25 = arith.constant 0 : i32
      %dma_start3A_26 = arith.constant 0 : i32
      %dma_start3A_27 = tpu.memref_slice %arg9[%dma_start3A_24, %dma_start3A_25, %dma_start3A_26] : memref<8x80x16xf32, #tpu.memory_space<vmem>> -> memref<1x80x16xf32, #tpu.memory_space<vmem>>
      %dma_start3A_28 = tpu.memref_squeeze %dma_start3A_27 : memref<1x80x16xf32, #tpu.memory_space<vmem>> -> memref<80x16xf32, #tpu.memory_space<vmem>>
      %dma_start3A_29 = arith.constant 0 : i32
      %dma_start3A_30 = tpu.memref_slice %arg7[%dma_start3A, %dma_start3A_29] : memref<8x80xi32, #tpu.memory_space<vmem>> -> memref<1x80xi32, #tpu.memory_space<vmem>>
      %dma_start3A_31 = tpu.memref_squeeze %dma_start3A_30 : memref<1x80xi32, #tpu.memory_space<vmem>> -> memref<80xi32, #tpu.memory_space<vmem>>
      %dma_start3A_32 = arith.constant 0 : i32
      %dma_start3A_33 = arith.constant 0 : i32
      %dma_start3A_34 = tpu.memref_slice %arg2[%dma_start3A_32, %dma_start3A_33] : memref<10000x16xf32, #tpu.memory_space<hbm>> -> memref<10000x16xf32, #tpu.memory_space<hbm>>
      tpu.enqueue_indirect_dma source(%dma_start3A_34 : memref<10000x16xf32, #tpu.memory_space<hbm>>) target(%dma_start3A_28 : memref<80x16xf32, #tpu.memory_space<vmem>>) offsets(%dma_start3A_31 : memref<80xi32, #tpu.memory_space<vmem>>) semaphore(%arg11 : memref<!tpu.dma_semaphore, #tpu.memory_space<semaphore_mem>>)
      %dma_start3A_35 = arith.constant 1 : i32
      %dma_start3A_36 = arith.constant 1 : i32
      %dma_start3A_37 = arith.constant 0 : i32
      %dma_start3A_38 = arith.constant 0 : i32
      %dma_start3A_39 = tpu.memref_slice %arg9[%dma_start3A_36, %dma_start3A_37, %dma_start3A_38] : memref<8x80x16xf32, #tpu.memory_space<vmem>> -> memref<1x80x16xf32, #tpu.memory_space<vmem>>
      %dma_start3A_40 = tpu.memref_squeeze %dma_start3A_39 : memref<1x80x16xf32, #tpu.memory_space<vmem>> -> memref<80x16xf32, #tpu.memory_space<vmem>>
      %dma_start3A_41 = arith.constant 0 : i32
      %dma_start3A_42 = tpu.memref_slice %arg7[%dma_start3A_35, %dma_start3A_41] : memref<8x80xi32, #tpu.memory_space<vmem>> -> memref<1x80xi32, #tpu.memory_space<vmem>>
      %dma_start3A_43 = tpu.memref_squeeze %dma_start3A_42 : memref<1x80xi32, #tpu.memory_space<vmem>> -> memref<80xi32, #tpu.memory_space<vmem>>
      %dma_start3A_44 = arith.constant 0 : i32
      %dma_start3A_45 = arith.constant 0 : i32
      %dma_start3A_46 = tpu.memref_slice %arg2[%dma_start3A_44, %dma_start3A_45] : memref<10000x16xf32, #tpu.memory_space<hbm>> -> memref<10000x16xf32, #tpu.memory_space<hbm>>
      tpu.enqueue_indirect_dma source(%dma_start3A_46 : memref<10000x16xf32, #tpu.memory_space<hbm>>) target(%dma_start3A_40 : memref<80x16xf32, #tpu.memory_space<vmem>>) offsets(%dma_start3A_43 : memref<80xi32, #tpu.memory_space<vmem>>) semaphore(%arg11 : memref<!tpu.dma_semaphore, #tpu.memory_space<semaphore_mem>>)
      %dma_start3A_47 = arith.constant 2 : i32
      %dma_start3A_48 = arith.constant 2 : i32
      %dma_start3A_49 = arith.constant 0 : i32
      %dma_start3A_50 = arith.constant 0 : i32
      %dma_start3A_51 = tpu.memref_slice %arg9[%dma_start3A_48, %dma_start3A_49, %dma_start3A_50] : memref<8x80x16xf32, #tpu.memory_space<vmem>> -> memref<1x80x16xf32, #tpu.memory_space<vmem>>
      %dma_start3A_52 = tpu.memref_squeeze %dma_start3A_51 : memref<1x80x16xf32, #tpu.memory_space<vmem>> -> memref<80x16xf32, #tpu.memory_space<vmem>>
      %dma_start3A_53 = arith.constant 0 : i32
      %dma_start3A_54 = tpu.memref_slice %arg7[%dma_start3A_47, %dma_start3A_53] : memref<8x80xi32, #tpu.memory_space<vmem>> -> memref<1x80xi32, #tpu.memory_space<vmem>>
      %dma_start3A_55 = tpu.memref_squeeze %dma_start3A_54 : memref<1x80xi32, #tpu.memory_space<vmem>> -> memref<80xi32, #tpu.memory_space<vmem>>
      %dma_start3A_56 = arith.constant 0 : i32
      %dma_start3A_57 = arith.constant 0 : i32
      %dma_start3A_58 = tpu.memref_slice %arg2[%dma_start3A_56, %dma_start3A_57] : memref<10000x16xf32, #tpu.memory_space<hbm>> -> memref<10000x16xf32, #tpu.memory_space<hbm>>
      tpu.enqueue_indirect_dma source(%dma_start3A_58 : memref<10000x16xf32, #tpu.memory_space<hbm>>) target(%dma_start3A_52 : memref<80x16xf32, #tpu.memory_space<vmem>>) offsets(%dma_start3A_55 : memref<80xi32, #tpu.memory_space<vmem>>) semaphore(%arg11 : memref<!tpu.dma_semaphore, #tpu.memory_space<semaphore_mem>>)
      %dma_start3A_59 = arith.constant 3 : i32
      %dma_start3A_60 = arith.constant 3 : i32
      %dma_start3A_61 = arith.constant 0 : i32
      %dma_start3A_62 = arith.constant 0 : i32
      %dma_start3A_63 = tpu.memref_slice %arg9[%dma_start3A_60, %dma_start3A_61, %dma_start3A_62] : memref<8x80x16xf32, #tpu.memory_space<vmem>> -> memref<1x80x16xf32, #tpu.memory_space<vmem>>
      %dma_start3A_64 = tpu.memref_squeeze %dma_start3A_63 : memref<1x80x16xf32, #tpu.memory_space<vmem>> -> memref<80x16xf32, #tpu.memory_space<vmem>>
      %dma_start3A_65 = arith.constant 0 : i32
      %dma_start3A_66 = tpu.memref_slice %arg7[%dma_start3A_59, %dma_start3A_65] : memref<8x80xi32, #tpu.memory_space<vmem>> -> memref<1x80xi32, #tpu.memory_space<vmem>>
      %dma_start3A_67 = tpu.memref_squeeze %dma_start3A_66 : memref<1x80xi32, #tpu.memory_space<vmem>> -> memref<80xi32, #tpu.memory_space<vmem>>
      %dma_start3A_68 = arith.constant 0 : i32
      %dma_start3A_69 = arith.constant 0 : i32
      %dma_start3A_70 = tpu.memref_slice %arg2[%dma_start3A_68, %dma_start3A_69] : memref<10000x16xf32, #tpu.memory_space<hbm>> -> memref<10000x16xf32, #tpu.memory_space<hbm>>
      tpu.enqueue_indirect_dma source(%dma_start3A_70 : memref<10000x16xf32, #tpu.memory_space<hbm>>) target(%dma_start3A_64 : memref<80x16xf32, #tpu.memory_space<vmem>>) offsets(%dma_start3A_67 : memref<80xi32, #tpu.memory_space<vmem>>) semaphore(%arg11 : memref<!tpu.dma_semaphore, #tpu.memory_space<semaphore_mem>>)
      %dma_start3A_71 = arith.constant 4 : i32
      %dma_start3A_72 = arith.constant 4 : i32
      %dma_start3A_73 = arith.constant 0 : i32
      %dma_start3A_74 = arith.constant 0 : i32
      %dma_start3A_75 = tpu.memref_slice %arg9[%dma_start3A_72, %dma_start3A_73, %dma_start3A_74] : memref<8x80x16xf32, #tpu.memory_space<vmem>> -> memref<1x80x16xf32, #tpu.memory_space<vmem>>
      %dma_start3A_76 = tpu.memref_squeeze %dma_start3A_75 : memref<1x80x16xf32, #tpu.memory_space<vmem>> -> memref<80x16xf32, #tpu.memory_space<vmem>>
      %dma_start3A_77 = arith.constant 0 : i32
      %dma_start3A_78 = tpu.memref_slice %arg7[%dma_start3A_71, %dma_start3A_77] : memref<8x80xi32, #tpu.memory_space<vmem>> -> memref<1x80xi32, #tpu.memory_space<vmem>>
      %dma_start3A_79 = tpu.memref_squeeze %dma_start3A_78 : memref<1x80xi32, #tpu.memory_space<vmem>> -> memref<80xi32, #tpu.memory_space<vmem>>
      %dma_start3A_80 = arith.constant 0 : i32
      %dma_start3A_81 = arith.constant 0 : i32
      %dma_start3A_82 = tpu.memref_slice %arg2[%dma_start3A_80, %dma_start3A_81] : memref<10000x16xf32, #tpu.memory_space<hbm>> -> memref<10000x16xf32, #tpu.memory_space<hbm>>
      tpu.enqueue_indirect_dma source(%dma_start3A_82 : memref<10000x16xf32, #tpu.memory_space<hbm>>) target(%dma_start3A_76 : memref<80x16xf32, #tpu.memory_space<vmem>>) offsets(%dma_start3A_79 : memref<80xi32, #tpu.memory_space<vmem>>) semaphore(%arg11 : memref<!tpu.dma_semaphore, #tpu.memory_space<semaphore_mem>>)
      %dma_start3A_83 = arith.constant 5 : i32
      %dma_start3A_84 = arith.constant 5 : i32
      %dma_start3A_85 = arith.constant 0 : i32
      %dma_start3A_86 = arith.constant 0 : i32
      %dma_start3A_87 = tpu.memref_slice %arg9[%dma_start3A_84, %dma_start3A_85, %dma_start3A_86] : memref<8x80x16xf32, #tpu.memory_space<vmem>> -> memref<1x80x16xf32, #tpu.memory_space<vmem>>
      %dma_start3A_88 = tpu.memref_squeeze %dma_start3A_87 : memref<1x80x16xf32, #tpu.memory_space<vmem>> -> memref<80x16xf32, #tpu.memory_space<vmem>>
      %dma_start3A_89 = arith.constant 0 : i32
      %dma_start3A_90 = tpu.memref_slice %arg7[%dma_start3A_83, %dma_start3A_89] : memref<8x80xi32, #tpu.memory_space<vmem>> -> memref<1x80xi32, #tpu.memory_space<vmem>>
      %dma_start3A_91 = tpu.memref_squeeze %dma_start3A_90 : memref<1x80xi32, #tpu.memory_space<vmem>> -> memref<80xi32, #tpu.memory_space<vmem>>
      %dma_start3A_92 = arith.constant 0 : i32
      %dma_start3A_93 = arith.constant 0 : i32
      %dma_start3A_94 = tpu.memref_slice %arg2[%dma_start3A_92, %dma_start3A_93] : memref<10000x16xf32, #tpu.memory_space<hbm>> -> memref<10000x16xf32, #tpu.memory_space<hbm>>
      tpu.enqueue_indirect_dma source(%dma_start3A_94 : memref<10000x16xf32, #tpu.memory_space<hbm>>) target(%dma_start3A_88 : memref<80x16xf32, #tpu.memory_space<vmem>>) offsets(%dma_start3A_91 : memref<80xi32, #tpu.memory_space<vmem>>) semaphore(%arg11 : memref<!tpu.dma_semaphore, #tpu.memory_space<semaphore_mem>>)
      %dma_start3A_95 = arith.constant 6 : i32
      %dma_start3A_96 = arith.constant 6 : i32
      %dma_start3A_97 = arith.constant 0 : i32
      %dma_start3A_98 = arith.constant 0 : i32
      %dma_start3A_99 = tpu.memref_slice %arg9[%dma_start3A_96, %dma_start3A_97, %dma_start3A_98] : memref<8x80x16xf32, #tpu.memory_space<vmem>> -> memref<1x80x16xf32, #tpu.memory_space<vmem>>
      %dma_start3A_100 = tpu.memref_squeeze %dma_start3A_99 : memref<1x80x16xf32, #tpu.memory_space<vmem>> -> memref<80x16xf32, #tpu.memory_space<vmem>>
      %dma_start3A_101 = arith.constant 0 : i32
      %dma_start3A_102 = tpu.memref_slice %arg7[%dma_start3A_95, %dma_start3A_101] : memref<8x80xi32, #tpu.memory_space<vmem>> -> memref<1x80xi32, #tpu.memory_space<vmem>>
      %dma_start3A_103 = tpu.memref_squeeze %dma_start3A_102 : memref<1x80xi32, #tpu.memory_space<vmem>> -> memref<80xi32, #tpu.memory_space<vmem>>
      %dma_start3A_104 = arith.constant 0 : i32
      %dma_start3A_105 = arith.constant 0 : i32
      %dma_start3A_106 = tpu.memref_slice %arg2[%dma_start3A_104, %dma_start3A_105] : memref<10000x16xf32, #tpu.memory_space<hbm>> -> memref<10000x16xf32, #tpu.memory_space<hbm>>
      tpu.enqueue_indirect_dma source(%dma_start3A_106 : memref<10000x16xf32, #tpu.memory_space<hbm>>) target(%dma_start3A_100 : memref<80x16xf32, #tpu.memory_space<vmem>>) offsets(%dma_start3A_103 : memref<80xi32, #tpu.memory_space<vmem>>) semaphore(%arg11 : memref<!tpu.dma_semaphore, #tpu.memory_space<semaphore_mem>>)
      %dma_start3A_107 = arith.constant 7 : i32
      %dma_start3A_108 = arith.constant 7 : i32
      %dma_start3A_109 = arith.constant 0 : i32
      %dma_start3A_110 = arith.constant 0 : i32
      %dma_start3A_111 = tpu.memref_slice %arg9[%dma_start3A_108, %dma_start3A_109, %dma_start3A_110] : memref<8x80x16xf32, #tpu.memory_space<vmem>> -> memref<1x80x16xf32, #tpu.memory_space<vmem>>
      %dma_start3A_112 = tpu.memref_squeeze %dma_start3A_111 : memref<1x80x16xf32, #tpu.memory_space<vmem>> -> memref<80x16xf32, #tpu.memory_space<vmem>>
      %dma_start3A_113 = arith.constant 0 : i32
      %dma_start3A_114 = tpu.memref_slice %arg7[%dma_start3A_107, %dma_start3A_113] : memref<8x80xi32, #tpu.memory_space<vmem>> -> memref<1x80xi32, #tpu.memory_space<vmem>>
      %dma_start3A_115 = tpu.memref_squeeze %dma_start3A_114 : memref<1x80xi32, #tpu.memory_space<vmem>> -> memref<80xi32, #tpu.memory_space<vmem>>
      %dma_start3A_116 = arith.constant 0 : i32
      %dma_start3A_117 = arith.constant 0 : i32
      %dma_start3A_118 = tpu.memref_slice %arg2[%dma_start3A_116, %dma_start3A_117] : memref<10000x16xf32, #tpu.memory_space<hbm>> -> memref<10000x16xf32, #tpu.memory_space<hbm>>
      tpu.enqueue_indirect_dma source(%dma_start3A_118 : memref<10000x16xf32, #tpu.memory_space<hbm>>) target(%dma_start3A_112 : memref<80x16xf32, #tpu.memory_space<vmem>>) offsets(%dma_start3A_115 : memref<80xi32, #tpu.memory_space<vmem>>) semaphore(%arg11 : memref<!tpu.dma_semaphore, #tpu.memory_space<semaphore_mem>>)
      %dma_wait3A = arith.constant 0 : i32
      %dma_wait3A_119 = arith.constant 0 : i32
      %dma_wait3A_120 = arith.constant 0 : i32
      %dma_wait3A_121 = arith.constant 0 : i32
      %dma_wait3A_122 = tpu.memref_slice %arg9[%dma_wait3A_119, %dma_wait3A_120, %dma_wait3A_121] : memref<8x80x16xf32, #tpu.memory_space<vmem>> -> memref<1x80x16xf32, #tpu.memory_space<vmem>>
      %dma_wait3A_123 = tpu.memref_squeeze %dma_wait3A_122 : memref<1x80x16xf32, #tpu.memory_space<vmem>> -> memref<80x16xf32, #tpu.memory_space<vmem>>
      %dma_wait3A_124 = arith.constant 0 : i32
      %dma_wait3A_125 = tpu.memref_slice %arg7[%dma_wait3A, %dma_wait3A_124] : memref<8x80xi32, #tpu.memory_space<vmem>> -> memref<1x80xi32, #tpu.memory_space<vmem>>
      %dma_wait3A_126 = tpu.memref_squeeze %dma_wait3A_125 : memref<1x80xi32, #tpu.memory_space<vmem>> -> memref<80xi32, #tpu.memory_space<vmem>>
      %dma_wait3A_127 = arith.constant 0 : i32
      %dma_wait3A_128 = arith.constant 0 : i32
      %dma_wait3A_129 = tpu.memref_slice %arg2[%dma_wait3A_127, %dma_wait3A_128] : memref<10000x16xf32, #tpu.memory_space<hbm>> -> memref<10000x16xf32, #tpu.memory_space<hbm>>
      tpu.wait_indirect_dma semaphore(%arg11 : memref<!tpu.dma_semaphore, #tpu.memory_space<semaphore_mem>>) src(%dma_wait3A_129 : memref<10000x16xf32, #tpu.memory_space<hbm>>) dst(%dma_wait3A_123 : memref<80x16xf32, #tpu.memory_space<vmem>>)
      %dma_wait3A_130 = arith.constant 1 : i32
      %dma_wait3A_131 = arith.constant 1 : i32
      %dma_wait3A_132 = arith.constant 0 : i32
      %dma_wait3A_133 = arith.constant 0 : i32
      %dma_wait3A_134 = tpu.memref_slice %arg9[%dma_wait3A_131, %dma_wait3A_132, %dma_wait3A_133] : memref<8x80x16xf32, #tpu.memory_space<vmem>> -> memref<1x80x16xf32, #tpu.memory_space<vmem>>
      %dma_wait3A_135 = tpu.memref_squeeze %dma_wait3A_134 : memref<1x80x16xf32, #tpu.memory_space<vmem>> -> memref<80x16xf32, #tpu.memory_space<vmem>>
      %dma_wait3A_136 = arith.constant 0 : i32
      %dma_wait3A_137 = tpu.memref_slice %arg7[%dma_wait3A_130, %dma_wait3A_136] : memref<8x80xi32, #tpu.memory_space<vmem>> -> memref<1x80xi32, #tpu.memory_space<vmem>>
      %dma_wait3A_138 = tpu.memref_squeeze %dma_wait3A_137 : memref<1x80xi32, #tpu.memory_space<vmem>> -> memref<80xi32, #tpu.memory_space<vmem>>
      %dma_wait3A_139 = arith.constant 0 : i32
      %dma_wait3A_140 = arith.constant 0 : i32
      %dma_wait3A_141 = tpu.memref_slice %arg2[%dma_wait3A_139, %dma_wait3A_140] : memref<10000x16xf32, #tpu.memory_space<hbm>> -> memref<10000x16xf32, #tpu.memory_space<hbm>>
      tpu.wait_indirect_dma semaphore(%arg11 : memref<!tpu.dma_semaphore, #tpu.memory_space<semaphore_mem>>) src(%dma_wait3A_141 : memref<10000x16xf32, #tpu.memory_space<hbm>>) dst(%dma_wait3A_135 : memref<80x16xf32, #tpu.memory_space<vmem>>)
      %dma_wait3A_142 = arith.constant 2 : i32
      %dma_wait3A_143 = arith.constant 2 : i32
      %dma_wait3A_144 = arith.constant 0 : i32
      %dma_wait3A_145 = arith.constant 0 : i32
      %dma_wait3A_146 = tpu.memref_slice %arg9[%dma_wait3A_143, %dma_wait3A_144, %dma_wait3A_145] : memref<8x80x16xf32, #tpu.memory_space<vmem>> -> memref<1x80x16xf32, #tpu.memory_space<vmem>>
      %dma_wait3A_147 = tpu.memref_squeeze %dma_wait3A_146 : memref<1x80x16xf32, #tpu.memory_space<vmem>> -> memref<80x16xf32, #tpu.memory_space<vmem>>
      %dma_wait3A_148 = arith.constant 0 : i32
      %dma_wait3A_149 = tpu.memref_slice %arg7[%dma_wait3A_142, %dma_wait3A_148] : memref<8x80xi32, #tpu.memory_space<vmem>> -> memref<1x80xi32, #tpu.memory_space<vmem>>
      %dma_wait3A_150 = tpu.memref_squeeze %dma_wait3A_149 : memref<1x80xi32, #tpu.memory_space<vmem>> -> memref<80xi32, #tpu.memory_space<vmem>>
      %dma_wait3A_151 = arith.constant 0 : i32
      %dma_wait3A_152 = arith.constant 0 : i32
      %dma_wait3A_153 = tpu.memref_slice %arg2[%dma_wait3A_151, %dma_wait3A_152] : memref<10000x16xf32, #tpu.memory_space<hbm>> -> memref<10000x16xf32, #tpu.memory_space<hbm>>
      tpu.wait_indirect_dma semaphore(%arg11 : memref<!tpu.dma_semaphore, #tpu.memory_space<semaphore_mem>>) src(%dma_wait3A_153 : memref<10000x16xf32, #tpu.memory_space<hbm>>) dst(%dma_wait3A_147 : memref<80x16xf32, #tpu.memory_space<vmem>>)
      %dma_wait3A_154 = arith.constant 3 : i32
      %dma_wait3A_155 = arith.constant 3 : i32
      %dma_wait3A_156 = arith.constant 0 : i32
      %dma_wait3A_157 = arith.constant 0 : i32
      %dma_wait3A_158 = tpu.memref_slice %arg9[%dma_wait3A_155, %dma_wait3A_156, %dma_wait3A_157] : memref<8x80x16xf32, #tpu.memory_space<vmem>> -> memref<1x80x16xf32, #tpu.memory_space<vmem>>
      %dma_wait3A_159 = tpu.memref_squeeze %dma_wait3A_158 : memref<1x80x16xf32, #tpu.memory_space<vmem>> -> memref<80x16xf32, #tpu.memory_space<vmem>>
      %dma_wait3A_160 = arith.constant 0 : i32
      %dma_wait3A_161 = tpu.memref_slice %arg7[%dma_wait3A_154, %dma_wait3A_160] : memref<8x80xi32, #tpu.memory_space<vmem>> -> memref<1x80xi32, #tpu.memory_space<vmem>>
      %dma_wait3A_162 = tpu.memref_squeeze %dma_wait3A_161 : memref<1x80xi32, #tpu.memory_space<vmem>> -> memref<80xi32, #tpu.memory_space<vmem>>
      %dma_wait3A_163 = arith.constant 0 : i32
      %dma_wait3A_164 = arith.constant 0 : i32
      %dma_wait3A_165 = tpu.memref_slice %arg2[%dma_wait3A_163, %dma_wait3A_164] : memref<10000x16xf32, #tpu.memory_space<hbm>> -> memref<10000x16xf32, #tpu.memory_space<hbm>>
      tpu.wait_indirect_dma semaphore(%arg11 : memref<!tpu.dma_semaphore, #tpu.memory_space<semaphore_mem>>) src(%dma_wait3A_165 : memref<10000x16xf32, #tpu.memory_space<hbm>>) dst(%dma_wait3A_159 : memref<80x16xf32, #tpu.memory_space<vmem>>)
      %dma_wait3A_166 = arith.constant 4 : i32
      %dma_wait3A_167 = arith.constant 4 : i32
      %dma_wait3A_168 = arith.constant 0 : i32
      %dma_wait3A_169 = arith.constant 0 : i32
      %dma_wait3A_170 = tpu.memref_slice %arg9[%dma_wait3A_167, %dma_wait3A_168, %dma_wait3A_169] : memref<8x80x16xf32, #tpu.memory_space<vmem>> -> memref<1x80x16xf32, #tpu.memory_space<vmem>>
      %dma_wait3A_171 = tpu.memref_squeeze %dma_wait3A_170 : memref<1x80x16xf32, #tpu.memory_space<vmem>> -> memref<80x16xf32, #tpu.memory_space<vmem>>
      %dma_wait3A_172 = arith.constant 0 : i32
      %dma_wait3A_173 = tpu.memref_slice %arg7[%dma_wait3A_166, %dma_wait3A_172] : memref<8x80xi32, #tpu.memory_space<vmem>> -> memref<1x80xi32, #tpu.memory_space<vmem>>
      %dma_wait3A_174 = tpu.memref_squeeze %dma_wait3A_173 : memref<1x80xi32, #tpu.memory_space<vmem>> -> memref<80xi32, #tpu.memory_space<vmem>>
      %dma_wait3A_175 = arith.constant 0 : i32
      %dma_wait3A_176 = arith.constant 0 : i32
      %dma_wait3A_177 = tpu.memref_slice %arg2[%dma_wait3A_175, %dma_wait3A_176] : memref<10000x16xf32, #tpu.memory_space<hbm>> -> memref<10000x16xf32, #tpu.memory_space<hbm>>
      tpu.wait_indirect_dma semaphore(%arg11 : memref<!tpu.dma_semaphore, #tpu.memory_space<semaphore_mem>>) src(%dma_wait3A_177 : memref<10000x16xf32, #tpu.memory_space<hbm>>) dst(%dma_wait3A_171 : memref<80x16xf32, #tpu.memory_space<vmem>>)
      %dma_wait3A_178 = arith.constant 5 : i32
      %dma_wait3A_179 = arith.constant 5 : i32
      %dma_wait3A_180 = arith.constant 0 : i32
      %dma_wait3A_181 = arith.constant 0 : i32
      %dma_wait3A_182 = tpu.memref_slice %arg9[%dma_wait3A_179, %dma_wait3A_180, %dma_wait3A_181] : memref<8x80x16xf32, #tpu.memory_space<vmem>> -> memref<1x80x16xf32, #tpu.memory_space<vmem>>
      %dma_wait3A_183 = tpu.memref_squeeze %dma_wait3A_182 : memref<1x80x16xf32, #tpu.memory_space<vmem>> -> memref<80x16xf32, #tpu.memory_space<vmem>>
      %dma_wait3A_184 = arith.constant 0 : i32
      %dma_wait3A_185 = tpu.memref_slice %arg7[%dma_wait3A_178, %dma_wait3A_184] : memref<8x80xi32, #tpu.memory_space<vmem>> -> memref<1x80xi32, #tpu.memory_space<vmem>>
      %dma_wait3A_186 = tpu.memref_squeeze %dma_wait3A_185 : memref<1x80xi32, #tpu.memory_space<vmem>> -> memref<80xi32, #tpu.memory_space<vmem>>
      %dma_wait3A_187 = arith.constant 0 : i32
      %dma_wait3A_188 = arith.constant 0 : i32
      %dma_wait3A_189 = tpu.memref_slice %arg2[%dma_wait3A_187, %dma_wait3A_188] : memref<10000x16xf32, #tpu.memory_space<hbm>> -> memref<10000x16xf32, #tpu.memory_space<hbm>>
      tpu.wait_indirect_dma semaphore(%arg11 : memref<!tpu.dma_semaphore, #tpu.memory_space<semaphore_mem>>) src(%dma_wait3A_189 : memref<10000x16xf32, #tpu.memory_space<hbm>>) dst(%dma_wait3A_183 : memref<80x16xf32, #tpu.memory_space<vmem>>)
      %dma_wait3A_190 = arith.constant 6 : i32
      %dma_wait3A_191 = arith.constant 6 : i32
      %dma_wait3A_192 = arith.constant 0 : i32
      %dma_wait3A_193 = arith.constant 0 : i32
      %dma_wait3A_194 = tpu.memref_slice %arg9[%dma_wait3A_191, %dma_wait3A_192, %dma_wait3A_193] : memref<8x80x16xf32, #tpu.memory_space<vmem>> -> memref<1x80x16xf32, #tpu.memory_space<vmem>>
      %dma_wait3A_195 = tpu.memref_squeeze %dma_wait3A_194 : memref<1x80x16xf32, #tpu.memory_space<vmem>> -> memref<80x16xf32, #tpu.memory_space<vmem>>
      %dma_wait3A_196 = arith.constant 0 : i32
      %dma_wait3A_197 = tpu.memref_slice %arg7[%dma_wait3A_190, %dma_wait3A_196] : memref<8x80xi32, #tpu.memory_space<vmem>> -> memref<1x80xi32, #tpu.memory_space<vmem>>
      %dma_wait3A_198 = tpu.memref_squeeze %dma_wait3A_197 : memref<1x80xi32, #tpu.memory_space<vmem>> -> memref<80xi32, #tpu.memory_space<vmem>>
      %dma_wait3A_199 = arith.constant 0 : i32
      %dma_wait3A_200 = arith.constant 0 : i32
      %dma_wait3A_201 = tpu.memref_slice %arg2[%dma_wait3A_199, %dma_wait3A_200] : memref<10000x16xf32, #tpu.memory_space<hbm>> -> memref<10000x16xf32, #tpu.memory_space<hbm>>
      tpu.wait_indirect_dma semaphore(%arg11 : memref<!tpu.dma_semaphore, #tpu.memory_space<semaphore_mem>>) src(%dma_wait3A_201 : memref<10000x16xf32, #tpu.memory_space<hbm>>) dst(%dma_wait3A_195 : memref<80x16xf32, #tpu.memory_space<vmem>>)
      %dma_wait3A_202 = arith.constant 7 : i32
      %dma_wait3A_203 = arith.constant 7 : i32
      %dma_wait3A_204 = arith.constant 0 : i32
      %dma_wait3A_205 = arith.constant 0 : i32
      %dma_wait3A_206 = tpu.memref_slice %arg9[%dma_wait3A_203, %dma_wait3A_204, %dma_wait3A_205] : memref<8x80x16xf32, #tpu.memory_space<vmem>> -> memref<1x80x16xf32, #tpu.memory_space<vmem>>
      %dma_wait3A_207 = tpu.memref_squeeze %dma_wait3A_206 : memref<1x80x16xf32, #tpu.memory_space<vmem>> -> memref<80x16xf32, #tpu.memory_space<vmem>>
      %dma_wait3A_208 = arith.constant 0 : i32
      %dma_wait3A_209 = tpu.memref_slice %arg7[%dma_wait3A_202, %dma_wait3A_208] : memref<8x80xi32, #tpu.memory_space<vmem>> -> memref<1x80xi32, #tpu.memory_space<vmem>>
      %dma_wait3A_210 = tpu.memref_squeeze %dma_wait3A_209 : memref<1x80xi32, #tpu.memory_space<vmem>> -> memref<80xi32, #tpu.memory_space<vmem>>
      %dma_wait3A_211 = arith.constant 0 : i32
      %dma_wait3A_212 = arith.constant 0 : i32
      %dma_wait3A_213 = tpu.memref_slice %arg2[%dma_wait3A_211, %dma_wait3A_212] : memref<10000x16xf32, #tpu.memory_space<hbm>> -> memref<10000x16xf32, #tpu.memory_space<hbm>>
      tpu.wait_indirect_dma semaphore(%arg11 : memref<!tpu.dma_semaphore, #tpu.memory_space<semaphore_mem>>) src(%dma_wait3A_213 : memref<10000x16xf32, #tpu.memory_space<hbm>>) dst(%dma_wait3A_207 : memref<80x16xf32, #tpu.memory_space<vmem>>)
      %run_scoped3A = arith.constant 0 : i32
      %run_scoped3A_214 = arith.constant 0 : i32
      "tpu.region"() ({
        %run_scoped3A_229 = tpu.sem_alloc : memref<!tpu.dma_semaphore, #tpu.memory_space<semaphore_mem>>
        %dma_start3A_230 = arith.constant 0 : i32
        %dma_start3A_231 = arith.constant 0 : i32
        %dma_start3A_232 = tpu.memref_slice %arg9[%run_scoped3A, %dma_start3A_230, %dma_start3A_231] : memref<8x80x16xf32, #tpu.memory_space<vmem>> -> memref<1x80x16xf32, #tpu.memory_space<vmem>>
        %dma_start3A_233 = tpu.memref_squeeze %dma_start3A_232 : memref<1x80x16xf32, #tpu.memory_space<vmem>> -> memref<80x16xf32, #tpu.memory_space<vmem>>
        %dma_start3A_234 = arith.constant 0 : i32
        %dma_start3A_235 = tpu.memref_slice %arg8[%run_scoped3A_214, %dma_start3A_234] : memref<8x80xi32, #tpu.memory_space<vmem>> -> memref<1x80xi32, #tpu.memory_space<vmem>>
        %dma_start3A_236 = tpu.memref_squeeze %dma_start3A_235 : memref<1x80xi32, #tpu.memory_space<vmem>> -> memref<80xi32, #tpu.memory_space<vmem>>
        %dma_start3A_237 = arith.constant 0 : i32
        %dma_start3A_238 = arith.constant 0 : i32
        %dma_start3A_239 = tpu.memref_slice %arg10[%dma_start3A_237, %dma_start3A_238] : memref<10240x16xf32, #tpu.memory_space<vmem_shared>> -> memref<10240x16xf32, #tpu.memory_space<vmem_shared>>
        tpu.enqueue_indirect_dma source(%dma_start3A_233 : memref<80x16xf32, #tpu.memory_space<vmem>>) target(%dma_start3A_239 : memref<10240x16xf32, #tpu.memory_space<vmem_shared>>) offsets(%dma_start3A_236 : memref<80xi32, #tpu.memory_space<vmem>>) semaphore(%run_scoped3A_229 : memref<!tpu.dma_semaphore, #tpu.memory_space<semaphore_mem>>) {add = true}
        %dma_wait3A_240 = arith.constant 0 : i32
        %dma_wait3A_241 = arith.constant 0 : i32
        %dma_wait3A_242 = tpu.memref_slice %arg9[%run_scoped3A, %dma_wait3A_240, %dma_wait3A_241] : memref<8x80x16xf32, #tpu.memory_space<vmem>> -> memref<1x80x16xf32, #tpu.memory_space<vmem>>
        %dma_wait3A_243 = tpu.memref_squeeze %dma_wait3A_242 : memref<1x80x16xf32, #tpu.memory_space<vmem>> -> memref<80x16xf32, #tpu.memory_space<vmem>>
        %dma_wait3A_244 = arith.constant 0 : i32
        %dma_wait3A_245 = tpu.memref_slice %arg8[%run_scoped3A_214, %dma_wait3A_244] : memref<8x80xi32, #tpu.memory_space<vmem>> -> memref<1x80xi32, #tpu.memory_space<vmem>>
        %dma_wait3A_246 = tpu.memref_squeeze %dma_wait3A_245 : memref<1x80xi32, #tpu.memory_space<vmem>> -> memref<80xi32, #tpu.memory_space<vmem>>
        %dma_wait3A_247 = arith.constant 0 : i32
        %dma_wait3A_248 = arith.constant 0 : i32
        %dma_wait3A_249 = tpu.memref_slice %arg10[%dma_wait3A_247, %dma_wait3A_248] : memref<10240x16xf32, #tpu.memory_space<vmem_shared>> -> memref<10240x16xf32, #tpu.memory_space<vmem_shared>>
        tpu.wait_indirect_dma semaphore(%run_scoped3A_229 : memref<!tpu.dma_semaphore, #tpu.memory_space<semaphore_mem>>) src(%dma_wait3A_243 : memref<80x16xf32, #tpu.memory_space<vmem>>) dst(%dma_wait3A_249 : memref<10240x16xf32, #tpu.memory_space<vmem_shared>>)
        tpu.yield
      }) : () -> ()
      %run_scoped3A_215 = arith.constant 1 : i32
      %run_scoped3A_216 = arith.constant 1 : i32
      "tpu.region"() ({
        %run_scoped3A_229 = tpu.sem_alloc : memref<!tpu.dma_semaphore, #tpu.memory_space<semaphore_mem>>
        %dma_start3A_230 = arith.constant 0 : i32
        %dma_start3A_231 = arith.constant 0 : i32
        %dma_start3A_232 = tpu.memref_slice %arg9[%run_scoped3A_215, %dma_start3A_230, %dma_start3A_231] : memref<8x80x16xf32, #tpu.memory_space<vmem>> -> memref<1x80x16xf32, #tpu.memory_space<vmem>>
        %dma_start3A_233 = tpu.memref_squeeze %dma_start3A_232 : memref<1x80x16xf32, #tpu.memory_space<vmem>> -> memref<80x16xf32, #tpu.memory_space<vmem>>
        %dma_start3A_234 = arith.constant 0 : i32
        %dma_start3A_235 = tpu.memref_slice %arg8[%run_scoped3A_216, %dma_start3A_234] : memref<8x80xi32, #tpu.memory_space<vmem>> -> memref<1x80xi32, #tpu.memory_space<vmem>>
        %dma_start3A_236 = tpu.memref_squeeze %dma_start3A_235 : memref<1x80xi32, #tpu.memory_space<vmem>> -> memref<80xi32, #tpu.memory_space<vmem>>
        %dma_start3A_237 = arith.constant 0 : i32
        %dma_start3A_238 = arith.constant 0 : i32
        %dma_start3A_239 = tpu.memref_slice %arg10[%dma_start3A_237, %dma_start3A_238] : memref<10240x16xf32, #tpu.memory_space<vmem_shared>> -> memref<10240x16xf32, #tpu.memory_space<vmem_shared>>
        tpu.enqueue_indirect_dma source(%dma_start3A_233 : memref<80x16xf32, #tpu.memory_space<vmem>>) target(%dma_start3A_239 : memref<10240x16xf32, #tpu.memory_space<vmem_shared>>) offsets(%dma_start3A_236 : memref<80xi32, #tpu.memory_space<vmem>>) semaphore(%run_scoped3A_229 : memref<!tpu.dma_semaphore, #tpu.memory_space<semaphore_mem>>) {add = true}
        %dma_wait3A_240 = arith.constant 0 : i32
        %dma_wait3A_241 = arith.constant 0 : i32
        %dma_wait3A_242 = tpu.memref_slice %arg9[%run_scoped3A_215, %dma_wait3A_240, %dma_wait3A_241] : memref<8x80x16xf32, #tpu.memory_space<vmem>> -> memref<1x80x16xf32, #tpu.memory_space<vmem>>
        %dma_wait3A_243 = tpu.memref_squeeze %dma_wait3A_242 : memref<1x80x16xf32, #tpu.memory_space<vmem>> -> memref<80x16xf32, #tpu.memory_space<vmem>>
        %dma_wait3A_244 = arith.constant 0 : i32
        %dma_wait3A_245 = tpu.memref_slice %arg8[%run_scoped3A_216, %dma_wait3A_244] : memref<8x80xi32, #tpu.memory_space<vmem>> -> memref<1x80xi32, #tpu.memory_space<vmem>>
        %dma_wait3A_246 = tpu.memref_squeeze %dma_wait3A_245 : memref<1x80xi32, #tpu.memory_space<vmem>> -> memref<80xi32, #tpu.memory_space<vmem>>
        %dma_wait3A_247 = arith.constant 0 : i32
        %dma_wait3A_248 = arith.constant 0 : i32
        %dma_wait3A_249 = tpu.memref_slice %arg10[%dma_wait3A_247, %dma_wait3A_248] : memref<10240x16xf32, #tpu.memory_space<vmem_shared>> -> memref<10240x16xf32, #tpu.memory_space<vmem_shared>>
        tpu.wait_indirect_dma semaphore(%run_scoped3A_229 : memref<!tpu.dma_semaphore, #tpu.memory_space<semaphore_mem>>) src(%dma_wait3A_243 : memref<80x16xf32, #tpu.memory_space<vmem>>) dst(%dma_wait3A_249 : memref<10240x16xf32, #tpu.memory_space<vmem_shared>>)
        tpu.yield
      }) : () -> ()
      %run_scoped3A_217 = arith.constant 2 : i32
      %run_scoped3A_218 = arith.constant 2 : i32
      "tpu.region"() ({
        %run_scoped3A_229 = tpu.sem_alloc : memref<!tpu.dma_semaphore, #tpu.memory_space<semaphore_mem>>
        %dma_start3A_230 = arith.constant 0 : i32
        %dma_start3A_231 = arith.constant 0 : i32
        %dma_start3A_232 = tpu.memref_slice %arg9[%run_scoped3A_217, %dma_start3A_230, %dma_start3A_231] : memref<8x80x16xf32, #tpu.memory_space<vmem>> -> memref<1x80x16xf32, #tpu.memory_space<vmem>>
        %dma_start3A_233 = tpu.memref_squeeze %dma_start3A_232 : memref<1x80x16xf32, #tpu.memory_space<vmem>> -> memref<80x16xf32, #tpu.memory_space<vmem>>
        %dma_start3A_234 = arith.constant 0 : i32
        %dma_start3A_235 = tpu.memref_slice %arg8[%run_scoped3A_218, %dma_start3A_234] : memref<8x80xi32, #tpu.memory_space<vmem>> -> memref<1x80xi32, #tpu.memory_space<vmem>>
        %dma_start3A_236 = tpu.memref_squeeze %dma_start3A_235 : memref<1x80xi32, #tpu.memory_space<vmem>> -> memref<80xi32, #tpu.memory_space<vmem>>
        %dma_start3A_237 = arith.constant 0 : i32
        %dma_start3A_238 = arith.constant 0 : i32
        %dma_start3A_239 = tpu.memref_slice %arg10[%dma_start3A_237, %dma_start3A_238] : memref<10240x16xf32, #tpu.memory_space<vmem_shared>> -> memref<10240x16xf32, #tpu.memory_space<vmem_shared>>
        tpu.enqueue_indirect_dma source(%dma_start3A_233 : memref<80x16xf32, #tpu.memory_space<vmem>>) target(%dma_start3A_239 : memref<10240x16xf32, #tpu.memory_space<vmem_shared>>) offsets(%dma_start3A_236 : memref<80xi32, #tpu.memory_space<vmem>>) semaphore(%run_scoped3A_229 : memref<!tpu.dma_semaphore, #tpu.memory_space<semaphore_mem>>) {add = true}
        %dma_wait3A_240 = arith.constant 0 : i32
        %dma_wait3A_241 = arith.constant 0 : i32
        %dma_wait3A_242 = tpu.memref_slice %arg9[%run_scoped3A_217, %dma_wait3A_240, %dma_wait3A_241] : memref<8x80x16xf32, #tpu.memory_space<vmem>> -> memref<1x80x16xf32, #tpu.memory_space<vmem>>
        %dma_wait3A_243 = tpu.memref_squeeze %dma_wait3A_242 : memref<1x80x16xf32, #tpu.memory_space<vmem>> -> memref<80x16xf32, #tpu.memory_space<vmem>>
        %dma_wait3A_244 = arith.constant 0 : i32
        %dma_wait3A_245 = tpu.memref_slice %arg8[%run_scoped3A_218, %dma_wait3A_244] : memref<8x80xi32, #tpu.memory_space<vmem>> -> memref<1x80xi32, #tpu.memory_space<vmem>>
        %dma_wait3A_246 = tpu.memref_squeeze %dma_wait3A_245 : memref<1x80xi32, #tpu.memory_space<vmem>> -> memref<80xi32, #tpu.memory_space<vmem>>
        %dma_wait3A_247 = arith.constant 0 : i32
        %dma_wait3A_248 = arith.constant 0 : i32
        %dma_wait3A_249 = tpu.memref_slice %arg10[%dma_wait3A_247, %dma_wait3A_248] : memref<10240x16xf32, #tpu.memory_space<vmem_shared>> -> memref<10240x16xf32, #tpu.memory_space<vmem_shared>>
        tpu.wait_indirect_dma semaphore(%run_scoped3A_229 : memref<!tpu.dma_semaphore, #tpu.memory_space<semaphore_mem>>) src(%dma_wait3A_243 : memref<80x16xf32, #tpu.memory_space<vmem>>) dst(%dma_wait3A_249 : memref<10240x16xf32, #tpu.memory_space<vmem_shared>>)
        tpu.yield
      }) : () -> ()
      %run_scoped3A_219 = arith.constant 3 : i32
      %run_scoped3A_220 = arith.constant 3 : i32
      "tpu.region"() ({
        %run_scoped3A_229 = tpu.sem_alloc : memref<!tpu.dma_semaphore, #tpu.memory_space<semaphore_mem>>
        %dma_start3A_230 = arith.constant 0 : i32
        %dma_start3A_231 = arith.constant 0 : i32
        %dma_start3A_232 = tpu.memref_slice %arg9[%run_scoped3A_219, %dma_start3A_230, %dma_start3A_231] : memref<8x80x16xf32, #tpu.memory_space<vmem>> -> memref<1x80x16xf32, #tpu.memory_space<vmem>>
        %dma_start3A_233 = tpu.memref_squeeze %dma_start3A_232 : memref<1x80x16xf32, #tpu.memory_space<vmem>> -> memref<80x16xf32, #tpu.memory_space<vmem>>
        %dma_start3A_234 = arith.constant 0 : i32
        %dma_start3A_235 = tpu.memref_slice %arg8[%run_scoped3A_220, %dma_start3A_234] : memref<8x80xi32, #tpu.memory_space<vmem>> -> memref<1x80xi32, #tpu.memory_space<vmem>>
        %dma_start3A_236 = tpu.memref_squeeze %dma_start3A_235 : memref<1x80xi32, #tpu.memory_space<vmem>> -> memref<80xi32, #tpu.memory_space<vmem>>
        %dma_start3A_237 = arith.constant 0 : i32
        %dma_start3A_238 = arith.constant 0 : i32
        %dma_start3A_239 = tpu.memref_slice %arg10[%dma_start3A_237, %dma_start3A_238] : memref<10240x16xf32, #tpu.memory_space<vmem_shared>> -> memref<10240x16xf32, #tpu.memory_space<vmem_shared>>
        tpu.enqueue_indirect_dma source(%dma_start3A_233 : memref<80x16xf32, #tpu.memory_space<vmem>>) target(%dma_start3A_239 : memref<10240x16xf32, #tpu.memory_space<vmem_shared>>) offsets(%dma_start3A_236 : memref<80xi32, #tpu.memory_space<vmem>>) semaphore(%run_scoped3A_229 : memref<!tpu.dma_semaphore, #tpu.memory_space<semaphore_mem>>) {add = true}
        %dma_wait3A_240 = arith.constant 0 : i32
        %dma_wait3A_241 = arith.constant 0 : i32
        %dma_wait3A_242 = tpu.memref_slice %arg9[%run_scoped3A_219, %dma_wait3A_240, %dma_wait3A_241] : memref<8x80x16xf32, #tpu.memory_space<vmem>> -> memref<1x80x16xf32, #tpu.memory_space<vmem>>
        %dma_wait3A_243 = tpu.memref_squeeze %dma_wait3A_242 : memref<1x80x16xf32, #tpu.memory_space<vmem>> -> memref<80x16xf32, #tpu.memory_space<vmem>>
        %dma_wait3A_244 = arith.constant 0 : i32
        %dma_wait3A_245 = tpu.memref_slice %arg8[%run_scoped3A_220, %dma_wait3A_244] : memref<8x80xi32, #tpu.memory_space<vmem>> -> memref<1x80xi32, #tpu.memory_space<vmem>>
        %dma_wait3A_246 = tpu.memref_squeeze %dma_wait3A_245 : memref<1x80xi32, #tpu.memory_space<vmem>> -> memref<80xi32, #tpu.memory_space<vmem>>
        %dma_wait3A_247 = arith.constant 0 : i32
        %dma_wait3A_248 = arith.constant 0 : i32
        %dma_wait3A_249 = tpu.memref_slice %arg10[%dma_wait3A_247, %dma_wait3A_248] : memref<10240x16xf32, #tpu.memory_space<vmem_shared>> -> memref<10240x16xf32, #tpu.memory_space<vmem_shared>>
        tpu.wait_indirect_dma semaphore(%run_scoped3A_229 : memref<!tpu.dma_semaphore, #tpu.memory_space<semaphore_mem>>) src(%dma_wait3A_243 : memref<80x16xf32, #tpu.memory_space<vmem>>) dst(%dma_wait3A_249 : memref<10240x16xf32, #tpu.memory_space<vmem_shared>>)
        tpu.yield
      }) : () -> ()
      %run_scoped3A_221 = arith.constant 4 : i32
      %run_scoped3A_222 = arith.constant 4 : i32
      "tpu.region"() ({
        %run_scoped3A_229 = tpu.sem_alloc : memref<!tpu.dma_semaphore, #tpu.memory_space<semaphore_mem>>
        %dma_start3A_230 = arith.constant 0 : i32
        %dma_start3A_231 = arith.constant 0 : i32
        %dma_start3A_232 = tpu.memref_slice %arg9[%run_scoped3A_221, %dma_start3A_230, %dma_start3A_231] : memref<8x80x16xf32, #tpu.memory_space<vmem>> -> memref<1x80x16xf32, #tpu.memory_space<vmem>>
        %dma_start3A_233 = tpu.memref_squeeze %dma_start3A_232 : memref<1x80x16xf32, #tpu.memory_space<vmem>> -> memref<80x16xf32, #tpu.memory_space<vmem>>
        %dma_start3A_234 = arith.constant 0 : i32
        %dma_start3A_235 = tpu.memref_slice %arg8[%run_scoped3A_222, %dma_start3A_234] : memref<8x80xi32, #tpu.memory_space<vmem>> -> memref<1x80xi32, #tpu.memory_space<vmem>>
        %dma_start3A_236 = tpu.memref_squeeze %dma_start3A_235 : memref<1x80xi32, #tpu.memory_space<vmem>> -> memref<80xi32, #tpu.memory_space<vmem>>
        %dma_start3A_237 = arith.constant 0 : i32
        %dma_start3A_238 = arith.constant 0 : i32
        %dma_start3A_239 = tpu.memref_slice %arg10[%dma_start3A_237, %dma_start3A_238] : memref<10240x16xf32, #tpu.memory_space<vmem_shared>> -> memref<10240x16xf32, #tpu.memory_space<vmem_shared>>
        tpu.enqueue_indirect_dma source(%dma_start3A_233 : memref<80x16xf32, #tpu.memory_space<vmem>>) target(%dma_start3A_239 : memref<10240x16xf32, #tpu.memory_space<vmem_shared>>) offsets(%dma_start3A_236 : memref<80xi32, #tpu.memory_space<vmem>>) semaphore(%run_scoped3A_229 : memref<!tpu.dma_semaphore, #tpu.memory_space<semaphore_mem>>) {add = true}
        %dma_wait3A_240 = arith.constant 0 : i32
        %dma_wait3A_241 = arith.constant 0 : i32
        %dma_wait3A_242 = tpu.memref_slice %arg9[%run_scoped3A_221, %dma_wait3A_240, %dma_wait3A_241] : memref<8x80x16xf32, #tpu.memory_space<vmem>> -> memref<1x80x16xf32, #tpu.memory_space<vmem>>
        %dma_wait3A_243 = tpu.memref_squeeze %dma_wait3A_242 : memref<1x80x16xf32, #tpu.memory_space<vmem>> -> memref<80x16xf32, #tpu.memory_space<vmem>>
        %dma_wait3A_244 = arith.constant 0 : i32
        %dma_wait3A_245 = tpu.memref_slice %arg8[%run_scoped3A_222, %dma_wait3A_244] : memref<8x80xi32, #tpu.memory_space<vmem>> -> memref<1x80xi32, #tpu.memory_space<vmem>>
        %dma_wait3A_246 = tpu.memref_squeeze %dma_wait3A_245 : memref<1x80xi32, #tpu.memory_space<vmem>> -> memref<80xi32, #tpu.memory_space<vmem>>
        %dma_wait3A_247 = arith.constant 0 : i32
        %dma_wait3A_248 = arith.constant 0 : i32
        %dma_wait3A_249 = tpu.memref_slice %arg10[%dma_wait3A_247, %dma_wait3A_248] : memref<10240x16xf32, #tpu.memory_space<vmem_shared>> -> memref<10240x16xf32, #tpu.memory_space<vmem_shared>>
        tpu.wait_indirect_dma semaphore(%run_scoped3A_229 : memref<!tpu.dma_semaphore, #tpu.memory_space<semaphore_mem>>) src(%dma_wait3A_243 : memref<80x16xf32, #tpu.memory_space<vmem>>) dst(%dma_wait3A_249 : memref<10240x16xf32, #tpu.memory_space<vmem_shared>>)
        tpu.yield
      }) : () -> ()
      %run_scoped3A_223 = arith.constant 5 : i32
      %run_scoped3A_224 = arith.constant 5 : i32
      "tpu.region"() ({
        %run_scoped3A_229 = tpu.sem_alloc : memref<!tpu.dma_semaphore, #tpu.memory_space<semaphore_mem>>
        %dma_start3A_230 = arith.constant 0 : i32
        %dma_start3A_231 = arith.constant 0 : i32
        %dma_start3A_232 = tpu.memref_slice %arg9[%run_scoped3A_223, %dma_start3A_230, %dma_start3A_231] : memref<8x80x16xf32, #tpu.memory_space<vmem>> -> memref<1x80x16xf32, #tpu.memory_space<vmem>>
        %dma_start3A_233 = tpu.memref_squeeze %dma_start3A_232 : memref<1x80x16xf32, #tpu.memory_space<vmem>> -> memref<80x16xf32, #tpu.memory_space<vmem>>
        %dma_start3A_234 = arith.constant 0 : i32
        %dma_start3A_235 = tpu.memref_slice %arg8[%run_scoped3A_224, %dma_start3A_234] : memref<8x80xi32, #tpu.memory_space<vmem>> -> memref<1x80xi32, #tpu.memory_space<vmem>>
        %dma_start3A_236 = tpu.memref_squeeze %dma_start3A_235 : memref<1x80xi32, #tpu.memory_space<vmem>> -> memref<80xi32, #tpu.memory_space<vmem>>
        %dma_start3A_237 = arith.constant 0 : i32
        %dma_start3A_238 = arith.constant 0 : i32
        %dma_start3A_239 = tpu.memref_slice %arg10[%dma_start3A_237, %dma_start3A_238] : memref<10240x16xf32, #tpu.memory_space<vmem_shared>> -> memref<10240x16xf32, #tpu.memory_space<vmem_shared>>
        tpu.enqueue_indirect_dma source(%dma_start3A_233 : memref<80x16xf32, #tpu.memory_space<vmem>>) target(%dma_start3A_239 : memref<10240x16xf32, #tpu.memory_space<vmem_shared>>) offsets(%dma_start3A_236 : memref<80xi32, #tpu.memory_space<vmem>>) semaphore(%run_scoped3A_229 : memref<!tpu.dma_semaphore, #tpu.memory_space<semaphore_mem>>) {add = true}
        %dma_wait3A_240 = arith.constant 0 : i32
        %dma_wait3A_241 = arith.constant 0 : i32
        %dma_wait3A_242 = tpu.memref_slice %arg9[%run_scoped3A_223, %dma_wait3A_240, %dma_wait3A_241] : memref<8x80x16xf32, #tpu.memory_space<vmem>> -> memref<1x80x16xf32, #tpu.memory_space<vmem>>
        %dma_wait3A_243 = tpu.memref_squeeze %dma_wait3A_242 : memref<1x80x16xf32, #tpu.memory_space<vmem>> -> memref<80x16xf32, #tpu.memory_space<vmem>>
        %dma_wait3A_244 = arith.constant 0 : i32
        %dma_wait3A_245 = tpu.memref_slice %arg8[%run_scoped3A_224, %dma_wait3A_244] : memref<8x80xi32, #tpu.memory_space<vmem>> -> memref<1x80xi32, #tpu.memory_space<vmem>>
        %dma_wait3A_246 = tpu.memref_squeeze %dma_wait3A_245 : memref<1x80xi32, #tpu.memory_space<vmem>> -> memref<80xi32, #tpu.memory_space<vmem>>
        %dma_wait3A_247 = arith.constant 0 : i32
        %dma_wait3A_248 = arith.constant 0 : i32
        %dma_wait3A_249 = tpu.memref_slice %arg10[%dma_wait3A_247, %dma_wait3A_248] : memref<10240x16xf32, #tpu.memory_space<vmem_shared>> -> memref<10240x16xf32, #tpu.memory_space<vmem_shared>>
        tpu.wait_indirect_dma semaphore(%run_scoped3A_229 : memref<!tpu.dma_semaphore, #tpu.memory_space<semaphore_mem>>) src(%dma_wait3A_243 : memref<80x16xf32, #tpu.memory_space<vmem>>) dst(%dma_wait3A_249 : memref<10240x16xf32, #tpu.memory_space<vmem_shared>>)
        tpu.yield
      }) : () -> ()
      %run_scoped3A_225 = arith.constant 6 : i32
      %run_scoped3A_226 = arith.constant 6 : i32
      "tpu.region"() ({
        %run_scoped3A_229 = tpu.sem_alloc : memref<!tpu.dma_semaphore, #tpu.memory_space<semaphore_mem>>
        %dma_start3A_230 = arith.constant 0 : i32
        %dma_start3A_231 = arith.constant 0 : i32
        %dma_start3A_232 = tpu.memref_slice %arg9[%run_scoped3A_225, %dma_start3A_230, %dma_start3A_231] : memref<8x80x16xf32, #tpu.memory_space<vmem>> -> memref<1x80x16xf32, #tpu.memory_space<vmem>>
        %dma_start3A_233 = tpu.memref_squeeze %dma_start3A_232 : memref<1x80x16xf32, #tpu.memory_space<vmem>> -> memref<80x16xf32, #tpu.memory_space<vmem>>
        %dma_start3A_234 = arith.constant 0 : i32
        %dma_start3A_235 = tpu.memref_slice %arg8[%run_scoped3A_226, %dma_start3A_234] : memref<8x80xi32, #tpu.memory_space<vmem>> -> memref<1x80xi32, #tpu.memory_space<vmem>>
        %dma_start3A_236 = tpu.memref_squeeze %dma_start3A_235 : memref<1x80xi32, #tpu.memory_space<vmem>> -> memref<80xi32, #tpu.memory_space<vmem>>
        %dma_start3A_237 = arith.constant 0 : i32
        %dma_start3A_238 = arith.constant 0 : i32
        %dma_start3A_239 = tpu.memref_slice %arg10[%dma_start3A_237, %dma_start3A_238] : memref<10240x16xf32, #tpu.memory_space<vmem_shared>> -> memref<10240x16xf32, #tpu.memory_space<vmem_shared>>
        tpu.enqueue_indirect_dma source(%dma_start3A_233 : memref<80x16xf32, #tpu.memory_space<vmem>>) target(%dma_start3A_239 : memref<10240x16xf32, #tpu.memory_space<vmem_shared>>) offsets(%dma_start3A_236 : memref<80xi32, #tpu.memory_space<vmem>>) semaphore(%run_scoped3A_229 : memref<!tpu.dma_semaphore, #tpu.memory_space<semaphore_mem>>) {add = true}
        %dma_wait3A_240 = arith.constant 0 : i32
        %dma_wait3A_241 = arith.constant 0 : i32
        %dma_wait3A_242 = tpu.memref_slice %arg9[%run_scoped3A_225, %dma_wait3A_240, %dma_wait3A_241] : memref<8x80x16xf32, #tpu.memory_space<vmem>> -> memref<1x80x16xf32, #tpu.memory_space<vmem>>
        %dma_wait3A_243 = tpu.memref_squeeze %dma_wait3A_242 : memref<1x80x16xf32, #tpu.memory_space<vmem>> -> memref<80x16xf32, #tpu.memory_space<vmem>>
        %dma_wait3A_244 = arith.constant 0 : i32
        %dma_wait3A_245 = tpu.memref_slice %arg8[%run_scoped3A_226, %dma_wait3A_244] : memref<8x80xi32, #tpu.memory_space<vmem>> -> memref<1x80xi32, #tpu.memory_space<vmem>>
        %dma_wait3A_246 = tpu.memref_squeeze %dma_wait3A_245 : memref<1x80xi32, #tpu.memory_space<vmem>> -> memref<80xi32, #tpu.memory_space<vmem>>
        %dma_wait3A_247 = arith.constant 0 : i32
        %dma_wait3A_248 = arith.constant 0 : i32
        %dma_wait3A_249 = tpu.memref_slice %arg10[%dma_wait3A_247, %dma_wait3A_248] : memref<10240x16xf32, #tpu.memory_space<vmem_shared>> -> memref<10240x16xf32, #tpu.memory_space<vmem_shared>>
        tpu.wait_indirect_dma semaphore(%run_scoped3A_229 : memref<!tpu.dma_semaphore, #tpu.memory_space<semaphore_mem>>) src(%dma_wait3A_243 : memref<80x16xf32, #tpu.memory_space<vmem>>) dst(%dma_wait3A_249 : memref<10240x16xf32, #tpu.memory_space<vmem_shared>>)
        tpu.yield
      }) : () -> ()
      %run_scoped3A_227 = arith.constant 7 : i32
      %run_scoped3A_228 = arith.constant 7 : i32
      "tpu.region"() ({
        %run_scoped3A_229 = tpu.sem_alloc : memref<!tpu.dma_semaphore, #tpu.memory_space<semaphore_mem>>
        %dma_start3A_230 = arith.constant 0 : i32
        %dma_start3A_231 = arith.constant 0 : i32
        %dma_start3A_232 = tpu.memref_slice %arg9[%run_scoped3A_227, %dma_start3A_230, %dma_start3A_231] : memref<8x80x16xf32, #tpu.memory_space<vmem>> -> memref<1x80x16xf32, #tpu.memory_space<vmem>>
        %dma_start3A_233 = tpu.memref_squeeze %dma_start3A_232 : memref<1x80x16xf32, #tpu.memory_space<vmem>> -> memref<80x16xf32, #tpu.memory_space<vmem>>
        %dma_start3A_234 = arith.constant 0 : i32
        %dma_start3A_235 = tpu.memref_slice %arg8[%run_scoped3A_228, %dma_start3A_234] : memref<8x80xi32, #tpu.memory_space<vmem>> -> memref<1x80xi32, #tpu.memory_space<vmem>>
        %dma_start3A_236 = tpu.memref_squeeze %dma_start3A_235 : memref<1x80xi32, #tpu.memory_space<vmem>> -> memref<80xi32, #tpu.memory_space<vmem>>
        %dma_start3A_237 = arith.constant 0 : i32
        %dma_start3A_238 = arith.constant 0 : i32
        %dma_start3A_239 = tpu.memref_slice %arg10[%dma_start3A_237, %dma_start3A_238] : memref<10240x16xf32, #tpu.memory_space<vmem_shared>> -> memref<10240x16xf32, #tpu.memory_space<vmem_shared>>
        tpu.enqueue_indirect_dma source(%dma_start3A_233 : memref<80x16xf32, #tpu.memory_space<vmem>>) target(%dma_start3A_239 : memref<10240x16xf32, #tpu.memory_space<vmem_shared>>) offsets(%dma_start3A_236 : memref<80xi32, #tpu.memory_space<vmem>>) semaphore(%run_scoped3A_229 : memref<!tpu.dma_semaphore, #tpu.memory_space<semaphore_mem>>) {add = true}
        %dma_wait3A_240 = arith.constant 0 : i32
        %dma_wait3A_241 = arith.constant 0 : i32
        %dma_wait3A_242 = tpu.memref_slice %arg9[%run_scoped3A_227, %dma_wait3A_240, %dma_wait3A_241] : memref<8x80x16xf32, #tpu.memory_space<vmem>> -> memref<1x80x16xf32, #tpu.memory_space<vmem>>
        %dma_wait3A_243 = tpu.memref_squeeze %dma_wait3A_242 : memref<1x80x16xf32, #tpu.memory_space<vmem>> -> memref<80x16xf32, #tpu.memory_space<vmem>>
        %dma_wait3A_244 = arith.constant 0 : i32
        %dma_wait3A_245 = tpu.memref_slice %arg8[%run_scoped3A_228, %dma_wait3A_244] : memref<8x80xi32, #tpu.memory_space<vmem>> -> memref<1x80xi32, #tpu.memory_space<vmem>>
        %dma_wait3A_246 = tpu.memref_squeeze %dma_wait3A_245 : memref<1x80xi32, #tpu.memory_space<vmem>> -> memref<80xi32, #tpu.memory_space<vmem>>
        %dma_wait3A_247 = arith.constant 0 : i32
        %dma_wait3A_248 = arith.constant 0 : i32
        %dma_wait3A_249 = tpu.memref_slice %arg10[%dma_wait3A_247, %dma_wait3A_248] : memref<10240x16xf32, #tpu.memory_space<vmem_shared>> -> memref<10240x16xf32, #tpu.memory_space<vmem_shared>>
        tpu.wait_indirect_dma semaphore(%run_scoped3A_229 : memref<!tpu.dma_semaphore, #tpu.memory_space<semaphore_mem>>) src(%dma_wait3A_243 : memref<80x16xf32, #tpu.memory_space<vmem>>) dst(%dma_wait3A_249 : memref<10240x16xf32, #tpu.memory_space<vmem_shared>>)
        tpu.yield
      }) : () -> ()
    }
    %scan3A_10 = arith.constant 16 : i32
    %barrier3A_11 = arith.constant 0 : index
    tpu.barrier barrier_id(%barrier3A_11)
    %mul3A_12 = arith.constant 640 : i32
    %mul3A_13 = arith.muli %arg1, %mul3A_12 : i32
    %mul3A_14 = arith.constant 640 : i32
    %mul3A_15 = arith.muli %arg1, %mul3A_14 : i32
    "tpu.region"() ({
      %run_scoped3A = tpu.sem_alloc : memref<!tpu.dma_semaphore, #tpu.memory_space<semaphore_mem>>
      %dma_start3A = arith.constant 0 : i32
      %dma_start3A_16 = arith.constant 0 : i32
      %dma_start3A_17 = tpu.memref_slice %arg6[%arg0, %dma_start3A, %dma_start3A_16] : memref<2x10240x16xf32, #tpu.memory_space<hbm>> -> memref<1x10240x16xf32, #tpu.memory_space<hbm>>
      %dma_start3A_18 = tpu.memref_squeeze %dma_start3A_17 : memref<1x10240x16xf32, #tpu.memory_space<hbm>> -> memref<10240x16xf32, #tpu.memory_space<hbm>>
      %dma_start3A_19 = arith.constant 0 : i32
      %dma_start3A_20 = tpu.memref_slice %dma_start3A_18[%mul3A_15, %dma_start3A_19] : memref<10240x16xf32, #tpu.memory_space<hbm>> -> memref<640x16xf32, #tpu.memory_space<hbm>>
      %dma_start3A_21 = arith.constant 0 : i32
      %dma_start3A_22 = tpu.memref_slice %arg10[%mul3A_13, %dma_start3A_21] : memref<10240x16xf32, #tpu.memory_space<vmem_shared>> -> memref<640x16xf32, #tpu.memory_space<vmem_shared>>
      tpu.enqueue_dma source(%dma_start3A_22 : memref<640x16xf32, #tpu.memory_space<vmem_shared>>) target(%dma_start3A_20 : memref<640x16xf32, #tpu.memory_space<hbm>>) target_semaphore(%run_scoped3A : memref<!tpu.dma_semaphore, #tpu.memory_space<semaphore_mem>>)
      %dma_wait3A = arith.constant 0 : i32
      %dma_wait3A_23 = arith.constant 0 : i32
      %dma_wait3A_24 = tpu.memref_slice %arg6[%arg0, %dma_wait3A, %dma_wait3A_23] : memref<2x10240x16xf32, #tpu.memory_space<hbm>> -> memref<1x10240x16xf32, #tpu.memory_space<hbm>>
      %dma_wait3A_25 = tpu.memref_squeeze %dma_wait3A_24 : memref<1x10240x16xf32, #tpu.memory_space<hbm>> -> memref<10240x16xf32, #tpu.memory_space<hbm>>
      %dma_wait3A_26 = arith.constant 0 : i32
      %dma_wait3A_27 = tpu.memref_slice %dma_wait3A_25[%mul3A_15, %dma_wait3A_26] : memref<10240x16xf32, #tpu.memory_space<hbm>> -> memref<640x16xf32, #tpu.memory_space<hbm>>
      %dma_wait3A_28 = arith.constant 0 : i32
      %dma_wait3A_29 = tpu.memref_slice %arg10[%mul3A_13, %dma_wait3A_28] : memref<10240x16xf32, #tpu.memory_space<vmem_shared>> -> memref<640x16xf32, #tpu.memory_space<vmem_shared>>
      tpu.wait_dma2 semaphore(%run_scoped3A : memref<!tpu.dma_semaphore, #tpu.memory_space<semaphore_mem>>) src(%dma_wait3A_29 : memref<640x16xf32, #tpu.memory_space<vmem_shared>>) dst(%dma_wait3A_27 : memref<640x16xf32, #tpu.memory_space<hbm>>)
      tpu.yield
    }) : () -> ()
    return
  }
}

#map = affine_map<(d0, d1) -> (0, 0)>
#map1 = affine_map<(d0, d1) -> (0, 0, 0)>
module attributes {stable_mosaic.version = 14 : i64} {
  func.func @_sc_deg_body(%arg0: i32, %arg1: i32, %arg2: memref<4096x80xi32, #tpu.memory_space<hbm>>, %arg3: memref<10240x16xf32, #tpu.memory_space<hbm>>, %arg4: memref<2x10240x16xf32, #tpu.memory_space<hbm>>, %arg5: memref<8x80xi32, #tpu.memory_space<vmem>>, %arg6: memref<80x16xf32, #tpu.memory_space<vmem>>, %arg7: memref<10240x16xf32, #tpu.memory_space<vmem_shared>>, %arg8: memref<!tpu.dma_semaphore, #tpu.memory_space<semaphore_mem>>) attributes {dimension_semantics = [#tpu.dimension_semantics<core_parallel>, #tpu.dimension_semantics<subcore_parallel>], iteration_bounds = array<i64: 2, 16>, scalar_prefetch = 0 : i64, scratch_operands = 4 : i64, tpu.core_type = #tpu.core_type<sc_vector_subcore>, window_params = [{transform_indices = #map}, {transform_indices = #map}, {transform_indices = #map1}]} {
    %mul3A = arith.constant 2 : i32
    %mul3A_0 = arith.muli %arg1, %mul3A : i32
    %add3A = arith.addi %mul3A_0, %arg0 : i32
    %broadcast_in_dim3A = arith.constant 1.000000e+00 : f32
    %broadcast_in_dim3A_1 = vector.broadcast %broadcast_in_dim3A : f32 to vector<16xf32>
    %swap3A = arith.constant 0 : i32
    %swap3A_2 = arith.index_cast %swap3A : i32 to index
    %swap3A_3 = arith.constant 0 : index
    %swap3A_4 = tpu.vector_load %arg6[%swap3A_2, %swap3A_3] {strides = array<i32>} : memref<80x16xf32, #tpu.memory_space<vmem>>, vector<1x16xf32>,
    %swap3A_5 = vector.shape_cast %swap3A_4 : vector<1x16xf32> to vector<16xf32>
    %swap3A_6 = vector.shape_cast %broadcast_in_dim3A_1 : vector<16xf32> to vector<1x16xf32>
    tpu.vector_store %arg6[%swap3A_2, %swap3A_3], %swap3A_6 {strides = array<i32>} : memref<80x16xf32, #tpu.memory_space<vmem>>, vector<1x16xf32>,
    %broadcast_in_dim3A_7 = arith.constant 1.000000e+00 : f32
    %broadcast_in_dim3A_8 = vector.broadcast %broadcast_in_dim3A_7 : f32 to vector<16xf32>
    %swap3A_9 = arith.constant 1 : i32
    %swap3A_10 = arith.index_cast %swap3A_9 : i32 to index
    %swap3A_11 = arith.constant 0 : index
    %swap3A_12 = tpu.vector_load %arg6[%swap3A_10, %swap3A_11] {strides = array<i32>} : memref<80x16xf32, #tpu.memory_space<vmem>>, vector<1x16xf32>,
    %swap3A_13 = vector.shape_cast %swap3A_12 : vector<1x16xf32> to vector<16xf32>
    %swap3A_14 = vector.shape_cast %broadcast_in_dim3A_8 : vector<16xf32> to vector<1x16xf32>
    tpu.vector_store %arg6[%swap3A_10, %swap3A_11], %swap3A_14 {strides = array<i32>} : memref<80x16xf32, #tpu.memory_space<vmem>>, vector<1x16xf32>,
    %broadcast_in_dim3A_15 = arith.constant 1.000000e+00 : f32
    %broadcast_in_dim3A_16 = vector.broadcast %broadcast_in_dim3A_15 : f32 to vector<16xf32>
    %swap3A_17 = arith.constant 2 : i32
    %swap3A_18 = arith.index_cast %swap3A_17 : i32 to index
    %swap3A_19 = arith.constant 0 : index
    %swap3A_20 = tpu.vector_load %arg6[%swap3A_18, %swap3A_19] {strides = array<i32>} : memref<80x16xf32, #tpu.memory_space<vmem>>, vector<1x16xf32>,
    %swap3A_21 = vector.shape_cast %swap3A_20 : vector<1x16xf32> to vector<16xf32>
    %swap3A_22 = vector.shape_cast %broadcast_in_dim3A_16 : vector<16xf32> to vector<1x16xf32>
    tpu.vector_store %arg6[%swap3A_18, %swap3A_19], %swap3A_22 {strides = array<i32>} : memref<80x16xf32, #tpu.memory_space<vmem>>, vector<1x16xf32>,
    %broadcast_in_dim3A_23 = arith.constant 1.000000e+00 : f32
    %broadcast_in_dim3A_24 = vector.broadcast %broadcast_in_dim3A_23 : f32 to vector<16xf32>
    %swap3A_25 = arith.constant 3 : i32
    %swap3A_26 = arith.index_cast %swap3A_25 : i32 to index
    %swap3A_27 = arith.constant 0 : index
    %swap3A_28 = tpu.vector_load %arg6[%swap3A_26, %swap3A_27] {strides = array<i32>} : memref<80x16xf32, #tpu.memory_space<vmem>>, vector<1x16xf32>,
    %swap3A_29 = vector.shape_cast %swap3A_28 : vector<1x16xf32> to vector<16xf32>
    %swap3A_30 = vector.shape_cast %broadcast_in_dim3A_24 : vector<16xf32> to vector<1x16xf32>
    tpu.vector_store %arg6[%swap3A_26, %swap3A_27], %swap3A_30 {strides = array<i32>} : memref<80x16xf32, #tpu.memory_space<vmem>>, vector<1x16xf32>,
    %broadcast_in_dim3A_31 = arith.constant 1.000000e+00 : f32
    %broadcast_in_dim3A_32 = vector.broadcast %broadcast_in_dim3A_31 : f32 to vector<16xf32>
    %swap3A_33 = arith.constant 4 : i32
    %swap3A_34 = arith.index_cast %swap3A_33 : i32 to index
    %swap3A_35 = arith.constant 0 : index
    %swap3A_36 = tpu.vector_load %arg6[%swap3A_34, %swap3A_35] {strides = array<i32>} : memref<80x16xf32, #tpu.memory_space<vmem>>, vector<1x16xf32>,
    %swap3A_37 = vector.shape_cast %swap3A_36 : vector<1x16xf32> to vector<16xf32>
    %swap3A_38 = vector.shape_cast %broadcast_in_dim3A_32 : vector<16xf32> to vector<1x16xf32>
    tpu.vector_store %arg6[%swap3A_34, %swap3A_35], %swap3A_38 {strides = array<i32>} : memref<80x16xf32, #tpu.memory_space<vmem>>, vector<1x16xf32>,
    %broadcast_in_dim3A_39 = arith.constant 1.000000e+00 : f32
    %broadcast_in_dim3A_40 = vector.broadcast %broadcast_in_dim3A_39 : f32 to vector<16xf32>
    %swap3A_41 = arith.constant 5 : i32
    %swap3A_42 = arith.index_cast %swap3A_41 : i32 to index
    %swap3A_43 = arith.constant 0 : index
    %swap3A_44 = tpu.vector_load %arg6[%swap3A_42, %swap3A_43] {strides = array<i32>} : memref<80x16xf32, #tpu.memory_space<vmem>>, vector<1x16xf32>,
    %swap3A_45 = vector.shape_cast %swap3A_44 : vector<1x16xf32> to vector<16xf32>
    %swap3A_46 = vector.shape_cast %broadcast_in_dim3A_40 : vector<16xf32> to vector<1x16xf32>
    tpu.vector_store %arg6[%swap3A_42, %swap3A_43], %swap3A_46 {strides = array<i32>} : memref<80x16xf32, #tpu.memory_space<vmem>>, vector<1x16xf32>,
    %broadcast_in_dim3A_47 = arith.constant 1.000000e+00 : f32
    %broadcast_in_dim3A_48 = vector.broadcast %broadcast_in_dim3A_47 : f32 to vector<16xf32>
    %swap3A_49 = arith.constant 6 : i32
    %swap3A_50 = arith.index_cast %swap3A_49 : i32 to index
    %swap3A_51 = arith.constant 0 : index
    %swap3A_52 = tpu.vector_load %arg6[%swap3A_50, %swap3A_51] {strides = array<i32>} : memref<80x16xf32, #tpu.memory_space<vmem>>, vector<1x16xf32>,
    %swap3A_53 = vector.shape_cast %swap3A_52 : vector<1x16xf32> to vector<16xf32>
    %swap3A_54 = vector.shape_cast %broadcast_in_dim3A_48 : vector<16xf32> to vector<1x16xf32>
    tpu.vector_store %arg6[%swap3A_50, %swap3A_51], %swap3A_54 {strides = array<i32>} : memref<80x16xf32, #tpu.memory_space<vmem>>, vector<1x16xf32>,
    %broadcast_in_dim3A_55 = arith.constant 1.000000e+00 : f32
    %broadcast_in_dim3A_56 = vector.broadcast %broadcast_in_dim3A_55 : f32 to vector<16xf32>
    %swap3A_57 = arith.constant 7 : i32
    %swap3A_58 = arith.index_cast %swap3A_57 : i32 to index
    %swap3A_59 = arith.constant 0 : index
    %swap3A_60 = tpu.vector_load %arg6[%swap3A_58, %swap3A_59] {strides = array<i32>} : memref<80x16xf32, #tpu.memory_space<vmem>>, vector<1x16xf32>,
    %swap3A_61 = vector.shape_cast %swap3A_60 : vector<1x16xf32> to vector<16xf32>
    %swap3A_62 = vector.shape_cast %broadcast_in_dim3A_56 : vector<16xf32> to vector<1x16xf32>
    tpu.vector_store %arg6[%swap3A_58, %swap3A_59], %swap3A_62 {strides = array<i32>} : memref<80x16xf32, #tpu.memory_space<vmem>>, vector<1x16xf32>,
    %broadcast_in_dim3A_63 = arith.constant 1.000000e+00 : f32
    %broadcast_in_dim3A_64 = vector.broadcast %broadcast_in_dim3A_63 : f32 to vector<16xf32>
    %swap3A_65 = arith.constant 8 : i32
    %swap3A_66 = arith.index_cast %swap3A_65 : i32 to index
    %swap3A_67 = arith.constant 0 : index
    %swap3A_68 = tpu.vector_load %arg6[%swap3A_66, %swap3A_67] {strides = array<i32>} : memref<80x16xf32, #tpu.memory_space<vmem>>, vector<1x16xf32>,
    %swap3A_69 = vector.shape_cast %swap3A_68 : vector<1x16xf32> to vector<16xf32>
    %swap3A_70 = vector.shape_cast %broadcast_in_dim3A_64 : vector<16xf32> to vector<1x16xf32>
    tpu.vector_store %arg6[%swap3A_66, %swap3A_67], %swap3A_70 {strides = array<i32>} : memref<80x16xf32, #tpu.memory_space<vmem>>, vector<1x16xf32>,
    %broadcast_in_dim3A_71 = arith.constant 1.000000e+00 : f32
    %broadcast_in_dim3A_72 = vector.broadcast %broadcast_in_dim3A_71 : f32 to vector<16xf32>
    %swap3A_73 = arith.constant 9 : i32
    %swap3A_74 = arith.index_cast %swap3A_73 : i32 to index
    %swap3A_75 = arith.constant 0 : index
    %swap3A_76 = tpu.vector_load %arg6[%swap3A_74, %swap3A_75] {strides = array<i32>} : memref<80x16xf32, #tpu.memory_space<vmem>>, vector<1x16xf32>,
    %swap3A_77 = vector.shape_cast %swap3A_76 : vector<1x16xf32> to vector<16xf32>
    %swap3A_78 = vector.shape_cast %broadcast_in_dim3A_72 : vector<16xf32> to vector<1x16xf32>
    tpu.vector_store %arg6[%swap3A_74, %swap3A_75], %swap3A_78 {strides = array<i32>} : memref<80x16xf32, #tpu.memory_space<vmem>>, vector<1x16xf32>,
    %broadcast_in_dim3A_79 = arith.constant 1.000000e+00 : f32
    %broadcast_in_dim3A_80 = vector.broadcast %broadcast_in_dim3A_79 : f32 to vector<16xf32>
    %swap3A_81 = arith.constant 10 : i32
    %swap3A_82 = arith.index_cast %swap3A_81 : i32 to index
    %swap3A_83 = arith.constant 0 : index
    %swap3A_84 = tpu.vector_load %arg6[%swap3A_82, %swap3A_83] {strides = array<i32>} : memref<80x16xf32, #tpu.memory_space<vmem>>, vector<1x16xf32>,
    %swap3A_85 = vector.shape_cast %swap3A_84 : vector<1x16xf32> to vector<16xf32>
    %swap3A_86 = vector.shape_cast %broadcast_in_dim3A_80 : vector<16xf32> to vector<1x16xf32>
    tpu.vector_store %arg6[%swap3A_82, %swap3A_83], %swap3A_86 {strides = array<i32>} : memref<80x16xf32, #tpu.memory_space<vmem>>, vector<1x16xf32>,
    %broadcast_in_dim3A_87 = arith.constant 1.000000e+00 : f32
    %broadcast_in_dim3A_88 = vector.broadcast %broadcast_in_dim3A_87 : f32 to vector<16xf32>
    %swap3A_89 = arith.constant 11 : i32
    %swap3A_90 = arith.index_cast %swap3A_89 : i32 to index
    %swap3A_91 = arith.constant 0 : index
    %swap3A_92 = tpu.vector_load %arg6[%swap3A_90, %swap3A_91] {strides = array<i32>} : memref<80x16xf32, #tpu.memory_space<vmem>>, vector<1x16xf32>,
    %swap3A_93 = vector.shape_cast %swap3A_92 : vector<1x16xf32> to vector<16xf32>
    %swap3A_94 = vector.shape_cast %broadcast_in_dim3A_88 : vector<16xf32> to vector<1x16xf32>
    tpu.vector_store %arg6[%swap3A_90, %swap3A_91], %swap3A_94 {strides = array<i32>} : memref<80x16xf32, #tpu.memory_space<vmem>>, vector<1x16xf32>,
    %broadcast_in_dim3A_95 = arith.constant 1.000000e+00 : f32
    %broadcast_in_dim3A_96 = vector.broadcast %broadcast_in_dim3A_95 : f32 to vector<16xf32>
    %swap3A_97 = arith.constant 12 : i32
    %swap3A_98 = arith.index_cast %swap3A_97 : i32 to index
    %swap3A_99 = arith.constant 0 : index
    %swap3A_100 = tpu.vector_load %arg6[%swap3A_98, %swap3A_99] {strides = array<i32>} : memref<80x16xf32, #tpu.memory_space<vmem>>, vector<1x16xf32>,
    %swap3A_101 = vector.shape_cast %swap3A_100 : vector<1x16xf32> to vector<16xf32>
    %swap3A_102 = vector.shape_cast %broadcast_in_dim3A_96 : vector<16xf32> to vector<1x16xf32>
    tpu.vector_store %arg6[%swap3A_98, %swap3A_99], %swap3A_102 {strides = array<i32>} : memref<80x16xf32, #tpu.memory_space<vmem>>, vector<1x16xf32>,
    %broadcast_in_dim3A_103 = arith.constant 1.000000e+00 : f32
    %broadcast_in_dim3A_104 = vector.broadcast %broadcast_in_dim3A_103 : f32 to vector<16xf32>
    %swap3A_105 = arith.constant 13 : i32
    %swap3A_106 = arith.index_cast %swap3A_105 : i32 to index
    %swap3A_107 = arith.constant 0 : index
    %swap3A_108 = tpu.vector_load %arg6[%swap3A_106, %swap3A_107] {strides = array<i32>} : memref<80x16xf32, #tpu.memory_space<vmem>>, vector<1x16xf32>,
    %swap3A_109 = vector.shape_cast %swap3A_108 : vector<1x16xf32> to vector<16xf32>
    %swap3A_110 = vector.shape_cast %broadcast_in_dim3A_104 : vector<16xf32> to vector<1x16xf32>
    tpu.vector_store %arg6[%swap3A_106, %swap3A_107], %swap3A_110 {strides = array<i32>} : memref<80x16xf32, #tpu.memory_space<vmem>>, vector<1x16xf32>,
    %broadcast_in_dim3A_111 = arith.constant 1.000000e+00 : f32
    %broadcast_in_dim3A_112 = vector.broadcast %broadcast_in_dim3A_111 : f32 to vector<16xf32>
    %swap3A_113 = arith.constant 14 : i32
    %swap3A_114 = arith.index_cast %swap3A_113 : i32 to index
    %swap3A_115 = arith.constant 0 : index
    %swap3A_116 = tpu.vector_load %arg6[%swap3A_114, %swap3A_115] {strides = array<i32>} : memref<80x16xf32, #tpu.memory_space<vmem>>, vector<1x16xf32>,
    %swap3A_117 = vector.shape_cast %swap3A_116 : vector<1x16xf32> to vector<16xf32>
    %swap3A_118 = vector.shape_cast %broadcast_in_dim3A_112 : vector<16xf32> to vector<1x16xf32>
    tpu.vector_store %arg6[%swap3A_114, %swap3A_115], %swap3A_118 {strides = array<i32>} : memref<80x16xf32, #tpu.memory_space<vmem>>, vector<1x16xf32>,
    %broadcast_in_dim3A_119 = arith.constant 1.000000e+00 : f32
    %broadcast_in_dim3A_120 = vector.broadcast %broadcast_in_dim3A_119 : f32 to vector<16xf32>
    %swap3A_121 = arith.constant 15 : i32
    %swap3A_122 = arith.index_cast %swap3A_121 : i32 to index
    %swap3A_123 = arith.constant 0 : index
    %swap3A_124 = tpu.vector_load %arg6[%swap3A_122, %swap3A_123] {strides = array<i32>} : memref<80x16xf32, #tpu.memory_space<vmem>>, vector<1x16xf32>,
    %swap3A_125 = vector.shape_cast %swap3A_124 : vector<1x16xf32> to vector<16xf32>
    %swap3A_126 = vector.shape_cast %broadcast_in_dim3A_120 : vector<16xf32> to vector<1x16xf32>
    tpu.vector_store %arg6[%swap3A_122, %swap3A_123], %swap3A_126 {strides = array<i32>} : memref<80x16xf32, #tpu.memory_space<vmem>>, vector<1x16xf32>,
    %broadcast_in_dim3A_127 = arith.constant 1.000000e+00 : f32
    %broadcast_in_dim3A_128 = vector.broadcast %broadcast_in_dim3A_127 : f32 to vector<16xf32>
    %swap3A_129 = arith.constant 16 : i32
    %swap3A_130 = arith.index_cast %swap3A_129 : i32 to index
    %swap3A_131 = arith.constant 0 : index
    %swap3A_132 = tpu.vector_load %arg6[%swap3A_130, %swap3A_131] {strides = array<i32>} : memref<80x16xf32, #tpu.memory_space<vmem>>, vector<1x16xf32>,
    %swap3A_133 = vector.shape_cast %swap3A_132 : vector<1x16xf32> to vector<16xf32>
    %swap3A_134 = vector.shape_cast %broadcast_in_dim3A_128 : vector<16xf32> to vector<1x16xf32>
    tpu.vector_store %arg6[%swap3A_130, %swap3A_131], %swap3A_134 {strides = array<i32>} : memref<80x16xf32, #tpu.memory_space<vmem>>, vector<1x16xf32>,
    %broadcast_in_dim3A_135 = arith.constant 1.000000e+00 : f32
    %broadcast_in_dim3A_136 = vector.broadcast %broadcast_in_dim3A_135 : f32 to vector<16xf32>
    %swap3A_137 = arith.constant 17 : i32
    %swap3A_138 = arith.index_cast %swap3A_137 : i32 to index
    %swap3A_139 = arith.constant 0 : index
    %swap3A_140 = tpu.vector_load %arg6[%swap3A_138, %swap3A_139] {strides = array<i32>} : memref<80x16xf32, #tpu.memory_space<vmem>>, vector<1x16xf32>,
    %swap3A_141 = vector.shape_cast %swap3A_140 : vector<1x16xf32> to vector<16xf32>
    %swap3A_142 = vector.shape_cast %broadcast_in_dim3A_136 : vector<16xf32> to vector<1x16xf32>
    tpu.vector_store %arg6[%swap3A_138, %swap3A_139], %swap3A_142 {strides = array<i32>} : memref<80x16xf32, #tpu.memory_space<vmem>>, vector<1x16xf32>,
    %broadcast_in_dim3A_143 = arith.constant 1.000000e+00 : f32
    %broadcast_in_dim3A_144 = vector.broadcast %broadcast_in_dim3A_143 : f32 to vector<16xf32>
    %swap3A_145 = arith.constant 18 : i32
    %swap3A_146 = arith.index_cast %swap3A_145 : i32 to index
    %swap3A_147 = arith.constant 0 : index
    %swap3A_148 = tpu.vector_load %arg6[%swap3A_146, %swap3A_147] {strides = array<i32>} : memref<80x16xf32, #tpu.memory_space<vmem>>, vector<1x16xf32>,
    %swap3A_149 = vector.shape_cast %swap3A_148 : vector<1x16xf32> to vector<16xf32>
    %swap3A_150 = vector.shape_cast %broadcast_in_dim3A_144 : vector<16xf32> to vector<1x16xf32>
    tpu.vector_store %arg6[%swap3A_146, %swap3A_147], %swap3A_150 {strides = array<i32>} : memref<80x16xf32, #tpu.memory_space<vmem>>, vector<1x16xf32>,
    %broadcast_in_dim3A_151 = arith.constant 1.000000e+00 : f32
    %broadcast_in_dim3A_152 = vector.broadcast %broadcast_in_dim3A_151 : f32 to vector<16xf32>
    %swap3A_153 = arith.constant 19 : i32
    %swap3A_154 = arith.index_cast %swap3A_153 : i32 to index
    %swap3A_155 = arith.constant 0 : index
    %swap3A_156 = tpu.vector_load %arg6[%swap3A_154, %swap3A_155] {strides = array<i32>} : memref<80x16xf32, #tpu.memory_space<vmem>>, vector<1x16xf32>,
    %swap3A_157 = vector.shape_cast %swap3A_156 : vector<1x16xf32> to vector<16xf32>
    %swap3A_158 = vector.shape_cast %broadcast_in_dim3A_152 : vector<16xf32> to vector<1x16xf32>
    tpu.vector_store %arg6[%swap3A_154, %swap3A_155], %swap3A_158 {strides = array<i32>} : memref<80x16xf32, #tpu.memory_space<vmem>>, vector<1x16xf32>,
    %broadcast_in_dim3A_159 = arith.constant 1.000000e+00 : f32
    %broadcast_in_dim3A_160 = vector.broadcast %broadcast_in_dim3A_159 : f32 to vector<16xf32>
    %swap3A_161 = arith.constant 20 : i32
    %swap3A_162 = arith.index_cast %swap3A_161 : i32 to index
    %swap3A_163 = arith.constant 0 : index
    %swap3A_164 = tpu.vector_load %arg6[%swap3A_162, %swap3A_163] {strides = array<i32>} : memref<80x16xf32, #tpu.memory_space<vmem>>, vector<1x16xf32>,
    %swap3A_165 = vector.shape_cast %swap3A_164 : vector<1x16xf32> to vector<16xf32>
    %swap3A_166 = vector.shape_cast %broadcast_in_dim3A_160 : vector<16xf32> to vector<1x16xf32>
    tpu.vector_store %arg6[%swap3A_162, %swap3A_163], %swap3A_166 {strides = array<i32>} : memref<80x16xf32, #tpu.memory_space<vmem>>, vector<1x16xf32>,
    %broadcast_in_dim3A_167 = arith.constant 1.000000e+00 : f32
    %broadcast_in_dim3A_168 = vector.broadcast %broadcast_in_dim3A_167 : f32 to vector<16xf32>
    %swap3A_169 = arith.constant 21 : i32
    %swap3A_170 = arith.index_cast %swap3A_169 : i32 to index
    %swap3A_171 = arith.constant 0 : index
    %swap3A_172 = tpu.vector_load %arg6[%swap3A_170, %swap3A_171] {strides = array<i32>} : memref<80x16xf32, #tpu.memory_space<vmem>>, vector<1x16xf32>,
    %swap3A_173 = vector.shape_cast %swap3A_172 : vector<1x16xf32> to vector<16xf32>
    %swap3A_174 = vector.shape_cast %broadcast_in_dim3A_168 : vector<16xf32> to vector<1x16xf32>
    tpu.vector_store %arg6[%swap3A_170, %swap3A_171], %swap3A_174 {strides = array<i32>} : memref<80x16xf32, #tpu.memory_space<vmem>>, vector<1x16xf32>,
    %broadcast_in_dim3A_175 = arith.constant 1.000000e+00 : f32
    %broadcast_in_dim3A_176 = vector.broadcast %broadcast_in_dim3A_175 : f32 to vector<16xf32>
    %swap3A_177 = arith.constant 22 : i32
    %swap3A_178 = arith.index_cast %swap3A_177 : i32 to index
    %swap3A_179 = arith.constant 0 : index
    %swap3A_180 = tpu.vector_load %arg6[%swap3A_178, %swap3A_179] {strides = array<i32>} : memref<80x16xf32, #tpu.memory_space<vmem>>, vector<1x16xf32>,
    %swap3A_181 = vector.shape_cast %swap3A_180 : vector<1x16xf32> to vector<16xf32>
    %swap3A_182 = vector.shape_cast %broadcast_in_dim3A_176 : vector<16xf32> to vector<1x16xf32>
    tpu.vector_store %arg6[%swap3A_178, %swap3A_179], %swap3A_182 {strides = array<i32>} : memref<80x16xf32, #tpu.memory_space<vmem>>, vector<1x16xf32>,
    %broadcast_in_dim3A_183 = arith.constant 1.000000e+00 : f32
    %broadcast_in_dim3A_184 = vector.broadcast %broadcast_in_dim3A_183 : f32 to vector<16xf32>
    %swap3A_185 = arith.constant 23 : i32
    %swap3A_186 = arith.index_cast %swap3A_185 : i32 to index
    %swap3A_187 = arith.constant 0 : index
    %swap3A_188 = tpu.vector_load %arg6[%swap3A_186, %swap3A_187] {strides = array<i32>} : memref<80x16xf32, #tpu.memory_space<vmem>>, vector<1x16xf32>,
    %swap3A_189 = vector.shape_cast %swap3A_188 : vector<1x16xf32> to vector<16xf32>
    %swap3A_190 = vector.shape_cast %broadcast_in_dim3A_184 : vector<16xf32> to vector<1x16xf32>
    tpu.vector_store %arg6[%swap3A_186, %swap3A_187], %swap3A_190 {strides = array<i32>} : memref<80x16xf32, #tpu.memory_space<vmem>>, vector<1x16xf32>,
    %broadcast_in_dim3A_191 = arith.constant 1.000000e+00 : f32
    %broadcast_in_dim3A_192 = vector.broadcast %broadcast_in_dim3A_191 : f32 to vector<16xf32>
    %swap3A_193 = arith.constant 24 : i32
    %swap3A_194 = arith.index_cast %swap3A_193 : i32 to index
    %swap3A_195 = arith.constant 0 : index
    %swap3A_196 = tpu.vector_load %arg6[%swap3A_194, %swap3A_195] {strides = array<i32>} : memref<80x16xf32, #tpu.memory_space<vmem>>, vector<1x16xf32>,
    %swap3A_197 = vector.shape_cast %swap3A_196 : vector<1x16xf32> to vector<16xf32>
    %swap3A_198 = vector.shape_cast %broadcast_in_dim3A_192 : vector<16xf32> to vector<1x16xf32>
    tpu.vector_store %arg6[%swap3A_194, %swap3A_195], %swap3A_198 {strides = array<i32>} : memref<80x16xf32, #tpu.memory_space<vmem>>, vector<1x16xf32>,
    %broadcast_in_dim3A_199 = arith.constant 1.000000e+00 : f32
    %broadcast_in_dim3A_200 = vector.broadcast %broadcast_in_dim3A_199 : f32 to vector<16xf32>
    %swap3A_201 = arith.constant 25 : i32
    %swap3A_202 = arith.index_cast %swap3A_201 : i32 to index
    %swap3A_203 = arith.constant 0 : index
    %swap3A_204 = tpu.vector_load %arg6[%swap3A_202, %swap3A_203] {strides = array<i32>} : memref<80x16xf32, #tpu.memory_space<vmem>>, vector<1x16xf32>,
    %swap3A_205 = vector.shape_cast %swap3A_204 : vector<1x16xf32> to vector<16xf32>
    %swap3A_206 = vector.shape_cast %broadcast_in_dim3A_200 : vector<16xf32> to vector<1x16xf32>
    tpu.vector_store %arg6[%swap3A_202, %swap3A_203], %swap3A_206 {strides = array<i32>} : memref<80x16xf32, #tpu.memory_space<vmem>>, vector<1x16xf32>,
    %broadcast_in_dim3A_207 = arith.constant 1.000000e+00 : f32
    %broadcast_in_dim3A_208 = vector.broadcast %broadcast_in_dim3A_207 : f32 to vector<16xf32>
    %swap3A_209 = arith.constant 26 : i32
    %swap3A_210 = arith.index_cast %swap3A_209 : i32 to index
    %swap3A_211 = arith.constant 0 : index
    %swap3A_212 = tpu.vector_load %arg6[%swap3A_210, %swap3A_211] {strides = array<i32>} : memref<80x16xf32, #tpu.memory_space<vmem>>, vector<1x16xf32>,
    %swap3A_213 = vector.shape_cast %swap3A_212 : vector<1x16xf32> to vector<16xf32>
    %swap3A_214 = vector.shape_cast %broadcast_in_dim3A_208 : vector<16xf32> to vector<1x16xf32>
    tpu.vector_store %arg6[%swap3A_210, %swap3A_211], %swap3A_214 {strides = array<i32>} : memref<80x16xf32, #tpu.memory_space<vmem>>, vector<1x16xf32>,
    %broadcast_in_dim3A_215 = arith.constant 1.000000e+00 : f32
    %broadcast_in_dim3A_216 = vector.broadcast %broadcast_in_dim3A_215 : f32 to vector<16xf32>
    %swap3A_217 = arith.constant 27 : i32
    %swap3A_218 = arith.index_cast %swap3A_217 : i32 to index
    %swap3A_219 = arith.constant 0 : index
    %swap3A_220 = tpu.vector_load %arg6[%swap3A_218, %swap3A_219] {strides = array<i32>} : memref<80x16xf32, #tpu.memory_space<vmem>>, vector<1x16xf32>,
    %swap3A_221 = vector.shape_cast %swap3A_220 : vector<1x16xf32> to vector<16xf32>
    %swap3A_222 = vector.shape_cast %broadcast_in_dim3A_216 : vector<16xf32> to vector<1x16xf32>
    tpu.vector_store %arg6[%swap3A_218, %swap3A_219], %swap3A_222 {strides = array<i32>} : memref<80x16xf32, #tpu.memory_space<vmem>>, vector<1x16xf32>,
    %broadcast_in_dim3A_223 = arith.constant 1.000000e+00 : f32
    %broadcast_in_dim3A_224 = vector.broadcast %broadcast_in_dim3A_223 : f32 to vector<16xf32>
    %swap3A_225 = arith.constant 28 : i32
    %swap3A_226 = arith.index_cast %swap3A_225 : i32 to index
    %swap3A_227 = arith.constant 0 : index
    %swap3A_228 = tpu.vector_load %arg6[%swap3A_226, %swap3A_227] {strides = array<i32>} : memref<80x16xf32, #tpu.memory_space<vmem>>, vector<1x16xf32>,
    %swap3A_229 = vector.shape_cast %swap3A_228 : vector<1x16xf32> to vector<16xf32>
    %swap3A_230 = vector.shape_cast %broadcast_in_dim3A_224 : vector<16xf32> to vector<1x16xf32>
    tpu.vector_store %arg6[%swap3A_226, %swap3A_227], %swap3A_230 {strides = array<i32>} : memref<80x16xf32, #tpu.memory_space<vmem>>, vector<1x16xf32>,
    %broadcast_in_dim3A_231 = arith.constant 1.000000e+00 : f32
    %broadcast_in_dim3A_232 = vector.broadcast %broadcast_in_dim3A_231 : f32 to vector<16xf32>
    %swap3A_233 = arith.constant 29 : i32
    %swap3A_234 = arith.index_cast %swap3A_233 : i32 to index
    %swap3A_235 = arith.constant 0 : index
    %swap3A_236 = tpu.vector_load %arg6[%swap3A_234, %swap3A_235] {strides = array<i32>} : memref<80x16xf32, #tpu.memory_space<vmem>>, vector<1x16xf32>,
    %swap3A_237 = vector.shape_cast %swap3A_236 : vector<1x16xf32> to vector<16xf32>
    %swap3A_238 = vector.shape_cast %broadcast_in_dim3A_232 : vector<16xf32> to vector<1x16xf32>
    tpu.vector_store %arg6[%swap3A_234, %swap3A_235], %swap3A_238 {strides = array<i32>} : memref<80x16xf32, #tpu.memory_space<vmem>>, vector<1x16xf32>,
    %broadcast_in_dim3A_239 = arith.constant 1.000000e+00 : f32
    %broadcast_in_dim3A_240 = vector.broadcast %broadcast_in_dim3A_239 : f32 to vector<16xf32>
    %swap3A_241 = arith.constant 30 : i32
    %swap3A_242 = arith.index_cast %swap3A_241 : i32 to index
    %swap3A_243 = arith.constant 0 : index
    %swap3A_244 = tpu.vector_load %arg6[%swap3A_242, %swap3A_243] {strides = array<i32>} : memref<80x16xf32, #tpu.memory_space<vmem>>, vector<1x16xf32>,
    %swap3A_245 = vector.shape_cast %swap3A_244 : vector<1x16xf32> to vector<16xf32>
    %swap3A_246 = vector.shape_cast %broadcast_in_dim3A_240 : vector<16xf32> to vector<1x16xf32>
    tpu.vector_store %arg6[%swap3A_242, %swap3A_243], %swap3A_246 {strides = array<i32>} : memref<80x16xf32, #tpu.memory_space<vmem>>, vector<1x16xf32>,
    %broadcast_in_dim3A_247 = arith.constant 1.000000e+00 : f32
    %broadcast_in_dim3A_248 = vector.broadcast %broadcast_in_dim3A_247 : f32 to vector<16xf32>
    %swap3A_249 = arith.constant 31 : i32
    %swap3A_250 = arith.index_cast %swap3A_249 : i32 to index
    %swap3A_251 = arith.constant 0 : index
    %swap3A_252 = tpu.vector_load %arg6[%swap3A_250, %swap3A_251] {strides = array<i32>} : memref<80x16xf32, #tpu.memory_space<vmem>>, vector<1x16xf32>,
    %swap3A_253 = vector.shape_cast %swap3A_252 : vector<1x16xf32> to vector<16xf32>
    %swap3A_254 = vector.shape_cast %broadcast_in_dim3A_248 : vector<16xf32> to vector<1x16xf32>
    tpu.vector_store %arg6[%swap3A_250, %swap3A_251], %swap3A_254 {strides = array<i32>} : memref<80x16xf32, #tpu.memory_space<vmem>>, vector<1x16xf32>,
    %broadcast_in_dim3A_255 = arith.constant 1.000000e+00 : f32
    %broadcast_in_dim3A_256 = vector.broadcast %broadcast_in_dim3A_255 : f32 to vector<16xf32>
    %swap3A_257 = arith.constant 32 : i32
    %swap3A_258 = arith.index_cast %swap3A_257 : i32 to index
    %swap3A_259 = arith.constant 0 : index
    %swap3A_260 = tpu.vector_load %arg6[%swap3A_258, %swap3A_259] {strides = array<i32>} : memref<80x16xf32, #tpu.memory_space<vmem>>, vector<1x16xf32>,
    %swap3A_261 = vector.shape_cast %swap3A_260 : vector<1x16xf32> to vector<16xf32>
    %swap3A_262 = vector.shape_cast %broadcast_in_dim3A_256 : vector<16xf32> to vector<1x16xf32>
    tpu.vector_store %arg6[%swap3A_258, %swap3A_259], %swap3A_262 {strides = array<i32>} : memref<80x16xf32, #tpu.memory_space<vmem>>, vector<1x16xf32>,
    %broadcast_in_dim3A_263 = arith.constant 1.000000e+00 : f32
    %broadcast_in_dim3A_264 = vector.broadcast %broadcast_in_dim3A_263 : f32 to vector<16xf32>
    %swap3A_265 = arith.constant 33 : i32
    %swap3A_266 = arith.index_cast %swap3A_265 : i32 to index
    %swap3A_267 = arith.constant 0 : index
    %swap3A_268 = tpu.vector_load %arg6[%swap3A_266, %swap3A_267] {strides = array<i32>} : memref<80x16xf32, #tpu.memory_space<vmem>>, vector<1x16xf32>,
    %swap3A_269 = vector.shape_cast %swap3A_268 : vector<1x16xf32> to vector<16xf32>
    %swap3A_270 = vector.shape_cast %broadcast_in_dim3A_264 : vector<16xf32> to vector<1x16xf32>
    tpu.vector_store %arg6[%swap3A_266, %swap3A_267], %swap3A_270 {strides = array<i32>} : memref<80x16xf32, #tpu.memory_space<vmem>>, vector<1x16xf32>,
    %broadcast_in_dim3A_271 = arith.constant 1.000000e+00 : f32
    %broadcast_in_dim3A_272 = vector.broadcast %broadcast_in_dim3A_271 : f32 to vector<16xf32>
    %swap3A_273 = arith.constant 34 : i32
    %swap3A_274 = arith.index_cast %swap3A_273 : i32 to index
    %swap3A_275 = arith.constant 0 : index
    %swap3A_276 = tpu.vector_load %arg6[%swap3A_274, %swap3A_275] {strides = array<i32>} : memref<80x16xf32, #tpu.memory_space<vmem>>, vector<1x16xf32>,
    %swap3A_277 = vector.shape_cast %swap3A_276 : vector<1x16xf32> to vector<16xf32>
    %swap3A_278 = vector.shape_cast %broadcast_in_dim3A_272 : vector<16xf32> to vector<1x16xf32>
    tpu.vector_store %arg6[%swap3A_274, %swap3A_275], %swap3A_278 {strides = array<i32>} : memref<80x16xf32, #tpu.memory_space<vmem>>, vector<1x16xf32>,
    %broadcast_in_dim3A_279 = arith.constant 1.000000e+00 : f32
    %broadcast_in_dim3A_280 = vector.broadcast %broadcast_in_dim3A_279 : f32 to vector<16xf32>
    %swap3A_281 = arith.constant 35 : i32
    %swap3A_282 = arith.index_cast %swap3A_281 : i32 to index
    %swap3A_283 = arith.constant 0 : index
    %swap3A_284 = tpu.vector_load %arg6[%swap3A_282, %swap3A_283] {strides = array<i32>} : memref<80x16xf32, #tpu.memory_space<vmem>>, vector<1x16xf32>,
    %swap3A_285 = vector.shape_cast %swap3A_284 : vector<1x16xf32> to vector<16xf32>
    %swap3A_286 = vector.shape_cast %broadcast_in_dim3A_280 : vector<16xf32> to vector<1x16xf32>
    tpu.vector_store %arg6[%swap3A_282, %swap3A_283], %swap3A_286 {strides = array<i32>} : memref<80x16xf32, #tpu.memory_space<vmem>>, vector<1x16xf32>,
    %broadcast_in_dim3A_287 = arith.constant 1.000000e+00 : f32
    %broadcast_in_dim3A_288 = vector.broadcast %broadcast_in_dim3A_287 : f32 to vector<16xf32>
    %swap3A_289 = arith.constant 36 : i32
    %swap3A_290 = arith.index_cast %swap3A_289 : i32 to index
    %swap3A_291 = arith.constant 0 : index
    %swap3A_292 = tpu.vector_load %arg6[%swap3A_290, %swap3A_291] {strides = array<i32>} : memref<80x16xf32, #tpu.memory_space<vmem>>, vector<1x16xf32>,
    %swap3A_293 = vector.shape_cast %swap3A_292 : vector<1x16xf32> to vector<16xf32>
    %swap3A_294 = vector.shape_cast %broadcast_in_dim3A_288 : vector<16xf32> to vector<1x16xf32>
    tpu.vector_store %arg6[%swap3A_290, %swap3A_291], %swap3A_294 {strides = array<i32>} : memref<80x16xf32, #tpu.memory_space<vmem>>, vector<1x16xf32>,
    %broadcast_in_dim3A_295 = arith.constant 1.000000e+00 : f32
    %broadcast_in_dim3A_296 = vector.broadcast %broadcast_in_dim3A_295 : f32 to vector<16xf32>
    %swap3A_297 = arith.constant 37 : i32
    %swap3A_298 = arith.index_cast %swap3A_297 : i32 to index
    %swap3A_299 = arith.constant 0 : index
    %swap3A_300 = tpu.vector_load %arg6[%swap3A_298, %swap3A_299] {strides = array<i32>} : memref<80x16xf32, #tpu.memory_space<vmem>>, vector<1x16xf32>,
    %swap3A_301 = vector.shape_cast %swap3A_300 : vector<1x16xf32> to vector<16xf32>
    %swap3A_302 = vector.shape_cast %broadcast_in_dim3A_296 : vector<16xf32> to vector<1x16xf32>
    tpu.vector_store %arg6[%swap3A_298, %swap3A_299], %swap3A_302 {strides = array<i32>} : memref<80x16xf32, #tpu.memory_space<vmem>>, vector<1x16xf32>,
    %broadcast_in_dim3A_303 = arith.constant 1.000000e+00 : f32
    %broadcast_in_dim3A_304 = vector.broadcast %broadcast_in_dim3A_303 : f32 to vector<16xf32>
    %swap3A_305 = arith.constant 38 : i32
    %swap3A_306 = arith.index_cast %swap3A_305 : i32 to index
    %swap3A_307 = arith.constant 0 : index
    %swap3A_308 = tpu.vector_load %arg6[%swap3A_306, %swap3A_307] {strides = array<i32>} : memref<80x16xf32, #tpu.memory_space<vmem>>, vector<1x16xf32>,
    %swap3A_309 = vector.shape_cast %swap3A_308 : vector<1x16xf32> to vector<16xf32>
    %swap3A_310 = vector.shape_cast %broadcast_in_dim3A_304 : vector<16xf32> to vector<1x16xf32>
    tpu.vector_store %arg6[%swap3A_306, %swap3A_307], %swap3A_310 {strides = array<i32>} : memref<80x16xf32, #tpu.memory_space<vmem>>, vector<1x16xf32>,
    %broadcast_in_dim3A_311 = arith.constant 1.000000e+00 : f32
    %broadcast_in_dim3A_312 = vector.broadcast %broadcast_in_dim3A_311 : f32 to vector<16xf32>
    %swap3A_313 = arith.constant 39 : i32
    %swap3A_314 = arith.index_cast %swap3A_313 : i32 to index
    %swap3A_315 = arith.constant 0 : index
    %swap3A_316 = tpu.vector_load %arg6[%swap3A_314, %swap3A_315] {strides = array<i32>} : memref<80x16xf32, #tpu.memory_space<vmem>>, vector<1x16xf32>,
    %swap3A_317 = vector.shape_cast %swap3A_316 : vector<1x16xf32> to vector<16xf32>
    %swap3A_318 = vector.shape_cast %broadcast_in_dim3A_312 : vector<16xf32> to vector<1x16xf32>
    tpu.vector_store %arg6[%swap3A_314, %swap3A_315], %swap3A_318 {strides = array<i32>} : memref<80x16xf32, #tpu.memory_space<vmem>>, vector<1x16xf32>,
    %broadcast_in_dim3A_319 = arith.constant 1.000000e+00 : f32
    %broadcast_in_dim3A_320 = vector.broadcast %broadcast_in_dim3A_319 : f32 to vector<16xf32>
    %swap3A_321 = arith.constant 40 : i32
    %swap3A_322 = arith.index_cast %swap3A_321 : i32 to index
    %swap3A_323 = arith.constant 0 : index
    %swap3A_324 = tpu.vector_load %arg6[%swap3A_322, %swap3A_323] {strides = array<i32>} : memref<80x16xf32, #tpu.memory_space<vmem>>, vector<1x16xf32>,
    %swap3A_325 = vector.shape_cast %swap3A_324 : vector<1x16xf32> to vector<16xf32>
    %swap3A_326 = vector.shape_cast %broadcast_in_dim3A_320 : vector<16xf32> to vector<1x16xf32>
    tpu.vector_store %arg6[%swap3A_322, %swap3A_323], %swap3A_326 {strides = array<i32>} : memref<80x16xf32, #tpu.memory_space<vmem>>, vector<1x16xf32>,
    %broadcast_in_dim3A_327 = arith.constant 1.000000e+00 : f32
    %broadcast_in_dim3A_328 = vector.broadcast %broadcast_in_dim3A_327 : f32 to vector<16xf32>
    %swap3A_329 = arith.constant 41 : i32
    %swap3A_330 = arith.index_cast %swap3A_329 : i32 to index
    %swap3A_331 = arith.constant 0 : index
    %swap3A_332 = tpu.vector_load %arg6[%swap3A_330, %swap3A_331] {strides = array<i32>} : memref<80x16xf32, #tpu.memory_space<vmem>>, vector<1x16xf32>,
    %swap3A_333 = vector.shape_cast %swap3A_332 : vector<1x16xf32> to vector<16xf32>
    %swap3A_334 = vector.shape_cast %broadcast_in_dim3A_328 : vector<16xf32> to vector<1x16xf32>
    tpu.vector_store %arg6[%swap3A_330, %swap3A_331], %swap3A_334 {strides = array<i32>} : memref<80x16xf32, #tpu.memory_space<vmem>>, vector<1x16xf32>,
    %broadcast_in_dim3A_335 = arith.constant 1.000000e+00 : f32
    %broadcast_in_dim3A_336 = vector.broadcast %broadcast_in_dim3A_335 : f32 to vector<16xf32>
    %swap3A_337 = arith.constant 42 : i32
    %swap3A_338 = arith.index_cast %swap3A_337 : i32 to index
    %swap3A_339 = arith.constant 0 : index
    %swap3A_340 = tpu.vector_load %arg6[%swap3A_338, %swap3A_339] {strides = array<i32>} : memref<80x16xf32, #tpu.memory_space<vmem>>, vector<1x16xf32>,
    %swap3A_341 = vector.shape_cast %swap3A_340 : vector<1x16xf32> to vector<16xf32>
    %swap3A_342 = vector.shape_cast %broadcast_in_dim3A_336 : vector<16xf32> to vector<1x16xf32>
    tpu.vector_store %arg6[%swap3A_338, %swap3A_339], %swap3A_342 {strides = array<i32>} : memref<80x16xf32, #tpu.memory_space<vmem>>, vector<1x16xf32>,
    %broadcast_in_dim3A_343 = arith.constant 1.000000e+00 : f32
    %broadcast_in_dim3A_344 = vector.broadcast %broadcast_in_dim3A_343 : f32 to vector<16xf32>
    %swap3A_345 = arith.constant 43 : i32
    %swap3A_346 = arith.index_cast %swap3A_345 : i32 to index
    %swap3A_347 = arith.constant 0 : index
    %swap3A_348 = tpu.vector_load %arg6[%swap3A_346, %swap3A_347] {strides = array<i32>} : memref<80x16xf32, #tpu.memory_space<vmem>>, vector<1x16xf32>,
    %swap3A_349 = vector.shape_cast %swap3A_348 : vector<1x16xf32> to vector<16xf32>
    %swap3A_350 = vector.shape_cast %broadcast_in_dim3A_344 : vector<16xf32> to vector<1x16xf32>
    tpu.vector_store %arg6[%swap3A_346, %swap3A_347], %swap3A_350 {strides = array<i32>} : memref<80x16xf32, #tpu.memory_space<vmem>>, vector<1x16xf32>,
    %broadcast_in_dim3A_351 = arith.constant 1.000000e+00 : f32
    %broadcast_in_dim3A_352 = vector.broadcast %broadcast_in_dim3A_351 : f32 to vector<16xf32>
    %swap3A_353 = arith.constant 44 : i32
    %swap3A_354 = arith.index_cast %swap3A_353 : i32 to index
    %swap3A_355 = arith.constant 0 : index
    %swap3A_356 = tpu.vector_load %arg6[%swap3A_354, %swap3A_355] {strides = array<i32>} : memref<80x16xf32, #tpu.memory_space<vmem>>, vector<1x16xf32>,
    %swap3A_357 = vector.shape_cast %swap3A_356 : vector<1x16xf32> to vector<16xf32>
    %swap3A_358 = vector.shape_cast %broadcast_in_dim3A_352 : vector<16xf32> to vector<1x16xf32>
    tpu.vector_store %arg6[%swap3A_354, %swap3A_355], %swap3A_358 {strides = array<i32>} : memref<80x16xf32, #tpu.memory_space<vmem>>, vector<1x16xf32>,
    %broadcast_in_dim3A_359 = arith.constant 1.000000e+00 : f32
    %broadcast_in_dim3A_360 = vector.broadcast %broadcast_in_dim3A_359 : f32 to vector<16xf32>
    %swap3A_361 = arith.constant 45 : i32
    %swap3A_362 = arith.index_cast %swap3A_361 : i32 to index
    %swap3A_363 = arith.constant 0 : index
    %swap3A_364 = tpu.vector_load %arg6[%swap3A_362, %swap3A_363] {strides = array<i32>} : memref<80x16xf32, #tpu.memory_space<vmem>>, vector<1x16xf32>,
    %swap3A_365 = vector.shape_cast %swap3A_364 : vector<1x16xf32> to vector<16xf32>
    %swap3A_366 = vector.shape_cast %broadcast_in_dim3A_360 : vector<16xf32> to vector<1x16xf32>
    tpu.vector_store %arg6[%swap3A_362, %swap3A_363], %swap3A_366 {strides = array<i32>} : memref<80x16xf32, #tpu.memory_space<vmem>>, vector<1x16xf32>,
    %broadcast_in_dim3A_367 = arith.constant 1.000000e+00 : f32
    %broadcast_in_dim3A_368 = vector.broadcast %broadcast_in_dim3A_367 : f32 to vector<16xf32>
    %swap3A_369 = arith.constant 46 : i32
    %swap3A_370 = arith.index_cast %swap3A_369 : i32 to index
    %swap3A_371 = arith.constant 0 : index
    %swap3A_372 = tpu.vector_load %arg6[%swap3A_370, %swap3A_371] {strides = array<i32>} : memref<80x16xf32, #tpu.memory_space<vmem>>, vector<1x16xf32>,
    %swap3A_373 = vector.shape_cast %swap3A_372 : vector<1x16xf32> to vector<16xf32>
    %swap3A_374 = vector.shape_cast %broadcast_in_dim3A_368 : vector<16xf32> to vector<1x16xf32>
    tpu.vector_store %arg6[%swap3A_370, %swap3A_371], %swap3A_374 {strides = array<i32>} : memref<80x16xf32, #tpu.memory_space<vmem>>, vector<1x16xf32>,
    %broadcast_in_dim3A_375 = arith.constant 1.000000e+00 : f32
    %broadcast_in_dim3A_376 = vector.broadcast %broadcast_in_dim3A_375 : f32 to vector<16xf32>
    %swap3A_377 = arith.constant 47 : i32
    %swap3A_378 = arith.index_cast %swap3A_377 : i32 to index
    %swap3A_379 = arith.constant 0 : index
    %swap3A_380 = tpu.vector_load %arg6[%swap3A_378, %swap3A_379] {strides = array<i32>} : memref<80x16xf32, #tpu.memory_space<vmem>>, vector<1x16xf32>,
    %swap3A_381 = vector.shape_cast %swap3A_380 : vector<1x16xf32> to vector<16xf32>
    %swap3A_382 = vector.shape_cast %broadcast_in_dim3A_376 : vector<16xf32> to vector<1x16xf32>
    tpu.vector_store %arg6[%swap3A_378, %swap3A_379], %swap3A_382 {strides = array<i32>} : memref<80x16xf32, #tpu.memory_space<vmem>>, vector<1x16xf32>,
    %broadcast_in_dim3A_383 = arith.constant 1.000000e+00 : f32
    %broadcast_in_dim3A_384 = vector.broadcast %broadcast_in_dim3A_383 : f32 to vector<16xf32>
    %swap3A_385 = arith.constant 48 : i32
    %swap3A_386 = arith.index_cast %swap3A_385 : i32 to index
    %swap3A_387 = arith.constant 0 : index
    %swap3A_388 = tpu.vector_load %arg6[%swap3A_386, %swap3A_387] {strides = array<i32>} : memref<80x16xf32, #tpu.memory_space<vmem>>, vector<1x16xf32>,
    %swap3A_389 = vector.shape_cast %swap3A_388 : vector<1x16xf32> to vector<16xf32>
    %swap3A_390 = vector.shape_cast %broadcast_in_dim3A_384 : vector<16xf32> to vector<1x16xf32>
    tpu.vector_store %arg6[%swap3A_386, %swap3A_387], %swap3A_390 {strides = array<i32>} : memref<80x16xf32, #tpu.memory_space<vmem>>, vector<1x16xf32>,
    %broadcast_in_dim3A_391 = arith.constant 1.000000e+00 : f32
    %broadcast_in_dim3A_392 = vector.broadcast %broadcast_in_dim3A_391 : f32 to vector<16xf32>
    %swap3A_393 = arith.constant 49 : i32
    %swap3A_394 = arith.index_cast %swap3A_393 : i32 to index
    %swap3A_395 = arith.constant 0 : index
    %swap3A_396 = tpu.vector_load %arg6[%swap3A_394, %swap3A_395] {strides = array<i32>} : memref<80x16xf32, #tpu.memory_space<vmem>>, vector<1x16xf32>,
    %swap3A_397 = vector.shape_cast %swap3A_396 : vector<1x16xf32> to vector<16xf32>
    %swap3A_398 = vector.shape_cast %broadcast_in_dim3A_392 : vector<16xf32> to vector<1x16xf32>
    tpu.vector_store %arg6[%swap3A_394, %swap3A_395], %swap3A_398 {strides = array<i32>} : memref<80x16xf32, #tpu.memory_space<vmem>>, vector<1x16xf32>,
    %broadcast_in_dim3A_399 = arith.constant 1.000000e+00 : f32
    %broadcast_in_dim3A_400 = vector.broadcast %broadcast_in_dim3A_399 : f32 to vector<16xf32>
    %swap3A_401 = arith.constant 50 : i32
    %swap3A_402 = arith.index_cast %swap3A_401 : i32 to index
    %swap3A_403 = arith.constant 0 : index
    %swap3A_404 = tpu.vector_load %arg6[%swap3A_402, %swap3A_403] {strides = array<i32>} : memref<80x16xf32, #tpu.memory_space<vmem>>, vector<1x16xf32>,
    %swap3A_405 = vector.shape_cast %swap3A_404 : vector<1x16xf32> to vector<16xf32>
    %swap3A_406 = vector.shape_cast %broadcast_in_dim3A_400 : vector<16xf32> to vector<1x16xf32>
    tpu.vector_store %arg6[%swap3A_402, %swap3A_403], %swap3A_406 {strides = array<i32>} : memref<80x16xf32, #tpu.memory_space<vmem>>, vector<1x16xf32>,
    %broadcast_in_dim3A_407 = arith.constant 1.000000e+00 : f32
    %broadcast_in_dim3A_408 = vector.broadcast %broadcast_in_dim3A_407 : f32 to vector<16xf32>
    %swap3A_409 = arith.constant 51 : i32
    %swap3A_410 = arith.index_cast %swap3A_409 : i32 to index
    %swap3A_411 = arith.constant 0 : index
    %swap3A_412 = tpu.vector_load %arg6[%swap3A_410, %swap3A_411] {strides = array<i32>} : memref<80x16xf32, #tpu.memory_space<vmem>>, vector<1x16xf32>,
    %swap3A_413 = vector.shape_cast %swap3A_412 : vector<1x16xf32> to vector<16xf32>
    %swap3A_414 = vector.shape_cast %broadcast_in_dim3A_408 : vector<16xf32> to vector<1x16xf32>
    tpu.vector_store %arg6[%swap3A_410, %swap3A_411], %swap3A_414 {strides = array<i32>} : memref<80x16xf32, #tpu.memory_space<vmem>>, vector<1x16xf32>,
    %broadcast_in_dim3A_415 = arith.constant 1.000000e+00 : f32
    %broadcast_in_dim3A_416 = vector.broadcast %broadcast_in_dim3A_415 : f32 to vector<16xf32>
    %swap3A_417 = arith.constant 52 : i32
    %swap3A_418 = arith.index_cast %swap3A_417 : i32 to index
    %swap3A_419 = arith.constant 0 : index
    %swap3A_420 = tpu.vector_load %arg6[%swap3A_418, %swap3A_419] {strides = array<i32>} : memref<80x16xf32, #tpu.memory_space<vmem>>, vector<1x16xf32>,
    %swap3A_421 = vector.shape_cast %swap3A_420 : vector<1x16xf32> to vector<16xf32>
    %swap3A_422 = vector.shape_cast %broadcast_in_dim3A_416 : vector<16xf32> to vector<1x16xf32>
    tpu.vector_store %arg6[%swap3A_418, %swap3A_419], %swap3A_422 {strides = array<i32>} : memref<80x16xf32, #tpu.memory_space<vmem>>, vector<1x16xf32>,
    %broadcast_in_dim3A_423 = arith.constant 1.000000e+00 : f32
    %broadcast_in_dim3A_424 = vector.broadcast %broadcast_in_dim3A_423 : f32 to vector<16xf32>
    %swap3A_425 = arith.constant 53 : i32
    %swap3A_426 = arith.index_cast %swap3A_425 : i32 to index
    %swap3A_427 = arith.constant 0 : index
    %swap3A_428 = tpu.vector_load %arg6[%swap3A_426, %swap3A_427] {strides = array<i32>} : memref<80x16xf32, #tpu.memory_space<vmem>>, vector<1x16xf32>,
    %swap3A_429 = vector.shape_cast %swap3A_428 : vector<1x16xf32> to vector<16xf32>
    %swap3A_430 = vector.shape_cast %broadcast_in_dim3A_424 : vector<16xf32> to vector<1x16xf32>
    tpu.vector_store %arg6[%swap3A_426, %swap3A_427], %swap3A_430 {strides = array<i32>} : memref<80x16xf32, #tpu.memory_space<vmem>>, vector<1x16xf32>,
    %broadcast_in_dim3A_431 = arith.constant 1.000000e+00 : f32
    %broadcast_in_dim3A_432 = vector.broadcast %broadcast_in_dim3A_431 : f32 to vector<16xf32>
    %swap3A_433 = arith.constant 54 : i32
    %swap3A_434 = arith.index_cast %swap3A_433 : i32 to index
    %swap3A_435 = arith.constant 0 : index
    %swap3A_436 = tpu.vector_load %arg6[%swap3A_434, %swap3A_435] {strides = array<i32>} : memref<80x16xf32, #tpu.memory_space<vmem>>, vector<1x16xf32>,
    %swap3A_437 = vector.shape_cast %swap3A_436 : vector<1x16xf32> to vector<16xf32>
    %swap3A_438 = vector.shape_cast %broadcast_in_dim3A_432 : vector<16xf32> to vector<1x16xf32>
    tpu.vector_store %arg6[%swap3A_434, %swap3A_435], %swap3A_438 {strides = array<i32>} : memref<80x16xf32, #tpu.memory_space<vmem>>, vector<1x16xf32>,
    %broadcast_in_dim3A_439 = arith.constant 1.000000e+00 : f32
    %broadcast_in_dim3A_440 = vector.broadcast %broadcast_in_dim3A_439 : f32 to vector<16xf32>
    %swap3A_441 = arith.constant 55 : i32
    %swap3A_442 = arith.index_cast %swap3A_441 : i32 to index
    %swap3A_443 = arith.constant 0 : index
    %swap3A_444 = tpu.vector_load %arg6[%swap3A_442, %swap3A_443] {strides = array<i32>} : memref<80x16xf32, #tpu.memory_space<vmem>>, vector<1x16xf32>,
    %swap3A_445 = vector.shape_cast %swap3A_444 : vector<1x16xf32> to vector<16xf32>
    %swap3A_446 = vector.shape_cast %broadcast_in_dim3A_440 : vector<16xf32> to vector<1x16xf32>
    tpu.vector_store %arg6[%swap3A_442, %swap3A_443], %swap3A_446 {strides = array<i32>} : memref<80x16xf32, #tpu.memory_space<vmem>>, vector<1x16xf32>,
    %broadcast_in_dim3A_447 = arith.constant 1.000000e+00 : f32
    %broadcast_in_dim3A_448 = vector.broadcast %broadcast_in_dim3A_447 : f32 to vector<16xf32>
    %swap3A_449 = arith.constant 56 : i32
    %swap3A_450 = arith.index_cast %swap3A_449 : i32 to index
    %swap3A_451 = arith.constant 0 : index
    %swap3A_452 = tpu.vector_load %arg6[%swap3A_450, %swap3A_451] {strides = array<i32>} : memref<80x16xf32, #tpu.memory_space<vmem>>, vector<1x16xf32>,
    %swap3A_453 = vector.shape_cast %swap3A_452 : vector<1x16xf32> to vector<16xf32>
    %swap3A_454 = vector.shape_cast %broadcast_in_dim3A_448 : vector<16xf32> to vector<1x16xf32>
    tpu.vector_store %arg6[%swap3A_450, %swap3A_451], %swap3A_454 {strides = array<i32>} : memref<80x16xf32, #tpu.memory_space<vmem>>, vector<1x16xf32>,
    %broadcast_in_dim3A_455 = arith.constant 1.000000e+00 : f32
    %broadcast_in_dim3A_456 = vector.broadcast %broadcast_in_dim3A_455 : f32 to vector<16xf32>
    %swap3A_457 = arith.constant 57 : i32
    %swap3A_458 = arith.index_cast %swap3A_457 : i32 to index
    %swap3A_459 = arith.constant 0 : index
    %swap3A_460 = tpu.vector_load %arg6[%swap3A_458, %swap3A_459] {strides = array<i32>} : memref<80x16xf32, #tpu.memory_space<vmem>>, vector<1x16xf32>,
    %swap3A_461 = vector.shape_cast %swap3A_460 : vector<1x16xf32> to vector<16xf32>
    %swap3A_462 = vector.shape_cast %broadcast_in_dim3A_456 : vector<16xf32> to vector<1x16xf32>
    tpu.vector_store %arg6[%swap3A_458, %swap3A_459], %swap3A_462 {strides = array<i32>} : memref<80x16xf32, #tpu.memory_space<vmem>>, vector<1x16xf32>,
    %broadcast_in_dim3A_463 = arith.constant 1.000000e+00 : f32
    %broadcast_in_dim3A_464 = vector.broadcast %broadcast_in_dim3A_463 : f32 to vector<16xf32>
    %swap3A_465 = arith.constant 58 : i32
    %swap3A_466 = arith.index_cast %swap3A_465 : i32 to index
    %swap3A_467 = arith.constant 0 : index
    %swap3A_468 = tpu.vector_load %arg6[%swap3A_466, %swap3A_467] {strides = array<i32>} : memref<80x16xf32, #tpu.memory_space<vmem>>, vector<1x16xf32>,
    %swap3A_469 = vector.shape_cast %swap3A_468 : vector<1x16xf32> to vector<16xf32>
    %swap3A_470 = vector.shape_cast %broadcast_in_dim3A_464 : vector<16xf32> to vector<1x16xf32>
    tpu.vector_store %arg6[%swap3A_466, %swap3A_467], %swap3A_470 {strides = array<i32>} : memref<80x16xf32, #tpu.memory_space<vmem>>, vector<1x16xf32>,
    %broadcast_in_dim3A_471 = arith.constant 1.000000e+00 : f32
    %broadcast_in_dim3A_472 = vector.broadcast %broadcast_in_dim3A_471 : f32 to vector<16xf32>
    %swap3A_473 = arith.constant 59 : i32
    %swap3A_474 = arith.index_cast %swap3A_473 : i32 to index
    %swap3A_475 = arith.constant 0 : index
    %swap3A_476 = tpu.vector_load %arg6[%swap3A_474, %swap3A_475] {strides = array<i32>} : memref<80x16xf32, #tpu.memory_space<vmem>>, vector<1x16xf32>,
    %swap3A_477 = vector.shape_cast %swap3A_476 : vector<1x16xf32> to vector<16xf32>
    %swap3A_478 = vector.shape_cast %broadcast_in_dim3A_472 : vector<16xf32> to vector<1x16xf32>
    tpu.vector_store %arg6[%swap3A_474, %swap3A_475], %swap3A_478 {strides = array<i32>} : memref<80x16xf32, #tpu.memory_space<vmem>>, vector<1x16xf32>,
    %broadcast_in_dim3A_479 = arith.constant 1.000000e+00 : f32
    %broadcast_in_dim3A_480 = vector.broadcast %broadcast_in_dim3A_479 : f32 to vector<16xf32>
    %swap3A_481 = arith.constant 60 : i32
    %swap3A_482 = arith.index_cast %swap3A_481 : i32 to index
    %swap3A_483 = arith.constant 0 : index
    %swap3A_484 = tpu.vector_load %arg6[%swap3A_482, %swap3A_483] {strides = array<i32>} : memref<80x16xf32, #tpu.memory_space<vmem>>, vector<1x16xf32>,
    %swap3A_485 = vector.shape_cast %swap3A_484 : vector<1x16xf32> to vector<16xf32>
    %swap3A_486 = vector.shape_cast %broadcast_in_dim3A_480 : vector<16xf32> to vector<1x16xf32>
    tpu.vector_store %arg6[%swap3A_482, %swap3A_483], %swap3A_486 {strides = array<i32>} : memref<80x16xf32, #tpu.memory_space<vmem>>, vector<1x16xf32>,
    %broadcast_in_dim3A_487 = arith.constant 1.000000e+00 : f32
    %broadcast_in_dim3A_488 = vector.broadcast %broadcast_in_dim3A_487 : f32 to vector<16xf32>
    %swap3A_489 = arith.constant 61 : i32
    %swap3A_490 = arith.index_cast %swap3A_489 : i32 to index
    %swap3A_491 = arith.constant 0 : index
    %swap3A_492 = tpu.vector_load %arg6[%swap3A_490, %swap3A_491] {strides = array<i32>} : memref<80x16xf32, #tpu.memory_space<vmem>>, vector<1x16xf32>,
    %swap3A_493 = vector.shape_cast %swap3A_492 : vector<1x16xf32> to vector<16xf32>
    %swap3A_494 = vector.shape_cast %broadcast_in_dim3A_488 : vector<16xf32> to vector<1x16xf32>
    tpu.vector_store %arg6[%swap3A_490, %swap3A_491], %swap3A_494 {strides = array<i32>} : memref<80x16xf32, #tpu.memory_space<vmem>>, vector<1x16xf32>,
    %broadcast_in_dim3A_495 = arith.constant 1.000000e+00 : f32
    %broadcast_in_dim3A_496 = vector.broadcast %broadcast_in_dim3A_495 : f32 to vector<16xf32>
    %swap3A_497 = arith.constant 62 : i32
    %swap3A_498 = arith.index_cast %swap3A_497 : i32 to index
    %swap3A_499 = arith.constant 0 : index
    %swap3A_500 = tpu.vector_load %arg6[%swap3A_498, %swap3A_499] {strides = array<i32>} : memref<80x16xf32, #tpu.memory_space<vmem>>, vector<1x16xf32>,
    %swap3A_501 = vector.shape_cast %swap3A_500 : vector<1x16xf32> to vector<16xf32>
    %swap3A_502 = vector.shape_cast %broadcast_in_dim3A_496 : vector<16xf32> to vector<1x16xf32>
    tpu.vector_store %arg6[%swap3A_498, %swap3A_499], %swap3A_502 {strides = array<i32>} : memref<80x16xf32, #tpu.memory_space<vmem>>, vector<1x16xf32>,
    %broadcast_in_dim3A_503 = arith.constant 1.000000e+00 : f32
    %broadcast_in_dim3A_504 = vector.broadcast %broadcast_in_dim3A_503 : f32 to vector<16xf32>
    %swap3A_505 = arith.constant 63 : i32
    %swap3A_506 = arith.index_cast %swap3A_505 : i32 to index
    %swap3A_507 = arith.constant 0 : index
    %swap3A_508 = tpu.vector_load %arg6[%swap3A_506, %swap3A_507] {strides = array<i32>} : memref<80x16xf32, #tpu.memory_space<vmem>>, vector<1x16xf32>,
    %swap3A_509 = vector.shape_cast %swap3A_508 : vector<1x16xf32> to vector<16xf32>
    %swap3A_510 = vector.shape_cast %broadcast_in_dim3A_504 : vector<16xf32> to vector<1x16xf32>
    tpu.vector_store %arg6[%swap3A_506, %swap3A_507], %swap3A_510 {strides = array<i32>} : memref<80x16xf32, #tpu.memory_space<vmem>>, vector<1x16xf32>,
    %broadcast_in_dim3A_511 = arith.constant 1.000000e+00 : f32
    %broadcast_in_dim3A_512 = vector.broadcast %broadcast_in_dim3A_511 : f32 to vector<16xf32>
    %swap3A_513 = arith.constant 64 : i32
    %swap3A_514 = arith.index_cast %swap3A_513 : i32 to index
    %swap3A_515 = arith.constant 0 : index
    %swap3A_516 = tpu.vector_load %arg6[%swap3A_514, %swap3A_515] {strides = array<i32>} : memref<80x16xf32, #tpu.memory_space<vmem>>, vector<1x16xf32>,
    %swap3A_517 = vector.shape_cast %swap3A_516 : vector<1x16xf32> to vector<16xf32>
    %swap3A_518 = vector.shape_cast %broadcast_in_dim3A_512 : vector<16xf32> to vector<1x16xf32>
    tpu.vector_store %arg6[%swap3A_514, %swap3A_515], %swap3A_518 {strides = array<i32>} : memref<80x16xf32, #tpu.memory_space<vmem>>, vector<1x16xf32>,
    %broadcast_in_dim3A_519 = arith.constant 1.000000e+00 : f32
    %broadcast_in_dim3A_520 = vector.broadcast %broadcast_in_dim3A_519 : f32 to vector<16xf32>
    %swap3A_521 = arith.constant 65 : i32
    %swap3A_522 = arith.index_cast %swap3A_521 : i32 to index
    %swap3A_523 = arith.constant 0 : index
    %swap3A_524 = tpu.vector_load %arg6[%swap3A_522, %swap3A_523] {strides = array<i32>} : memref<80x16xf32, #tpu.memory_space<vmem>>, vector<1x16xf32>,
    %swap3A_525 = vector.shape_cast %swap3A_524 : vector<1x16xf32> to vector<16xf32>
    %swap3A_526 = vector.shape_cast %broadcast_in_dim3A_520 : vector<16xf32> to vector<1x16xf32>
    tpu.vector_store %arg6[%swap3A_522, %swap3A_523], %swap3A_526 {strides = array<i32>} : memref<80x16xf32, #tpu.memory_space<vmem>>, vector<1x16xf32>,
    %broadcast_in_dim3A_527 = arith.constant 1.000000e+00 : f32
    %broadcast_in_dim3A_528 = vector.broadcast %broadcast_in_dim3A_527 : f32 to vector<16xf32>
    %swap3A_529 = arith.constant 66 : i32
    %swap3A_530 = arith.index_cast %swap3A_529 : i32 to index
    %swap3A_531 = arith.constant 0 : index
    %swap3A_532 = tpu.vector_load %arg6[%swap3A_530, %swap3A_531] {strides = array<i32>} : memref<80x16xf32, #tpu.memory_space<vmem>>, vector<1x16xf32>,
    %swap3A_533 = vector.shape_cast %swap3A_532 : vector<1x16xf32> to vector<16xf32>
    %swap3A_534 = vector.shape_cast %broadcast_in_dim3A_528 : vector<16xf32> to vector<1x16xf32>
    tpu.vector_store %arg6[%swap3A_530, %swap3A_531], %swap3A_534 {strides = array<i32>} : memref<80x16xf32, #tpu.memory_space<vmem>>, vector<1x16xf32>,
    %broadcast_in_dim3A_535 = arith.constant 1.000000e+00 : f32
    %broadcast_in_dim3A_536 = vector.broadcast %broadcast_in_dim3A_535 : f32 to vector<16xf32>
    %swap3A_537 = arith.constant 67 : i32
    %swap3A_538 = arith.index_cast %swap3A_537 : i32 to index
    %swap3A_539 = arith.constant 0 : index
    %swap3A_540 = tpu.vector_load %arg6[%swap3A_538, %swap3A_539] {strides = array<i32>} : memref<80x16xf32, #tpu.memory_space<vmem>>, vector<1x16xf32>,
    %swap3A_541 = vector.shape_cast %swap3A_540 : vector<1x16xf32> to vector<16xf32>
    %swap3A_542 = vector.shape_cast %broadcast_in_dim3A_536 : vector<16xf32> to vector<1x16xf32>
    tpu.vector_store %arg6[%swap3A_538, %swap3A_539], %swap3A_542 {strides = array<i32>} : memref<80x16xf32, #tpu.memory_space<vmem>>, vector<1x16xf32>,
    %broadcast_in_dim3A_543 = arith.constant 1.000000e+00 : f32
    %broadcast_in_dim3A_544 = vector.broadcast %broadcast_in_dim3A_543 : f32 to vector<16xf32>
    %swap3A_545 = arith.constant 68 : i32
    %swap3A_546 = arith.index_cast %swap3A_545 : i32 to index
    %swap3A_547 = arith.constant 0 : index
    %swap3A_548 = tpu.vector_load %arg6[%swap3A_546, %swap3A_547] {strides = array<i32>} : memref<80x16xf32, #tpu.memory_space<vmem>>, vector<1x16xf32>,
    %swap3A_549 = vector.shape_cast %swap3A_548 : vector<1x16xf32> to vector<16xf32>
    %swap3A_550 = vector.shape_cast %broadcast_in_dim3A_544 : vector<16xf32> to vector<1x16xf32>
    tpu.vector_store %arg6[%swap3A_546, %swap3A_547], %swap3A_550 {strides = array<i32>} : memref<80x16xf32, #tpu.memory_space<vmem>>, vector<1x16xf32>,
    %broadcast_in_dim3A_551 = arith.constant 1.000000e+00 : f32
    %broadcast_in_dim3A_552 = vector.broadcast %broadcast_in_dim3A_551 : f32 to vector<16xf32>
    %swap3A_553 = arith.constant 69 : i32
    %swap3A_554 = arith.index_cast %swap3A_553 : i32 to index
    %swap3A_555 = arith.constant 0 : index
    %swap3A_556 = tpu.vector_load %arg6[%swap3A_554, %swap3A_555] {strides = array<i32>} : memref<80x16xf32, #tpu.memory_space<vmem>>, vector<1x16xf32>,
    %swap3A_557 = vector.shape_cast %swap3A_556 : vector<1x16xf32> to vector<16xf32>
    %swap3A_558 = vector.shape_cast %broadcast_in_dim3A_552 : vector<16xf32> to vector<1x16xf32>
    tpu.vector_store %arg6[%swap3A_554, %swap3A_555], %swap3A_558 {strides = array<i32>} : memref<80x16xf32, #tpu.memory_space<vmem>>, vector<1x16xf32>,
    %broadcast_in_dim3A_559 = arith.constant 1.000000e+00 : f32
    %broadcast_in_dim3A_560 = vector.broadcast %broadcast_in_dim3A_559 : f32 to vector<16xf32>
    %swap3A_561 = arith.constant 70 : i32
    %swap3A_562 = arith.index_cast %swap3A_561 : i32 to index
    %swap3A_563 = arith.constant 0 : index
    %swap3A_564 = tpu.vector_load %arg6[%swap3A_562, %swap3A_563] {strides = array<i32>} : memref<80x16xf32, #tpu.memory_space<vmem>>, vector<1x16xf32>,
    %swap3A_565 = vector.shape_cast %swap3A_564 : vector<1x16xf32> to vector<16xf32>
    %swap3A_566 = vector.shape_cast %broadcast_in_dim3A_560 : vector<16xf32> to vector<1x16xf32>
    tpu.vector_store %arg6[%swap3A_562, %swap3A_563], %swap3A_566 {strides = array<i32>} : memref<80x16xf32, #tpu.memory_space<vmem>>, vector<1x16xf32>,
    %broadcast_in_dim3A_567 = arith.constant 1.000000e+00 : f32
    %broadcast_in_dim3A_568 = vector.broadcast %broadcast_in_dim3A_567 : f32 to vector<16xf32>
    %swap3A_569 = arith.constant 71 : i32
    %swap3A_570 = arith.index_cast %swap3A_569 : i32 to index
    %swap3A_571 = arith.constant 0 : index
    %swap3A_572 = tpu.vector_load %arg6[%swap3A_570, %swap3A_571] {strides = array<i32>} : memref<80x16xf32, #tpu.memory_space<vmem>>, vector<1x16xf32>,
    %swap3A_573 = vector.shape_cast %swap3A_572 : vector<1x16xf32> to vector<16xf32>
    %swap3A_574 = vector.shape_cast %broadcast_in_dim3A_568 : vector<16xf32> to vector<1x16xf32>
    tpu.vector_store %arg6[%swap3A_570, %swap3A_571], %swap3A_574 {strides = array<i32>} : memref<80x16xf32, #tpu.memory_space<vmem>>, vector<1x16xf32>,
    %broadcast_in_dim3A_575 = arith.constant 1.000000e+00 : f32
    %broadcast_in_dim3A_576 = vector.broadcast %broadcast_in_dim3A_575 : f32 to vector<16xf32>
    %swap3A_577 = arith.constant 72 : i32
    %swap3A_578 = arith.index_cast %swap3A_577 : i32 to index
    %swap3A_579 = arith.constant 0 : index
    %swap3A_580 = tpu.vector_load %arg6[%swap3A_578, %swap3A_579] {strides = array<i32>} : memref<80x16xf32, #tpu.memory_space<vmem>>, vector<1x16xf32>,
    %swap3A_581 = vector.shape_cast %swap3A_580 : vector<1x16xf32> to vector<16xf32>
    %swap3A_582 = vector.shape_cast %broadcast_in_dim3A_576 : vector<16xf32> to vector<1x16xf32>
    tpu.vector_store %arg6[%swap3A_578, %swap3A_579], %swap3A_582 {strides = array<i32>} : memref<80x16xf32, #tpu.memory_space<vmem>>, vector<1x16xf32>,
    %broadcast_in_dim3A_583 = arith.constant 1.000000e+00 : f32
    %broadcast_in_dim3A_584 = vector.broadcast %broadcast_in_dim3A_583 : f32 to vector<16xf32>
    %swap3A_585 = arith.constant 73 : i32
    %swap3A_586 = arith.index_cast %swap3A_585 : i32 to index
    %swap3A_587 = arith.constant 0 : index
    %swap3A_588 = tpu.vector_load %arg6[%swap3A_586, %swap3A_587] {strides = array<i32>} : memref<80x16xf32, #tpu.memory_space<vmem>>, vector<1x16xf32>,
    %swap3A_589 = vector.shape_cast %swap3A_588 : vector<1x16xf32> to vector<16xf32>
    %swap3A_590 = vector.shape_cast %broadcast_in_dim3A_584 : vector<16xf32> to vector<1x16xf32>
    tpu.vector_store %arg6[%swap3A_586, %swap3A_587], %swap3A_590 {strides = array<i32>} : memref<80x16xf32, #tpu.memory_space<vmem>>, vector<1x16xf32>,
    %broadcast_in_dim3A_591 = arith.constant 1.000000e+00 : f32
    %broadcast_in_dim3A_592 = vector.broadcast %broadcast_in_dim3A_591 : f32 to vector<16xf32>
    %swap3A_593 = arith.constant 74 : i32
    %swap3A_594 = arith.index_cast %swap3A_593 : i32 to index
    %swap3A_595 = arith.constant 0 : index
    %swap3A_596 = tpu.vector_load %arg6[%swap3A_594, %swap3A_595] {strides = array<i32>} : memref<80x16xf32, #tpu.memory_space<vmem>>, vector<1x16xf32>,
    %swap3A_597 = vector.shape_cast %swap3A_596 : vector<1x16xf32> to vector<16xf32>
    %swap3A_598 = vector.shape_cast %broadcast_in_dim3A_592 : vector<16xf32> to vector<1x16xf32>
    tpu.vector_store %arg6[%swap3A_594, %swap3A_595], %swap3A_598 {strides = array<i32>} : memref<80x16xf32, #tpu.memory_space<vmem>>, vector<1x16xf32>,
    %broadcast_in_dim3A_599 = arith.constant 1.000000e+00 : f32
    %broadcast_in_dim3A_600 = vector.broadcast %broadcast_in_dim3A_599 : f32 to vector<16xf32>
    %swap3A_601 = arith.constant 75 : i32
    %swap3A_602 = arith.index_cast %swap3A_601 : i32 to index
    %swap3A_603 = arith.constant 0 : index
    %swap3A_604 = tpu.vector_load %arg6[%swap3A_602, %swap3A_603] {strides = array<i32>} : memref<80x16xf32, #tpu.memory_space<vmem>>, vector<1x16xf32>,
    %swap3A_605 = vector.shape_cast %swap3A_604 : vector<1x16xf32> to vector<16xf32>
    %swap3A_606 = vector.shape_cast %broadcast_in_dim3A_600 : vector<16xf32> to vector<1x16xf32>
    tpu.vector_store %arg6[%swap3A_602, %swap3A_603], %swap3A_606 {strides = array<i32>} : memref<80x16xf32, #tpu.memory_space<vmem>>, vector<1x16xf32>,
    %broadcast_in_dim3A_607 = arith.constant 1.000000e+00 : f32
    %broadcast_in_dim3A_608 = vector.broadcast %broadcast_in_dim3A_607 : f32 to vector<16xf32>
    %swap3A_609 = arith.constant 76 : i32
    %swap3A_610 = arith.index_cast %swap3A_609 : i32 to index
    %swap3A_611 = arith.constant 0 : index
    %swap3A_612 = tpu.vector_load %arg6[%swap3A_610, %swap3A_611] {strides = array<i32>} : memref<80x16xf32, #tpu.memory_space<vmem>>, vector<1x16xf32>,
    %swap3A_613 = vector.shape_cast %swap3A_612 : vector<1x16xf32> to vector<16xf32>
    %swap3A_614 = vector.shape_cast %broadcast_in_dim3A_608 : vector<16xf32> to vector<1x16xf32>
    tpu.vector_store %arg6[%swap3A_610, %swap3A_611], %swap3A_614 {strides = array<i32>} : memref<80x16xf32, #tpu.memory_space<vmem>>, vector<1x16xf32>,
    %broadcast_in_dim3A_615 = arith.constant 1.000000e+00 : f32
    %broadcast_in_dim3A_616 = vector.broadcast %broadcast_in_dim3A_615 : f32 to vector<16xf32>
    %swap3A_617 = arith.constant 77 : i32
    %swap3A_618 = arith.index_cast %swap3A_617 : i32 to index
    %swap3A_619 = arith.constant 0 : index
    %swap3A_620 = tpu.vector_load %arg6[%swap3A_618, %swap3A_619] {strides = array<i32>} : memref<80x16xf32, #tpu.memory_space<vmem>>, vector<1x16xf32>,
    %swap3A_621 = vector.shape_cast %swap3A_620 : vector<1x16xf32> to vector<16xf32>
    %swap3A_622 = vector.shape_cast %broadcast_in_dim3A_616 : vector<16xf32> to vector<1x16xf32>
    tpu.vector_store %arg6[%swap3A_618, %swap3A_619], %swap3A_622 {strides = array<i32>} : memref<80x16xf32, #tpu.memory_space<vmem>>, vector<1x16xf32>,
    %broadcast_in_dim3A_623 = arith.constant 1.000000e+00 : f32
    %broadcast_in_dim3A_624 = vector.broadcast %broadcast_in_dim3A_623 : f32 to vector<16xf32>
    %swap3A_625 = arith.constant 78 : i32
    %swap3A_626 = arith.index_cast %swap3A_625 : i32 to index
    %swap3A_627 = arith.constant 0 : index
    %swap3A_628 = tpu.vector_load %arg6[%swap3A_626, %swap3A_627] {strides = array<i32>} : memref<80x16xf32, #tpu.memory_space<vmem>>, vector<1x16xf32>,
    %swap3A_629 = vector.shape_cast %swap3A_628 : vector<1x16xf32> to vector<16xf32>
    %swap3A_630 = vector.shape_cast %broadcast_in_dim3A_624 : vector<16xf32> to vector<1x16xf32>
    tpu.vector_store %arg6[%swap3A_626, %swap3A_627], %swap3A_630 {strides = array<i32>} : memref<80x16xf32, #tpu.memory_space<vmem>>, vector<1x16xf32>,
    %broadcast_in_dim3A_631 = arith.constant 1.000000e+00 : f32
    %broadcast_in_dim3A_632 = vector.broadcast %broadcast_in_dim3A_631 : f32 to vector<16xf32>
    %swap3A_633 = arith.constant 79 : i32
    %swap3A_634 = arith.index_cast %swap3A_633 : i32 to index
    %swap3A_635 = arith.constant 0 : index
    %swap3A_636 = tpu.vector_load %arg6[%swap3A_634, %swap3A_635] {strides = array<i32>} : memref<80x16xf32, #tpu.memory_space<vmem>>, vector<1x16xf32>,
    %swap3A_637 = vector.shape_cast %swap3A_636 : vector<1x16xf32> to vector<16xf32>
    %swap3A_638 = vector.shape_cast %broadcast_in_dim3A_632 : vector<16xf32> to vector<1x16xf32>
    tpu.vector_store %arg6[%swap3A_634, %swap3A_635], %swap3A_638 {strides = array<i32>} : memref<80x16xf32, #tpu.memory_space<vmem>>, vector<1x16xf32>,
    %mul3A_639 = arith.constant 640 : i32
    %mul3A_640 = arith.muli %arg1, %mul3A_639 : i32
    %mul3A_641 = arith.constant 640 : i32
    %mul3A_642 = arith.muli %arg1, %mul3A_641 : i32
    "tpu.region"() ({
      %run_scoped3A = tpu.sem_alloc : memref<!tpu.dma_semaphore, #tpu.memory_space<semaphore_mem>>
      %dma_start3A = arith.constant 0 : i32
      %dma_start3A_654 = tpu.memref_slice %arg7[%mul3A_642, %dma_start3A] : memref<10240x16xf32, #tpu.memory_space<vmem_shared>> -> memref<640x16xf32, #tpu.memory_space<vmem_shared>>
      %dma_start3A_655 = arith.constant 0 : i32
      %dma_start3A_656 = tpu.memref_slice %arg3[%mul3A_640, %dma_start3A_655] : memref<10240x16xf32, #tpu.memory_space<hbm>> -> memref<640x16xf32, #tpu.memory_space<hbm>>
      tpu.enqueue_dma source(%dma_start3A_656 : memref<640x16xf32, #tpu.memory_space<hbm>>) target(%dma_start3A_654 : memref<640x16xf32, #tpu.memory_space<vmem_shared>>) target_semaphore(%run_scoped3A : memref<!tpu.dma_semaphore, #tpu.memory_space<semaphore_mem>>)
      %dma_wait3A = arith.constant 0 : i32
      %dma_wait3A_657 = tpu.memref_slice %arg7[%mul3A_642, %dma_wait3A] : memref<10240x16xf32, #tpu.memory_space<vmem_shared>> -> memref<640x16xf32, #tpu.memory_space<vmem_shared>>
      %dma_wait3A_658 = arith.constant 0 : i32
      %dma_wait3A_659 = tpu.memref_slice %arg3[%mul3A_640, %dma_wait3A_658] : memref<10240x16xf32, #tpu.memory_space<hbm>> -> memref<640x16xf32, #tpu.memory_space<hbm>>
      tpu.wait_dma2 semaphore(%run_scoped3A : memref<!tpu.dma_semaphore, #tpu.memory_space<semaphore_mem>>) src(%dma_wait3A_659 : memref<640x16xf32, #tpu.memory_space<hbm>>) dst(%dma_wait3A_657 : memref<640x16xf32, #tpu.memory_space<vmem_shared>>)
      tpu.yield
    }) : () -> ()
    %barrier3A = arith.constant 0 : index
    tpu.barrier barrier_id(%barrier3A)
    %mul3A_643 = arith.constant 128 : i32
    %mul3A_644 = arith.muli %add3A, %mul3A_643 : i32
    %scan3A = arith.constant 0 : i32
    %scan3A_645 = arith.constant 16 : i32
    %scan3A_646 = arith.addi %scan3A, %scan3A_645 : i32
    %scan3A_647 = arith.constant 1 : i32
    scf.for %scan3A_654 = %scan3A to %scan3A_646 step %scan3A_647  : i32 {
      %mul3A_655 = arith.constant 1 : i32
      %mul3A_656 = arith.muli %scan3A_654, %mul3A_655 : i32
      %add3A_657 = arith.constant 0 : i32
      %add3A_658 = arith.addi %add3A_657, %mul3A_656 : i32
      %mul3A_659 = arith.constant 8 : i32
      %mul3A_660 = arith.muli %add3A_658, %mul3A_659 : i32
      %add3A_661 = arith.addi %mul3A_644, %mul3A_660 : i32
      "tpu.region"() ({
        %run_scoped3A_669 = tpu.sem_alloc : memref<!tpu.dma_semaphore, #tpu.memory_space<semaphore_mem>>
        %dma_start3A = arith.constant 0 : i32
        %dma_start3A_670 = tpu.memref_slice %arg2[%add3A_661, %dma_start3A] : memref<4096x80xi32, #tpu.memory_space<hbm>> -> memref<8x80xi32, #tpu.memory_space<hbm>>
        %dma_start3A_671 = arith.constant 0 : i32
        %dma_start3A_672 = tpu.memref_slice %arg2[%add3A_661, %dma_start3A_671] : memref<4096x80xi32, #tpu.memory_space<hbm>> -> memref<8x80xi32, #tpu.memory_space<hbm>>
        tpu.enqueue_dma source(%dma_start3A_672 : memref<8x80xi32, #tpu.memory_space<hbm>>) target(%arg5 : memref<8x80xi32, #tpu.memory_space<vmem>>) target_semaphore(%run_scoped3A_669 : memref<!tpu.dma_semaphore, #tpu.memory_space<semaphore_mem>>)
        %dma_wait3A = arith.constant 0 : i32
        %dma_wait3A_673 = tpu.memref_slice %arg2[%add3A_661, %dma_wait3A] : memref<4096x80xi32, #tpu.memory_space<hbm>> -> memref<8x80xi32, #tpu.memory_space<hbm>>
        %dma_wait3A_674 = arith.constant 0 : i32
        %dma_wait3A_675 = tpu.memref_slice %arg2[%add3A_661, %dma_wait3A_674] : memref<4096x80xi32, #tpu.memory_space<hbm>> -> memref<8x80xi32, #tpu.memory_space<hbm>>
        tpu.wait_dma2 semaphore(%run_scoped3A_669 : memref<!tpu.dma_semaphore, #tpu.memory_space<semaphore_mem>>) src(%dma_wait3A_675 : memref<8x80xi32, #tpu.memory_space<hbm>>) dst(%arg5 : memref<8x80xi32, #tpu.memory_space<vmem>>)
        tpu.yield
      }) : () -> ()
      %run_scoped3A = arith.constant 0 : i32
      "tpu.region"() ({
        %run_scoped3A_669 = tpu.sem_alloc : memref<!tpu.dma_semaphore, #tpu.memory_space<semaphore_mem>>
        %dma_start3A = arith.constant 0 : i32
        %dma_start3A_670 = tpu.memref_slice %arg5[%run_scoped3A, %dma_start3A] : memref<8x80xi32, #tpu.memory_space<vmem>> -> memref<1x80xi32, #tpu.memory_space<vmem>>
        %dma_start3A_671 = tpu.memref_squeeze %dma_start3A_670 : memref<1x80xi32, #tpu.memory_space<vmem>> -> memref<80xi32, #tpu.memory_space<vmem>>
        %dma_start3A_672 = arith.constant 0 : i32
        %dma_start3A_673 = arith.constant 0 : i32
        %dma_start3A_674 = tpu.memref_slice %arg7[%dma_start3A_672, %dma_start3A_673] : memref<10240x16xf32, #tpu.memory_space<vmem_shared>> -> memref<10240x16xf32, #tpu.memory_space<vmem_shared>>
        tpu.enqueue_indirect_dma source(%arg6 : memref<80x16xf32, #tpu.memory_space<vmem>>) target(%dma_start3A_674 : memref<10240x16xf32, #tpu.memory_space<vmem_shared>>) offsets(%dma_start3A_671 : memref<80xi32, #tpu.memory_space<vmem>>) semaphore(%run_scoped3A_669 : memref<!tpu.dma_semaphore, #tpu.memory_space<semaphore_mem>>) {add = true}
        %dma_wait3A = arith.constant 0 : i32
        %dma_wait3A_675 = tpu.memref_slice %arg5[%run_scoped3A, %dma_wait3A] : memref<8x80xi32, #tpu.memory_space<vmem>> -> memref<1x80xi32, #tpu.memory_space<vmem>>
        %dma_wait3A_676 = tpu.memref_squeeze %dma_wait3A_675 : memref<1x80xi32, #tpu.memory_space<vmem>> -> memref<80xi32, #tpu.memory_space<vmem>>
        %dma_wait3A_677 = arith.constant 0 : i32
        %dma_wait3A_678 = arith.constant 0 : i32
        %dma_wait3A_679 = tpu.memref_slice %arg7[%dma_wait3A_677, %dma_wait3A_678] : memref<10240x16xf32, #tpu.memory_space<vmem_shared>> -> memref<10240x16xf32, #tpu.memory_space<vmem_shared>>
        tpu.wait_indirect_dma semaphore(%run_scoped3A_669 : memref<!tpu.dma_semaphore, #tpu.memory_space<semaphore_mem>>) src(%arg6 : memref<80x16xf32, #tpu.memory_space<vmem>>) dst(%dma_wait3A_679 : memref<10240x16xf32, #tpu.memory_space<vmem_shared>>)
        tpu.yield
      }) : () -> ()
      %run_scoped3A_662 = arith.constant 1 : i32
      "tpu.region"() ({
        %run_scoped3A_669 = tpu.sem_alloc : memref<!tpu.dma_semaphore, #tpu.memory_space<semaphore_mem>>
        %dma_start3A = arith.constant 0 : i32
        %dma_start3A_670 = tpu.memref_slice %arg5[%run_scoped3A_662, %dma_start3A] : memref<8x80xi32, #tpu.memory_space<vmem>> -> memref<1x80xi32, #tpu.memory_space<vmem>>
        %dma_start3A_671 = tpu.memref_squeeze %dma_start3A_670 : memref<1x80xi32, #tpu.memory_space<vmem>> -> memref<80xi32, #tpu.memory_space<vmem>>
        %dma_start3A_672 = arith.constant 0 : i32
        %dma_start3A_673 = arith.constant 0 : i32
        %dma_start3A_674 = tpu.memref_slice %arg7[%dma_start3A_672, %dma_start3A_673] : memref<10240x16xf32, #tpu.memory_space<vmem_shared>> -> memref<10240x16xf32, #tpu.memory_space<vmem_shared>>
        tpu.enqueue_indirect_dma source(%arg6 : memref<80x16xf32, #tpu.memory_space<vmem>>) target(%dma_start3A_674 : memref<10240x16xf32, #tpu.memory_space<vmem_shared>>) offsets(%dma_start3A_671 : memref<80xi32, #tpu.memory_space<vmem>>) semaphore(%run_scoped3A_669 : memref<!tpu.dma_semaphore, #tpu.memory_space<semaphore_mem>>) {add = true}
        %dma_wait3A = arith.constant 0 : i32
        %dma_wait3A_675 = tpu.memref_slice %arg5[%run_scoped3A_662, %dma_wait3A] : memref<8x80xi32, #tpu.memory_space<vmem>> -> memref<1x80xi32, #tpu.memory_space<vmem>>
        %dma_wait3A_676 = tpu.memref_squeeze %dma_wait3A_675 : memref<1x80xi32, #tpu.memory_space<vmem>> -> memref<80xi32, #tpu.memory_space<vmem>>
        %dma_wait3A_677 = arith.constant 0 : i32
        %dma_wait3A_678 = arith.constant 0 : i32
        %dma_wait3A_679 = tpu.memref_slice %arg7[%dma_wait3A_677, %dma_wait3A_678] : memref<10240x16xf32, #tpu.memory_space<vmem_shared>> -> memref<10240x16xf32, #tpu.memory_space<vmem_shared>>
        tpu.wait_indirect_dma semaphore(%run_scoped3A_669 : memref<!tpu.dma_semaphore, #tpu.memory_space<semaphore_mem>>) src(%arg6 : memref<80x16xf32, #tpu.memory_space<vmem>>) dst(%dma_wait3A_679 : memref<10240x16xf32, #tpu.memory_space<vmem_shared>>)
        tpu.yield
      }) : () -> ()
      %run_scoped3A_663 = arith.constant 2 : i32
      "tpu.region"() ({
        %run_scoped3A_669 = tpu.sem_alloc : memref<!tpu.dma_semaphore, #tpu.memory_space<semaphore_mem>>
        %dma_start3A = arith.constant 0 : i32
        %dma_start3A_670 = tpu.memref_slice %arg5[%run_scoped3A_663, %dma_start3A] : memref<8x80xi32, #tpu.memory_space<vmem>> -> memref<1x80xi32, #tpu.memory_space<vmem>>
        %dma_start3A_671 = tpu.memref_squeeze %dma_start3A_670 : memref<1x80xi32, #tpu.memory_space<vmem>> -> memref<80xi32, #tpu.memory_space<vmem>>
        %dma_start3A_672 = arith.constant 0 : i32
        %dma_start3A_673 = arith.constant 0 : i32
        %dma_start3A_674 = tpu.memref_slice %arg7[%dma_start3A_672, %dma_start3A_673] : memref<10240x16xf32, #tpu.memory_space<vmem_shared>> -> memref<10240x16xf32, #tpu.memory_space<vmem_shared>>
        tpu.enqueue_indirect_dma source(%arg6 : memref<80x16xf32, #tpu.memory_space<vmem>>) target(%dma_start3A_674 : memref<10240x16xf32, #tpu.memory_space<vmem_shared>>) offsets(%dma_start3A_671 : memref<80xi32, #tpu.memory_space<vmem>>) semaphore(%run_scoped3A_669 : memref<!tpu.dma_semaphore, #tpu.memory_space<semaphore_mem>>) {add = true}
        %dma_wait3A = arith.constant 0 : i32
        %dma_wait3A_675 = tpu.memref_slice %arg5[%run_scoped3A_663, %dma_wait3A] : memref<8x80xi32, #tpu.memory_space<vmem>> -> memref<1x80xi32, #tpu.memory_space<vmem>>
        %dma_wait3A_676 = tpu.memref_squeeze %dma_wait3A_675 : memref<1x80xi32, #tpu.memory_space<vmem>> -> memref<80xi32, #tpu.memory_space<vmem>>
        %dma_wait3A_677 = arith.constant 0 : i32
        %dma_wait3A_678 = arith.constant 0 : i32
        %dma_wait3A_679 = tpu.memref_slice %arg7[%dma_wait3A_677, %dma_wait3A_678] : memref<10240x16xf32, #tpu.memory_space<vmem_shared>> -> memref<10240x16xf32, #tpu.memory_space<vmem_shared>>
        tpu.wait_indirect_dma semaphore(%run_scoped3A_669 : memref<!tpu.dma_semaphore, #tpu.memory_space<semaphore_mem>>) src(%arg6 : memref<80x16xf32, #tpu.memory_space<vmem>>) dst(%dma_wait3A_679 : memref<10240x16xf32, #tpu.memory_space<vmem_shared>>)
        tpu.yield
      }) : () -> ()
      %run_scoped3A_664 = arith.constant 3 : i32
      "tpu.region"() ({
        %run_scoped3A_669 = tpu.sem_alloc : memref<!tpu.dma_semaphore, #tpu.memory_space<semaphore_mem>>
        %dma_start3A = arith.constant 0 : i32
        %dma_start3A_670 = tpu.memref_slice %arg5[%run_scoped3A_664, %dma_start3A] : memref<8x80xi32, #tpu.memory_space<vmem>> -> memref<1x80xi32, #tpu.memory_space<vmem>>
        %dma_start3A_671 = tpu.memref_squeeze %dma_start3A_670 : memref<1x80xi32, #tpu.memory_space<vmem>> -> memref<80xi32, #tpu.memory_space<vmem>>
        %dma_start3A_672 = arith.constant 0 : i32
        %dma_start3A_673 = arith.constant 0 : i32
        %dma_start3A_674 = tpu.memref_slice %arg7[%dma_start3A_672, %dma_start3A_673] : memref<10240x16xf32, #tpu.memory_space<vmem_shared>> -> memref<10240x16xf32, #tpu.memory_space<vmem_shared>>
        tpu.enqueue_indirect_dma source(%arg6 : memref<80x16xf32, #tpu.memory_space<vmem>>) target(%dma_start3A_674 : memref<10240x16xf32, #tpu.memory_space<vmem_shared>>) offsets(%dma_start3A_671 : memref<80xi32, #tpu.memory_space<vmem>>) semaphore(%run_scoped3A_669 : memref<!tpu.dma_semaphore, #tpu.memory_space<semaphore_mem>>) {add = true}
        %dma_wait3A = arith.constant 0 : i32
        %dma_wait3A_675 = tpu.memref_slice %arg5[%run_scoped3A_664, %dma_wait3A] : memref<8x80xi32, #tpu.memory_space<vmem>> -> memref<1x80xi32, #tpu.memory_space<vmem>>
        %dma_wait3A_676 = tpu.memref_squeeze %dma_wait3A_675 : memref<1x80xi32, #tpu.memory_space<vmem>> -> memref<80xi32, #tpu.memory_space<vmem>>
        %dma_wait3A_677 = arith.constant 0 : i32
        %dma_wait3A_678 = arith.constant 0 : i32
        %dma_wait3A_679 = tpu.memref_slice %arg7[%dma_wait3A_677, %dma_wait3A_678] : memref<10240x16xf32, #tpu.memory_space<vmem_shared>> -> memref<10240x16xf32, #tpu.memory_space<vmem_shared>>
        tpu.wait_indirect_dma semaphore(%run_scoped3A_669 : memref<!tpu.dma_semaphore, #tpu.memory_space<semaphore_mem>>) src(%arg6 : memref<80x16xf32, #tpu.memory_space<vmem>>) dst(%dma_wait3A_679 : memref<10240x16xf32, #tpu.memory_space<vmem_shared>>)
        tpu.yield
      }) : () -> ()
      %run_scoped3A_665 = arith.constant 4 : i32
      "tpu.region"() ({
        %run_scoped3A_669 = tpu.sem_alloc : memref<!tpu.dma_semaphore, #tpu.memory_space<semaphore_mem>>
        %dma_start3A = arith.constant 0 : i32
        %dma_start3A_670 = tpu.memref_slice %arg5[%run_scoped3A_665, %dma_start3A] : memref<8x80xi32, #tpu.memory_space<vmem>> -> memref<1x80xi32, #tpu.memory_space<vmem>>
        %dma_start3A_671 = tpu.memref_squeeze %dma_start3A_670 : memref<1x80xi32, #tpu.memory_space<vmem>> -> memref<80xi32, #tpu.memory_space<vmem>>
        %dma_start3A_672 = arith.constant 0 : i32
        %dma_start3A_673 = arith.constant 0 : i32
        %dma_start3A_674 = tpu.memref_slice %arg7[%dma_start3A_672, %dma_start3A_673] : memref<10240x16xf32, #tpu.memory_space<vmem_shared>> -> memref<10240x16xf32, #tpu.memory_space<vmem_shared>>
        tpu.enqueue_indirect_dma source(%arg6 : memref<80x16xf32, #tpu.memory_space<vmem>>) target(%dma_start3A_674 : memref<10240x16xf32, #tpu.memory_space<vmem_shared>>) offsets(%dma_start3A_671 : memref<80xi32, #tpu.memory_space<vmem>>) semaphore(%run_scoped3A_669 : memref<!tpu.dma_semaphore, #tpu.memory_space<semaphore_mem>>) {add = true}
        %dma_wait3A = arith.constant 0 : i32
        %dma_wait3A_675 = tpu.memref_slice %arg5[%run_scoped3A_665, %dma_wait3A] : memref<8x80xi32, #tpu.memory_space<vmem>> -> memref<1x80xi32, #tpu.memory_space<vmem>>
        %dma_wait3A_676 = tpu.memref_squeeze %dma_wait3A_675 : memref<1x80xi32, #tpu.memory_space<vmem>> -> memref<80xi32, #tpu.memory_space<vmem>>
        %dma_wait3A_677 = arith.constant 0 : i32
        %dma_wait3A_678 = arith.constant 0 : i32
        %dma_wait3A_679 = tpu.memref_slice %arg7[%dma_wait3A_677, %dma_wait3A_678] : memref<10240x16xf32, #tpu.memory_space<vmem_shared>> -> memref<10240x16xf32, #tpu.memory_space<vmem_shared>>
        tpu.wait_indirect_dma semaphore(%run_scoped3A_669 : memref<!tpu.dma_semaphore, #tpu.memory_space<semaphore_mem>>) src(%arg6 : memref<80x16xf32, #tpu.memory_space<vmem>>) dst(%dma_wait3A_679 : memref<10240x16xf32, #tpu.memory_space<vmem_shared>>)
        tpu.yield
      }) : () -> ()
      %run_scoped3A_666 = arith.constant 5 : i32
      "tpu.region"() ({
        %run_scoped3A_669 = tpu.sem_alloc : memref<!tpu.dma_semaphore, #tpu.memory_space<semaphore_mem>>
        %dma_start3A = arith.constant 0 : i32
        %dma_start3A_670 = tpu.memref_slice %arg5[%run_scoped3A_666, %dma_start3A] : memref<8x80xi32, #tpu.memory_space<vmem>> -> memref<1x80xi32, #tpu.memory_space<vmem>>
        %dma_start3A_671 = tpu.memref_squeeze %dma_start3A_670 : memref<1x80xi32, #tpu.memory_space<vmem>> -> memref<80xi32, #tpu.memory_space<vmem>>
        %dma_start3A_672 = arith.constant 0 : i32
        %dma_start3A_673 = arith.constant 0 : i32
        %dma_start3A_674 = tpu.memref_slice %arg7[%dma_start3A_672, %dma_start3A_673] : memref<10240x16xf32, #tpu.memory_space<vmem_shared>> -> memref<10240x16xf32, #tpu.memory_space<vmem_shared>>
        tpu.enqueue_indirect_dma source(%arg6 : memref<80x16xf32, #tpu.memory_space<vmem>>) target(%dma_start3A_674 : memref<10240x16xf32, #tpu.memory_space<vmem_shared>>) offsets(%dma_start3A_671 : memref<80xi32, #tpu.memory_space<vmem>>) semaphore(%run_scoped3A_669 : memref<!tpu.dma_semaphore, #tpu.memory_space<semaphore_mem>>) {add = true}
        %dma_wait3A = arith.constant 0 : i32
        %dma_wait3A_675 = tpu.memref_slice %arg5[%run_scoped3A_666, %dma_wait3A] : memref<8x80xi32, #tpu.memory_space<vmem>> -> memref<1x80xi32, #tpu.memory_space<vmem>>
        %dma_wait3A_676 = tpu.memref_squeeze %dma_wait3A_675 : memref<1x80xi32, #tpu.memory_space<vmem>> -> memref<80xi32, #tpu.memory_space<vmem>>
        %dma_wait3A_677 = arith.constant 0 : i32
        %dma_wait3A_678 = arith.constant 0 : i32
        %dma_wait3A_679 = tpu.memref_slice %arg7[%dma_wait3A_677, %dma_wait3A_678] : memref<10240x16xf32, #tpu.memory_space<vmem_shared>> -> memref<10240x16xf32, #tpu.memory_space<vmem_shared>>
        tpu.wait_indirect_dma semaphore(%run_scoped3A_669 : memref<!tpu.dma_semaphore, #tpu.memory_space<semaphore_mem>>) src(%arg6 : memref<80x16xf32, #tpu.memory_space<vmem>>) dst(%dma_wait3A_679 : memref<10240x16xf32, #tpu.memory_space<vmem_shared>>)
        tpu.yield
      }) : () -> ()
      %run_scoped3A_667 = arith.constant 6 : i32
      "tpu.region"() ({
        %run_scoped3A_669 = tpu.sem_alloc : memref<!tpu.dma_semaphore, #tpu.memory_space<semaphore_mem>>
        %dma_start3A = arith.constant 0 : i32
        %dma_start3A_670 = tpu.memref_slice %arg5[%run_scoped3A_667, %dma_start3A] : memref<8x80xi32, #tpu.memory_space<vmem>> -> memref<1x80xi32, #tpu.memory_space<vmem>>
        %dma_start3A_671 = tpu.memref_squeeze %dma_start3A_670 : memref<1x80xi32, #tpu.memory_space<vmem>> -> memref<80xi32, #tpu.memory_space<vmem>>
        %dma_start3A_672 = arith.constant 0 : i32
        %dma_start3A_673 = arith.constant 0 : i32
        %dma_start3A_674 = tpu.memref_slice %arg7[%dma_start3A_672, %dma_start3A_673] : memref<10240x16xf32, #tpu.memory_space<vmem_shared>> -> memref<10240x16xf32, #tpu.memory_space<vmem_shared>>
        tpu.enqueue_indirect_dma source(%arg6 : memref<80x16xf32, #tpu.memory_space<vmem>>) target(%dma_start3A_674 : memref<10240x16xf32, #tpu.memory_space<vmem_shared>>) offsets(%dma_start3A_671 : memref<80xi32, #tpu.memory_space<vmem>>) semaphore(%run_scoped3A_669 : memref<!tpu.dma_semaphore, #tpu.memory_space<semaphore_mem>>) {add = true}
        %dma_wait3A = arith.constant 0 : i32
        %dma_wait3A_675 = tpu.memref_slice %arg5[%run_scoped3A_667, %dma_wait3A] : memref<8x80xi32, #tpu.memory_space<vmem>> -> memref<1x80xi32, #tpu.memory_space<vmem>>
        %dma_wait3A_676 = tpu.memref_squeeze %dma_wait3A_675 : memref<1x80xi32, #tpu.memory_space<vmem>> -> memref<80xi32, #tpu.memory_space<vmem>>
        %dma_wait3A_677 = arith.constant 0 : i32
        %dma_wait3A_678 = arith.constant 0 : i32
        %dma_wait3A_679 = tpu.memref_slice %arg7[%dma_wait3A_677, %dma_wait3A_678] : memref<10240x16xf32, #tpu.memory_space<vmem_shared>> -> memref<10240x16xf32, #tpu.memory_space<vmem_shared>>
        tpu.wait_indirect_dma semaphore(%run_scoped3A_669 : memref<!tpu.dma_semaphore, #tpu.memory_space<semaphore_mem>>) src(%arg6 : memref<80x16xf32, #tpu.memory_space<vmem>>) dst(%dma_wait3A_679 : memref<10240x16xf32, #tpu.memory_space<vmem_shared>>)
        tpu.yield
      }) : () -> ()
      %run_scoped3A_668 = arith.constant 7 : i32
      "tpu.region"() ({
        %run_scoped3A_669 = tpu.sem_alloc : memref<!tpu.dma_semaphore, #tpu.memory_space<semaphore_mem>>
        %dma_start3A = arith.constant 0 : i32
        %dma_start3A_670 = tpu.memref_slice %arg5[%run_scoped3A_668, %dma_start3A] : memref<8x80xi32, #tpu.memory_space<vmem>> -> memref<1x80xi32, #tpu.memory_space<vmem>>
        %dma_start3A_671 = tpu.memref_squeeze %dma_start3A_670 : memref<1x80xi32, #tpu.memory_space<vmem>> -> memref<80xi32, #tpu.memory_space<vmem>>
        %dma_start3A_672 = arith.constant 0 : i32
        %dma_start3A_673 = arith.constant 0 : i32
        %dma_start3A_674 = tpu.memref_slice %arg7[%dma_start3A_672, %dma_start3A_673] : memref<10240x16xf32, #tpu.memory_space<vmem_shared>> -> memref<10240x16xf32, #tpu.memory_space<vmem_shared>>
        tpu.enqueue_indirect_dma source(%arg6 : memref<80x16xf32, #tpu.memory_space<vmem>>) target(%dma_start3A_674 : memref<10240x16xf32, #tpu.memory_space<vmem_shared>>) offsets(%dma_start3A_671 : memref<80xi32, #tpu.memory_space<vmem>>) semaphore(%run_scoped3A_669 : memref<!tpu.dma_semaphore, #tpu.memory_space<semaphore_mem>>) {add = true}
        %dma_wait3A = arith.constant 0 : i32
        %dma_wait3A_675 = tpu.memref_slice %arg5[%run_scoped3A_668, %dma_wait3A] : memref<8x80xi32, #tpu.memory_space<vmem>> -> memref<1x80xi32, #tpu.memory_space<vmem>>
        %dma_wait3A_676 = tpu.memref_squeeze %dma_wait3A_675 : memref<1x80xi32, #tpu.memory_space<vmem>> -> memref<80xi32, #tpu.memory_space<vmem>>
        %dma_wait3A_677 = arith.constant 0 : i32
        %dma_wait3A_678 = arith.constant 0 : i32
        %dma_wait3A_679 = tpu.memref_slice %arg7[%dma_wait3A_677, %dma_wait3A_678] : memref<10240x16xf32, #tpu.memory_space<vmem_shared>> -> memref<10240x16xf32, #tpu.memory_space<vmem_shared>>
        tpu.wait_indirect_dma semaphore(%run_scoped3A_669 : memref<!tpu.dma_semaphore, #tpu.memory_space<semaphore_mem>>) src(%arg6 : memref<80x16xf32, #tpu.memory_space<vmem>>) dst(%dma_wait3A_679 : memref<10240x16xf32, #tpu.memory_space<vmem_shared>>)
        tpu.yield
      }) : () -> ()
    }
    %scan3A_648 = arith.constant 16 : i32
    %barrier3A_649 = arith.constant 0 : index
    tpu.barrier barrier_id(%barrier3A_649)
    %mul3A_650 = arith.constant 640 : i32
    %mul3A_651 = arith.muli %arg1, %mul3A_650 : i32
    %mul3A_652 = arith.constant 640 : i32
    %mul3A_653 = arith.muli %arg1, %mul3A_652 : i32
    "tpu.region"() ({
      %run_scoped3A = tpu.sem_alloc : memref<!tpu.dma_semaphore, #tpu.memory_space<semaphore_mem>>
      %dma_start3A = arith.constant 0 : i32
      %dma_start3A_654 = arith.constant 0 : i32
      %dma_start3A_655 = tpu.memref_slice %arg4[%arg0, %dma_start3A, %dma_start3A_654] : memref<2x10240x16xf32, #tpu.memory_space<hbm>> -> memref<1x10240x16xf32, #tpu.memory_space<hbm>>
      %dma_start3A_656 = tpu.memref_squeeze %dma_start3A_655 : memref<1x10240x16xf32, #tpu.memory_space<hbm>> -> memref<10240x16xf32, #tpu.memory_space<hbm>>
      %dma_start3A_657 = arith.constant 0 : i32
      %dma_start3A_658 = tpu.memref_slice %dma_start3A_656[%mul3A_653, %dma_start3A_657] : memref<10240x16xf32, #tpu.memory_space<hbm>> -> memref<640x16xf32, #tpu.memory_space<hbm>>
      %dma_start3A_659 = arith.constant 0 : i32
      %dma_start3A_660 = tpu.memref_slice %arg7[%mul3A_651, %dma_start3A_659] : memref<10240x16xf32, #tpu.memory_space<vmem_shared>> -> memref<640x16xf32, #tpu.memory_space<vmem_shared>>
      tpu.enqueue_dma source(%dma_start3A_660 : memref<640x16xf32, #tpu.memory_space<vmem_shared>>) target(%dma_start3A_658 : memref<640x16xf32, #tpu.memory_space<hbm>>) target_semaphore(%run_scoped3A : memref<!tpu.dma_semaphore, #tpu.memory_space<semaphore_mem>>)
      %dma_wait3A = arith.constant 0 : i32
      %dma_wait3A_661 = arith.constant 0 : i32
      %dma_wait3A_662 = tpu.memref_slice %arg4[%arg0, %dma_wait3A, %dma_wait3A_661] : memref<2x10240x16xf32, #tpu.memory_space<hbm>> -> memref<1x10240x16xf32, #tpu.memory_space<hbm>>
      %dma_wait3A_663 = tpu.memref_squeeze %dma_wait3A_662 : memref<1x10240x16xf32, #tpu.memory_space<hbm>> -> memref<10240x16xf32, #tpu.memory_space<hbm>>
      %dma_wait3A_664 = arith.constant 0 : i32
      %dma_wait3A_665 = tpu.memref_slice %dma_wait3A_663[%mul3A_653, %dma_wait3A_664] : memref<10240x16xf32, #tpu.memory_space<hbm>> -> memref<640x16xf32, #tpu.memory_space<hbm>>
      %dma_wait3A_666 = arith.constant 0 : i32
      %dma_wait3A_667 = tpu.memref_slice %arg7[%mul3A_651, %dma_wait3A_666] : memref<10240x16xf32, #tpu.memory_space<vmem_shared>> -> memref<640x16xf32, #tpu.memory_space<vmem_shared>>
      tpu.wait_dma2 semaphore(%run_scoped3A : memref<!tpu.dma_semaphore, #tpu.memory_space<semaphore_mem>>) src(%dma_wait3A_667 : memref<640x16xf32, #tpu.memory_space<vmem_shared>>) dst(%dma_wait3A_665 : memref<640x16xf32, #tpu.memory_space<hbm>>)
      tpu.yield
    }) : () -> ()
    return
  }
}

#map = affine_map<(d0, d1) -> (0, 0, 0)>
#map1 = affine_map<(d0, d1) -> (0, 0)>
module attributes {stable_mosaic.version = 14 : i64} {
  func.func @body(%arg0: i32, %arg1: i32, %arg2: memref<2x10000x64xf32, #tpu.memory_space<hbm>>, %arg3: memref<4096x80xi32, #tpu.memory_space<hbm>>, %arg4: memref<4096x80xi32, #tpu.memory_space<hbm>>, %arg5: memref<10240x64xf32, #tpu.memory_space<hbm>>, %arg6: memref<2x10240x64xf32, #tpu.memory_space<hbm>>, %arg7: memref<8x80xi32, #tpu.memory_space<vmem>>, %arg8: memref<8x80xi32, #tpu.memory_space<vmem>>, %arg9: memref<8x80x64xf32, #tpu.memory_space<vmem>>, %arg10: memref<10240x64xf32, #tpu.memory_space<vmem_shared>>, %arg11: memref<!tpu.dma_semaphore, #tpu.memory_space<semaphore_mem>>) attributes {dimension_semantics = [#tpu.dimension_semantics<core_parallel>, #tpu.dimension_semantics<subcore_parallel>], iteration_bounds = array<i64: 2, 16>, scalar_prefetch = 0 : i64, scratch_operands = 5 : i64, tpu.core_type = #tpu.core_type<sc_vector_subcore>, window_params = [{transform_indices = #map}, {transform_indices = #map1}, {transform_indices = #map1}, {transform_indices = #map1}, {transform_indices = #map}]} {
    %mul3A = arith.constant 640 : i32
    %mul3A_0 = arith.muli %arg1, %mul3A : i32
    %mul3A_1 = arith.constant 640 : i32
    %mul3A_2 = arith.muli %arg1, %mul3A_1 : i32
    "tpu.region"() ({
      %run_scoped3A = tpu.sem_alloc : memref<!tpu.dma_semaphore, #tpu.memory_space<semaphore_mem>>
      %dma_start3A = arith.constant 0 : i32
      %dma_start3A_14 = tpu.memref_slice %arg10[%mul3A_2, %dma_start3A] : memref<10240x64xf32, #tpu.memory_space<vmem_shared>> -> memref<640x64xf32, #tpu.memory_space<vmem_shared>>
      %dma_start3A_15 = arith.constant 0 : i32
      %dma_start3A_16 = tpu.memref_slice %arg5[%mul3A_0, %dma_start3A_15] : memref<10240x64xf32, #tpu.memory_space<hbm>> -> memref<640x64xf32, #tpu.memory_space<hbm>>
      tpu.enqueue_dma source(%dma_start3A_16 : memref<640x64xf32, #tpu.memory_space<hbm>>) target(%dma_start3A_14 : memref<640x64xf32, #tpu.memory_space<vmem_shared>>) target_semaphore(%run_scoped3A : memref<!tpu.dma_semaphore, #tpu.memory_space<semaphore_mem>>)
      %dma_wait3A = arith.constant 0 : i32
      %dma_wait3A_17 = tpu.memref_slice %arg10[%mul3A_2, %dma_wait3A] : memref<10240x64xf32, #tpu.memory_space<vmem_shared>> -> memref<640x64xf32, #tpu.memory_space<vmem_shared>>
      %dma_wait3A_18 = arith.constant 0 : i32
      %dma_wait3A_19 = tpu.memref_slice %arg5[%mul3A_0, %dma_wait3A_18] : memref<10240x64xf32, #tpu.memory_space<hbm>> -> memref<640x64xf32, #tpu.memory_space<hbm>>
      tpu.wait_dma2 semaphore(%run_scoped3A : memref<!tpu.dma_semaphore, #tpu.memory_space<semaphore_mem>>) src(%dma_wait3A_19 : memref<640x64xf32, #tpu.memory_space<hbm>>) dst(%dma_wait3A_17 : memref<640x64xf32, #tpu.memory_space<vmem_shared>>)
      tpu.yield
    }) : () -> ()
    %barrier3A = arith.constant 0 : index
    tpu.barrier barrier_id(%barrier3A)
    %mul3A_3 = arith.constant 256 : i32
    %mul3A_4 = arith.muli %arg1, %mul3A_3 : i32
    %scan3A = arith.constant 0 : i32
    %scan3A_5 = arith.constant 32 : i32
    %scan3A_6 = arith.addi %scan3A, %scan3A_5 : i32
    %scan3A_7 = arith.constant 1 : i32
    scf.for %scan3A_14 = %scan3A to %scan3A_6 step %scan3A_7  : i32 {
      %mul3A_15 = arith.constant 1 : i32
      %mul3A_16 = arith.muli %scan3A_14, %mul3A_15 : i32
      %add3A = arith.constant 0 : i32
      %add3A_17 = arith.addi %add3A, %mul3A_16 : i32
      %mul3A_18 = arith.constant 8 : i32
      %mul3A_19 = arith.muli %add3A_17, %mul3A_18 : i32
      %add3A_20 = arith.addi %mul3A_4, %mul3A_19 : i32
      "tpu.region"() ({
        %run_scoped3A_290 = tpu.sem_alloc : memref<!tpu.dma_semaphore, #tpu.memory_space<semaphore_mem>>
        %dma_start3A_291 = arith.constant 0 : i32
        %dma_start3A_292 = tpu.memref_slice %arg3[%add3A_20, %dma_start3A_291] : memref<4096x80xi32, #tpu.memory_space<hbm>> -> memref<8x80xi32, #tpu.memory_space<hbm>>
        %dma_start3A_293 = arith.constant 0 : i32
        %dma_start3A_294 = tpu.memref_slice %arg3[%add3A_20, %dma_start3A_293] : memref<4096x80xi32, #tpu.memory_space<hbm>> -> memref<8x80xi32, #tpu.memory_space<hbm>>
        tpu.enqueue_dma source(%dma_start3A_294 : memref<8x80xi32, #tpu.memory_space<hbm>>) target(%arg7 : memref<8x80xi32, #tpu.memory_space<vmem>>) target_semaphore(%run_scoped3A_290 : memref<!tpu.dma_semaphore, #tpu.memory_space<semaphore_mem>>)
        %dma_wait3A_295 = arith.constant 0 : i32
        %dma_wait3A_296 = tpu.memref_slice %arg3[%add3A_20, %dma_wait3A_295] : memref<4096x80xi32, #tpu.memory_space<hbm>> -> memref<8x80xi32, #tpu.memory_space<hbm>>
        %dma_wait3A_297 = arith.constant 0 : i32
        %dma_wait3A_298 = tpu.memref_slice %arg3[%add3A_20, %dma_wait3A_297] : memref<4096x80xi32, #tpu.memory_space<hbm>> -> memref<8x80xi32, #tpu.memory_space<hbm>>
        tpu.wait_dma2 semaphore(%run_scoped3A_290 : memref<!tpu.dma_semaphore, #tpu.memory_space<semaphore_mem>>) src(%dma_wait3A_298 : memref<8x80xi32, #tpu.memory_space<hbm>>) dst(%arg7 : memref<8x80xi32, #tpu.memory_space<vmem>>)
        tpu.yield
      }) : () -> ()
      "tpu.region"() ({
        %run_scoped3A_290 = tpu.sem_alloc : memref<!tpu.dma_semaphore, #tpu.memory_space<semaphore_mem>>
        %dma_start3A_291 = arith.constant 0 : i32
        %dma_start3A_292 = tpu.memref_slice %arg4[%add3A_20, %dma_start3A_291] : memref<4096x80xi32, #tpu.memory_space<hbm>> -> memref<8x80xi32, #tpu.memory_space<hbm>>
        %dma_start3A_293 = arith.constant 0 : i32
        %dma_start3A_294 = tpu.memref_slice %arg4[%add3A_20, %dma_start3A_293] : memref<4096x80xi32, #tpu.memory_space<hbm>> -> memref<8x80xi32, #tpu.memory_space<hbm>>
        tpu.enqueue_dma source(%dma_start3A_294 : memref<8x80xi32, #tpu.memory_space<hbm>>) target(%arg8 : memref<8x80xi32, #tpu.memory_space<vmem>>) target_semaphore(%run_scoped3A_290 : memref<!tpu.dma_semaphore, #tpu.memory_space<semaphore_mem>>)
        %dma_wait3A_295 = arith.constant 0 : i32
        %dma_wait3A_296 = tpu.memref_slice %arg4[%add3A_20, %dma_wait3A_295] : memref<4096x80xi32, #tpu.memory_space<hbm>> -> memref<8x80xi32, #tpu.memory_space<hbm>>
        %dma_wait3A_297 = arith.constant 0 : i32
        %dma_wait3A_298 = tpu.memref_slice %arg4[%add3A_20, %dma_wait3A_297] : memref<4096x80xi32, #tpu.memory_space<hbm>> -> memref<8x80xi32, #tpu.memory_space<hbm>>
        tpu.wait_dma2 semaphore(%run_scoped3A_290 : memref<!tpu.dma_semaphore, #tpu.memory_space<semaphore_mem>>) src(%dma_wait3A_298 : memref<8x80xi32, #tpu.memory_space<hbm>>) dst(%arg8 : memref<8x80xi32, #tpu.memory_space<vmem>>)
        tpu.yield
      }) : () -> ()
      %dma_start3A = arith.constant 0 : i32
      %dma_start3A_21 = arith.constant 0 : i32
      %dma_start3A_22 = arith.constant 0 : i32
      %dma_start3A_23 = arith.constant 0 : i32
      %dma_start3A_24 = tpu.memref_slice %arg9[%dma_start3A_21, %dma_start3A_22, %dma_start3A_23] : memref<8x80x64xf32, #tpu.memory_space<vmem>> -> memref<1x80x64xf32, #tpu.memory_space<vmem>>
      %dma_start3A_25 = tpu.memref_squeeze %dma_start3A_24 : memref<1x80x64xf32, #tpu.memory_space<vmem>> -> memref<80x64xf32, #tpu.memory_space<vmem>>
      %dma_start3A_26 = arith.constant 0 : i32
      %dma_start3A_27 = tpu.memref_slice %arg7[%dma_start3A, %dma_start3A_26] : memref<8x80xi32, #tpu.memory_space<vmem>> -> memref<1x80xi32, #tpu.memory_space<vmem>>
      %dma_start3A_28 = tpu.memref_squeeze %dma_start3A_27 : memref<1x80xi32, #tpu.memory_space<vmem>> -> memref<80xi32, #tpu.memory_space<vmem>>
      %dma_start3A_29 = arith.constant 0 : i32
      %dma_start3A_30 = arith.constant 0 : i32
      %dma_start3A_31 = tpu.memref_slice %arg2[%arg0, %dma_start3A_29, %dma_start3A_30] : memref<2x10000x64xf32, #tpu.memory_space<hbm>> -> memref<1x10000x64xf32, #tpu.memory_space<hbm>>
      %dma_start3A_32 = tpu.memref_squeeze %dma_start3A_31 : memref<1x10000x64xf32, #tpu.memory_space<hbm>> -> memref<10000x64xf32, #tpu.memory_space<hbm>>
      %dma_start3A_33 = arith.constant 0 : i32
      %dma_start3A_34 = arith.constant 0 : i32
      %dma_start3A_35 = tpu.memref_slice %dma_start3A_32[%dma_start3A_33, %dma_start3A_34] : memref<10000x64xf32, #tpu.memory_space<hbm>> -> memref<10000x64xf32, #tpu.memory_space<hbm>>
      tpu.enqueue_indirect_dma source(%dma_start3A_35 : memref<10000x64xf32, #tpu.memory_space<hbm>>) target(%dma_start3A_25 : memref<80x64xf32, #tpu.memory_space<vmem>>) offsets(%dma_start3A_28 : memref<80xi32, #tpu.memory_space<vmem>>) semaphore(%arg11 : memref<!tpu.dma_semaphore, #tpu.memory_space<semaphore_mem>>)
      %dma_start3A_36 = arith.constant 1 : i32
      %dma_start3A_37 = arith.constant 1 : i32
      %dma_start3A_38 = arith.constant 0 : i32
      %dma_start3A_39 = arith.constant 0 : i32
      %dma_start3A_40 = tpu.memref_slice %arg9[%dma_start3A_37, %dma_start3A_38, %dma_start3A_39] : memref<8x80x64xf32, #tpu.memory_space<vmem>> -> memref<1x80x64xf32, #tpu.memory_space<vmem>>
      %dma_start3A_41 = tpu.memref_squeeze %dma_start3A_40 : memref<1x80x64xf32, #tpu.memory_space<vmem>> -> memref<80x64xf32, #tpu.memory_space<vmem>>
      %dma_start3A_42 = arith.constant 0 : i32
      %dma_start3A_43 = tpu.memref_slice %arg7[%dma_start3A_36, %dma_start3A_42] : memref<8x80xi32, #tpu.memory_space<vmem>> -> memref<1x80xi32, #tpu.memory_space<vmem>>
      %dma_start3A_44 = tpu.memref_squeeze %dma_start3A_43 : memref<1x80xi32, #tpu.memory_space<vmem>> -> memref<80xi32, #tpu.memory_space<vmem>>
      %dma_start3A_45 = arith.constant 0 : i32
      %dma_start3A_46 = arith.constant 0 : i32
      %dma_start3A_47 = tpu.memref_slice %arg2[%arg0, %dma_start3A_45, %dma_start3A_46] : memref<2x10000x64xf32, #tpu.memory_space<hbm>> -> memref<1x10000x64xf32, #tpu.memory_space<hbm>>
      %dma_start3A_48 = tpu.memref_squeeze %dma_start3A_47 : memref<1x10000x64xf32, #tpu.memory_space<hbm>> -> memref<10000x64xf32, #tpu.memory_space<hbm>>
      %dma_start3A_49 = arith.constant 0 : i32
      %dma_start3A_50 = arith.constant 0 : i32
      %dma_start3A_51 = tpu.memref_slice %dma_start3A_48[%dma_start3A_49, %dma_start3A_50] : memref<10000x64xf32, #tpu.memory_space<hbm>> -> memref<10000x64xf32, #tpu.memory_space<hbm>>
      tpu.enqueue_indirect_dma source(%dma_start3A_51 : memref<10000x64xf32, #tpu.memory_space<hbm>>) target(%dma_start3A_41 : memref<80x64xf32, #tpu.memory_space<vmem>>) offsets(%dma_start3A_44 : memref<80xi32, #tpu.memory_space<vmem>>) semaphore(%arg11 : memref<!tpu.dma_semaphore, #tpu.memory_space<semaphore_mem>>)
      %dma_start3A_52 = arith.constant 2 : i32
      %dma_start3A_53 = arith.constant 2 : i32
      %dma_start3A_54 = arith.constant 0 : i32
      %dma_start3A_55 = arith.constant 0 : i32
      %dma_start3A_56 = tpu.memref_slice %arg9[%dma_start3A_53, %dma_start3A_54, %dma_start3A_55] : memref<8x80x64xf32, #tpu.memory_space<vmem>> -> memref<1x80x64xf32, #tpu.memory_space<vmem>>
      %dma_start3A_57 = tpu.memref_squeeze %dma_start3A_56 : memref<1x80x64xf32, #tpu.memory_space<vmem>> -> memref<80x64xf32, #tpu.memory_space<vmem>>
      %dma_start3A_58 = arith.constant 0 : i32
      %dma_start3A_59 = tpu.memref_slice %arg7[%dma_start3A_52, %dma_start3A_58] : memref<8x80xi32, #tpu.memory_space<vmem>> -> memref<1x80xi32, #tpu.memory_space<vmem>>
      %dma_start3A_60 = tpu.memref_squeeze %dma_start3A_59 : memref<1x80xi32, #tpu.memory_space<vmem>> -> memref<80xi32, #tpu.memory_space<vmem>>
      %dma_start3A_61 = arith.constant 0 : i32
      %dma_start3A_62 = arith.constant 0 : i32
      %dma_start3A_63 = tpu.memref_slice %arg2[%arg0, %dma_start3A_61, %dma_start3A_62] : memref<2x10000x64xf32, #tpu.memory_space<hbm>> -> memref<1x10000x64xf32, #tpu.memory_space<hbm>>
      %dma_start3A_64 = tpu.memref_squeeze %dma_start3A_63 : memref<1x10000x64xf32, #tpu.memory_space<hbm>> -> memref<10000x64xf32, #tpu.memory_space<hbm>>
      %dma_start3A_65 = arith.constant 0 : i32
      %dma_start3A_66 = arith.constant 0 : i32
      %dma_start3A_67 = tpu.memref_slice %dma_start3A_64[%dma_start3A_65, %dma_start3A_66] : memref<10000x64xf32, #tpu.memory_space<hbm>> -> memref<10000x64xf32, #tpu.memory_space<hbm>>
      tpu.enqueue_indirect_dma source(%dma_start3A_67 : memref<10000x64xf32, #tpu.memory_space<hbm>>) target(%dma_start3A_57 : memref<80x64xf32, #tpu.memory_space<vmem>>) offsets(%dma_start3A_60 : memref<80xi32, #tpu.memory_space<vmem>>) semaphore(%arg11 : memref<!tpu.dma_semaphore, #tpu.memory_space<semaphore_mem>>)
      %dma_start3A_68 = arith.constant 3 : i32
      %dma_start3A_69 = arith.constant 3 : i32
      %dma_start3A_70 = arith.constant 0 : i32
      %dma_start3A_71 = arith.constant 0 : i32
      %dma_start3A_72 = tpu.memref_slice %arg9[%dma_start3A_69, %dma_start3A_70, %dma_start3A_71] : memref<8x80x64xf32, #tpu.memory_space<vmem>> -> memref<1x80x64xf32, #tpu.memory_space<vmem>>
      %dma_start3A_73 = tpu.memref_squeeze %dma_start3A_72 : memref<1x80x64xf32, #tpu.memory_space<vmem>> -> memref<80x64xf32, #tpu.memory_space<vmem>>
      %dma_start3A_74 = arith.constant 0 : i32
      %dma_start3A_75 = tpu.memref_slice %arg7[%dma_start3A_68, %dma_start3A_74] : memref<8x80xi32, #tpu.memory_space<vmem>> -> memref<1x80xi32, #tpu.memory_space<vmem>>
      %dma_start3A_76 = tpu.memref_squeeze %dma_start3A_75 : memref<1x80xi32, #tpu.memory_space<vmem>> -> memref<80xi32, #tpu.memory_space<vmem>>
      %dma_start3A_77 = arith.constant 0 : i32
      %dma_start3A_78 = arith.constant 0 : i32
      %dma_start3A_79 = tpu.memref_slice %arg2[%arg0, %dma_start3A_77, %dma_start3A_78] : memref<2x10000x64xf32, #tpu.memory_space<hbm>> -> memref<1x10000x64xf32, #tpu.memory_space<hbm>>
      %dma_start3A_80 = tpu.memref_squeeze %dma_start3A_79 : memref<1x10000x64xf32, #tpu.memory_space<hbm>> -> memref<10000x64xf32, #tpu.memory_space<hbm>>
      %dma_start3A_81 = arith.constant 0 : i32
      %dma_start3A_82 = arith.constant 0 : i32
      %dma_start3A_83 = tpu.memref_slice %dma_start3A_80[%dma_start3A_81, %dma_start3A_82] : memref<10000x64xf32, #tpu.memory_space<hbm>> -> memref<10000x64xf32, #tpu.memory_space<hbm>>
      tpu.enqueue_indirect_dma source(%dma_start3A_83 : memref<10000x64xf32, #tpu.memory_space<hbm>>) target(%dma_start3A_73 : memref<80x64xf32, #tpu.memory_space<vmem>>) offsets(%dma_start3A_76 : memref<80xi32, #tpu.memory_space<vmem>>) semaphore(%arg11 : memref<!tpu.dma_semaphore, #tpu.memory_space<semaphore_mem>>)
      %dma_start3A_84 = arith.constant 4 : i32
      %dma_start3A_85 = arith.constant 4 : i32
      %dma_start3A_86 = arith.constant 0 : i32
      %dma_start3A_87 = arith.constant 0 : i32
      %dma_start3A_88 = tpu.memref_slice %arg9[%dma_start3A_85, %dma_start3A_86, %dma_start3A_87] : memref<8x80x64xf32, #tpu.memory_space<vmem>> -> memref<1x80x64xf32, #tpu.memory_space<vmem>>
      %dma_start3A_89 = tpu.memref_squeeze %dma_start3A_88 : memref<1x80x64xf32, #tpu.memory_space<vmem>> -> memref<80x64xf32, #tpu.memory_space<vmem>>
      %dma_start3A_90 = arith.constant 0 : i32
      %dma_start3A_91 = tpu.memref_slice %arg7[%dma_start3A_84, %dma_start3A_90] : memref<8x80xi32, #tpu.memory_space<vmem>> -> memref<1x80xi32, #tpu.memory_space<vmem>>
      %dma_start3A_92 = tpu.memref_squeeze %dma_start3A_91 : memref<1x80xi32, #tpu.memory_space<vmem>> -> memref<80xi32, #tpu.memory_space<vmem>>
      %dma_start3A_93 = arith.constant 0 : i32
      %dma_start3A_94 = arith.constant 0 : i32
      %dma_start3A_95 = tpu.memref_slice %arg2[%arg0, %dma_start3A_93, %dma_start3A_94] : memref<2x10000x64xf32, #tpu.memory_space<hbm>> -> memref<1x10000x64xf32, #tpu.memory_space<hbm>>
      %dma_start3A_96 = tpu.memref_squeeze %dma_start3A_95 : memref<1x10000x64xf32, #tpu.memory_space<hbm>> -> memref<10000x64xf32, #tpu.memory_space<hbm>>
      %dma_start3A_97 = arith.constant 0 : i32
      %dma_start3A_98 = arith.constant 0 : i32
      %dma_start3A_99 = tpu.memref_slice %dma_start3A_96[%dma_start3A_97, %dma_start3A_98] : memref<10000x64xf32, #tpu.memory_space<hbm>> -> memref<10000x64xf32, #tpu.memory_space<hbm>>
      tpu.enqueue_indirect_dma source(%dma_start3A_99 : memref<10000x64xf32, #tpu.memory_space<hbm>>) target(%dma_start3A_89 : memref<80x64xf32, #tpu.memory_space<vmem>>) offsets(%dma_start3A_92 : memref<80xi32, #tpu.memory_space<vmem>>) semaphore(%arg11 : memref<!tpu.dma_semaphore, #tpu.memory_space<semaphore_mem>>)
      %dma_start3A_100 = arith.constant 5 : i32
      %dma_start3A_101 = arith.constant 5 : i32
      %dma_start3A_102 = arith.constant 0 : i32
      %dma_start3A_103 = arith.constant 0 : i32
      %dma_start3A_104 = tpu.memref_slice %arg9[%dma_start3A_101, %dma_start3A_102, %dma_start3A_103] : memref<8x80x64xf32, #tpu.memory_space<vmem>> -> memref<1x80x64xf32, #tpu.memory_space<vmem>>
      %dma_start3A_105 = tpu.memref_squeeze %dma_start3A_104 : memref<1x80x64xf32, #tpu.memory_space<vmem>> -> memref<80x64xf32, #tpu.memory_space<vmem>>
      %dma_start3A_106 = arith.constant 0 : i32
      %dma_start3A_107 = tpu.memref_slice %arg7[%dma_start3A_100, %dma_start3A_106] : memref<8x80xi32, #tpu.memory_space<vmem>> -> memref<1x80xi32, #tpu.memory_space<vmem>>
      %dma_start3A_108 = tpu.memref_squeeze %dma_start3A_107 : memref<1x80xi32, #tpu.memory_space<vmem>> -> memref<80xi32, #tpu.memory_space<vmem>>
      %dma_start3A_109 = arith.constant 0 : i32
      %dma_start3A_110 = arith.constant 0 : i32
      %dma_start3A_111 = tpu.memref_slice %arg2[%arg0, %dma_start3A_109, %dma_start3A_110] : memref<2x10000x64xf32, #tpu.memory_space<hbm>> -> memref<1x10000x64xf32, #tpu.memory_space<hbm>>
      %dma_start3A_112 = tpu.memref_squeeze %dma_start3A_111 : memref<1x10000x64xf32, #tpu.memory_space<hbm>> -> memref<10000x64xf32, #tpu.memory_space<hbm>>
      %dma_start3A_113 = arith.constant 0 : i32
      %dma_start3A_114 = arith.constant 0 : i32
      %dma_start3A_115 = tpu.memref_slice %dma_start3A_112[%dma_start3A_113, %dma_start3A_114] : memref<10000x64xf32, #tpu.memory_space<hbm>> -> memref<10000x64xf32, #tpu.memory_space<hbm>>
      tpu.enqueue_indirect_dma source(%dma_start3A_115 : memref<10000x64xf32, #tpu.memory_space<hbm>>) target(%dma_start3A_105 : memref<80x64xf32, #tpu.memory_space<vmem>>) offsets(%dma_start3A_108 : memref<80xi32, #tpu.memory_space<vmem>>) semaphore(%arg11 : memref<!tpu.dma_semaphore, #tpu.memory_space<semaphore_mem>>)
      %dma_start3A_116 = arith.constant 6 : i32
      %dma_start3A_117 = arith.constant 6 : i32
      %dma_start3A_118 = arith.constant 0 : i32
      %dma_start3A_119 = arith.constant 0 : i32
      %dma_start3A_120 = tpu.memref_slice %arg9[%dma_start3A_117, %dma_start3A_118, %dma_start3A_119] : memref<8x80x64xf32, #tpu.memory_space<vmem>> -> memref<1x80x64xf32, #tpu.memory_space<vmem>>
      %dma_start3A_121 = tpu.memref_squeeze %dma_start3A_120 : memref<1x80x64xf32, #tpu.memory_space<vmem>> -> memref<80x64xf32, #tpu.memory_space<vmem>>
      %dma_start3A_122 = arith.constant 0 : i32
      %dma_start3A_123 = tpu.memref_slice %arg7[%dma_start3A_116, %dma_start3A_122] : memref<8x80xi32, #tpu.memory_space<vmem>> -> memref<1x80xi32, #tpu.memory_space<vmem>>
      %dma_start3A_124 = tpu.memref_squeeze %dma_start3A_123 : memref<1x80xi32, #tpu.memory_space<vmem>> -> memref<80xi32, #tpu.memory_space<vmem>>
      %dma_start3A_125 = arith.constant 0 : i32
      %dma_start3A_126 = arith.constant 0 : i32
      %dma_start3A_127 = tpu.memref_slice %arg2[%arg0, %dma_start3A_125, %dma_start3A_126] : memref<2x10000x64xf32, #tpu.memory_space<hbm>> -> memref<1x10000x64xf32, #tpu.memory_space<hbm>>
      %dma_start3A_128 = tpu.memref_squeeze %dma_start3A_127 : memref<1x10000x64xf32, #tpu.memory_space<hbm>> -> memref<10000x64xf32, #tpu.memory_space<hbm>>
      %dma_start3A_129 = arith.constant 0 : i32
      %dma_start3A_130 = arith.constant 0 : i32
      %dma_start3A_131 = tpu.memref_slice %dma_start3A_128[%dma_start3A_129, %dma_start3A_130] : memref<10000x64xf32, #tpu.memory_space<hbm>> -> memref<10000x64xf32, #tpu.memory_space<hbm>>
      tpu.enqueue_indirect_dma source(%dma_start3A_131 : memref<10000x64xf32, #tpu.memory_space<hbm>>) target(%dma_start3A_121 : memref<80x64xf32, #tpu.memory_space<vmem>>) offsets(%dma_start3A_124 : memref<80xi32, #tpu.memory_space<vmem>>) semaphore(%arg11 : memref<!tpu.dma_semaphore, #tpu.memory_space<semaphore_mem>>)
      %dma_start3A_132 = arith.constant 7 : i32
      %dma_start3A_133 = arith.constant 7 : i32
      %dma_start3A_134 = arith.constant 0 : i32
      %dma_start3A_135 = arith.constant 0 : i32
      %dma_start3A_136 = tpu.memref_slice %arg9[%dma_start3A_133, %dma_start3A_134, %dma_start3A_135] : memref<8x80x64xf32, #tpu.memory_space<vmem>> -> memref<1x80x64xf32, #tpu.memory_space<vmem>>
      %dma_start3A_137 = tpu.memref_squeeze %dma_start3A_136 : memref<1x80x64xf32, #tpu.memory_space<vmem>> -> memref<80x64xf32, #tpu.memory_space<vmem>>
      %dma_start3A_138 = arith.constant 0 : i32
      %dma_start3A_139 = tpu.memref_slice %arg7[%dma_start3A_132, %dma_start3A_138] : memref<8x80xi32, #tpu.memory_space<vmem>> -> memref<1x80xi32, #tpu.memory_space<vmem>>
      %dma_start3A_140 = tpu.memref_squeeze %dma_start3A_139 : memref<1x80xi32, #tpu.memory_space<vmem>> -> memref<80xi32, #tpu.memory_space<vmem>>
      %dma_start3A_141 = arith.constant 0 : i32
      %dma_start3A_142 = arith.constant 0 : i32
      %dma_start3A_143 = tpu.memref_slice %arg2[%arg0, %dma_start3A_141, %dma_start3A_142] : memref<2x10000x64xf32, #tpu.memory_space<hbm>> -> memref<1x10000x64xf32, #tpu.memory_space<hbm>>
      %dma_start3A_144 = tpu.memref_squeeze %dma_start3A_143 : memref<1x10000x64xf32, #tpu.memory_space<hbm>> -> memref<10000x64xf32, #tpu.memory_space<hbm>>
      %dma_start3A_145 = arith.constant 0 : i32
      %dma_start3A_146 = arith.constant 0 : i32
      %dma_start3A_147 = tpu.memref_slice %dma_start3A_144[%dma_start3A_145, %dma_start3A_146] : memref<10000x64xf32, #tpu.memory_space<hbm>> -> memref<10000x64xf32, #tpu.memory_space<hbm>>
      tpu.enqueue_indirect_dma source(%dma_start3A_147 : memref<10000x64xf32, #tpu.memory_space<hbm>>) target(%dma_start3A_137 : memref<80x64xf32, #tpu.memory_space<vmem>>) offsets(%dma_start3A_140 : memref<80xi32, #tpu.memory_space<vmem>>) semaphore(%arg11 : memref<!tpu.dma_semaphore, #tpu.memory_space<semaphore_mem>>)
      %dma_wait3A = arith.constant 0 : i32
      %dma_wait3A_148 = arith.constant 0 : i32
      %dma_wait3A_149 = arith.constant 0 : i32
      %dma_wait3A_150 = arith.constant 0 : i32
      %dma_wait3A_151 = tpu.memref_slice %arg9[%dma_wait3A_148, %dma_wait3A_149, %dma_wait3A_150] : memref<8x80x64xf32, #tpu.memory_space<vmem>> -> memref<1x80x64xf32, #tpu.memory_space<vmem>>
      %dma_wait3A_152 = tpu.memref_squeeze %dma_wait3A_151 : memref<1x80x64xf32, #tpu.memory_space<vmem>> -> memref<80x64xf32, #tpu.memory_space<vmem>>
      %dma_wait3A_153 = arith.constant 0 : i32
      %dma_wait3A_154 = tpu.memref_slice %arg7[%dma_wait3A, %dma_wait3A_153] : memref<8x80xi32, #tpu.memory_space<vmem>> -> memref<1x80xi32, #tpu.memory_space<vmem>>
      %dma_wait3A_155 = tpu.memref_squeeze %dma_wait3A_154 : memref<1x80xi32, #tpu.memory_space<vmem>> -> memref<80xi32, #tpu.memory_space<vmem>>
      %dma_wait3A_156 = arith.constant 0 : i32
      %dma_wait3A_157 = arith.constant 0 : i32
      %dma_wait3A_158 = tpu.memref_slice %arg2[%arg0, %dma_wait3A_156, %dma_wait3A_157] : memref<2x10000x64xf32, #tpu.memory_space<hbm>> -> memref<1x10000x64xf32, #tpu.memory_space<hbm>>
      %dma_wait3A_159 = tpu.memref_squeeze %dma_wait3A_158 : memref<1x10000x64xf32, #tpu.memory_space<hbm>> -> memref<10000x64xf32, #tpu.memory_space<hbm>>
      %dma_wait3A_160 = arith.constant 0 : i32
      %dma_wait3A_161 = arith.constant 0 : i32
      %dma_wait3A_162 = tpu.memref_slice %dma_wait3A_159[%dma_wait3A_160, %dma_wait3A_161] : memref<10000x64xf32, #tpu.memory_space<hbm>> -> memref<10000x64xf32, #tpu.memory_space<hbm>>
      tpu.wait_indirect_dma semaphore(%arg11 : memref<!tpu.dma_semaphore, #tpu.memory_space<semaphore_mem>>) src(%dma_wait3A_162 : memref<10000x64xf32, #tpu.memory_space<hbm>>) dst(%dma_wait3A_152 : memref<80x64xf32, #tpu.memory_space<vmem>>)
      %dma_wait3A_163 = arith.constant 1 : i32
      %dma_wait3A_164 = arith.constant 1 : i32
      %dma_wait3A_165 = arith.constant 0 : i32
      %dma_wait3A_166 = arith.constant 0 : i32
      %dma_wait3A_167 = tpu.memref_slice %arg9[%dma_wait3A_164, %dma_wait3A_165, %dma_wait3A_166] : memref<8x80x64xf32, #tpu.memory_space<vmem>> -> memref<1x80x64xf32, #tpu.memory_space<vmem>>
      %dma_wait3A_168 = tpu.memref_squeeze %dma_wait3A_167 : memref<1x80x64xf32, #tpu.memory_space<vmem>> -> memref<80x64xf32, #tpu.memory_space<vmem>>
      %dma_wait3A_169 = arith.constant 0 : i32
      %dma_wait3A_170 = tpu.memref_slice %arg7[%dma_wait3A_163, %dma_wait3A_169] : memref<8x80xi32, #tpu.memory_space<vmem>> -> memref<1x80xi32, #tpu.memory_space<vmem>>
      %dma_wait3A_171 = tpu.memref_squeeze %dma_wait3A_170 : memref<1x80xi32, #tpu.memory_space<vmem>> -> memref<80xi32, #tpu.memory_space<vmem>>
      %dma_wait3A_172 = arith.constant 0 : i32
      %dma_wait3A_173 = arith.constant 0 : i32
      %dma_wait3A_174 = tpu.memref_slice %arg2[%arg0, %dma_wait3A_172, %dma_wait3A_173] : memref<2x10000x64xf32, #tpu.memory_space<hbm>> -> memref<1x10000x64xf32, #tpu.memory_space<hbm>>
      %dma_wait3A_175 = tpu.memref_squeeze %dma_wait3A_174 : memref<1x10000x64xf32, #tpu.memory_space<hbm>> -> memref<10000x64xf32, #tpu.memory_space<hbm>>
      %dma_wait3A_176 = arith.constant 0 : i32
      %dma_wait3A_177 = arith.constant 0 : i32
      %dma_wait3A_178 = tpu.memref_slice %dma_wait3A_175[%dma_wait3A_176, %dma_wait3A_177] : memref<10000x64xf32, #tpu.memory_space<hbm>> -> memref<10000x64xf32, #tpu.memory_space<hbm>>
      tpu.wait_indirect_dma semaphore(%arg11 : memref<!tpu.dma_semaphore, #tpu.memory_space<semaphore_mem>>) src(%dma_wait3A_178 : memref<10000x64xf32, #tpu.memory_space<hbm>>) dst(%dma_wait3A_168 : memref<80x64xf32, #tpu.memory_space<vmem>>)
      %dma_wait3A_179 = arith.constant 2 : i32
      %dma_wait3A_180 = arith.constant 2 : i32
      %dma_wait3A_181 = arith.constant 0 : i32
      %dma_wait3A_182 = arith.constant 0 : i32
      %dma_wait3A_183 = tpu.memref_slice %arg9[%dma_wait3A_180, %dma_wait3A_181, %dma_wait3A_182] : memref<8x80x64xf32, #tpu.memory_space<vmem>> -> memref<1x80x64xf32, #tpu.memory_space<vmem>>
      %dma_wait3A_184 = tpu.memref_squeeze %dma_wait3A_183 : memref<1x80x64xf32, #tpu.memory_space<vmem>> -> memref<80x64xf32, #tpu.memory_space<vmem>>
      %dma_wait3A_185 = arith.constant 0 : i32
      %dma_wait3A_186 = tpu.memref_slice %arg7[%dma_wait3A_179, %dma_wait3A_185] : memref<8x80xi32, #tpu.memory_space<vmem>> -> memref<1x80xi32, #tpu.memory_space<vmem>>
      %dma_wait3A_187 = tpu.memref_squeeze %dma_wait3A_186 : memref<1x80xi32, #tpu.memory_space<vmem>> -> memref<80xi32, #tpu.memory_space<vmem>>
      %dma_wait3A_188 = arith.constant 0 : i32
      %dma_wait3A_189 = arith.constant 0 : i32
      %dma_wait3A_190 = tpu.memref_slice %arg2[%arg0, %dma_wait3A_188, %dma_wait3A_189] : memref<2x10000x64xf32, #tpu.memory_space<hbm>> -> memref<1x10000x64xf32, #tpu.memory_space<hbm>>
      %dma_wait3A_191 = tpu.memref_squeeze %dma_wait3A_190 : memref<1x10000x64xf32, #tpu.memory_space<hbm>> -> memref<10000x64xf32, #tpu.memory_space<hbm>>
      %dma_wait3A_192 = arith.constant 0 : i32
      %dma_wait3A_193 = arith.constant 0 : i32
      %dma_wait3A_194 = tpu.memref_slice %dma_wait3A_191[%dma_wait3A_192, %dma_wait3A_193] : memref<10000x64xf32, #tpu.memory_space<hbm>> -> memref<10000x64xf32, #tpu.memory_space<hbm>>
      tpu.wait_indirect_dma semaphore(%arg11 : memref<!tpu.dma_semaphore, #tpu.memory_space<semaphore_mem>>) src(%dma_wait3A_194 : memref<10000x64xf32, #tpu.memory_space<hbm>>) dst(%dma_wait3A_184 : memref<80x64xf32, #tpu.memory_space<vmem>>)
      %dma_wait3A_195 = arith.constant 3 : i32
      %dma_wait3A_196 = arith.constant 3 : i32
      %dma_wait3A_197 = arith.constant 0 : i32
      %dma_wait3A_198 = arith.constant 0 : i32
      %dma_wait3A_199 = tpu.memref_slice %arg9[%dma_wait3A_196, %dma_wait3A_197, %dma_wait3A_198] : memref<8x80x64xf32, #tpu.memory_space<vmem>> -> memref<1x80x64xf32, #tpu.memory_space<vmem>>
      %dma_wait3A_200 = tpu.memref_squeeze %dma_wait3A_199 : memref<1x80x64xf32, #tpu.memory_space<vmem>> -> memref<80x64xf32, #tpu.memory_space<vmem>>
      %dma_wait3A_201 = arith.constant 0 : i32
      %dma_wait3A_202 = tpu.memref_slice %arg7[%dma_wait3A_195, %dma_wait3A_201] : memref<8x80xi32, #tpu.memory_space<vmem>> -> memref<1x80xi32, #tpu.memory_space<vmem>>
      %dma_wait3A_203 = tpu.memref_squeeze %dma_wait3A_202 : memref<1x80xi32, #tpu.memory_space<vmem>> -> memref<80xi32, #tpu.memory_space<vmem>>
      %dma_wait3A_204 = arith.constant 0 : i32
      %dma_wait3A_205 = arith.constant 0 : i32
      %dma_wait3A_206 = tpu.memref_slice %arg2[%arg0, %dma_wait3A_204, %dma_wait3A_205] : memref<2x10000x64xf32, #tpu.memory_space<hbm>> -> memref<1x10000x64xf32, #tpu.memory_space<hbm>>
      %dma_wait3A_207 = tpu.memref_squeeze %dma_wait3A_206 : memref<1x10000x64xf32, #tpu.memory_space<hbm>> -> memref<10000x64xf32, #tpu.memory_space<hbm>>
      %dma_wait3A_208 = arith.constant 0 : i32
      %dma_wait3A_209 = arith.constant 0 : i32
      %dma_wait3A_210 = tpu.memref_slice %dma_wait3A_207[%dma_wait3A_208, %dma_wait3A_209] : memref<10000x64xf32, #tpu.memory_space<hbm>> -> memref<10000x64xf32, #tpu.memory_space<hbm>>
      tpu.wait_indirect_dma semaphore(%arg11 : memref<!tpu.dma_semaphore, #tpu.memory_space<semaphore_mem>>) src(%dma_wait3A_210 : memref<10000x64xf32, #tpu.memory_space<hbm>>) dst(%dma_wait3A_200 : memref<80x64xf32, #tpu.memory_space<vmem>>)
      %dma_wait3A_211 = arith.constant 4 : i32
      %dma_wait3A_212 = arith.constant 4 : i32
      %dma_wait3A_213 = arith.constant 0 : i32
      %dma_wait3A_214 = arith.constant 0 : i32
      %dma_wait3A_215 = tpu.memref_slice %arg9[%dma_wait3A_212, %dma_wait3A_213, %dma_wait3A_214] : memref<8x80x64xf32, #tpu.memory_space<vmem>> -> memref<1x80x64xf32, #tpu.memory_space<vmem>>
      %dma_wait3A_216 = tpu.memref_squeeze %dma_wait3A_215 : memref<1x80x64xf32, #tpu.memory_space<vmem>> -> memref<80x64xf32, #tpu.memory_space<vmem>>
      %dma_wait3A_217 = arith.constant 0 : i32
      %dma_wait3A_218 = tpu.memref_slice %arg7[%dma_wait3A_211, %dma_wait3A_217] : memref<8x80xi32, #tpu.memory_space<vmem>> -> memref<1x80xi32, #tpu.memory_space<vmem>>
      %dma_wait3A_219 = tpu.memref_squeeze %dma_wait3A_218 : memref<1x80xi32, #tpu.memory_space<vmem>> -> memref<80xi32, #tpu.memory_space<vmem>>
      %dma_wait3A_220 = arith.constant 0 : i32
      %dma_wait3A_221 = arith.constant 0 : i32
      %dma_wait3A_222 = tpu.memref_slice %arg2[%arg0, %dma_wait3A_220, %dma_wait3A_221] : memref<2x10000x64xf32, #tpu.memory_space<hbm>> -> memref<1x10000x64xf32, #tpu.memory_space<hbm>>
      %dma_wait3A_223 = tpu.memref_squeeze %dma_wait3A_222 : memref<1x10000x64xf32, #tpu.memory_space<hbm>> -> memref<10000x64xf32, #tpu.memory_space<hbm>>
      %dma_wait3A_224 = arith.constant 0 : i32
      %dma_wait3A_225 = arith.constant 0 : i32
      %dma_wait3A_226 = tpu.memref_slice %dma_wait3A_223[%dma_wait3A_224, %dma_wait3A_225] : memref<10000x64xf32, #tpu.memory_space<hbm>> -> memref<10000x64xf32, #tpu.memory_space<hbm>>
      tpu.wait_indirect_dma semaphore(%arg11 : memref<!tpu.dma_semaphore, #tpu.memory_space<semaphore_mem>>) src(%dma_wait3A_226 : memref<10000x64xf32, #tpu.memory_space<hbm>>) dst(%dma_wait3A_216 : memref<80x64xf32, #tpu.memory_space<vmem>>)
      %dma_wait3A_227 = arith.constant 5 : i32
      %dma_wait3A_228 = arith.constant 5 : i32
      %dma_wait3A_229 = arith.constant 0 : i32
      %dma_wait3A_230 = arith.constant 0 : i32
      %dma_wait3A_231 = tpu.memref_slice %arg9[%dma_wait3A_228, %dma_wait3A_229, %dma_wait3A_230] : memref<8x80x64xf32, #tpu.memory_space<vmem>> -> memref<1x80x64xf32, #tpu.memory_space<vmem>>
      %dma_wait3A_232 = tpu.memref_squeeze %dma_wait3A_231 : memref<1x80x64xf32, #tpu.memory_space<vmem>> -> memref<80x64xf32, #tpu.memory_space<vmem>>
      %dma_wait3A_233 = arith.constant 0 : i32
      %dma_wait3A_234 = tpu.memref_slice %arg7[%dma_wait3A_227, %dma_wait3A_233] : memref<8x80xi32, #tpu.memory_space<vmem>> -> memref<1x80xi32, #tpu.memory_space<vmem>>
      %dma_wait3A_235 = tpu.memref_squeeze %dma_wait3A_234 : memref<1x80xi32, #tpu.memory_space<vmem>> -> memref<80xi32, #tpu.memory_space<vmem>>
      %dma_wait3A_236 = arith.constant 0 : i32
      %dma_wait3A_237 = arith.constant 0 : i32
      %dma_wait3A_238 = tpu.memref_slice %arg2[%arg0, %dma_wait3A_236, %dma_wait3A_237] : memref<2x10000x64xf32, #tpu.memory_space<hbm>> -> memref<1x10000x64xf32, #tpu.memory_space<hbm>>
      %dma_wait3A_239 = tpu.memref_squeeze %dma_wait3A_238 : memref<1x10000x64xf32, #tpu.memory_space<hbm>> -> memref<10000x64xf32, #tpu.memory_space<hbm>>
      %dma_wait3A_240 = arith.constant 0 : i32
      %dma_wait3A_241 = arith.constant 0 : i32
      %dma_wait3A_242 = tpu.memref_slice %dma_wait3A_239[%dma_wait3A_240, %dma_wait3A_241] : memref<10000x64xf32, #tpu.memory_space<hbm>> -> memref<10000x64xf32, #tpu.memory_space<hbm>>
      tpu.wait_indirect_dma semaphore(%arg11 : memref<!tpu.dma_semaphore, #tpu.memory_space<semaphore_mem>>) src(%dma_wait3A_242 : memref<10000x64xf32, #tpu.memory_space<hbm>>) dst(%dma_wait3A_232 : memref<80x64xf32, #tpu.memory_space<vmem>>)
      %dma_wait3A_243 = arith.constant 6 : i32
      %dma_wait3A_244 = arith.constant 6 : i32
      %dma_wait3A_245 = arith.constant 0 : i32
      %dma_wait3A_246 = arith.constant 0 : i32
      %dma_wait3A_247 = tpu.memref_slice %arg9[%dma_wait3A_244, %dma_wait3A_245, %dma_wait3A_246] : memref<8x80x64xf32, #tpu.memory_space<vmem>> -> memref<1x80x64xf32, #tpu.memory_space<vmem>>
      %dma_wait3A_248 = tpu.memref_squeeze %dma_wait3A_247 : memref<1x80x64xf32, #tpu.memory_space<vmem>> -> memref<80x64xf32, #tpu.memory_space<vmem>>
      %dma_wait3A_249 = arith.constant 0 : i32
      %dma_wait3A_250 = tpu.memref_slice %arg7[%dma_wait3A_243, %dma_wait3A_249] : memref<8x80xi32, #tpu.memory_space<vmem>> -> memref<1x80xi32, #tpu.memory_space<vmem>>
      %dma_wait3A_251 = tpu.memref_squeeze %dma_wait3A_250 : memref<1x80xi32, #tpu.memory_space<vmem>> -> memref<80xi32, #tpu.memory_space<vmem>>
      %dma_wait3A_252 = arith.constant 0 : i32
      %dma_wait3A_253 = arith.constant 0 : i32
      %dma_wait3A_254 = tpu.memref_slice %arg2[%arg0, %dma_wait3A_252, %dma_wait3A_253] : memref<2x10000x64xf32, #tpu.memory_space<hbm>> -> memref<1x10000x64xf32, #tpu.memory_space<hbm>>
      %dma_wait3A_255 = tpu.memref_squeeze %dma_wait3A_254 : memref<1x10000x64xf32, #tpu.memory_space<hbm>> -> memref<10000x64xf32, #tpu.memory_space<hbm>>
      %dma_wait3A_256 = arith.constant 0 : i32
      %dma_wait3A_257 = arith.constant 0 : i32
      %dma_wait3A_258 = tpu.memref_slice %dma_wait3A_255[%dma_wait3A_256, %dma_wait3A_257] : memref<10000x64xf32, #tpu.memory_space<hbm>> -> memref<10000x64xf32, #tpu.memory_space<hbm>>
      tpu.wait_indirect_dma semaphore(%arg11 : memref<!tpu.dma_semaphore, #tpu.memory_space<semaphore_mem>>) src(%dma_wait3A_258 : memref<10000x64xf32, #tpu.memory_space<hbm>>) dst(%dma_wait3A_248 : memref<80x64xf32, #tpu.memory_space<vmem>>)
      %dma_wait3A_259 = arith.constant 7 : i32
      %dma_wait3A_260 = arith.constant 7 : i32
      %dma_wait3A_261 = arith.constant 0 : i32
      %dma_wait3A_262 = arith.constant 0 : i32
      %dma_wait3A_263 = tpu.memref_slice %arg9[%dma_wait3A_260, %dma_wait3A_261, %dma_wait3A_262] : memref<8x80x64xf32, #tpu.memory_space<vmem>> -> memref<1x80x64xf32, #tpu.memory_space<vmem>>
      %dma_wait3A_264 = tpu.memref_squeeze %dma_wait3A_263 : memref<1x80x64xf32, #tpu.memory_space<vmem>> -> memref<80x64xf32, #tpu.memory_space<vmem>>
      %dma_wait3A_265 = arith.constant 0 : i32
      %dma_wait3A_266 = tpu.memref_slice %arg7[%dma_wait3A_259, %dma_wait3A_265] : memref<8x80xi32, #tpu.memory_space<vmem>> -> memref<1x80xi32, #tpu.memory_space<vmem>>
      %dma_wait3A_267 = tpu.memref_squeeze %dma_wait3A_266 : memref<1x80xi32, #tpu.memory_space<vmem>> -> memref<80xi32, #tpu.memory_space<vmem>>
      %dma_wait3A_268 = arith.constant 0 : i32
      %dma_wait3A_269 = arith.constant 0 : i32
      %dma_wait3A_270 = tpu.memref_slice %arg2[%arg0, %dma_wait3A_268, %dma_wait3A_269] : memref<2x10000x64xf32, #tpu.memory_space<hbm>> -> memref<1x10000x64xf32, #tpu.memory_space<hbm>>
      %dma_wait3A_271 = tpu.memref_squeeze %dma_wait3A_270 : memref<1x10000x64xf32, #tpu.memory_space<hbm>> -> memref<10000x64xf32, #tpu.memory_space<hbm>>
      %dma_wait3A_272 = arith.constant 0 : i32
      %dma_wait3A_273 = arith.constant 0 : i32
      %dma_wait3A_274 = tpu.memref_slice %dma_wait3A_271[%dma_wait3A_272, %dma_wait3A_273] : memref<10000x64xf32, #tpu.memory_space<hbm>> -> memref<10000x64xf32, #tpu.memory_space<hbm>>
      tpu.wait_indirect_dma semaphore(%arg11 : memref<!tpu.dma_semaphore, #tpu.memory_space<semaphore_mem>>) src(%dma_wait3A_274 : memref<10000x64xf32, #tpu.memory_space<hbm>>) dst(%dma_wait3A_264 : memref<80x64xf32, #tpu.memory_space<vmem>>)
      %run_scoped3A = arith.constant 0 : i32
      %run_scoped3A_275 = arith.constant 0 : i32
      "tpu.region"() ({
        %run_scoped3A_290 = tpu.sem_alloc : memref<!tpu.dma_semaphore, #tpu.memory_space<semaphore_mem>>
        %dma_start3A_291 = arith.constant 0 : i32
        %dma_start3A_292 = arith.constant 0 : i32
        %dma_start3A_293 = tpu.memref_slice %arg9[%run_scoped3A, %dma_start3A_291, %dma_start3A_292] : memref<8x80x64xf32, #tpu.memory_space<vmem>> -> memref<1x80x64xf32, #tpu.memory_space<vmem>>
        %dma_start3A_294 = tpu.memref_squeeze %dma_start3A_293 : memref<1x80x64xf32, #tpu.memory_space<vmem>> -> memref<80x64xf32, #tpu.memory_space<vmem>>
        %dma_start3A_295 = arith.constant 0 : i32
        %dma_start3A_296 = tpu.memref_slice %arg8[%run_scoped3A_275, %dma_start3A_295] : memref<8x80xi32, #tpu.memory_space<vmem>> -> memref<1x80xi32, #tpu.memory_space<vmem>>
        %dma_start3A_297 = tpu.memref_squeeze %dma_start3A_296 : memref<1x80xi32, #tpu.memory_space<vmem>> -> memref<80xi32, #tpu.memory_space<vmem>>
        %dma_start3A_298 = arith.constant 0 : i32
        %dma_start3A_299 = arith.constant 0 : i32
        %dma_start3A_300 = tpu.memref_slice %arg10[%dma_start3A_298, %dma_start3A_299] : memref<10240x64xf32, #tpu.memory_space<vmem_shared>> -> memref<10240x64xf32, #tpu.memory_space<vmem_shared>>
        tpu.enqueue_indirect_dma source(%dma_start3A_294 : memref<80x64xf32, #tpu.memory_space<vmem>>) target(%dma_start3A_300 : memref<10240x64xf32, #tpu.memory_space<vmem_shared>>) offsets(%dma_start3A_297 : memref<80xi32, #tpu.memory_space<vmem>>) semaphore(%run_scoped3A_290 : memref<!tpu.dma_semaphore, #tpu.memory_space<semaphore_mem>>) {add = true}
        %dma_wait3A_301 = arith.constant 0 : i32
        %dma_wait3A_302 = arith.constant 0 : i32
        %dma_wait3A_303 = tpu.memref_slice %arg9[%run_scoped3A, %dma_wait3A_301, %dma_wait3A_302] : memref<8x80x64xf32, #tpu.memory_space<vmem>> -> memref<1x80x64xf32, #tpu.memory_space<vmem>>
        %dma_wait3A_304 = tpu.memref_squeeze %dma_wait3A_303 : memref<1x80x64xf32, #tpu.memory_space<vmem>> -> memref<80x64xf32, #tpu.memory_space<vmem>>
        %dma_wait3A_305 = arith.constant 0 : i32
        %dma_wait3A_306 = tpu.memref_slice %arg8[%run_scoped3A_275, %dma_wait3A_305] : memref<8x80xi32, #tpu.memory_space<vmem>> -> memref<1x80xi32, #tpu.memory_space<vmem>>
        %dma_wait3A_307 = tpu.memref_squeeze %dma_wait3A_306 : memref<1x80xi32, #tpu.memory_space<vmem>> -> memref<80xi32, #tpu.memory_space<vmem>>
        %dma_wait3A_308 = arith.constant 0 : i32
        %dma_wait3A_309 = arith.constant 0 : i32
        %dma_wait3A_310 = tpu.memref_slice %arg10[%dma_wait3A_308, %dma_wait3A_309] : memref<10240x64xf32, #tpu.memory_space<vmem_shared>> -> memref<10240x64xf32, #tpu.memory_space<vmem_shared>>
        tpu.wait_indirect_dma semaphore(%run_scoped3A_290 : memref<!tpu.dma_semaphore, #tpu.memory_space<semaphore_mem>>) src(%dma_wait3A_304 : memref<80x64xf32, #tpu.memory_space<vmem>>) dst(%dma_wait3A_310 : memref<10240x64xf32, #tpu.memory_space<vmem_shared>>)
        tpu.yield
      }) : () -> ()
      %run_scoped3A_276 = arith.constant 1 : i32
      %run_scoped3A_277 = arith.constant 1 : i32
      "tpu.region"() ({
        %run_scoped3A_290 = tpu.sem_alloc : memref<!tpu.dma_semaphore, #tpu.memory_space<semaphore_mem>>
        %dma_start3A_291 = arith.constant 0 : i32
        %dma_start3A_292 = arith.constant 0 : i32
        %dma_start3A_293 = tpu.memref_slice %arg9[%run_scoped3A_276, %dma_start3A_291, %dma_start3A_292] : memref<8x80x64xf32, #tpu.memory_space<vmem>> -> memref<1x80x64xf32, #tpu.memory_space<vmem>>
        %dma_start3A_294 = tpu.memref_squeeze %dma_start3A_293 : memref<1x80x64xf32, #tpu.memory_space<vmem>> -> memref<80x64xf32, #tpu.memory_space<vmem>>
        %dma_start3A_295 = arith.constant 0 : i32
        %dma_start3A_296 = tpu.memref_slice %arg8[%run_scoped3A_277, %dma_start3A_295] : memref<8x80xi32, #tpu.memory_space<vmem>> -> memref<1x80xi32, #tpu.memory_space<vmem>>
        %dma_start3A_297 = tpu.memref_squeeze %dma_start3A_296 : memref<1x80xi32, #tpu.memory_space<vmem>> -> memref<80xi32, #tpu.memory_space<vmem>>
        %dma_start3A_298 = arith.constant 0 : i32
        %dma_start3A_299 = arith.constant 0 : i32
        %dma_start3A_300 = tpu.memref_slice %arg10[%dma_start3A_298, %dma_start3A_299] : memref<10240x64xf32, #tpu.memory_space<vmem_shared>> -> memref<10240x64xf32, #tpu.memory_space<vmem_shared>>
        tpu.enqueue_indirect_dma source(%dma_start3A_294 : memref<80x64xf32, #tpu.memory_space<vmem>>) target(%dma_start3A_300 : memref<10240x64xf32, #tpu.memory_space<vmem_shared>>) offsets(%dma_start3A_297 : memref<80xi32, #tpu.memory_space<vmem>>) semaphore(%run_scoped3A_290 : memref<!tpu.dma_semaphore, #tpu.memory_space<semaphore_mem>>) {add = true}
        %dma_wait3A_301 = arith.constant 0 : i32
        %dma_wait3A_302 = arith.constant 0 : i32
        %dma_wait3A_303 = tpu.memref_slice %arg9[%run_scoped3A_276, %dma_wait3A_301, %dma_wait3A_302] : memref<8x80x64xf32, #tpu.memory_space<vmem>> -> memref<1x80x64xf32, #tpu.memory_space<vmem>>
        %dma_wait3A_304 = tpu.memref_squeeze %dma_wait3A_303 : memref<1x80x64xf32, #tpu.memory_space<vmem>> -> memref<80x64xf32, #tpu.memory_space<vmem>>
        %dma_wait3A_305 = arith.constant 0 : i32
        %dma_wait3A_306 = tpu.memref_slice %arg8[%run_scoped3A_277, %dma_wait3A_305] : memref<8x80xi32, #tpu.memory_space<vmem>> -> memref<1x80xi32, #tpu.memory_space<vmem>>
        %dma_wait3A_307 = tpu.memref_squeeze %dma_wait3A_306 : memref<1x80xi32, #tpu.memory_space<vmem>> -> memref<80xi32, #tpu.memory_space<vmem>>
        %dma_wait3A_308 = arith.constant 0 : i32
        %dma_wait3A_309 = arith.constant 0 : i32
        %dma_wait3A_310 = tpu.memref_slice %arg10[%dma_wait3A_308, %dma_wait3A_309] : memref<10240x64xf32, #tpu.memory_space<vmem_shared>> -> memref<10240x64xf32, #tpu.memory_space<vmem_shared>>
        tpu.wait_indirect_dma semaphore(%run_scoped3A_290 : memref<!tpu.dma_semaphore, #tpu.memory_space<semaphore_mem>>) src(%dma_wait3A_304 : memref<80x64xf32, #tpu.memory_space<vmem>>) dst(%dma_wait3A_310 : memref<10240x64xf32, #tpu.memory_space<vmem_shared>>)
        tpu.yield
      }) : () -> ()
      %run_scoped3A_278 = arith.constant 2 : i32
      %run_scoped3A_279 = arith.constant 2 : i32
      "tpu.region"() ({
        %run_scoped3A_290 = tpu.sem_alloc : memref<!tpu.dma_semaphore, #tpu.memory_space<semaphore_mem>>
        %dma_start3A_291 = arith.constant 0 : i32
        %dma_start3A_292 = arith.constant 0 : i32
        %dma_start3A_293 = tpu.memref_slice %arg9[%run_scoped3A_278, %dma_start3A_291, %dma_start3A_292] : memref<8x80x64xf32, #tpu.memory_space<vmem>> -> memref<1x80x64xf32, #tpu.memory_space<vmem>>
        %dma_start3A_294 = tpu.memref_squeeze %dma_start3A_293 : memref<1x80x64xf32, #tpu.memory_space<vmem>> -> memref<80x64xf32, #tpu.memory_space<vmem>>
        %dma_start3A_295 = arith.constant 0 : i32
        %dma_start3A_296 = tpu.memref_slice %arg8[%run_scoped3A_279, %dma_start3A_295] : memref<8x80xi32, #tpu.memory_space<vmem>> -> memref<1x80xi32, #tpu.memory_space<vmem>>
        %dma_start3A_297 = tpu.memref_squeeze %dma_start3A_296 : memref<1x80xi32, #tpu.memory_space<vmem>> -> memref<80xi32, #tpu.memory_space<vmem>>
        %dma_start3A_298 = arith.constant 0 : i32
        %dma_start3A_299 = arith.constant 0 : i32
        %dma_start3A_300 = tpu.memref_slice %arg10[%dma_start3A_298, %dma_start3A_299] : memref<10240x64xf32, #tpu.memory_space<vmem_shared>> -> memref<10240x64xf32, #tpu.memory_space<vmem_shared>>
        tpu.enqueue_indirect_dma source(%dma_start3A_294 : memref<80x64xf32, #tpu.memory_space<vmem>>) target(%dma_start3A_300 : memref<10240x64xf32, #tpu.memory_space<vmem_shared>>) offsets(%dma_start3A_297 : memref<80xi32, #tpu.memory_space<vmem>>) semaphore(%run_scoped3A_290 : memref<!tpu.dma_semaphore, #tpu.memory_space<semaphore_mem>>) {add = true}
        %dma_wait3A_301 = arith.constant 0 : i32
        %dma_wait3A_302 = arith.constant 0 : i32
        %dma_wait3A_303 = tpu.memref_slice %arg9[%run_scoped3A_278, %dma_wait3A_301, %dma_wait3A_302] : memref<8x80x64xf32, #tpu.memory_space<vmem>> -> memref<1x80x64xf32, #tpu.memory_space<vmem>>
        %dma_wait3A_304 = tpu.memref_squeeze %dma_wait3A_303 : memref<1x80x64xf32, #tpu.memory_space<vmem>> -> memref<80x64xf32, #tpu.memory_space<vmem>>
        %dma_wait3A_305 = arith.constant 0 : i32
        %dma_wait3A_306 = tpu.memref_slice %arg8[%run_scoped3A_279, %dma_wait3A_305] : memref<8x80xi32, #tpu.memory_space<vmem>> -> memref<1x80xi32, #tpu.memory_space<vmem>>
        %dma_wait3A_307 = tpu.memref_squeeze %dma_wait3A_306 : memref<1x80xi32, #tpu.memory_space<vmem>> -> memref<80xi32, #tpu.memory_space<vmem>>
        %dma_wait3A_308 = arith.constant 0 : i32
        %dma_wait3A_309 = arith.constant 0 : i32
        %dma_wait3A_310 = tpu.memref_slice %arg10[%dma_wait3A_308, %dma_wait3A_309] : memref<10240x64xf32, #tpu.memory_space<vmem_shared>> -> memref<10240x64xf32, #tpu.memory_space<vmem_shared>>
        tpu.wait_indirect_dma semaphore(%run_scoped3A_290 : memref<!tpu.dma_semaphore, #tpu.memory_space<semaphore_mem>>) src(%dma_wait3A_304 : memref<80x64xf32, #tpu.memory_space<vmem>>) dst(%dma_wait3A_310 : memref<10240x64xf32, #tpu.memory_space<vmem_shared>>)
        tpu.yield
      }) : () -> ()
      %run_scoped3A_280 = arith.constant 3 : i32
      %run_scoped3A_281 = arith.constant 3 : i32
      "tpu.region"() ({
        %run_scoped3A_290 = tpu.sem_alloc : memref<!tpu.dma_semaphore, #tpu.memory_space<semaphore_mem>>
        %dma_start3A_291 = arith.constant 0 : i32
        %dma_start3A_292 = arith.constant 0 : i32
        %dma_start3A_293 = tpu.memref_slice %arg9[%run_scoped3A_280, %dma_start3A_291, %dma_start3A_292] : memref<8x80x64xf32, #tpu.memory_space<vmem>> -> memref<1x80x64xf32, #tpu.memory_space<vmem>>
        %dma_start3A_294 = tpu.memref_squeeze %dma_start3A_293 : memref<1x80x64xf32, #tpu.memory_space<vmem>> -> memref<80x64xf32, #tpu.memory_space<vmem>>
        %dma_start3A_295 = arith.constant 0 : i32
        %dma_start3A_296 = tpu.memref_slice %arg8[%run_scoped3A_281, %dma_start3A_295] : memref<8x80xi32, #tpu.memory_space<vmem>> -> memref<1x80xi32, #tpu.memory_space<vmem>>
        %dma_start3A_297 = tpu.memref_squeeze %dma_start3A_296 : memref<1x80xi32, #tpu.memory_space<vmem>> -> memref<80xi32, #tpu.memory_space<vmem>>
        %dma_start3A_298 = arith.constant 0 : i32
        %dma_start3A_299 = arith.constant 0 : i32
        %dma_start3A_300 = tpu.memref_slice %arg10[%dma_start3A_298, %dma_start3A_299] : memref<10240x64xf32, #tpu.memory_space<vmem_shared>> -> memref<10240x64xf32, #tpu.memory_space<vmem_shared>>
        tpu.enqueue_indirect_dma source(%dma_start3A_294 : memref<80x64xf32, #tpu.memory_space<vmem>>) target(%dma_start3A_300 : memref<10240x64xf32, #tpu.memory_space<vmem_shared>>) offsets(%dma_start3A_297 : memref<80xi32, #tpu.memory_space<vmem>>) semaphore(%run_scoped3A_290 : memref<!tpu.dma_semaphore, #tpu.memory_space<semaphore_mem>>) {add = true}
        %dma_wait3A_301 = arith.constant 0 : i32
        %dma_wait3A_302 = arith.constant 0 : i32
        %dma_wait3A_303 = tpu.memref_slice %arg9[%run_scoped3A_280, %dma_wait3A_301, %dma_wait3A_302] : memref<8x80x64xf32, #tpu.memory_space<vmem>> -> memref<1x80x64xf32, #tpu.memory_space<vmem>>
        %dma_wait3A_304 = tpu.memref_squeeze %dma_wait3A_303 : memref<1x80x64xf32, #tpu.memory_space<vmem>> -> memref<80x64xf32, #tpu.memory_space<vmem>>
        %dma_wait3A_305 = arith.constant 0 : i32
        %dma_wait3A_306 = tpu.memref_slice %arg8[%run_scoped3A_281, %dma_wait3A_305] : memref<8x80xi32, #tpu.memory_space<vmem>> -> memref<1x80xi32, #tpu.memory_space<vmem>>
        %dma_wait3A_307 = tpu.memref_squeeze %dma_wait3A_306 : memref<1x80xi32, #tpu.memory_space<vmem>> -> memref<80xi32, #tpu.memory_space<vmem>>
        %dma_wait3A_308 = arith.constant 0 : i32
        %dma_wait3A_309 = arith.constant 0 : i32
        %dma_wait3A_310 = tpu.memref_slice %arg10[%dma_wait3A_308, %dma_wait3A_309] : memref<10240x64xf32, #tpu.memory_space<vmem_shared>> -> memref<10240x64xf32, #tpu.memory_space<vmem_shared>>
        tpu.wait_indirect_dma semaphore(%run_scoped3A_290 : memref<!tpu.dma_semaphore, #tpu.memory_space<semaphore_mem>>) src(%dma_wait3A_304 : memref<80x64xf32, #tpu.memory_space<vmem>>) dst(%dma_wait3A_310 : memref<10240x64xf32, #tpu.memory_space<vmem_shared>>)
        tpu.yield
      }) : () -> ()
      %run_scoped3A_282 = arith.constant 4 : i32
      %run_scoped3A_283 = arith.constant 4 : i32
      "tpu.region"() ({
        %run_scoped3A_290 = tpu.sem_alloc : memref<!tpu.dma_semaphore, #tpu.memory_space<semaphore_mem>>
        %dma_start3A_291 = arith.constant 0 : i32
        %dma_start3A_292 = arith.constant 0 : i32
        %dma_start3A_293 = tpu.memref_slice %arg9[%run_scoped3A_282, %dma_start3A_291, %dma_start3A_292] : memref<8x80x64xf32, #tpu.memory_space<vmem>> -> memref<1x80x64xf32, #tpu.memory_space<vmem>>
        %dma_start3A_294 = tpu.memref_squeeze %dma_start3A_293 : memref<1x80x64xf32, #tpu.memory_space<vmem>> -> memref<80x64xf32, #tpu.memory_space<vmem>>
        %dma_start3A_295 = arith.constant 0 : i32
        %dma_start3A_296 = tpu.memref_slice %arg8[%run_scoped3A_283, %dma_start3A_295] : memref<8x80xi32, #tpu.memory_space<vmem>> -> memref<1x80xi32, #tpu.memory_space<vmem>>
        %dma_start3A_297 = tpu.memref_squeeze %dma_start3A_296 : memref<1x80xi32, #tpu.memory_space<vmem>> -> memref<80xi32, #tpu.memory_space<vmem>>
        %dma_start3A_298 = arith.constant 0 : i32
        %dma_start3A_299 = arith.constant 0 : i32
        %dma_start3A_300 = tpu.memref_slice %arg10[%dma_start3A_298, %dma_start3A_299] : memref<10240x64xf32, #tpu.memory_space<vmem_shared>> -> memref<10240x64xf32, #tpu.memory_space<vmem_shared>>
        tpu.enqueue_indirect_dma source(%dma_start3A_294 : memref<80x64xf32, #tpu.memory_space<vmem>>) target(%dma_start3A_300 : memref<10240x64xf32, #tpu.memory_space<vmem_shared>>) offsets(%dma_start3A_297 : memref<80xi32, #tpu.memory_space<vmem>>) semaphore(%run_scoped3A_290 : memref<!tpu.dma_semaphore, #tpu.memory_space<semaphore_mem>>) {add = true}
        %dma_wait3A_301 = arith.constant 0 : i32
        %dma_wait3A_302 = arith.constant 0 : i32
        %dma_wait3A_303 = tpu.memref_slice %arg9[%run_scoped3A_282, %dma_wait3A_301, %dma_wait3A_302] : memref<8x80x64xf32, #tpu.memory_space<vmem>> -> memref<1x80x64xf32, #tpu.memory_space<vmem>>
        %dma_wait3A_304 = tpu.memref_squeeze %dma_wait3A_303 : memref<1x80x64xf32, #tpu.memory_space<vmem>> -> memref<80x64xf32, #tpu.memory_space<vmem>>
        %dma_wait3A_305 = arith.constant 0 : i32
        %dma_wait3A_306 = tpu.memref_slice %arg8[%run_scoped3A_283, %dma_wait3A_305] : memref<8x80xi32, #tpu.memory_space<vmem>> -> memref<1x80xi32, #tpu.memory_space<vmem>>
        %dma_wait3A_307 = tpu.memref_squeeze %dma_wait3A_306 : memref<1x80xi32, #tpu.memory_space<vmem>> -> memref<80xi32, #tpu.memory_space<vmem>>
        %dma_wait3A_308 = arith.constant 0 : i32
        %dma_wait3A_309 = arith.constant 0 : i32
        %dma_wait3A_310 = tpu.memref_slice %arg10[%dma_wait3A_308, %dma_wait3A_309] : memref<10240x64xf32, #tpu.memory_space<vmem_shared>> -> memref<10240x64xf32, #tpu.memory_space<vmem_shared>>
        tpu.wait_indirect_dma semaphore(%run_scoped3A_290 : memref<!tpu.dma_semaphore, #tpu.memory_space<semaphore_mem>>) src(%dma_wait3A_304 : memref<80x64xf32, #tpu.memory_space<vmem>>) dst(%dma_wait3A_310 : memref<10240x64xf32, #tpu.memory_space<vmem_shared>>)
        tpu.yield
      }) : () -> ()
      %run_scoped3A_284 = arith.constant 5 : i32
      %run_scoped3A_285 = arith.constant 5 : i32
      "tpu.region"() ({
        %run_scoped3A_290 = tpu.sem_alloc : memref<!tpu.dma_semaphore, #tpu.memory_space<semaphore_mem>>
        %dma_start3A_291 = arith.constant 0 : i32
        %dma_start3A_292 = arith.constant 0 : i32
        %dma_start3A_293 = tpu.memref_slice %arg9[%run_scoped3A_284, %dma_start3A_291, %dma_start3A_292] : memref<8x80x64xf32, #tpu.memory_space<vmem>> -> memref<1x80x64xf32, #tpu.memory_space<vmem>>
        %dma_start3A_294 = tpu.memref_squeeze %dma_start3A_293 : memref<1x80x64xf32, #tpu.memory_space<vmem>> -> memref<80x64xf32, #tpu.memory_space<vmem>>
        %dma_start3A_295 = arith.constant 0 : i32
        %dma_start3A_296 = tpu.memref_slice %arg8[%run_scoped3A_285, %dma_start3A_295] : memref<8x80xi32, #tpu.memory_space<vmem>> -> memref<1x80xi32, #tpu.memory_space<vmem>>
        %dma_start3A_297 = tpu.memref_squeeze %dma_start3A_296 : memref<1x80xi32, #tpu.memory_space<vmem>> -> memref<80xi32, #tpu.memory_space<vmem>>
        %dma_start3A_298 = arith.constant 0 : i32
        %dma_start3A_299 = arith.constant 0 : i32
        %dma_start3A_300 = tpu.memref_slice %arg10[%dma_start3A_298, %dma_start3A_299] : memref<10240x64xf32, #tpu.memory_space<vmem_shared>> -> memref<10240x64xf32, #tpu.memory_space<vmem_shared>>
        tpu.enqueue_indirect_dma source(%dma_start3A_294 : memref<80x64xf32, #tpu.memory_space<vmem>>) target(%dma_start3A_300 : memref<10240x64xf32, #tpu.memory_space<vmem_shared>>) offsets(%dma_start3A_297 : memref<80xi32, #tpu.memory_space<vmem>>) semaphore(%run_scoped3A_290 : memref<!tpu.dma_semaphore, #tpu.memory_space<semaphore_mem>>) {add = true}
        %dma_wait3A_301 = arith.constant 0 : i32
        %dma_wait3A_302 = arith.constant 0 : i32
        %dma_wait3A_303 = tpu.memref_slice %arg9[%run_scoped3A_284, %dma_wait3A_301, %dma_wait3A_302] : memref<8x80x64xf32, #tpu.memory_space<vmem>> -> memref<1x80x64xf32, #tpu.memory_space<vmem>>
        %dma_wait3A_304 = tpu.memref_squeeze %dma_wait3A_303 : memref<1x80x64xf32, #tpu.memory_space<vmem>> -> memref<80x64xf32, #tpu.memory_space<vmem>>
        %dma_wait3A_305 = arith.constant 0 : i32
        %dma_wait3A_306 = tpu.memref_slice %arg8[%run_scoped3A_285, %dma_wait3A_305] : memref<8x80xi32, #tpu.memory_space<vmem>> -> memref<1x80xi32, #tpu.memory_space<vmem>>
        %dma_wait3A_307 = tpu.memref_squeeze %dma_wait3A_306 : memref<1x80xi32, #tpu.memory_space<vmem>> -> memref<80xi32, #tpu.memory_space<vmem>>
        %dma_wait3A_308 = arith.constant 0 : i32
        %dma_wait3A_309 = arith.constant 0 : i32
        %dma_wait3A_310 = tpu.memref_slice %arg10[%dma_wait3A_308, %dma_wait3A_309] : memref<10240x64xf32, #tpu.memory_space<vmem_shared>> -> memref<10240x64xf32, #tpu.memory_space<vmem_shared>>
        tpu.wait_indirect_dma semaphore(%run_scoped3A_290 : memref<!tpu.dma_semaphore, #tpu.memory_space<semaphore_mem>>) src(%dma_wait3A_304 : memref<80x64xf32, #tpu.memory_space<vmem>>) dst(%dma_wait3A_310 : memref<10240x64xf32, #tpu.memory_space<vmem_shared>>)
        tpu.yield
      }) : () -> ()
      %run_scoped3A_286 = arith.constant 6 : i32
      %run_scoped3A_287 = arith.constant 6 : i32
      "tpu.region"() ({
        %run_scoped3A_290 = tpu.sem_alloc : memref<!tpu.dma_semaphore, #tpu.memory_space<semaphore_mem>>
        %dma_start3A_291 = arith.constant 0 : i32
        %dma_start3A_292 = arith.constant 0 : i32
        %dma_start3A_293 = tpu.memref_slice %arg9[%run_scoped3A_286, %dma_start3A_291, %dma_start3A_292] : memref<8x80x64xf32, #tpu.memory_space<vmem>> -> memref<1x80x64xf32, #tpu.memory_space<vmem>>
        %dma_start3A_294 = tpu.memref_squeeze %dma_start3A_293 : memref<1x80x64xf32, #tpu.memory_space<vmem>> -> memref<80x64xf32, #tpu.memory_space<vmem>>
        %dma_start3A_295 = arith.constant 0 : i32
        %dma_start3A_296 = tpu.memref_slice %arg8[%run_scoped3A_287, %dma_start3A_295] : memref<8x80xi32, #tpu.memory_space<vmem>> -> memref<1x80xi32, #tpu.memory_space<vmem>>
        %dma_start3A_297 = tpu.memref_squeeze %dma_start3A_296 : memref<1x80xi32, #tpu.memory_space<vmem>> -> memref<80xi32, #tpu.memory_space<vmem>>
        %dma_start3A_298 = arith.constant 0 : i32
        %dma_start3A_299 = arith.constant 0 : i32
        %dma_start3A_300 = tpu.memref_slice %arg10[%dma_start3A_298, %dma_start3A_299] : memref<10240x64xf32, #tpu.memory_space<vmem_shared>> -> memref<10240x64xf32, #tpu.memory_space<vmem_shared>>
        tpu.enqueue_indirect_dma source(%dma_start3A_294 : memref<80x64xf32, #tpu.memory_space<vmem>>) target(%dma_start3A_300 : memref<10240x64xf32, #tpu.memory_space<vmem_shared>>) offsets(%dma_start3A_297 : memref<80xi32, #tpu.memory_space<vmem>>) semaphore(%run_scoped3A_290 : memref<!tpu.dma_semaphore, #tpu.memory_space<semaphore_mem>>) {add = true}
        %dma_wait3A_301 = arith.constant 0 : i32
        %dma_wait3A_302 = arith.constant 0 : i32
        %dma_wait3A_303 = tpu.memref_slice %arg9[%run_scoped3A_286, %dma_wait3A_301, %dma_wait3A_302] : memref<8x80x64xf32, #tpu.memory_space<vmem>> -> memref<1x80x64xf32, #tpu.memory_space<vmem>>
        %dma_wait3A_304 = tpu.memref_squeeze %dma_wait3A_303 : memref<1x80x64xf32, #tpu.memory_space<vmem>> -> memref<80x64xf32, #tpu.memory_space<vmem>>
        %dma_wait3A_305 = arith.constant 0 : i32
        %dma_wait3A_306 = tpu.memref_slice %arg8[%run_scoped3A_287, %dma_wait3A_305] : memref<8x80xi32, #tpu.memory_space<vmem>> -> memref<1x80xi32, #tpu.memory_space<vmem>>
        %dma_wait3A_307 = tpu.memref_squeeze %dma_wait3A_306 : memref<1x80xi32, #tpu.memory_space<vmem>> -> memref<80xi32, #tpu.memory_space<vmem>>
        %dma_wait3A_308 = arith.constant 0 : i32
        %dma_wait3A_309 = arith.constant 0 : i32
        %dma_wait3A_310 = tpu.memref_slice %arg10[%dma_wait3A_308, %dma_wait3A_309] : memref<10240x64xf32, #tpu.memory_space<vmem_shared>> -> memref<10240x64xf32, #tpu.memory_space<vmem_shared>>
        tpu.wait_indirect_dma semaphore(%run_scoped3A_290 : memref<!tpu.dma_semaphore, #tpu.memory_space<semaphore_mem>>) src(%dma_wait3A_304 : memref<80x64xf32, #tpu.memory_space<vmem>>) dst(%dma_wait3A_310 : memref<10240x64xf32, #tpu.memory_space<vmem_shared>>)
        tpu.yield
      }) : () -> ()
      %run_scoped3A_288 = arith.constant 7 : i32
      %run_scoped3A_289 = arith.constant 7 : i32
      "tpu.region"() ({
        %run_scoped3A_290 = tpu.sem_alloc : memref<!tpu.dma_semaphore, #tpu.memory_space<semaphore_mem>>
        %dma_start3A_291 = arith.constant 0 : i32
        %dma_start3A_292 = arith.constant 0 : i32
        %dma_start3A_293 = tpu.memref_slice %arg9[%run_scoped3A_288, %dma_start3A_291, %dma_start3A_292] : memref<8x80x64xf32, #tpu.memory_space<vmem>> -> memref<1x80x64xf32, #tpu.memory_space<vmem>>
        %dma_start3A_294 = tpu.memref_squeeze %dma_start3A_293 : memref<1x80x64xf32, #tpu.memory_space<vmem>> -> memref<80x64xf32, #tpu.memory_space<vmem>>
        %dma_start3A_295 = arith.constant 0 : i32
        %dma_start3A_296 = tpu.memref_slice %arg8[%run_scoped3A_289, %dma_start3A_295] : memref<8x80xi32, #tpu.memory_space<vmem>> -> memref<1x80xi32, #tpu.memory_space<vmem>>
        %dma_start3A_297 = tpu.memref_squeeze %dma_start3A_296 : memref<1x80xi32, #tpu.memory_space<vmem>> -> memref<80xi32, #tpu.memory_space<vmem>>
        %dma_start3A_298 = arith.constant 0 : i32
        %dma_start3A_299 = arith.constant 0 : i32
        %dma_start3A_300 = tpu.memref_slice %arg10[%dma_start3A_298, %dma_start3A_299] : memref<10240x64xf32, #tpu.memory_space<vmem_shared>> -> memref<10240x64xf32, #tpu.memory_space<vmem_shared>>
        tpu.enqueue_indirect_dma source(%dma_start3A_294 : memref<80x64xf32, #tpu.memory_space<vmem>>) target(%dma_start3A_300 : memref<10240x64xf32, #tpu.memory_space<vmem_shared>>) offsets(%dma_start3A_297 : memref<80xi32, #tpu.memory_space<vmem>>) semaphore(%run_scoped3A_290 : memref<!tpu.dma_semaphore, #tpu.memory_space<semaphore_mem>>) {add = true}
        %dma_wait3A_301 = arith.constant 0 : i32
        %dma_wait3A_302 = arith.constant 0 : i32
        %dma_wait3A_303 = tpu.memref_slice %arg9[%run_scoped3A_288, %dma_wait3A_301, %dma_wait3A_302] : memref<8x80x64xf32, #tpu.memory_space<vmem>> -> memref<1x80x64xf32, #tpu.memory_space<vmem>>
        %dma_wait3A_304 = tpu.memref_squeeze %dma_wait3A_303 : memref<1x80x64xf32, #tpu.memory_space<vmem>> -> memref<80x64xf32, #tpu.memory_space<vmem>>
        %dma_wait3A_305 = arith.constant 0 : i32
        %dma_wait3A_306 = tpu.memref_slice %arg8[%run_scoped3A_289, %dma_wait3A_305] : memref<8x80xi32, #tpu.memory_space<vmem>> -> memref<1x80xi32, #tpu.memory_space<vmem>>
        %dma_wait3A_307 = tpu.memref_squeeze %dma_wait3A_306 : memref<1x80xi32, #tpu.memory_space<vmem>> -> memref<80xi32, #tpu.memory_space<vmem>>
        %dma_wait3A_308 = arith.constant 0 : i32
        %dma_wait3A_309 = arith.constant 0 : i32
        %dma_wait3A_310 = tpu.memref_slice %arg10[%dma_wait3A_308, %dma_wait3A_309] : memref<10240x64xf32, #tpu.memory_space<vmem_shared>> -> memref<10240x64xf32, #tpu.memory_space<vmem_shared>>
        tpu.wait_indirect_dma semaphore(%run_scoped3A_290 : memref<!tpu.dma_semaphore, #tpu.memory_space<semaphore_mem>>) src(%dma_wait3A_304 : memref<80x64xf32, #tpu.memory_space<vmem>>) dst(%dma_wait3A_310 : memref<10240x64xf32, #tpu.memory_space<vmem_shared>>)
        tpu.yield
      }) : () -> ()
    }
    %scan3A_8 = arith.constant 32 : i32
    %barrier3A_9 = arith.constant 0 : index
    tpu.barrier barrier_id(%barrier3A_9)
    %mul3A_10 = arith.constant 640 : i32
    %mul3A_11 = arith.muli %arg1, %mul3A_10 : i32
    %mul3A_12 = arith.constant 640 : i32
    %mul3A_13 = arith.muli %arg1, %mul3A_12 : i32
    "tpu.region"() ({
      %run_scoped3A = tpu.sem_alloc : memref<!tpu.dma_semaphore, #tpu.memory_space<semaphore_mem>>
      %dma_start3A = arith.constant 0 : i32
      %dma_start3A_14 = arith.constant 0 : i32
      %dma_start3A_15 = tpu.memref_slice %arg6[%arg0, %dma_start3A, %dma_start3A_14] : memref<2x10240x64xf32, #tpu.memory_space<hbm>> -> memref<1x10240x64xf32, #tpu.memory_space<hbm>>
      %dma_start3A_16 = tpu.memref_squeeze %dma_start3A_15 : memref<1x10240x64xf32, #tpu.memory_space<hbm>> -> memref<10240x64xf32, #tpu.memory_space<hbm>>
      %dma_start3A_17 = arith.constant 0 : i32
      %dma_start3A_18 = tpu.memref_slice %dma_start3A_16[%mul3A_13, %dma_start3A_17] : memref<10240x64xf32, #tpu.memory_space<hbm>> -> memref<640x64xf32, #tpu.memory_space<hbm>>
      %dma_start3A_19 = arith.constant 0 : i32
      %dma_start3A_20 = tpu.memref_slice %arg10[%mul3A_11, %dma_start3A_19] : memref<10240x64xf32, #tpu.memory_space<vmem_shared>> -> memref<640x64xf32, #tpu.memory_space<vmem_shared>>
      tpu.enqueue_dma source(%dma_start3A_20 : memref<640x64xf32, #tpu.memory_space<vmem_shared>>) target(%dma_start3A_18 : memref<640x64xf32, #tpu.memory_space<hbm>>) target_semaphore(%run_scoped3A : memref<!tpu.dma_semaphore, #tpu.memory_space<semaphore_mem>>)
      %dma_wait3A = arith.constant 0 : i32
      %dma_wait3A_21 = arith.constant 0 : i32
      %dma_wait3A_22 = tpu.memref_slice %arg6[%arg0, %dma_wait3A, %dma_wait3A_21] : memref<2x10240x64xf32, #tpu.memory_space<hbm>> -> memref<1x10240x64xf32, #tpu.memory_space<hbm>>
      %dma_wait3A_23 = tpu.memref_squeeze %dma_wait3A_22 : memref<1x10240x64xf32, #tpu.memory_space<hbm>> -> memref<10240x64xf32, #tpu.memory_space<hbm>>
      %dma_wait3A_24 = arith.constant 0 : i32
      %dma_wait3A_25 = tpu.memref_slice %dma_wait3A_23[%mul3A_13, %dma_wait3A_24] : memref<10240x64xf32, #tpu.memory_space<hbm>> -> memref<640x64xf32, #tpu.memory_space<hbm>>
      %dma_wait3A_26 = arith.constant 0 : i32
      %dma_wait3A_27 = tpu.memref_slice %arg10[%mul3A_11, %dma_wait3A_26] : memref<10240x64xf32, #tpu.memory_space<vmem_shared>> -> memref<640x64xf32, #tpu.memory_space<vmem_shared>>
      tpu.wait_dma2 semaphore(%run_scoped3A : memref<!tpu.dma_semaphore, #tpu.memory_space<semaphore_mem>>) src(%dma_wait3A_27 : memref<640x64xf32, #tpu.memory_space<vmem_shared>>) dst(%dma_wait3A_25 : memref<640x64xf32, #tpu.memory_space<hbm>>)
      tpu.yield
    }) : () -> ()
    return
  }
}

module attributes {stable_mosaic.version = 14 : i64} {
  func.func @_tc1_body(%arg0: i32, %arg1: memref<400x128xf32, #tpu.memory_space<vmem>>, %arg2: memref<128x128xf32, #tpu.memory_space<vmem>>, %arg3: memref<2x400x16xf32, #tpu.memory_space<vmem>>, %arg4: memref<2x400x64xf32, #tpu.memory_space<vmem>>, %arg5: memref<400x1xf32, #tpu.memory_space<vmem>>) attributes {dimension_semantics = [#tpu.dimension_semantics<arbitrary>], iteration_bounds = array<i64: 25>, scalar_prefetch = 0 : i64, scratch_operands = 0 : i64, tpu.core_type = #tpu.core_type<tc>, window_params = [{transform_indices = @transform_0, window_bounds = array<i64: 400, 128>}, {pipeline_mode = #tpu.pipeline_mode<synchronous>, transform_indices = @transform_1, window_bounds = array<i64: 128, 128>}, {transform_indices = @transform_2, window_bounds = array<i64: 2, 400, 16>}, {transform_indices = @transform_3, window_bounds = array<i64: 2, 400, 64>}, {transform_indices = @transform_4, window_bounds = array<i64: 400, 1>}]} {
    %get3A = arith.constant 0 : index
    %get3A_0 = arith.constant 0 : index
    %get3A_1 = vector.load %arg1[%get3A, %get3A_0] : memref<400x128xf32, #tpu.memory_space<vmem>>, vector<400x128xf32>
    %get3A_2 = arith.constant 0 : index
    %get3A_3 = arith.constant 0 : index
    %get3A_4 = vector.load %arg2[%get3A_2, %get3A_3] : memref<128x128xf32, #tpu.memory_space<vmem>>, vector<128x128xf32>
    %dot_general3A = arith.constant dense<0.000000e+00> : vector<400x128xf32>
    %dot_general3A_5 = tpu.matmul %get3A_1, %get3A_4, %dot_general3A {dimension_numbers = #tpu.dot_dimension_numbers<[1], [0], [0], [1], [0, 0, 1, 1], [], []>, transpose_lhs_hint = false} : vector<400x128xf32>, vector<128x128xf32>, vector<400x128xf32> -> vector<400x128xf32>
    %get3A_6 = arith.constant 0 : index
    %get3A_7 = arith.constant 0 : index
    %get3A_8 = arith.constant 0 : index
    %get3A_9 = vector.load %arg3[%get3A_6, %get3A_7, %get3A_8] : memref<2x400x16xf32, #tpu.memory_space<vmem>>, vector<1x400x1xf32>
    %get3A_10 = vector.shape_cast %get3A_9 : vector<1x400x1xf32> to vector<400x1xf32>
    %get3A_11 = arith.constant 1 : index
    %get3A_12 = arith.constant 0 : index
    %get3A_13 = arith.constant 0 : index
    %get3A_14 = vector.load %arg3[%get3A_11, %get3A_12, %get3A_13] : memref<2x400x16xf32, #tpu.memory_space<vmem>>, vector<1x400x1xf32>
    %get3A_15 = vector.shape_cast %get3A_14 : vector<1x400x1xf32> to vector<400x1xf32>
    %add3A = arith.addf %get3A_10, %get3A_15 : vector<400x1xf32>
    %add3A_16 = arith.constant 1.000000e+00 : f32
    %add3A_17 = vector.broadcast %add3A_16 : f32 to vector<400x1xf32>
    %add3A_18 = arith.addf %add3A, %add3A_17 : vector<400x1xf32>
    %rsqrt3A = math.rsqrt %add3A_18 : vector<400x1xf32>
    %mul3A = vector.broadcast %rsqrt3A : vector<400x1xf32> to vector<400x128xf32>
    %mul3A_19 = arith.mulf %dot_general3A_5, %mul3A : vector<400x128xf32>
    %slice3A = vector.extract_strided_slice %mul3A_19 {offsets = [0, 0], sizes = [400, 64], strides = [1, 1]} : vector<400x128xf32> to vector<400x64xf32>
    %swap3A = arith.constant 0 : index
    %swap3A_20 = arith.constant 0 : index
    %swap3A_21 = arith.constant 0 : index
    %swap3A_22 = vector.load %arg4[%swap3A, %swap3A_20, %swap3A_21] : memref<2x400x64xf32, #tpu.memory_space<vmem>>, vector<1x400x64xf32>
    %swap3A_23 = vector.shape_cast %swap3A_22 : vector<1x400x64xf32> to vector<400x64xf32>
    %swap3A_24 = vector.shape_cast %slice3A : vector<400x64xf32> to vector<1x400x64xf32>
    tpu.vector_store %arg4[%swap3A, %swap3A_20, %swap3A_21], %swap3A_24 {strides = array<i32>} : memref<2x400x64xf32, #tpu.memory_space<vmem>>, vector<1x400x64xf32>,
    %slice3A_25 = vector.extract_strided_slice %mul3A_19 {offsets = [0, 64], sizes = [400, 64], strides = [1, 1]} : vector<400x128xf32> to vector<400x64xf32>
    %swap3A_26 = arith.constant 1 : index
    %swap3A_27 = arith.constant 0 : index
    %swap3A_28 = arith.constant 0 : index
    %swap3A_29 = vector.load %arg4[%swap3A_26, %swap3A_27, %swap3A_28] : memref<2x400x64xf32, #tpu.memory_space<vmem>>, vector<1x400x64xf32>
    %swap3A_30 = vector.shape_cast %swap3A_29 : vector<1x400x64xf32> to vector<400x64xf32>
    %swap3A_31 = vector.shape_cast %slice3A_25 : vector<400x64xf32> to vector<1x400x64xf32>
    tpu.vector_store %arg4[%swap3A_26, %swap3A_27, %swap3A_28], %swap3A_31 {strides = array<i32>} : memref<2x400x64xf32, #tpu.memory_space<vmem>>, vector<1x400x64xf32>,
    %swap3A_32 = arith.constant 0 : index
    %swap3A_33 = arith.constant 0 : index
    %swap3A_34 = vector.load %arg5[%swap3A_32, %swap3A_33] : memref<400x1xf32, #tpu.memory_space<vmem>>, vector<400x1xf32>
    tpu.vector_store %arg5[%swap3A_32, %swap3A_33], %rsqrt3A {strides = array<i32>} : memref<400x1xf32, #tpu.memory_space<vmem>>, vector<400x1xf32>,
    return
  }
  func.func @transform_0(%arg0: i32) -> (i32, i32) {
    %c0_i32 = arith.constant 0 : i32
    %c0_i32_0 = arith.constant 0 : i32
    return %arg0, %c0_i32 : i32, i32
  }
  func.func @transform_1(%arg0: i32) -> (i32, i32) {
    %c0_i32 = arith.constant 0 : i32
    %c0_i32_0 = arith.constant 0 : i32
    %c0_i32_1 = arith.constant 0 : i32
    return %c0_i32, %c0_i32_0 : i32, i32
  }
  func.func @transform_2(%arg0: i32) -> (i32, i32, i32) {
    %c0_i32 = arith.constant 0 : i32
    %c0_i32_0 = arith.constant 0 : i32
    %c0_i32_1 = arith.constant 0 : i32
    return %c0_i32, %arg0, %c0_i32_0 : i32, i32, i32
  }
  func.func @transform_3(%arg0: i32) -> (i32, i32, i32) {
    %c0_i32 = arith.constant 0 : i32
    %c0_i32_0 = arith.constant 0 : i32
    %c0_i32_1 = arith.constant 0 : i32
    return %c0_i32, %arg0, %c0_i32_0 : i32, i32, i32
  }
  func.func @transform_4(%arg0: i32) -> (i32, i32) {
    %c0_i32 = arith.constant 0 : i32
    %c0_i32_0 = arith.constant 0 : i32
    return %arg0, %c0_i32 : i32, i32
  }
}

module attributes {stable_mosaic.version = 14 : i64} {
  func.func @_tc2_body(%arg0: i32, %arg1: memref<2x400x64xf32, #tpu.memory_space<vmem>>, %arg2: memref<2x400x64xf32, #tpu.memory_space<vmem>>, %arg3: memref<400x1xf32, #tpu.memory_space<vmem>>, %arg4: memref<1x128xf32, #tpu.memory_space<vmem>>, %arg5: memref<128x16xf32, #tpu.memory_space<vmem>>, %arg6: memref<400x16xf32, #tpu.memory_space<vmem>>) attributes {dimension_semantics = [#tpu.dimension_semantics<arbitrary>], iteration_bounds = array<i64: 25>, scalar_prefetch = 0 : i64, scratch_operands = 0 : i64, tpu.core_type = #tpu.core_type<tc>, window_params = [{transform_indices = @transform_0, window_bounds = array<i64: 2, 400, 64>}, {transform_indices = @transform_1, window_bounds = array<i64: 2, 400, 64>}, {transform_indices = @transform_2, window_bounds = array<i64: 400, 1>}, {pipeline_mode = #tpu.pipeline_mode<synchronous>, transform_indices = @transform_3, window_bounds = array<i64: 1, 128>}, {pipeline_mode = #tpu.pipeline_mode<synchronous>, transform_indices = @transform_4, window_bounds = array<i64: 128, 16>}, {transform_indices = @transform_5, window_bounds = array<i64: 400, 16>}]} {
    %get3A = arith.constant 0 : index
    %get3A_0 = arith.constant 0 : index
    %get3A_1 = vector.load %arg3[%get3A, %get3A_0] : memref<400x1xf32, #tpu.memory_space<vmem>>, vector<400x1xf32>
    %get3A_2 = arith.constant 0 : index
    %get3A_3 = arith.constant 0 : index
    %get3A_4 = arith.constant 0 : index
    %get3A_5 = vector.load %arg1[%get3A_2, %get3A_3, %get3A_4] : memref<2x400x64xf32, #tpu.memory_space<vmem>>, vector<1x400x64xf32>
    %get3A_6 = vector.shape_cast %get3A_5 : vector<1x400x64xf32> to vector<400x64xf32>
    %get3A_7 = arith.constant 0 : index
    %get3A_8 = arith.constant 0 : index
    %get3A_9 = arith.constant 0 : index
    %get3A_10 = vector.load %arg2[%get3A_7, %get3A_8, %get3A_9] : memref<2x400x64xf32, #tpu.memory_space<vmem>>, vector<1x400x64xf32>
    %get3A_11 = vector.shape_cast %get3A_10 : vector<1x400x64xf32> to vector<400x64xf32>
    %add3A = arith.addf %get3A_6, %get3A_11 : vector<400x64xf32>
    %get3A_12 = arith.constant 1 : index
    %get3A_13 = arith.constant 0 : index
    %get3A_14 = arith.constant 0 : index
    %get3A_15 = vector.load %arg1[%get3A_12, %get3A_13, %get3A_14] : memref<2x400x64xf32, #tpu.memory_space<vmem>>, vector<1x400x64xf32>
    %get3A_16 = vector.shape_cast %get3A_15 : vector<1x400x64xf32> to vector<400x64xf32>
    %get3A_17 = arith.constant 1 : index
    %get3A_18 = arith.constant 0 : index
    %get3A_19 = arith.constant 0 : index
    %get3A_20 = vector.load %arg2[%get3A_17, %get3A_18, %get3A_19] : memref<2x400x64xf32, #tpu.memory_space<vmem>>, vector<1x400x64xf32>
    %get3A_21 = vector.shape_cast %get3A_20 : vector<1x400x64xf32> to vector<400x64xf32>
    %add3A_22 = arith.addf %get3A_16, %get3A_21 : vector<400x64xf32>
    %concatenate3A = tpu.concatenate %add3A, %add3A_22 in 1 : vector<400x64xf32>, vector<400x64xf32> -> vector<400x128xf32>
    %mul3A = vector.broadcast %get3A_1 : vector<400x1xf32> to vector<400x128xf32>
    %mul3A_23 = arith.mulf %concatenate3A, %mul3A : vector<400x128xf32>
    %get3A_24 = arith.constant 0 : index
    %get3A_25 = arith.constant 0 : index
    %get3A_26 = vector.load %arg4[%get3A_24, %get3A_25] : memref<1x128xf32, #tpu.memory_space<vmem>>, vector<1x128xf32>
    %add3A_27 = vector.broadcast %get3A_26 : vector<1x128xf32> to vector<400x128xf32>
    %add3A_28 = arith.addf %mul3A_23, %add3A_27 : vector<400x128xf32>
    %max3A = arith.constant 0.000000e+00 : f32
    %max3A_29 = vector.broadcast %max3A : f32 to vector<400x128xf32>
    %max3A_30 = arith.maximumf %add3A_28, %max3A_29 : vector<400x128xf32>
    %get3A_31 = arith.constant 0 : index
    %get3A_32 = arith.constant 0 : index
    %get3A_33 = vector.load %arg5[%get3A_31, %get3A_32] : memref<128x16xf32, #tpu.memory_space<vmem>>, vector<128x16xf32>
    %dot_general3A = arith.constant dense<0.000000e+00> : vector<400x16xf32>
    %dot_general3A_34 = tpu.matmul %max3A_30, %get3A_33, %dot_general3A {dimension_numbers = #tpu.dot_dimension_numbers<[1], [0], [0], [1], [0, 0, 1, 1], [], []>, transpose_lhs_hint = false} : vector<400x128xf32>, vector<128x16xf32>, vector<400x16xf32> -> vector<400x16xf32>
    %mul3A_35 = vector.broadcast %get3A_1 : vector<400x1xf32> to vector<400x16xf32>
    %mul3A_36 = arith.mulf %dot_general3A_34, %mul3A_35 : vector<400x16xf32>
    %swap3A = arith.constant 0 : index
    %swap3A_37 = arith.constant 0 : index
    %swap3A_38 = vector.load %arg6[%swap3A, %swap3A_37] : memref<400x16xf32, #tpu.memory_space<vmem>>, vector<400x16xf32>
    tpu.vector_store %arg6[%swap3A, %swap3A_37], %mul3A_36 {strides = array<i32>} : memref<400x16xf32, #tpu.memory_space<vmem>>, vector<400x16xf32>,
    return
  }
  func.func @transform_0(%arg0: i32) -> (i32, i32, i32) {
    %c0_i32 = arith.constant 0 : i32
    %c0_i32_0 = arith.constant 0 : i32
    %c0_i32_1 = arith.constant 0 : i32
    return %c0_i32, %arg0, %c0_i32_0 : i32, i32, i32
  }
  func.func @transform_1(%arg0: i32) -> (i32, i32, i32) {
    %c0_i32 = arith.constant 0 : i32
    %c0_i32_0 = arith.constant 0 : i32
    %c0_i32_1 = arith.constant 0 : i32
    return %c0_i32, %arg0, %c0_i32_0 : i32, i32, i32
  }
  func.func @transform_2(%arg0: i32) -> (i32, i32) {
    %c0_i32 = arith.constant 0 : i32
    %c0_i32_0 = arith.constant 0 : i32
    return %arg0, %c0_i32 : i32, i32
  }
  func.func @transform_3(%arg0: i32) -> (i32, i32) {
    %c0_i32 = arith.constant 0 : i32
    %c0_i32_0 = arith.constant 0 : i32
    %c0_i32_1 = arith.constant 0 : i32
    return %c0_i32, %c0_i32_0 : i32, i32
  }
  func.func @transform_4(%arg0: i32) -> (i32, i32) {
    %c0_i32 = arith.constant 0 : i32
    %c0_i32_0 = arith.constant 0 : i32
    %c0_i32_1 = arith.constant 0 : i32
    return %c0_i32, %c0_i32_0 : i32, i32
  }
  func.func @transform_5(%arg0: i32) -> (i32, i32) {
    %c0_i32 = arith.constant 0 : i32
    %c0_i32_0 = arith.constant 0 : i32
    return %arg0, %c0_i32 : i32, i32
  }
}

module attributes {stable_mosaic.version = 14 : i64} {
  func.func @_tc3_body(%arg0: i32, %arg1: memref<2x400x16xf32, #tpu.memory_space<vmem>>, %arg2: memref<400x16xf32, #tpu.memory_space<vmem>>, %arg3: memref<400x1xf32, #tpu.memory_space<vmem>>, %arg4: memref<1x16xf32, #tpu.memory_space<vmem>>, %arg5: memref<16x9xf32, #tpu.memory_space<vmem>>, %arg6: memref<1x9xf32, #tpu.memory_space<vmem>>, %arg7: memref<400x9xf32, #tpu.memory_space<vmem>>) attributes {dimension_semantics = [#tpu.dimension_semantics<arbitrary>], iteration_bounds = array<i64: 25>, scalar_prefetch = 0 : i64, scratch_operands = 0 : i64, tpu.core_type = #tpu.core_type<tc>, window_params = [{transform_indices = @transform_0, window_bounds = array<i64: 2, 400, 16>}, {transform_indices = @transform_1, window_bounds = array<i64: 400, 16>}, {transform_indices = @transform_2, window_bounds = array<i64: 400, 1>}, {pipeline_mode = #tpu.pipeline_mode<synchronous>, transform_indices = @transform_3, window_bounds = array<i64: 1, 16>}, {pipeline_mode = #tpu.pipeline_mode<synchronous>, transform_indices = @transform_4, window_bounds = array<i64: 16, 9>}, {pipeline_mode = #tpu.pipeline_mode<synchronous>, transform_indices = @transform_5, window_bounds = array<i64: 1, 9>}, {transform_indices = @transform_6, window_bounds = array<i64: 400, 9>}]} {
    %get3A = arith.constant 0 : index
    %get3A_0 = arith.constant 0 : index
    %get3A_1 = vector.load %arg3[%get3A, %get3A_0] : memref<400x1xf32, #tpu.memory_space<vmem>>, vector<400x1xf32>
    %get3A_2 = arith.constant 0 : index
    %get3A_3 = arith.constant 0 : index
    %get3A_4 = arith.constant 0 : index
    %get3A_5 = vector.load %arg1[%get3A_2, %get3A_3, %get3A_4] : memref<2x400x16xf32, #tpu.memory_space<vmem>>, vector<1x400x16xf32>
    %get3A_6 = vector.shape_cast %get3A_5 : vector<1x400x16xf32> to vector<400x16xf32>
    %get3A_7 = arith.constant 1 : index
    %get3A_8 = arith.constant 0 : index
    %get3A_9 = arith.constant 0 : index
    %get3A_10 = vector.load %arg1[%get3A_7, %get3A_8, %get3A_9] : memref<2x400x16xf32, #tpu.memory_space<vmem>>, vector<1x400x16xf32>
    %get3A_11 = vector.shape_cast %get3A_10 : vector<1x400x16xf32> to vector<400x16xf32>
    %add3A = arith.addf %get3A_6, %get3A_11 : vector<400x16xf32>
    %get3A_12 = arith.constant 0 : index
    %get3A_13 = arith.constant 0 : index
    %get3A_14 = vector.load %arg2[%get3A_12, %get3A_13] : memref<400x16xf32, #tpu.memory_space<vmem>>, vector<400x16xf32>
    %add3A_15 = arith.addf %add3A, %get3A_14 : vector<400x16xf32>
    %mul3A = vector.broadcast %get3A_1 : vector<400x1xf32> to vector<400x16xf32>
    %mul3A_16 = arith.mulf %add3A_15, %mul3A : vector<400x16xf32>
    %get3A_17 = arith.constant 0 : index
    %get3A_18 = arith.constant 0 : index
    %get3A_19 = vector.load %arg4[%get3A_17, %get3A_18] : memref<1x16xf32, #tpu.memory_space<vmem>>, vector<1x16xf32>
    %add3A_20 = vector.broadcast %get3A_19 : vector<1x16xf32> to vector<400x16xf32>
    %add3A_21 = arith.addf %mul3A_16, %add3A_20 : vector<400x16xf32>
    %max3A = arith.constant 0.000000e+00 : f32
    %max3A_22 = vector.broadcast %max3A : f32 to vector<400x16xf32>
    %max3A_23 = arith.maximumf %add3A_21, %max3A_22 : vector<400x16xf32>
    %get3A_24 = arith.constant 0 : index
    %get3A_25 = arith.constant 0 : index
    %get3A_26 = vector.load %arg5[%get3A_24, %get3A_25] : memref<16x9xf32, #tpu.memory_space<vmem>>, vector<16x9xf32>
    %dot_general3A = arith.constant dense<0.000000e+00> : vector<400x9xf32>
    %dot_general3A_27 = tpu.matmul %max3A_23, %get3A_26, %dot_general3A {dimension_numbers = #tpu.dot_dimension_numbers<[1], [0], [0], [1], [0, 0, 1, 1], [], []>, transpose_lhs_hint = false} : vector<400x16xf32>, vector<16x9xf32>, vector<400x9xf32> -> vector<400x9xf32>
    %get3A_28 = arith.constant 0 : index
    %get3A_29 = arith.constant 0 : index
    %get3A_30 = vector.load %arg6[%get3A_28, %get3A_29] : memref<1x9xf32, #tpu.memory_space<vmem>>, vector<1x9xf32>
    %add3A_31 = vector.broadcast %get3A_30 : vector<1x9xf32> to vector<400x9xf32>
    %add3A_32 = arith.addf %dot_general3A_27, %add3A_31 : vector<400x9xf32>
    %swap3A = arith.constant 0 : index
    %swap3A_33 = arith.constant 0 : index
    %swap3A_34 = vector.load %arg7[%swap3A, %swap3A_33] : memref<400x9xf32, #tpu.memory_space<vmem>>, vector<400x9xf32>
    tpu.vector_store %arg7[%swap3A, %swap3A_33], %add3A_32 {strides = array<i32>} : memref<400x9xf32, #tpu.memory_space<vmem>>, vector<400x9xf32>,
    return
  }
  func.func @transform_0(%arg0: i32) -> (i32, i32, i32) {
    %c0_i32 = arith.constant 0 : i32
    %c0_i32_0 = arith.constant 0 : i32
    %c0_i32_1 = arith.constant 0 : i32
    return %c0_i32, %arg0, %c0_i32_0 : i32, i32, i32
  }
  func.func @transform_1(%arg0: i32) -> (i32, i32) {
    %c0_i32 = arith.constant 0 : i32
    %c0_i32_0 = arith.constant 0 : i32
    return %arg0, %c0_i32 : i32, i32
  }
  func.func @transform_2(%arg0: i32) -> (i32, i32) {
    %c0_i32 = arith.constant 0 : i32
    %c0_i32_0 = arith.constant 0 : i32
    return %arg0, %c0_i32 : i32, i32
  }
  func.func @transform_3(%arg0: i32) -> (i32, i32) {
    %c0_i32 = arith.constant 0 : i32
    %c0_i32_0 = arith.constant 0 : i32
    %c0_i32_1 = arith.constant 0 : i32
    return %c0_i32, %c0_i32_0 : i32, i32
  }
  func.func @transform_4(%arg0: i32) -> (i32, i32) {
    %c0_i32 = arith.constant 0 : i32
    %c0_i32_0 = arith.constant 0 : i32
    %c0_i32_1 = arith.constant 0 : i32
    return %c0_i32, %c0_i32_0 : i32, i32
  }
  func.func @transform_5(%arg0: i32) -> (i32, i32) {
    %c0_i32 = arith.constant 0 : i32
    %c0_i32_0 = arith.constant 0 : i32
    %c0_i32_1 = arith.constant 0 : i32
    return %c0_i32, %c0_i32_0 : i32, i32
  }
  func.func @transform_6(%arg0: i32) -> (i32, i32) {
    %c0_i32 = arith.constant 0 : i32
    %c0_i32_0 = arith.constant 0 : i32
    return %arg0, %c0_i32 : i32, i32
  }
}

</mosaic_0001>

<sc_bundles>
// kernel: kernel.11.cloned.1.call-start
scs
__scs_entry_jumppad:
0x0: {  	(pc) =	sbr.rel $0x88, $3  }
0x1: {  	(tag) =	ssettag $0x0;
	lr =	simm.s32 $0x1  }
0x2: {  	[smem:$0x3F99] =	sst lr;
	_ =	strace $0xD0000000  }
0x3: {  	_ = 	snop  }
0x4: {  	_ = 	snop  }
0x5: {  	_ = 	snop  }
0x6: {  	_ = 	snop  }
0x7: {  	_ = 	snop  }
__scs_overlays_trampoline_lowered:
0x8: {  	[smem:$0x3FA8] =	sst s0  }
0x9: {  	[smem:$0x3FA9] =	sst s1  }
0xa: {  	[smem:$0x3FAA] =	sst s2  }
0xb: {  	[smem:$0x3FAB] =	sst s3  }
0xc: {  	[smem:$0x3FAC] =	sst s4  }
0xd: {  	[smem:$0x3FAD] =	sst s5  }
0xe: {  	[smem:$0x3FAE] =	sst s6  }
0xf: {  	[smem:$0x3FAF] =	sst s7  }
0x10: {  	[smem:$0x3FB0] =	sst s8  }
0x11: {  	[smem:$0x3FB1] =	sst s9;
	s0 =	simm.s32 @!p0 $0x0  }
0x12: {  	s1 =	sld [smem:$0x3F97];
	s0 =	simm.s32 @p0 $0x1  }
0x13: {  	[smem:$0x3FB2] =	sst s0;
	s0 =	simm.s32 @!p1 $0x0  }
0x14: {  	s2 =	sld [smem:$0x3F96];
	s0 =	simm.s32 @p1 $0x1  }
0x15: {  	[smem:$0x3FB3] =	sst s0;
	s0 =	simm.s32 @!p2 $0x0  }
0x16: {  	s3 =	sld [smem:$0x3FDB];
	s0 =	simm.s32 @p2 $0x1  }
0x17: {  	s4 =	simm.s32 $0x1BF5;
	[smem:$0x3FB5] =	sst s0  }
0x18: {  	s0 =	sld [smem:$0x3F98];
	_ =	swait.ge [sflag:s4], $0x0  }
0x19: {  	s7 =	sld [smem:$0x3F99]  }
0x1a: {  	s8 =	sadd.s32 $0xFFFFE003, lr  }
0x1b: {  	s9 =	sadd.s32 $0xFFFFFEF7, lr;
	s5 =	simm.s32 $0xFFFFFFFF;
	p2 =	slt.u32 s8, $0xFFFFF086  }
0x1c: {  	p1 =	slt.u32 s9, $0xF7A;
	s5 =	simm.s32 @!p2 $0x0  }
0x1d: {  	s5 =	simm.s32 @p1 $0x1;
	p0 =	seq.s32 s7, s2  }
0x1e: {  	s7 =	smul.u32 @!p0 $0xF7A, s2;
	p2 =	seq.s32 @!p0 s5, $0x0  }
0x1f: {  	s9 =	smul.u32 $0xF7A, s1;
	s8 =	simm.s32 @!p0 $0x1BF5;
	p2 =	por !p2, p0  }
0x20: {  	[sflag:s8] =	ssyncset.s32 @!p0 $0xFFFFF086;
	s6 =	sadd.s32 @!p0 s3, s7;
	s7 =	simm.s32 @!p0 $0x108  }
0x21: {  	s3 =	sadd.s32 s3, s9;
	s6 =	sadd.s32 @!p0 $0x88, s6;
	s7 =	simm.s32 @p2 $0x1082  }
0x22: {  	[simem:s7], [sflag:s8] =	dma.local @!p0 [hbm:s6], $0xF7A  }
0x23: {  	s9 =	sor.u32 $0xD0000000, s2;
	s6 =	simm.s32 $0x108;
	_ =	swait.ge @!p0 [sflag:s8], $0x0  }
0x24: {  	s3 =	sadd.s32 $0x88, s3;
	s6 =	simm.s32 @!p1 $0x1082;
	[sflag:s4] =	ssyncset.s32 $0xFFFFF086  }
0x25: {  	[simem:s6], [sflag:s4] =	dma.local [hbm:s3], $0xF7A  }
0x26: {  	[smem:$0x3F99] =	sst s1;
	(tag) =	ssettag s2;
	_ =	strace s9  }
0x27: {  	s1 =	sld [smem:$0x3FA9]  }
0x28: {  	s2 =	sld [smem:$0x3FAA]  }
0x29: {  	s4 =	sld [smem:$0x3FAC]  }
0x2a: {  	p0 =	seq.s32 s5, $0x0;
	s5 =	sld [smem:$0x3FAD]  }
0x2b: {  	s6 =	sld [smem:$0x3FAE]  }
0x2c: {  	s7 =	sld [smem:$0x3FAF]  }
0x2d: {  	s3 =	simm.s32 $0x108;
	s8 =	sld [smem:$0x3FB0]  }
0x2e: {  	s3 =	simm.s32 @!p0 $0x1082;
	s9 =	sld [smem:$0x3FB1]  }
0x2f: {  	lr =	sadd.s32 s0, s3;
	s0 =	sld [smem:$0x3FA8]  }
0x30: {  	s3 =	sld [smem:$0x3FAB]  }
0x31: {  	[smem:$0x3FB4] =	sst s10  }
0x32: {  	s10 =	sld [smem:$0x3FB2];
	_ =	sdelay $0x3  }
0x33: {  	p0 =	seq.s32 s10, $0x1;
	s10 =	sld [smem:$0x3FB4];
	_ =	sdelay $0x3  }
0x34: {  	[smem:$0x3FB4] =	sst s10  }
0x35: {  	s10 =	sld [smem:$0x3FB3];
	_ =	sdelay $0x3  }
0x36: {  	p1 =	seq.s32 s10, $0x1;
	s10 =	sld [smem:$0x3FB4];
	_ =	sdelay $0x3  }
0x37: {  	[smem:$0x3FB4] =	sst s10  }
0x38: {  	s10 =	sld [smem:$0x3FB5]  }
0x39: {  	_ = 	snop;
	(pc) =	sbr.ind lr, $3  }
0x3a: {  	_ = 	snop  }
0x3b: {  	_ = 	snop  }
0x3c: {  	p2 =	seq.s32 s10, $0x1;
	s10 =	sld [smem:$0x3FB4]  }
0x3d: {  	_ =	shalt  }
0x3e: {  	_ =	shalt  }
0x3f: {  	_ =	shalt  }
0x40: {  	_ =	shalt  }
0x41: {  	_ =	shalt  }
0x42: {  	_ =	shalt  }
0x43: {  	_ =	shalt  }
0x44: {  	_ =	shalt  }
0x45: {  	_ =	shalt  }
0x46: {  	_ =	shalt  }
0x47: {  	_ =	shalt  }
0x48: {  	_ =	shalt  }
0x49: {  	_ =	shalt  }
0x4a: {  	_ =	shalt  }
0x4b: {  	_ =	shalt  }
0x4c: {  	_ =	shalt  }
0x4d: {  	_ =	shalt  }
0x4e: {  	_ =	shalt  }
0x4f: {  	_ =	shalt  }
0x50: {  	_ =	shalt  }
0x51: {  	_ =	shalt  }
0x52: {  	_ =	shalt  }
0x53: {  	_ =	shalt  }
0x54: {  	_ =	shalt  }
0x55: {  	_ =	shalt  }
0x56: {  	_ =	shalt  }
0x57: {  	_ =	shalt  }
0x58: {  	_ =	shalt  }
0x59: {  	_ =	shalt  }
0x5a: {  	_ =	shalt  }
0x5b: {  	_ =	shalt  }
0x5c: {  	_ =	shalt  }
0x5d: {  	_ =	shalt  }
0x5e: {  	_ =	shalt  }
0x5f: {  	_ =	shalt  }
0x60: {  	_ =	shalt  }
0x61: {  	_ =	shalt  }
0x62: {  	_ =	shalt  }
0x63: {  	_ =	shalt  }
0x64: {  	_ =	shalt  }
0x65: {  	_ =	shalt  }
0x66: {  	_ =	shalt  }
0x67: {  	_ =	shalt  }
0x68: {  	_ =	shalt  }
0x69: {  	_ =	shalt  }
0x6a: {  	_ =	shalt  }
0x6b: {  	_ =	shalt  }
0x6c: {  	_ =	shalt  }
0x6d: {  	_ =	shalt  }
0x6e: {  	_ =	shalt  }
0x6f: {  	_ =	shalt  }
0x70: {  	_ =	shalt  }
0x71: {  	_ =	shalt  }
0x72: {  	_ =	shalt  }
0x73: {  	_ =	shalt  }
0x74: {  	_ =	shalt  }
0x75: {  	_ =	shalt  }
0x76: {  	_ =	shalt  }
0x77: {  	_ =	shalt  }
0x78: {  	_ =	shalt  }
0x79: {  	_ =	shalt  }
0x7a: {  	_ =	shalt  }
0x7b: {  	_ =	shalt  }
0x7c: {  	_ =	shalt  }
0x7d: {  	_ =	shalt  }
0x7e: {  	_ =	shalt  }
0x7f: {  	_ =	shalt  }
0x80: {  	_ =	shalt  }
0x81: {  	_ =	shalt  }
0x82: {  	_ =	shalt  }
0x83: {  	_ =	shalt  }
0x84: {  	_ =	shalt  }
0x85: {  	_ =	shalt  }
0x86: {  	_ =	shalt  }
0x87: {  	_ =	shalt  }
.Lfunc_end0:
.L_simem_size_0:
called_computation.1_lowered:
.L_overlay_start_0:
0x88: {  	s2 =	sld [smem:$0x3FD9]  }
0x89: {  	s3 =	sld [smem:$0x3FFE];
	_ =	sdelay $0x1  }
0x8a: {  	s1 =	srdreg.scid  }
0x8b: {  	s0 =	sand.u32 $0x1, s1  }
0x8c: {  	s16 =	sshll.u32 s0, $0xA;
	s2 =	sadd.s32 s3, s2  }
0x8d: {  	s2 =	sadd.s32 s2, s16  }
0x8e: {  	[smem:$0x3FC0] =	sst s2  }
0x8f: {  	_ = 	snop  }
0x90: {  	(tm) =	ssettm $0x1  }
0x91: {  	s17 =	sld [smem:$0x3FFB];
	_ =	sdelay $0x3  }
0x92: {  	_ =	strace s17  }
0x93: {  	s2 =	sld [smem:$0x3FFC];
	_ =	sdelay $0x3  }
0x94: {  	_ =	strace s2  }
0x95: {  	s2 =	sld [smem:$0x3FFD];
	_ =	sdelay $0x3  }
0x96: {  	_ =	strace s2  }
0x97: {  	_ =	strace $0x8FFFFFFF  }
0x98: {  	s18 =	sld [smem:$0x3FDB];
	_ =	sdelay $0x1  }
0x99: {  	s19 =	simm.s32 $_scs_section_size  }
0x9a: {  	s4 =	simm.s32 $_size__tile_overlayer_lowered;
	s5 =	simm.s32 $_tile_overlayer_lowered  }
0x9b: {  	s22 =	simm.s32 $0x1BFF;
	s21 =	sshll.u32 s5, $0x1;
	s2 =	sadd.s32 s19, s18  }
0x9c: {  	s6 =	simm.s32 $0x0;
	s20 =	sshll.u32 s4, $0x1;
	s4 =	sadd.s32 s21, s2  }
0x9d: {  	[timem:s6], [sflag:s22] =	dma.local [hbm:s4], s20  }
0x9e: {  	_ =	swait.ge [sflag:s22], s20  }
0x9f: {  	s3 =	ssub.s32 $0x0, s20;
	[sflag:s22] =	ssyncset.done $0x0  }
0xa0: {  	[sflag:s22] =	ssyncadd.s32 s3;
	_ =	sdelay $0x1  }
0xa1: {  	s23 =	simm.s32 $0x1B8B  }
0xa2: {  	_ =	swait.ge [sflag:s23], $0x1  }
0xa3: {  	[sflag:s23] =	ssyncset.done $0x0  }
0xa4: {  	s25 =	simm.s32 $0x1B8E;
	s24 =	sld [smem:$0x3FFE];
	[sflag:s23] =	ssyncadd.s32 $0xFFFFFFFF  }
0xa5: {  	s26 =	simm.s32 $execute0_lowered;
	[smem:$0x3FD2] =	sst s25  }
0xa6: {  	s4 =	sshll.u32 s26, $0x1;
	_ =	strace $0x80000049;
	[dreg:$0x1] =	wrdreg $0xFFFFFFFF  }
0xa7: {  	s28 =	simm.s32 $_size_execute0_lowered;
	s2 =	sadd.s32 s2, s4;
	[dreg:$0x0] =	wrdreg $0x0  }
0xa8: {  	s4 =	sshll.u32 s28, $0x1;
	[dreg:$0x2] =	wrdreg s2  }
0xa9: {  	[dreg:$0x3] =	wrdreg s4  }
0xaa: {  	[dreg:$0x4] =	wrdreg $0xC0  }
0xab: {  	_ =	task [dreg:s6], $0x5FFFF  }
0xac: {  	[dreg:$0x1] =	wrdreg $0xFFFFFFFF  }
0xad: {  	[dreg:$0x0] =	wrdreg $0x60  }
0xae: {  	[dreg:$0x2] =	wrdreg s24  }
0xaf: {  	[dreg:$0x3] =	wrdreg $0xA5000  }
0xb0: {  	[dreg:$0x4] =	wrdreg $0x9  }
0xb1: {  	_ =	task.clear_ibuf [dreg:s6], $0x5FFFF;
	_ =	strace $0x90000049  }
0xb2: {  	s29 =	simm.s32 $0x9;
	_ =	strace $0x8000004B  }
0xb3: {  	_ =	swait.ge [sflag:s29], $0x1  }
0xb4: {  	[sflag:s29] =	ssyncadd.s32 $0xFFFFFFFF  }
0xb5: {  	_ =	strace $0x9000004B  }
0xb6: {  	_ =	sfence  }
0xb7: {  	s30 =	sld [smem:$0x0];
	_ =	sdelay $0x2  }
0xb8: {  	s31 =	sshll.u32 s1, $0xD;
	s1 =	sshrl.u32 s1, $0x2  }
0xb9: {  	s3 =	sand.u32 $0x4000, s31;
	s1 =	sadd.s32 s1, s30  }
0xba: {  	s0 =	sor.u32 s3, s0;
	s1 =	sshll.u32 s1, $0x11  }
0xbb: {  	s0 =	sor.u32 s1, s0  }
0xbc: {  	s0 =	sadd.s32 $0x8F2B, s0  }
0xbd: {  	[sflag:s0] =	ssyncadd.remote.s32 $0x1  }
0xbe: {  	_ =	sfence.sel $0xFFFF  }
0xbf: {  	[dreg:$0x0] =	wrdreg $0xFFFFFFFF;
	(pc) =	sbr.abs _section_cstart, $3  }
0xc0: {  	[dreg:$0x1] =	wrdreg $0xFFFFFFFF  }
0xc1: {  	_ =	task.clear_ibuf [dreg:s6], $0x2FFFF;
	_ =	strace $0x9FFFFFFF  }
0xc2: {  	(tm) =	ssettm $0x7FFFFFFF  }
0xc3: {  	_ =	shalt  }
tec
execute0_lowered:
.L_overlay_start_1:
0x0: {  	(tag) =	ssettag $0x1  }
0x1: {  	s0 =	rddreg [dreg:$0x0]  }
0x2: {  	s1 =	rddreg [dreg:$0x1]  }
0x3: {  	s2 =	srdreg.scid;
	s3 =	simm.s32 $0x0;
	s11 =	stileid.u32  }
0x4: {  	s26 =	simm.s32 $0xA0;
	s12 =	simm.s32 $0x500;
	s13 =	simm.s32 $0x1900  }
0x5: {  	s14 =	simm.s32 $0x2D00;
	s15 =	simm.s32 $0xF0;
	s16 =	simm.s32 $0x4100  }
0x6: {  	s17 =	simm.s32 $0x140;
	s18 =	simm.s32 $0x5500;
	s19 =	simm.s32 $0x190  }
0x7: {  	s20 =	simm.s32 $0x6900;
	s21 =	simm.s32 $0x1E0;
	s28 =	simm.s32 $0x2D0  }
0x8: {  	s29 =	simm.s32 $0x320;
	s30 =	simm.s32 $0x370;
	s5 =	smul.u32 $0xA000, s11  }
0x9: {  	s31 =	simm.s32 $0x3C0;
	s2 =	sand.u32 $0x1, s2;
	s6 =	smul.u32 $0xA00, s11  }
0xa: {  	[smem:$0x7FF] =	sst s3;
	s23 =	sshll.u32 s11, $0x6;
	s4 =	smul.u32 $0x13880, s2  }
0xb: {  	s11 =	simm.s32 $0x50;
	_ =	strace $0x8000004A;
	s8 =	smul.u32 $0x14000, s2  }
0xc: {  	s2 =	ssub.s32 $0x2, s2;
	[dreg:$0x5] =	wrdreg s26;
	s26 =	simm.s32 $0x1  }
0xd: {  	s7 =	sshrl.u32 s5, $0x3;
	s9 =	sadd.s32 s6, s0;
	s10 =	sshrl.u32 s2, $0x1  }
0xe: {  	s5 =	sadd.s32 s5, s1;
	s4 =	sadd.s32 s4, s0;
	s22 =	sadd.s32 s7, s0  }
0xf: {  	s0 =	sadd.s32 s8, s0;
	s2 =	ssub.s32 s2, s10;
	s8 =	sor.u32 $0x1C02, s23  }
0x10: {  	s24 =	sadd.s32 $0x1B400, s9;
	s25 =	sadd.s32 $0x2400, s9;
	s9 =	simm.s32 $0x2  }
0x11: {  	s10 =	simm.s32 $0x280;
	s23 =	simm.s32 $0x230;
	[dreg:$0x3] =	wrdreg s24  }
0x12: {  	s6 =	sadd.s32 $0x73800, s22;
	s0 =	sadd.s32 $0x87800, s0;
	[dreg:$0x4] =	wrdreg s25  }
0x13: {  	s2 =	smax.u32 s2, $0x1;
	s24 =	sshrl.u32 s5, $0x3;
	[dreg:$0x7] =	wrdreg s8  }
0x14: {  	s22 =	simm.s32 $0x7D00;
	s25 =	simm.s32 $0x9100;
	[dreg:$0x6] =	wrdreg s6  }
0x15: {  	s6 =	sadd.s32 $0x4C600, s4;
	[dreg:$0x8] =	wrdreg s2;
	s0 =	sadd.s32 s7, s0  }
0x16: {  	s2 =	simm.s32 $0x460;
	s4 =	simm.s32 $0x4B0;
	[dreg:$0x9] =	wrdreg s24  }
0x17: {  	s7 =	simm.s32 $0x0;
	[dreg:$0xa] =	wrdreg s0;
	s0 =	simm.s32 $0x410  }
.LBB2_1:
0x18: {  	[dreg:$0xb] =	wrdreg s7  }
0x19: {  	s5 =	rddreg [dreg:$0x6]  }
0x1a: {  	[spmem:s24], [sflag:s8] =	dma.local [hbm:s5], $0x1400  }
0x1b: {  	_ =	swait.ge [sflag:s9], $0x1400  }
0x1c: {  	[sflag:s9] =	ssyncset.done $0x0  }
0x1d: {  	[sflag:s9] =	ssyncadd.s32 $0xFFFFEC00  }
0x1e: {  	[bflag:$0x0] =	sbarrier.arrive $0xFFFF  }
0x1f: {  	s7 =	rddreg [dreg:$0x3]  }
0x20: {  	s5 =	sadd.s32 $0x0, s7  }
0x21: {  	[tilespmem:s3], [sflag:$0x2] =	stream.linear.gather [hbm4b:s5+s3], $0x280, $0x38;
	[tilespmem:$0x14500] =	vst v63  }
0x22: {  	_ =	swait.ge [sflag:s9], $0x280  }
0x23: {  	s8 =	rddreg [dreg:$0x4];
	[sflag:s9] =	ssyncset.done $0x0  }
0x24: {  	[sflag:s9] =	ssyncadd.s32 $0xFFFFFD80;
	s5 =	sadd.s32 $0x0, s8  }
0x25: {  	[tilespmem:s10], [sflag:$0x2] =	stream.linear.gather [hbm4b:s5+s3], $0x280, $0x38;
	[tilespmem:$0x14500] =	vst v63  }
0x26: {  	_ =	swait.ge [sflag:s9], $0x280  }
0x27: {  	[sflag:s9] =	ssyncset.done $0x0  }
0x28: {  	[sflag:s9] =	ssyncadd.s32 $0xFFFFFD80  }
0x29: {  	[tilespmem:s12], [sflag:$0x1] =	stream.indirect.gather [hbm4b:s6+s11], $0x40, s3, s11, $0xb8;
	[tilespmem:$0x14500] =	vst v63  }
0x2a: {  	_ = 	snop  }
0x2b: {  	[tilespmem:s13], [sflag:$0x1] =	stream.indirect.gather [hbm4b:s6+s11], $0x40, s11, s11, $0xb8;
	[tilespmem:$0x14500] =	vst v63  }
0x2c: {  	s24 =	rddreg [dreg:$0x5]  }
0x2d: {  	[tilespmem:s14], [sflag:$0x1] =	stream.indirect.gather [hbm4b:s6+s11], $0x40, s24, s11, $0xb8;
	[tilespmem:$0x14500] =	vst v63  }
0x2e: {  	_ = 	snop  }
0x2f: {  	[tilespmem:s16], [sflag:$0x1] =	stream.indirect.gather [hbm4b:s6+s11], $0x40, s15, s11, $0xb8;
	[tilespmem:$0x14500] =	vst v63  }
0x30: {  	_ = 	snop  }
0x31: {  	[tilespmem:s18], [sflag:$0x1] =	stream.indirect.gather [hbm4b:s6+s11], $0x40, s17, s11, $0xb8;
	[tilespmem:$0x14500] =	vst v63  }
0x32: {  	_ = 	snop  }
0x33: {  	[tilespmem:s20], [sflag:$0x1] =	stream.indirect.gather [hbm4b:s6+s11], $0x40, s19, s11, $0xb8;
	[tilespmem:$0x14500] =	vst v63  }
0x34: {  	_ = 	snop  }
0x35: {  	[tilespmem:s22], [sflag:$0x1] =	stream.indirect.gather [hbm4b:s6+s11], $0x40, s21, s11, $0xb8;
	[tilespmem:$0x14500] =	vst v63  }
0x36: {  	_ = 	snop  }
0x37: {  	[tilespmem:s25], [sflag:$0x1] =	stream.indirect.gather [hbm4b:s6+s11], $0x40, s23, s11, $0xb8;
	[tilespmem:$0x14500] =	vst v63  }
0x38: {  	_ =	swait.ge [sflag:s26], $0x1400  }
0x39: {  	[sflag:s26] =	ssyncset.done $0x0  }
0x3a: {  	[sflag:s26] =	ssyncadd.s32 $0xFFFFEC00  }
0x3b: {  	_ =	swait.ge [sflag:s26], $0x1400  }
0x3c: {  	[sflag:s26] =	ssyncset.done $0x0  }
0x3d: {  	[sflag:s26] =	ssyncadd.s32 $0xFFFFEC00  }
0x3e: {  	_ =	swait.ge [sflag:s26], $0x1400  }
0x3f: {  	[sflag:s26] =	ssyncset.done $0x0  }
0x40: {  	[sflag:s26] =	ssyncadd.s32 $0xFFFFEC00  }
0x41: {  	_ =	swait.ge [sflag:s26], $0x1400  }
0x42: {  	[sflag:s26] =	ssyncset.done $0x0  }
0x43: {  	[sflag:s26] =	ssyncadd.s32 $0xFFFFEC00  }
0x44: {  	_ =	swait.ge [sflag:s26], $0x1400  }
0x45: {  	[sflag:s26] =	ssyncset.done $0x0  }
0x46: {  	[sflag:s26] =	ssyncadd.s32 $0xFFFFEC00  }
0x47: {  	_ =	swait.ge [sflag:s26], $0x1400  }
0x48: {  	[sflag:s26] =	ssyncset.done $0x0  }
0x49: {  	[sflag:s26] =	ssyncadd.s32 $0xFFFFEC00  }
0x4a: {  	_ =	swait.ge [sflag:s26], $0x1400  }
0x4b: {  	[sflag:s26] =	ssyncset.done $0x0  }
0x4c: {  	[sflag:s26] =	ssyncadd.s32 $0xFFFFEC00  }
0x4d: {  	_ =	swait.ge [sflag:s26], $0x1400  }
0x4e: {  	[sflag:s26] =	ssyncset.done $0x0  }
0x4f: {  	[sflag:s26] =	ssyncadd.s32 $0xFFFFEC00  }
0x50: {  	[spmem:s1] =	stream.indirect.scatter.add.f32 [tilespmem:s12], [sflag:$0x2], $0x40, s10, s11, $0xb8;
	[tilespmem:$0x14500] =	vst v63  }
0x51: {  	_ =	swait.ge [sflag:s9], $0x1400  }
0x52: {  	[sflag:s9] =	ssyncset.done $0x0  }
0x53: {  	[sflag:s9] =	ssyncadd.s32 $0xFFFFEC00  }
0x54: {  	[spmem:s1] =	stream.indirect.scatter.add.f32 [tilespmem:s13], [sflag:$0x2], $0x40, s28, s11, $0xb8;
	[tilespmem:$0x14500] =	vst v63  }
0x55: {  	_ =	swait.ge [sflag:s9], $0x1400  }
0x56: {  	[sflag:s9] =	ssyncset.done $0x0  }
0x57: {  	[sflag:s9] =	ssyncadd.s32 $0xFFFFEC00  }
0x58: {  	[spmem:s1] =	stream.indirect.scatter.add.f32 [tilespmem:s14], [sflag:$0x2], $0x40, s29, s11, $0xb8;
	[tilespmem:$0x14500] =	vst v63  }
0x59: {  	_ =	swait.ge [sflag:s9], $0x1400  }
0x5a: {  	[sflag:s9] =	ssyncset.done $0x0  }
0x5b: {  	[sflag:s9] =	ssyncadd.s32 $0xFFFFEC00  }
0x5c: {  	[spmem:s1] =	stream.indirect.scatter.add.f32 [tilespmem:s16], [sflag:$0x2], $0x40, s30, s11, $0xb8;
	[tilespmem:$0x14500] =	vst v63  }
0x5d: {  	_ =	swait.ge [sflag:s9], $0x1400  }
0x5e: {  	[sflag:s9] =	ssyncset.done $0x0  }
0x5f: {  	[sflag:s9] =	ssyncadd.s32 $0xFFFFEC00  }
0x60: {  	[spmem:s1] =	stream.indirect.scatter.add.f32 [tilespmem:s18], [sflag:$0x2], $0x40, s31, s11, $0xb8;
	[tilespmem:$0x14500] =	vst v63  }
0x61: {  	_ =	swait.ge [sflag:s9], $0x1400  }
0x62: {  	[sflag:s9] =	ssyncset.done $0x0  }
0x63: {  	[sflag:s9] =	ssyncadd.s32 $0xFFFFEC00  }
0x64: {  	[spmem:s1] =	stream.indirect.scatter.add.f32 [tilespmem:s20], [sflag:$0x2], $0x40, s0, s11, $0xb8;
	[tilespmem:$0x14500] =	vst v63  }
0x65: {  	_ =	swait.ge [sflag:s9], $0x1400  }
0x66: {  	[sflag:s9] =	ssyncset.done $0x0  }
0x67: {  	[sflag:s9] =	ssyncadd.s32 $0xFFFFEC00  }
0x68: {  	[spmem:s1] =	stream.indirect.scatter.add.f32 [tilespmem:s22], [sflag:$0x2], $0x40, s2, s11, $0xb8;
	[tilespmem:$0x14500] =	vst v63  }
0x69: {  	_ =	swait.ge [sflag:s9], $0x1400  }
0x6a: {  	[sflag:s9] =	ssyncset.done $0x0  }
0x6b: {  	[sflag:s9] =	ssyncadd.s32 $0xFFFFEC00  }
0x6c: {  	[spmem:s1] =	stream.indirect.scatter.add.f32 [tilespmem:s25], [sflag:$0x2], $0x40, s4, s11, $0xb8;
	[tilespmem:$0x14500] =	vst v63  }
0x6d: {  	s5 =	simm.s32 $0xA0;
	_ =	swait.ge [sflag:s9], $0x1400  }
0x6e: {  	s24 =	simm.s32 $0x50;
	s8 =	rddreg [dreg:$0x3];
	[sflag:s9] =	ssyncset.done $0x0  }
.LBB2_2:
0x6f: {  	[sflag:s9] =	ssyncadd.s32 $0xFFFFEC00;
	s8 =	sadd.s32 s24, s8  }
0x70: {  	[tilespmem:s3], [sflag:$0x2] =	stream.linear.gather [hbm4b:s8+s3], $0x280, $0x38;
	[tilespmem:$0x14500] =	vst v63  }
0x71: {  	_ =	swait.ge [sflag:s9], $0x280  }
0x72: {  	s8 =	rddreg [dreg:$0x4];
	[sflag:s9] =	ssyncset.done $0x0  }
0x73: {  	[sflag:s9] =	ssyncadd.s32 $0xFFFFFD80;
	s8 =	sadd.s32 s24, s8  }
0x74: {  	[tilespmem:s10], [sflag:$0x2] =	stream.linear.gather [hbm4b:s8+s3], $0x280, $0x38;
	[tilespmem:$0x14500] =	vst v63  }
0x75: {  	_ =	swait.ge [sflag:s9], $0x280  }
0x76: {  	[sflag:s9] =	ssyncset.done $0x0  }
0x77: {  	[sflag:s9] =	ssyncadd.s32 $0xFFFFFD80  }
0x78: {  	[tilespmem:s12], [sflag:$0x1] =	stream.indirect.gather [hbm4b:s6+s11], $0x40, s3, s11, $0xb8;
	[tilespmem:$0x14500] =	vst v63  }
0x79: {  	_ = 	snop  }
0x7a: {  	[tilespmem:s13], [sflag:$0x1] =	stream.indirect.gather [hbm4b:s6+s11], $0x40, s11, s11, $0xb8;
	[tilespmem:$0x14500] =	vst v63  }
0x7b: {  	s8 =	rddreg [dreg:$0x5]  }
0x7c: {  	[tilespmem:s14], [sflag:$0x1] =	stream.indirect.gather [hbm4b:s6+s11], $0x40, s8, s11, $0xb8;
	[tilespmem:$0x14500] =	vst v63  }
0x7d: {  	_ = 	snop  }
0x7e: {  	[tilespmem:s16], [sflag:$0x1] =	stream.indirect.gather [hbm4b:s6+s11], $0x40, s15, s11, $0xb8;
	[tilespmem:$0x14500] =	vst v63  }
0x7f: {  	_ = 	snop  }
0x80: {  	[tilespmem:s18], [sflag:$0x1] =	stream.indirect.gather [hbm4b:s6+s11], $0x40, s17, s11, $0xb8;
	[tilespmem:$0x14500] =	vst v63  }
0x81: {  	_ = 	snop  }
0x82: {  	[tilespmem:s20], [sflag:$0x1] =	stream.indirect.gather [hbm4b:s6+s11], $0x40, s19, s11, $0xb8;
	[tilespmem:$0x14500] =	vst v63  }
0x83: {  	_ = 	snop  }
0x84: {  	[tilespmem:s22], [sflag:$0x1] =	stream.indirect.gather [hbm4b:s6+s11], $0x40, s21, s11, $0xb8;
	[tilespmem:$0x14500] =	vst v63  }
0x85: {  	_ = 	snop  }
0x86: {  	[tilespmem:s25], [sflag:$0x1] =	stream.indirect.gather [hbm4b:s6+s11], $0x40, s23, s11, $0xb8;
	[tilespmem:$0x14500] =	vst v63  }
0x87: {  	_ =	swait.ge [sflag:s26], $0x1400  }
0x88: {  	[sflag:s26] =	ssyncset.done $0x0  }
0x89: {  	[sflag:s26] =	ssyncadd.s32 $0xFFFFEC00  }
0x8a: {  	_ =	swait.ge [sflag:s26], $0x1400  }
0x8b: {  	[sflag:s26] =	ssyncset.done $0x0  }
0x8c: {  	[sflag:s26] =	ssyncadd.s32 $0xFFFFEC00  }
0x8d: {  	_ =	swait.ge [sflag:s26], $0x1400  }
0x8e: {  	[sflag:s26] =	ssyncset.done $0x0  }
0x8f: {  	[sflag:s26] =	ssyncadd.s32 $0xFFFFEC00  }
0x90: {  	_ =	swait.ge [sflag:s26], $0x1400  }
0x91: {  	[sflag:s26] =	ssyncset.done $0x0  }
0x92: {  	[sflag:s26] =	ssyncadd.s32 $0xFFFFEC00  }
0x93: {  	_ =	swait.ge [sflag:s26], $0x1400  }
0x94: {  	[sflag:s26] =	ssyncset.done $0x0  }
0x95: {  	[sflag:s26] =	ssyncadd.s32 $0xFFFFEC00  }
0x96: {  	_ =	swait.ge [sflag:s26], $0x1400  }
0x97: {  	[sflag:s26] =	ssyncset.done $0x0  }
0x98: {  	[sflag:s26] =	ssyncadd.s32 $0xFFFFEC00  }
0x99: {  	_ =	swait.ge [sflag:s26], $0x1400  }
0x9a: {  	[sflag:s26] =	ssyncset.done $0x0  }
0x9b: {  	[sflag:s26] =	ssyncadd.s32 $0xFFFFEC00  }
0x9c: {  	_ =	swait.ge [sflag:s26], $0x1400  }
0x9d: {  	[sflag:s26] =	ssyncset.done $0x0  }
0x9e: {  	[sflag:s26] =	ssyncadd.s32 $0xFFFFEC00  }
0x9f: {  	[spmem:s1] =	stream.indirect.scatter.add.f32 [tilespmem:s12], [sflag:$0x2], $0x40, s10, s11, $0xb8;
	[tilespmem:$0x14500] =	vst v63  }
0xa0: {  	_ =	swait.ge [sflag:s9], $0x1400  }
0xa1: {  	[sflag:s9] =	ssyncset.done $0x0  }
0xa2: {  	[sflag:s9] =	ssyncadd.s32 $0xFFFFEC00  }
0xa3: {  	[spmem:s1] =	stream.indirect.scatter.add.f32 [tilespmem:s13], [sflag:$0x2], $0x40, s28, s11, $0xb8;
	[tilespmem:$0x14500] =	vst v63  }
0xa4: {  	_ =	swait.ge [sflag:s9], $0x1400  }
0xa5: {  	[sflag:s9] =	ssyncset.done $0x0  }
0xa6: {  	[sflag:s9] =	ssyncadd.s32 $0xFFFFEC00  }
0xa7: {  	[spmem:s1] =	stream.indirect.scatter.add.f32 [tilespmem:s14], [sflag:$0x2], $0x40, s29, s11, $0xb8;
	[tilespmem:$0x14500] =	vst v63  }
0xa8: {  	_ =	swait.ge [sflag:s9], $0x1400  }
0xa9: {  	[sflag:s9] =	ssyncset.done $0x0  }
0xaa: {  	[sflag:s9] =	ssyncadd.s32 $0xFFFFEC00  }
0xab: {  	[spmem:s1] =	stream.indirect.scatter.add.f32 [tilespmem:s16], [sflag:$0x2], $0x40, s30, s11, $0xb8;
	[tilespmem:$0x14500] =	vst v63  }
0xac: {  	_ =	swait.ge [sflag:s9], $0x1400  }
0xad: {  	[sflag:s9] =	ssyncset.done $0x0  }
0xae: {  	[sflag:s9] =	ssyncadd.s32 $0xFFFFEC00  }
0xaf: {  	[spmem:s1] =	stream.indirect.scatter.add.f32 [tilespmem:s18], [sflag:$0x2], $0x40, s31, s11, $0xb8;
	[tilespmem:$0x14500] =	vst v63  }
0xb0: {  	_ =	swait.ge [sflag:s9], $0x1400  }
0xb1: {  	[sflag:s9] =	ssyncset.done $0x0  }
0xb2: {  	[sflag:s9] =	ssyncadd.s32 $0xFFFFEC00  }
0xb3: {  	[spmem:s1] =	stream.indirect.scatter.add.f32 [tilespmem:s20], [sflag:$0x2], $0x40, s0, s11, $0xb8;
	[tilespmem:$0x14500] =	vst v63  }
0xb4: {  	_ =	swait.ge [sflag:s9], $0x1400  }
0xb5: {  	[sflag:s9] =	ssyncset.done $0x0  }
0xb6: {  	[sflag:s9] =	ssyncadd.s32 $0xFFFFEC00  }
0xb7: {  	[spmem:s1] =	stream.indirect.scatter.add.f32 [tilespmem:s22], [sflag:$0x2], $0x40, s2, s11, $0xb8;
	[tilespmem:$0x14500] =	vst v63  }
0xb8: {  	p0 =	sne.s32 s5, $0x9B0;
	_ =	swait.ge [sflag:s9], $0x1400  }
.Ltmp0:
0xb9: {  	[sflag:s9] =	ssyncset.done $0x0;
	(pc) =	sbr.rel @p0 .LBB2_2-.Ltmp0, $4  }
0xba: {  	[sflag:s9] =	ssyncadd.s32 $0xFFFFEC00  }
0xbb: {  	[spmem:s1] =	stream.indirect.scatter.add.f32 [tilespmem:s25], [sflag:$0x2], $0x40, s4, s11, $0xb8;
	[tilespmem:$0x14500] =	vst v63  }
0xbc: {  	s7 =	smov.u32 s5;
	s5 =	sadd.s32 $0x50, s5;
	_ =	swait.ge [sflag:s9], $0x1400  }
0xbd: {  	s24 =	smov.u32 s7;
	s8 =	rddreg [dreg:$0x3];
	[sflag:s9] =	ssyncset.done $0x0  }
0xbe: {  	[sflag:s9] =	ssyncadd.s32 $0xFFFFEC00;
	s5 =	sadd.s32 s24, s8  }
0xbf: {  	[tilespmem:s3], [sflag:$0x2] =	stream.linear.gather [hbm4b:s5+s3], $0x280, $0x38;
	[tilespmem:$0x14500] =	vst v63  }
0xc0: {  	_ =	swait.ge [sflag:s9], $0x280  }
0xc1: {  	s8 =	rddreg [dreg:$0x4];
	[sflag:s9] =	ssyncset.done $0x0  }
0xc2: {  	s5 =	sadd.s32 s24, s8;
	[sflag:s9] =	ssyncadd.s32 $0xFFFFFD80  }
0xc3: {  	[tilespmem:s10], [sflag:$0x2] =	stream.linear.gather [hbm4b:s5+s3], $0x280, $0x38;
	[tilespmem:$0x14500] =	vst v63  }
0xc4: {  	_ =	swait.ge [sflag:s9], $0x280  }
0xc5: {  	[sflag:s9] =	ssyncset.done $0x0  }
0xc6: {  	[sflag:s9] =	ssyncadd.s32 $0xFFFFFD80  }
0xc7: {  	[tilespmem:s12], [sflag:$0x1] =	stream.indirect.gather [hbm4b:s6+s11], $0x40, s3, s11, $0xb8;
	[tilespmem:$0x14500] =	vst v63  }
0xc8: {  	_ = 	snop  }
0xc9: {  	[tilespmem:s13], [sflag:$0x1] =	stream.indirect.gather [hbm4b:s6+s11], $0x40, s11, s11, $0xb8;
	[tilespmem:$0x14500] =	vst v63  }
0xca: {  	s24 =	rddreg [dreg:$0x5]  }
0xcb: {  	[tilespmem:s14], [sflag:$0x1] =	stream.indirect.gather [hbm4b:s6+s11], $0x40, s24, s11, $0xb8;
	[tilespmem:$0x14500] =	vst v63  }
0xcc: {  	_ = 	snop  }
0xcd: {  	[tilespmem:s16], [sflag:$0x1] =	stream.indirect.gather [hbm4b:s6+s11], $0x40, s15, s11, $0xb8;
	[tilespmem:$0x14500] =	vst v63  }
0xce: {  	_ = 	snop  }
0xcf: {  	[tilespmem:s18], [sflag:$0x1] =	stream.indirect.gather [hbm4b:s6+s11], $0x40, s17, s11, $0xb8;
	[tilespmem:$0x14500] =	vst v63  }
0xd0: {  	_ = 	snop  }
0xd1: {  	[tilespmem:s20], [sflag:$0x1] =	stream.indirect.gather [hbm4b:s6+s11], $0x40, s19, s11, $0xb8;
	[tilespmem:$0x14500] =	vst v63  }
0xd2: {  	_ = 	snop  }
0xd3: {  	[tilespmem:s22], [sflag:$0x1] =	stream.indirect.gather [hbm4b:s6+s11], $0x40, s21, s11, $0xb8;
	[tilespmem:$0x14500] =	vst v63  }
0xd4: {  	_ = 	snop  }
0xd5: {  	[tilespmem:s25], [sflag:$0x1] =	stream.indirect.gather [hbm4b:s6+s11], $0x40, s23, s11, $0xb8;
	[tilespmem:$0x14500] =	vst v63  }
0xd6: {  	_ =	swait.ge [sflag:s26], $0x1400  }
0xd7: {  	[sflag:s26] =	ssyncset.done $0x0  }
0xd8: {  	[sflag:s26] =	ssyncadd.s32 $0xFFFFEC00  }
0xd9: {  	_ =	swait.ge [sflag:s26], $0x1400  }
0xda: {  	[sflag:s26] =	ssyncset.done $0x0  }
0xdb: {  	[sflag:s26] =	ssyncadd.s32 $0xFFFFEC00  }
0xdc: {  	_ =	swait.ge [sflag:s26], $0x1400  }
0xdd: {  	[sflag:s26] =	ssyncset.done $0x0  }
0xde: {  	[sflag:s26] =	ssyncadd.s32 $0xFFFFEC00  }
0xdf: {  	_ =	swait.ge [sflag:s26], $0x1400  }
0xe0: {  	[sflag:s26] =	ssyncset.done $0x0  }
0xe1: {  	[sflag:s26] =	ssyncadd.s32 $0xFFFFEC00  }
0xe2: {  	_ =	swait.ge [sflag:s26], $0x1400  }
0xe3: {  	[sflag:s26] =	ssyncset.done $0x0  }
0xe4: {  	[sflag:s26] =	ssyncadd.s32 $0xFFFFEC00  }
0xe5: {  	_ =	swait.ge [sflag:s26], $0x1400  }
0xe6: {  	[sflag:s26] =	ssyncset.done $0x0  }
0xe7: {  	[sflag:s26] =	ssyncadd.s32 $0xFFFFEC00  }
0xe8: {  	_ =	swait.ge [sflag:s26], $0x1400  }
0xe9: {  	[sflag:s26] =	ssyncset.done $0x0  }
0xea: {  	[sflag:s26] =	ssyncadd.s32 $0xFFFFEC00  }
0xeb: {  	_ =	swait.ge [sflag:s26], $0x1400  }
0xec: {  	[sflag:s26] =	ssyncset.done $0x0  }
0xed: {  	[sflag:s26] =	ssyncadd.s32 $0xFFFFEC00  }
0xee: {  	[spmem:s1] =	stream.indirect.scatter.add.f32 [tilespmem:s12], [sflag:$0x2], $0x40, s10, s11, $0xb8;
	[tilespmem:$0x14500] =	vst v63  }
0xef: {  	_ =	swait.ge [sflag:s9], $0x1400  }
0xf0: {  	[sflag:s9] =	ssyncset.done $0x0  }
0xf1: {  	[sflag:s9] =	ssyncadd.s32 $0xFFFFEC00  }
0xf2: {  	[spmem:s1] =	stream.indirect.scatter.add.f32 [tilespmem:s13], [sflag:$0x2], $0x40, s28, s11, $0xb8;
	[tilespmem:$0x14500] =	vst v63  }
0xf3: {  	_ =	swait.ge [sflag:s9], $0x1400  }
0xf4: {  	[sflag:s9] =	ssyncset.done $0x0  }
0xf5: {  	[sflag:s9] =	ssyncadd.s32 $0xFFFFEC00  }
0xf6: {  	[spmem:s1] =	stream.indirect.scatter.add.f32 [tilespmem:s14], [sflag:$0x2], $0x40, s29, s11, $0xb8;
	[tilespmem:$0x14500] =	vst v63  }
0xf7: {  	_ =	swait.ge [sflag:s9], $0x1400  }
0xf8: {  	[sflag:s9] =	ssyncset.done $0x0  }
0xf9: {  	[sflag:s9] =	ssyncadd.s32 $0xFFFFEC00  }
0xfa: {  	[spmem:s1] =	stream.indirect.scatter.add.f32 [tilespmem:s16], [sflag:$0x2], $0x40, s30, s11, $0xb8;
	[tilespmem:$0x14500] =	vst v63  }
0xfb: {  	_ =	swait.ge [sflag:s9], $0x1400  }
0xfc: {  	[sflag:s9] =	ssyncset.done $0x0  }
0xfd: {  	[sflag:s9] =	ssyncadd.s32 $0xFFFFEC00  }
0xfe: {  	[spmem:s1] =	stream.indirect.scatter.add.f32 [tilespmem:s18], [sflag:$0x2], $0x40, s31, s11, $0xb8;
	[tilespmem:$0x14500] =	vst v63  }
0xff: {  	_ =	swait.ge [sflag:s9], $0x1400  }
0x100: {  	[sflag:s9] =	ssyncset.done $0x0  }
0x101: {  	[sflag:s9] =	ssyncadd.s32 $0xFFFFEC00  }
0x102: {  	[spmem:s1] =	stream.indirect.scatter.add.f32 [tilespmem:s20], [sflag:$0x2], $0x40, s0, s11, $0xb8;
	[tilespmem:$0x14500] =	vst v63  }
0x103: {  	_ =	swait.ge [sflag:s9], $0x1400  }
0x104: {  	[sflag:s9] =	ssyncset.done $0x0  }
0x105: {  	[sflag:s9] =	ssyncadd.s32 $0xFFFFEC00  }
0x106: {  	[spmem:s1] =	stream.indirect.scatter.add.f32 [tilespmem:s22], [sflag:$0x2], $0x40, s2, s11, $0xb8;
	[tilespmem:$0x14500] =	vst v63  }
0x107: {  	_ =	swait.ge [sflag:s9], $0x1400  }
0x108: {  	[sflag:s9] =	ssyncset.done $0x0  }
0x109: {  	[sflag:s9] =	ssyncadd.s32 $0xFFFFEC00  }
0x10a: {  	[spmem:s1] =	stream.indirect.scatter.add.f32 [tilespmem:s25], [sflag:$0x2], $0x40, s4, s11, $0xb8;
	[tilespmem:$0x14500] =	vst v63  }
0x10b: {  	_ =	swait.ge [sflag:s9], $0x1400  }
0x10c: {  	[sflag:s9] =	ssyncset.done $0x0  }
0x10d: {  	[sflag:s9] =	ssyncadd.s32 $0xFFFFEC00  }
0x10e: {  	[bflag:$0x0] =	sbarrier.arrive $0xFFFF  }
0x10f: {  	s8 =	rddreg [dreg:$0x7]  }
0x110: {  	s24 =	rddreg [dreg:$0x9]  }
0x111: {  	s7 =	rddreg [dreg:$0xa]  }
0x112: {  	[hbm:s7], [sflag:s8] =	dma.local [spmem:s24], $0x1400  }
0x113: {  	_ =	swait.ge [sflag:s9], $0x1400  }
0x114: {  	s7 =	rddreg [dreg:$0xb]  }
0x115: {  	s5 =	rddreg [dreg:$0x8];
	s7 =	sadd.s32 $0x1, s7  }
0x116: {  	p0 =	sne.s32 s7, s5  }
.Ltmp1:
0x117: {  	_ = 	snop;
	(pc) =	sbr.rel @p0 .LBB2_1-.Ltmp1, $3  }
0x118: {  	_ =	sdelay $0x1  }
0x119: {  	[sflag:s9] =	ssyncset.done $0x0  }
0x11a: {  	[sflag:s9] =	ssyncadd.s32 $0xFFFFEC00  }
0x11b: {  	_ =	sfence.sel $0x180000  }
0x11c: {  	[bflag:$0x0] =	sbarrier.arrive $0xFFFF  }
0x11d: {  	_ =	strace $0x9000004A  }
0x11e: {  	s0 =	stileid.u32;
	[bflag:$0x2] =	sbarrier.arrive $0xFFFF  }
0x11f: {  	p0 =	sne.s32 s0, $0x0;
	s0 =	rddreg [dreg:$0x2]  }
0x120: {  	s0 =	sadd.s32 @!p0 $0x100000, s0  }
0x121: {  	[sflag:s0] =	ssyncadd.tile.s32 @!p0 $0x1;
	_ =	shalt  }
.Lfunc_end2:
_tile_overlayer_lowered:
.L_overlay_start_2:
0x122: {  	(tag) =	ssettag $0x2  }
0x123: {  	s0 =	rddreg [dreg:$0x0];
	s2 =	stileid.u32  }
0x124: {  	s1 =	rddreg [dreg:$0x1];
	p0 =	sne.s32 s2, $0x0  }
0x125: {  	s3 =	rddreg [dreg:$0x2];
	[bflag:$0x3] =	sbarrier.arrive $0xFFFF;
	s2 =	simm.s32 @!p0 $0x1C02  }
0x126: {  	[timem:s3], [sflag:s2] =	dma.local @!p0 [hbm:s0], s1  }
0x127: {  	s0 =	simm.s32 @!p0 $0x2  }
0x128: {  	_ =	swait.ge @!p0 [sflag:s0], s1  }
0x129: {  	s1 =	ssub.s32 @!p0 $0x0, s1;
	[sflag:s0] =	ssyncset.done @!p0 $0x0  }
0x12a: {  	[sflag:s0] =	ssyncadd.s32 @!p0 s1  }
0x12b: {  	[bflag:$0x3] =	sbarrier.arrive $0xFFFF  }
0x12c: {  	_ =	shalt  }

// kernel: kernel.14.cloned.1.call-start
scs
__scs_entry_jumppad:
0x0: {  	(pc) =	sbr.rel $0x88, $3  }
0x1: {  	(tag) =	ssettag $0x0;
	lr =	simm.s32 $0x1  }
0x2: {  	[smem:$0x3F99] =	sst lr;
	_ =	strace $0xD0000000  }
0x3: {  	_ = 	snop  }
0x4: {  	_ = 	snop  }
0x5: {  	_ = 	snop  }
0x6: {  	_ = 	snop  }
0x7: {  	_ = 	snop  }
__scs_overlays_trampoline_lowered:
0x8: {  	[smem:$0x3FA8] =	sst s0  }
0x9: {  	[smem:$0x3FA9] =	sst s1  }
0xa: {  	[smem:$0x3FAA] =	sst s2  }
0xb: {  	[smem:$0x3FAB] =	sst s3  }
0xc: {  	[smem:$0x3FAC] =	sst s4  }
0xd: {  	[smem:$0x3FAD] =	sst s5  }
0xe: {  	[smem:$0x3FAE] =	sst s6  }
0xf: {  	[smem:$0x3FAF] =	sst s7  }
0x10: {  	[smem:$0x3FB0] =	sst s8  }
0x11: {  	[smem:$0x3FB1] =	sst s9;
	s0 =	simm.s32 @!p0 $0x0  }
0x12: {  	s1 =	sld [smem:$0x3F97];
	s0 =	simm.s32 @p0 $0x1  }
0x13: {  	[smem:$0x3FB2] =	sst s0;
	s0 =	simm.s32 @!p1 $0x0  }
0x14: {  	s2 =	sld [smem:$0x3F96];
	s0 =	simm.s32 @p1 $0x1  }
0x15: {  	[smem:$0x3FB3] =	sst s0;
	s0 =	simm.s32 @!p2 $0x0  }
0x16: {  	s3 =	sld [smem:$0x3FDB];
	s0 =	simm.s32 @p2 $0x1  }
0x17: {  	s4 =	simm.s32 $0x1BF5;
	[smem:$0x3FB5] =	sst s0  }
0x18: {  	s0 =	sld [smem:$0x3F98];
	_ =	swait.ge [sflag:s4], $0x0  }
0x19: {  	s7 =	sld [smem:$0x3F99]  }
0x1a: {  	s8 =	sadd.s32 $0xFFFFE003, lr  }
0x1b: {  	s9 =	sadd.s32 $0xFFFFFEF7, lr;
	s5 =	simm.s32 $0xFFFFFFFF;
	p2 =	slt.u32 s8, $0xFFFFF086  }
0x1c: {  	p1 =	slt.u32 s9, $0xF7A;
	s5 =	simm.s32 @!p2 $0x0  }
0x1d: {  	s5 =	simm.s32 @p1 $0x1;
	p0 =	seq.s32 s7, s2  }
0x1e: {  	s7 =	smul.u32 @!p0 $0xF7A, s2;
	p2 =	seq.s32 @!p0 s5, $0x0  }
0x1f: {  	s9 =	smul.u32 $0xF7A, s1;
	s8 =	simm.s32 @!p0 $0x1BF5;
	p2 =	por !p2, p0  }
0x20: {  	[sflag:s8] =	ssyncset.s32 @!p0 $0xFFFFF086;
	s6 =	sadd.s32 @!p0 s3, s7;
	s7 =	simm.s32 @!p0 $0x108  }
0x21: {  	s3 =	sadd.s32 s3, s9;
	s6 =	sadd.s32 @!p0 $0x88, s6;
	s7 =	simm.s32 @p2 $0x1082  }
0x22: {  	[simem:s7], [sflag:s8] =	dma.local @!p0 [hbm:s6], $0xF7A  }
0x23: {  	s9 =	sor.u32 $0xD0000000, s2;
	s6 =	simm.s32 $0x108;
	_ =	swait.ge @!p0 [sflag:s8], $0x0  }
0x24: {  	s3 =	sadd.s32 $0x88, s3;
	s6 =	simm.s32 @!p1 $0x1082;
	[sflag:s4] =	ssyncset.s32 $0xFFFFF086  }
0x25: {  	[simem:s6], [sflag:s4] =	dma.local [hbm:s3], $0xF7A  }
0x26: {  	[smem:$0x3F99] =	sst s1;
	(tag) =	ssettag s2;
	_ =	strace s9  }
0x27: {  	s1 =	sld [smem:$0x3FA9]  }
0x28: {  	s2 =	sld [smem:$0x3FAA]  }
0x29: {  	s4 =	sld [smem:$0x3FAC]  }
0x2a: {  	p0 =	seq.s32 s5, $0x0;
	s5 =	sld [smem:$0x3FAD]  }
0x2b: {  	s6 =	sld [smem:$0x3FAE]  }
0x2c: {  	s7 =	sld [smem:$0x3FAF]  }
0x2d: {  	s3 =	simm.s32 $0x108;
	s8 =	sld [smem:$0x3FB0]  }
0x2e: {  	s3 =	simm.s32 @!p0 $0x1082;
	s9 =	sld [smem:$0x3FB1]  }
0x2f: {  	lr =	sadd.s32 s0, s3;
	s0 =	sld [smem:$0x3FA8]  }
0x30: {  	s3 =	sld [smem:$0x3FAB]  }
0x31: {  	[smem:$0x3FB4] =	sst s10  }
0x32: {  	s10 =	sld [smem:$0x3FB2];
	_ =	sdelay $0x3  }
0x33: {  	p0 =	seq.s32 s10, $0x1;
	s10 =	sld [smem:$0x3FB4];
	_ =	sdelay $0x3  }
0x34: {  	[smem:$0x3FB4] =	sst s10  }
0x35: {  	s10 =	sld [smem:$0x3FB3];
	_ =	sdelay $0x3  }
0x36: {  	p1 =	seq.s32 s10, $0x1;
	s10 =	sld [smem:$0x3FB4];
	_ =	sdelay $0x3  }
0x37: {  	[smem:$0x3FB4] =	sst s10  }
0x38: {  	s10 =	sld [smem:$0x3FB5]  }
0x39: {  	_ = 	snop;
	(pc) =	sbr.ind lr, $3  }
0x3a: {  	_ = 	snop  }
0x3b: {  	_ = 	snop  }
0x3c: {  	p2 =	seq.s32 s10, $0x1;
	s10 =	sld [smem:$0x3FB4]  }
0x3d: {  	_ =	shalt  }
0x3e: {  	_ =	shalt  }
0x3f: {  	_ =	shalt  }
0x40: {  	_ =	shalt  }
0x41: {  	_ =	shalt  }
0x42: {  	_ =	shalt  }
0x43: {  	_ =	shalt  }
0x44: {  	_ =	shalt  }
0x45: {  	_ =	shalt  }
0x46: {  	_ =	shalt  }
0x47: {  	_ =	shalt  }
0x48: {  	_ =	shalt  }
0x49: {  	_ =	shalt  }
0x4a: {  	_ =	shalt  }
0x4b: {  	_ =	shalt  }
0x4c: {  	_ =	shalt  }
0x4d: {  	_ =	shalt  }
0x4e: {  	_ =	shalt  }
0x4f: {  	_ =	shalt  }
0x50: {  	_ =	shalt  }
0x51: {  	_ =	shalt  }
0x52: {  	_ =	shalt  }
0x53: {  	_ =	shalt  }
0x54: {  	_ =	shalt  }
0x55: {  	_ =	shalt  }
0x56: {  	_ =	shalt  }
0x57: {  	_ =	shalt  }
0x58: {  	_ =	shalt  }
0x59: {  	_ =	shalt  }
0x5a: {  	_ =	shalt  }
0x5b: {  	_ =	shalt  }
0x5c: {  	_ =	shalt  }
0x5d: {  	_ =	shalt  }
0x5e: {  	_ =	shalt  }
0x5f: {  	_ =	shalt  }
0x60: {  	_ =	shalt  }
0x61: {  	_ =	shalt  }
0x62: {  	_ =	shalt  }
0x63: {  	_ =	shalt  }
0x64: {  	_ =	shalt  }
0x65: {  	_ =	shalt  }
0x66: {  	_ =	shalt  }
0x67: {  	_ =	shalt  }
0x68: {  	_ =	shalt  }
0x69: {  	_ =	shalt  }
0x6a: {  	_ =	shalt  }
0x6b: {  	_ =	shalt  }
0x6c: {  	_ =	shalt  }
0x6d: {  	_ =	shalt  }
0x6e: {  	_ =	shalt  }
0x6f: {  	_ =	shalt  }
0x70: {  	_ =	shalt  }
0x71: {  	_ =	shalt  }
0x72: {  	_ =	shalt  }
0x73: {  	_ =	shalt  }
0x74: {  	_ =	shalt  }
0x75: {  	_ =	shalt  }
0x76: {  	_ =	shalt  }
0x77: {  	_ =	shalt  }
0x78: {  	_ =	shalt  }
0x79: {  	_ =	shalt  }
0x7a: {  	_ =	shalt  }
0x7b: {  	_ =	shalt  }
0x7c: {  	_ =	shalt  }
0x7d: {  	_ =	shalt  }
0x7e: {  	_ =	shalt  }
0x7f: {  	_ =	shalt  }
0x80: {  	_ =	shalt  }
0x81: {  	_ =	shalt  }
0x82: {  	_ =	shalt  }
0x83: {  	_ =	shalt  }
0x84: {  	_ =	shalt  }
0x85: {  	_ =	shalt  }
0x86: {  	_ =	shalt  }
0x87: {  	_ =	shalt  }
.Lfunc_end0:
.L_simem_size_0:
called_computation.2_lowered:
.L_overlay_start_0:
0x88: {  	s2 =	sld [smem:$0x3FD9]  }
0x89: {  	s3 =	sld [smem:$0x3FFE];
	_ =	sdelay $0x1  }
0x8a: {  	s1 =	srdreg.scid  }
0x8b: {  	s0 =	sand.u32 $0x1, s1  }
0x8c: {  	s17 =	sshll.u32 s0, $0xA;
	s2 =	sadd.s32 s3, s2  }
0x8d: {  	s2 =	sadd.s32 s2, s17  }
0x8e: {  	[smem:$0x3FC0] =	sst s2  }
0x8f: {  	_ = 	snop  }
0x90: {  	s2 =	sld [smem:$0x3FD0];
	(tm) =	ssettm $0x1  }
0x91: {  	s18 =	sld [smem:$0x3FFB];
	_ =	sdelay $0x3  }
0x92: {  	_ =	strace s18  }
0x93: {  	s3 =	sld [smem:$0x3FFC];
	_ =	sdelay $0x3  }
0x94: {  	_ =	strace s3  }
0x95: {  	s3 =	sld [smem:$0x3FFD];
	_ =	sdelay $0x3  }
0x96: {  	_ =	strace s3  }
0x97: {  	_ =	strace $0x8FFFFFFF  }
0x98: {  	s19 =	sld [smem:$0x3FDB];
	_ =	sdelay $0x1  }
0x99: {  	s4 =	simm.s32 $_scs_section_size  }
0x9a: {  	s5 =	simm.s32 $_size__tile_overlayer_lowered;
	s6 =	simm.s32 $_tile_overlayer_lowered  }
0x9b: {  	s22 =	simm.s32 $0x1BFF;
	s21 =	sshll.u32 s6, $0x1;
	s3 =	sadd.s32 s4, s19  }
0x9c: {  	s7 =	simm.s32 $0x0;
	s20 =	sshll.u32 s5, $0x1;
	s5 =	sadd.s32 s21, s3  }
0x9d: {  	[timem:s7], [sflag:s22] =	dma.local [hbm:s5], s20  }
0x9e: {  	_ =	swait.ge [sflag:s22], s20  }
0x9f: {  	s4 =	ssub.s32 $0x0, s20;
	[sflag:s22] =	ssyncset.done $0x0  }
0xa0: {  	[sflag:s22] =	ssyncadd.s32 s4;
	_ =	sdelay $0x1  }
0xa1: {  	s23 =	simm.s32 $0x1B8B  }
0xa2: {  	_ =	swait.ge [sflag:s23], $0x1  }
0xa3: {  	[sflag:s23] =	ssyncset.done $0x0  }
0xa4: {  	s25 =	simm.s32 $0x1B8E;
	s24 =	sld [smem:$0x3FFE];
	[sflag:s23] =	ssyncadd.s32 $0xFFFFFFFF  }
0xa5: {  	s26 =	simm.s32 $execute0_lowered;
	[smem:$0x3FD2] =	sst s25  }
0xa6: {  	s5 =	sshll.u32 s26, $0x1;
	_ =	strace $0x8000004C;
	[dreg:$0x1] =	wrdreg $0xFFFFFFFF  }
0xa7: {  	s28 =	simm.s32 $_size_execute0_lowered;
	s3 =	sadd.s32 s3, s5;
	[dreg:$0x0] =	wrdreg $0x0  }
0xa8: {  	s5 =	sshll.u32 s28, $0x1;
	[dreg:$0x2] =	wrdreg s3  }
0xa9: {  	[dreg:$0x3] =	wrdreg s5  }
0xaa: {  	[dreg:$0x4] =	wrdreg $0xC0  }
0xab: {  	_ =	task [dreg:s7], $0x5FFFF  }
0xac: {  	[dreg:$0x1] =	wrdreg $0xFFFFFFFF  }
0xad: {  	[dreg:$0x0] =	wrdreg $0x60  }
0xae: {  	[dreg:$0x2] =	wrdreg s2  }
0xaf: {  	[dreg:$0x3] =	wrdreg s24  }
0xb0: {  	[dreg:$0x4] =	wrdreg $0x2D000  }
0xb1: {  	[dreg:$0x5] =	wrdreg $0x9  }
0xb2: {  	_ =	task.clear_ibuf [dreg:s7], $0x6FFFF;
	_ =	strace $0x9000004C  }
0xb3: {  	s29 =	simm.s32 $0x9;
	_ =	strace $0x8000004E  }
0xb4: {  	_ =	swait.ge [sflag:s29], $0x1  }
0xb5: {  	[sflag:s29] =	ssyncadd.s32 $0xFFFFFFFF  }
0xb6: {  	_ =	strace $0x9000004E  }
0xb7: {  	_ =	sfence  }
0xb8: {  	s30 =	sld [smem:$0x0];
	_ =	sdelay $0x2  }
0xb9: {  	s31 =	sshll.u32 s1, $0xD;
	s1 =	sshrl.u32 s1, $0x2  }
0xba: {  	s3 =	sand.u32 $0x4000, s31;
	s1 =	sadd.s32 s1, s30  }
0xbb: {  	s0 =	sor.u32 s3, s0;
	s1 =	sshll.u32 s1, $0x11  }
0xbc: {  	s0 =	sor.u32 s1, s0  }
0xbd: {  	s0 =	sadd.s32 $0x8F2B, s0  }
0xbe: {  	[sflag:s0] =	ssyncadd.remote.s32 $0x1  }
0xbf: {  	_ =	sfence.sel $0xFFFF  }
0xc0: {  	[dreg:$0x0] =	wrdreg $0xFFFFFFFF;
	(pc) =	sbr.abs _section_cstart, $3  }
0xc1: {  	[dreg:$0x1] =	wrdreg $0xFFFFFFFF  }
0xc2: {  	_ =	task.clear_ibuf [dreg:s7], $0x2FFFF;
	_ =	strace $0x9FFFFFFF  }
0xc3: {  	(tm) =	ssettm $0x7FFFFFFF  }
tec
execute0_lowered:
.L_overlay_start_1:
0x0: {  	(tag) =	ssettag $0x1  }
0x1: {  	s1 =	rddreg [dreg:$0x0]  }
0x2: {  	s0 =	rddreg [dreg:$0x1]  }
0x3: {  	s3 =	rddreg [dreg:$0x2];
	s4 =	simm.s32 $0x0;
	s12 =	stileid.u32  }
0x4: {  	s6 =	srdreg.scid;
	s26 =	simm.s32 $0xA0;
	s13 =	simm.s32 $0xA00  }
0x5: {  	s14 =	simm.s32 $0xF00;
	s15 =	simm.s32 $0xF0;
	s16 =	simm.s32 $0x1400  }
0x6: {  	s17 =	simm.s32 $0x140;
	s18 =	simm.s32 $0x1900;
	s19 =	simm.s32 $0x190  }
0x7: {  	s20 =	simm.s32 $0x1E00;
	s21 =	simm.s32 $0x1E0;
	s22 =	simm.s32 $0x2300  }
0x8: {  	s28 =	simm.s32 $0x2D0;
	s29 =	simm.s32 $0x320;
	s30 =	simm.s32 $0x370  }
0x9: {  	s31 =	simm.s32 $0x3C0;
	[smem:$0x7FF] =	sst s4;
	s2 =	smul.u32 $0xA00, s12  }
0xa: {  	s5 =	smul.u32 $0x2800, s12;
	s6 =	sand.u32 $0x1, s6;
	s25 =	sshll.u32 s12, $0x6  }
0xb: {  	s12 =	simm.s32 $0x500;
	_ =	strace $0x8000004D;
	s8 =	smul.u32 $0x5000, s6  }
0xc: {  	s9 =	ssub.s32 $0x2, s6;
	s6 =	smul.u32 $0x500, s6;
	[dreg:$0x6] =	wrdreg s26  }
0xd: {  	s26 =	simm.s32 $0x1;
	s2 =	sadd.s32 s2, s0;
	s7 =	sshrl.u32 s5, $0x3  }
0xe: {  	s11 =	sshrl.u32 s9, $0x1;
	s5 =	sadd.s32 s5, s3;
	s10 =	sadd.s32 s7, s0  }
0xf: {  	s0 =	sadd.s32 s8, s0;
	s23 =	ssub.s32 s9, s11;
	s2 =	sadd.s32 s6, s2  }
0x10: {  	s9 =	simm.s32 $0x2;
	s11 =	simm.s32 $0x50;
	s24 =	sadd.s32 $0xC400, s10  }
0x11: {  	s0 =	sadd.s32 $0x11400, s0;
	s8 =	smax.u32 s23, $0x1;
	[dreg:$0x7] =	wrdreg s24  }
0x12: {  	s6 =	sadd.s32 $0x1B400, s2;
	s2 =	sadd.s32 $0x2400, s2;
	[dreg:$0x9] =	wrdreg s8  }
0x13: {  	s10 =	simm.s32 $0x280;
	s23 =	simm.s32 $0x230;
	[dreg:$0x4] =	wrdreg s6  }
0x14: {  	s24 =	sor.u32 $0x1C02, s25;
	[dreg:$0x5] =	wrdreg s2;
	s0 =	sadd.s32 s7, s0  }
0x15: {  	s8 =	sshrl.u32 s5, $0x3;
	s25 =	simm.s32 $0x2800;
	[dreg:$0xb] =	wrdreg s0  }
0x16: {  	s2 =	simm.s32 $0x460;
	s5 =	simm.s32 $0x4B0;
	[dreg:$0x8] =	wrdreg s24  }
0x17: {  	s7 =	simm.s32 $0x0;
	s0 =	simm.s32 $0x410;
	[dreg:$0xa] =	wrdreg s8  }
.LBB2_1:
0x18: {  	[dreg:$0xc] =	wrdreg s7  }
0x19: {  	s6 =	rddreg [dreg:$0x7]  }
0x1a: {  	[spmem:s8], [sflag:s24] =	dma.local [hbm:s6], $0x500  }
0x1b: {  	_ =	swait.ge [sflag:s9], $0x500  }
0x1c: {  	[sflag:s9] =	ssyncset.done $0x0  }
0x1d: {  	[sflag:s9] =	ssyncadd.s32 $0xFFFFFB00  }
0x1e: {  	[bflag:$0x0] =	sbarrier.arrive $0xFFFF  }
0x1f: {  	s7 =	rddreg [dreg:$0x4]  }
0x20: {  	s6 =	sadd.s32 $0x0, s7  }
0x21: {  	[tilespmem:s4], [sflag:$0x2] =	stream.linear.gather [hbm4b:s6+s4], $0x280, $0x38;
	[tilespmem:$0x5500] =	vst v63  }
0x22: {  	_ =	swait.ge [sflag:s9], $0x280  }
0x23: {  	s8 =	rddreg [dreg:$0x5];
	[sflag:s9] =	ssyncset.done $0x0  }
0x24: {  	[sflag:s9] =	ssyncadd.s32 $0xFFFFFD80;
	s6 =	sadd.s32 $0x0, s8  }
0x25: {  	[tilespmem:s10], [sflag:$0x2] =	stream.linear.gather [hbm4b:s6+s4], $0x280, $0x38;
	[tilespmem:$0x5500] =	vst v63  }
0x26: {  	_ =	swait.ge [sflag:s9], $0x280  }
0x27: {  	[sflag:s9] =	ssyncset.done $0x0  }
0x28: {  	[sflag:s9] =	ssyncadd.s32 $0xFFFFFD80  }
0x29: {  	[tilespmem:s12], [sflag:$0x1] =	stream.indirect.gather [hbm4b:s1+s11], $0x10, s4, s11, $0xb8;
	[tilespmem:$0x5500] =	vst v63  }
0x2a: {  	_ = 	snop  }
0x2b: {  	[tilespmem:s13], [sflag:$0x1] =	stream.indirect.gather [hbm4b:s1+s11], $0x10, s11, s11, $0xb8;
	[tilespmem:$0x5500] =	vst v63  }
0x2c: {  	s24 =	rddreg [dreg:$0x6]  }
0x2d: {  	[tilespmem:s14], [sflag:$0x1] =	stream.indirect.gather [hbm4b:s1+s11], $0x10, s24, s11, $0xb8;
	[tilespmem:$0x5500] =	vst v63  }
0x2e: {  	_ = 	snop  }
0x2f: {  	[tilespmem:s16], [sflag:$0x1] =	stream.indirect.gather [hbm4b:s1+s11], $0x10, s15, s11, $0xb8;
	[tilespmem:$0x5500] =	vst v63  }
0x30: {  	_ = 	snop  }
0x31: {  	[tilespmem:s18], [sflag:$0x1] =	stream.indirect.gather [hbm4b:s1+s11], $0x10, s17, s11, $0xb8;
	[tilespmem:$0x5500] =	vst v63  }
0x32: {  	_ = 	snop  }
0x33: {  	[tilespmem:s20], [sflag:$0x1] =	stream.indirect.gather [hbm4b:s1+s11], $0x10, s19, s11, $0xb8;
	[tilespmem:$0x5500] =	vst v63  }
0x34: {  	_ = 	snop  }
0x35: {  	[tilespmem:s22], [sflag:$0x1] =	stream.indirect.gather [hbm4b:s1+s11], $0x10, s21, s11, $0xb8;
	[tilespmem:$0x5500] =	vst v63  }
0x36: {  	_ = 	snop  }
0x37: {  	[tilespmem:s25], [sflag:$0x1] =	stream.indirect.gather [hbm4b:s1+s11], $0x10, s23, s11, $0xb8;
	[tilespmem:$0x5500] =	vst v63  }
0x38: {  	_ =	swait.ge [sflag:s26], $0x500  }
0x39: {  	[sflag:s26] =	ssyncset.done $0x0  }
0x3a: {  	[sflag:s26] =	ssyncadd.s32 $0xFFFFFB00  }
0x3b: {  	_ =	swait.ge [sflag:s26], $0x500  }
0x3c: {  	[sflag:s26] =	ssyncset.done $0x0  }
0x3d: {  	[sflag:s26] =	ssyncadd.s32 $0xFFFFFB00  }
0x3e: {  	_ =	swait.ge [sflag:s26], $0x500  }
0x3f: {  	[sflag:s26] =	ssyncset.done $0x0  }
0x40: {  	[sflag:s26] =	ssyncadd.s32 $0xFFFFFB00  }
0x41: {  	_ =	swait.ge [sflag:s26], $0x500  }
0x42: {  	[sflag:s26] =	ssyncset.done $0x0  }
0x43: {  	[sflag:s26] =	ssyncadd.s32 $0xFFFFFB00  }
0x44: {  	_ =	swait.ge [sflag:s26], $0x500  }
0x45: {  	[sflag:s26] =	ssyncset.done $0x0  }
0x46: {  	[sflag:s26] =	ssyncadd.s32 $0xFFFFFB00  }
0x47: {  	_ =	swait.ge [sflag:s26], $0x500  }
0x48: {  	[sflag:s26] =	ssyncset.done $0x0  }
0x49: {  	[sflag:s26] =	ssyncadd.s32 $0xFFFFFB00  }
0x4a: {  	_ =	swait.ge [sflag:s26], $0x500  }
0x4b: {  	[sflag:s26] =	ssyncset.done $0x0  }
0x4c: {  	[sflag:s26] =	ssyncadd.s32 $0xFFFFFB00  }
0x4d: {  	_ =	swait.ge [sflag:s26], $0x500  }
0x4e: {  	[sflag:s26] =	ssyncset.done $0x0  }
0x4f: {  	[sflag:s26] =	ssyncadd.s32 $0xFFFFFB00  }
0x50: {  	[spmem:s3] =	stream.indirect.scatter.add.f32 [tilespmem:s12], [sflag:$0x2], $0x10, s10, s11, $0xb8;
	[tilespmem:$0x5500] =	vst v63  }
0x51: {  	_ =	swait.ge [sflag:s9], $0x500  }
0x52: {  	[sflag:s9] =	ssyncset.done $0x0  }
0x53: {  	[sflag:s9] =	ssyncadd.s32 $0xFFFFFB00  }
0x54: {  	[spmem:s3] =	stream.indirect.scatter.add.f32 [tilespmem:s13], [sflag:$0x2], $0x10, s28, s11, $0xb8;
	[tilespmem:$0x5500] =	vst v63  }
0x55: {  	_ =	swait.ge [sflag:s9], $0x500  }
0x56: {  	[sflag:s9] =	ssyncset.done $0x0  }
0x57: {  	[sflag:s9] =	ssyncadd.s32 $0xFFFFFB00  }
0x58: {  	[spmem:s3] =	stream.indirect.scatter.add.f32 [tilespmem:s14], [sflag:$0x2], $0x10, s29, s11, $0xb8;
	[tilespmem:$0x5500] =	vst v63  }
0x59: {  	_ =	swait.ge [sflag:s9], $0x500  }
0x5a: {  	[sflag:s9] =	ssyncset.done $0x0  }
0x5b: {  	[sflag:s9] =	ssyncadd.s32 $0xFFFFFB00  }
0x5c: {  	[spmem:s3] =	stream.indirect.scatter.add.f32 [tilespmem:s16], [sflag:$0x2], $0x10, s30, s11, $0xb8;
	[tilespmem:$0x5500] =	vst v63  }
0x5d: {  	_ =	swait.ge [sflag:s9], $0x500  }
0x5e: {  	[sflag:s9] =	ssyncset.done $0x0  }
0x5f: {  	[sflag:s9] =	ssyncadd.s32 $0xFFFFFB00  }
0x60: {  	[spmem:s3] =	stream.indirect.scatter.add.f32 [tilespmem:s18], [sflag:$0x2], $0x10, s31, s11, $0xb8;
	[tilespmem:$0x5500] =	vst v63  }
0x61: {  	_ =	swait.ge [sflag:s9], $0x500  }
0x62: {  	[sflag:s9] =	ssyncset.done $0x0  }
0x63: {  	[sflag:s9] =	ssyncadd.s32 $0xFFFFFB00  }
0x64: {  	[spmem:s3] =	stream.indirect.scatter.add.f32 [tilespmem:s20], [sflag:$0x2], $0x10, s0, s11, $0xb8;
	[tilespmem:$0x5500] =	vst v63  }
0x65: {  	_ =	swait.ge [sflag:s9], $0x500  }
0x66: {  	[sflag:s9] =	ssyncset.done $0x0  }
0x67: {  	[sflag:s9] =	ssyncadd.s32 $0xFFFFFB00  }
0x68: {  	[spmem:s3] =	stream.indirect.scatter.add.f32 [tilespmem:s22], [sflag:$0x2], $0x10, s2, s11, $0xb8;
	[tilespmem:$0x5500] =	vst v63  }
0x69: {  	_ =	swait.ge [sflag:s9], $0x500  }
0x6a: {  	[sflag:s9] =	ssyncset.done $0x0  }
0x6b: {  	[sflag:s9] =	ssyncadd.s32 $0xFFFFFB00  }
0x6c: {  	[spmem:s3] =	stream.indirect.scatter.add.f32 [tilespmem:s25], [sflag:$0x2], $0x10, s5, s11, $0xb8;
	[tilespmem:$0x5500] =	vst v63  }
0x6d: {  	s6 =	simm.s32 $0xA0;
	_ =	swait.ge [sflag:s9], $0x500  }
0x6e: {  	s24 =	simm.s32 $0x50;
	s8 =	rddreg [dreg:$0x4];
	[sflag:s9] =	ssyncset.done $0x0  }
.LBB2_2:
0x6f: {  	[sflag:s9] =	ssyncadd.s32 $0xFFFFFB00;
	s8 =	sadd.s32 s24, s8  }
0x70: {  	[tilespmem:s4], [sflag:$0x2] =	stream.linear.gather [hbm4b:s8+s4], $0x280, $0x38;
	[tilespmem:$0x5500] =	vst v63  }
0x71: {  	_ =	swait.ge [sflag:s9], $0x280  }
0x72: {  	s8 =	rddreg [dreg:$0x5];
	[sflag:s9] =	ssyncset.done $0x0  }
0x73: {  	[sflag:s9] =	ssyncadd.s32 $0xFFFFFD80;
	s8 =	sadd.s32 s24, s8  }
0x74: {  	[tilespmem:s10], [sflag:$0x2] =	stream.linear.gather [hbm4b:s8+s4], $0x280, $0x38;
	[tilespmem:$0x5500] =	vst v63  }
0x75: {  	_ =	swait.ge [sflag:s9], $0x280  }
0x76: {  	[sflag:s9] =	ssyncset.done $0x0  }
0x77: {  	[sflag:s9] =	ssyncadd.s32 $0xFFFFFD80  }
0x78: {  	[tilespmem:s12], [sflag:$0x1] =	stream.indirect.gather [hbm4b:s1+s11], $0x10, s4, s11, $0xb8;
	[tilespmem:$0x5500] =	vst v63  }
0x79: {  	_ = 	snop  }
0x7a: {  	[tilespmem:s13], [sflag:$0x1] =	stream.indirect.gather [hbm4b:s1+s11], $0x10, s11, s11, $0xb8;
	[tilespmem:$0x5500] =	vst v63  }
0x7b: {  	s8 =	rddreg [dreg:$0x6]  }
0x7c: {  	[tilespmem:s14], [sflag:$0x1] =	stream.indirect.gather [hbm4b:s1+s11], $0x10, s8, s11, $0xb8;
	[tilespmem:$0x5500] =	vst v63  }
0x7d: {  	_ = 	snop  }
0x7e: {  	[tilespmem:s16], [sflag:$0x1] =	stream.indirect.gather [hbm4b:s1+s11], $0x10, s15, s11, $0xb8;
	[tilespmem:$0x5500] =	vst v63  }
0x7f: {  	_ = 	snop  }
0x80: {  	[tilespmem:s18], [sflag:$0x1] =	stream.indirect.gather [hbm4b:s1+s11], $0x10, s17, s11, $0xb8;
	[tilespmem:$0x5500] =	vst v63  }
0x81: {  	_ = 	snop  }
0x82: {  	[tilespmem:s20], [sflag:$0x1] =	stream.indirect.gather [hbm4b:s1+s11], $0x10, s19, s11, $0xb8;
	[tilespmem:$0x5500] =	vst v63  }
0x83: {  	_ = 	snop  }
0x84: {  	[tilespmem:s22], [sflag:$0x1] =	stream.indirect.gather [hbm4b:s1+s11], $0x10, s21, s11, $0xb8;
	[tilespmem:$0x5500] =	vst v63  }
0x85: {  	_ = 	snop  }
0x86: {  	[tilespmem:s25], [sflag:$0x1] =	stream.indirect.gather [hbm4b:s1+s11], $0x10, s23, s11, $0xb8;
	[tilespmem:$0x5500] =	vst v63  }
0x87: {  	_ =	swait.ge [sflag:s26], $0x500  }
0x88: {  	[sflag:s26] =	ssyncset.done $0x0  }
0x89: {  	[sflag:s26] =	ssyncadd.s32 $0xFFFFFB00  }
0x8a: {  	_ =	swait.ge [sflag:s26], $0x500  }
0x8b: {  	[sflag:s26] =	ssyncset.done $0x0  }
0x8c: {  	[sflag:s26] =	ssyncadd.s32 $0xFFFFFB00  }
0x8d: {  	_ =	swait.ge [sflag:s26], $0x500  }
0x8e: {  	[sflag:s26] =	ssyncset.done $0x0  }
0x8f: {  	[sflag:s26] =	ssyncadd.s32 $0xFFFFFB00  }
0x90: {  	_ =	swait.ge [sflag:s26], $0x500  }
0x91: {  	[sflag:s26] =	ssyncset.done $0x0  }
0x92: {  	[sflag:s26] =	ssyncadd.s32 $0xFFFFFB00  }
0x93: {  	_ =	swait.ge [sflag:s26], $0x500  }
0x94: {  	[sflag:s26] =	ssyncset.done $0x0  }
0x95: {  	[sflag:s26] =	ssyncadd.s32 $0xFFFFFB00  }
0x96: {  	_ =	swait.ge [sflag:s26], $0x500  }
0x97: {  	[sflag:s26] =	ssyncset.done $0x0  }
0x98: {  	[sflag:s26] =	ssyncadd.s32 $0xFFFFFB00  }
0x99: {  	_ =	swait.ge [sflag:s26], $0x500  }
0x9a: {  	[sflag:s26] =	ssyncset.done $0x0  }
0x9b: {  	[sflag:s26] =	ssyncadd.s32 $0xFFFFFB00  }
0x9c: {  	_ =	swait.ge [sflag:s26], $0x500  }
0x9d: {  	[sflag:s26] =	ssyncset.done $0x0  }
0x9e: {  	[sflag:s26] =	ssyncadd.s32 $0xFFFFFB00  }
0x9f: {  	[spmem:s3] =	stream.indirect.scatter.add.f32 [tilespmem:s12], [sflag:$0x2], $0x10, s10, s11, $0xb8;
	[tilespmem:$0x5500] =	vst v63  }
0xa0: {  	_ =	swait.ge [sflag:s9], $0x500  }
0xa1: {  	[sflag:s9] =	ssyncset.done $0x0  }
0xa2: {  	[sflag:s9] =	ssyncadd.s32 $0xFFFFFB00  }
0xa3: {  	[spmem:s3] =	stream.indirect.scatter.add.f32 [tilespmem:s13], [sflag:$0x2], $0x10, s28, s11, $0xb8;
	[tilespmem:$0x5500] =	vst v63  }
0xa4: {  	_ =	swait.ge [sflag:s9], $0x500  }
0xa5: {  	[sflag:s9] =	ssyncset.done $0x0  }
0xa6: {  	[sflag:s9] =	ssyncadd.s32 $0xFFFFFB00  }
0xa7: {  	[spmem:s3] =	stream.indirect.scatter.add.f32 [tilespmem:s14], [sflag:$0x2], $0x10, s29, s11, $0xb8;
	[tilespmem:$0x5500] =	vst v63  }
0xa8: {  	_ =	swait.ge [sflag:s9], $0x500  }
0xa9: {  	[sflag:s9] =	ssyncset.done $0x0  }
0xaa: {  	[sflag:s9] =	ssyncadd.s32 $0xFFFFFB00  }
0xab: {  	[spmem:s3] =	stream.indirect.scatter.add.f32 [tilespmem:s16], [sflag:$0x2], $0x10, s30, s11, $0xb8;
	[tilespmem:$0x5500] =	vst v63  }
0xac: {  	_ =	swait.ge [sflag:s9], $0x500  }
0xad: {  	[sflag:s9] =	ssyncset.done $0x0  }
0xae: {  	[sflag:s9] =	ssyncadd.s32 $0xFFFFFB00  }
0xaf: {  	[spmem:s3] =	stream.indirect.scatter.add.f32 [tilespmem:s18], [sflag:$0x2], $0x10, s31, s11, $0xb8;
	[tilespmem:$0x5500] =	vst v63  }
0xb0: {  	_ =	swait.ge [sflag:s9], $0x500  }
0xb1: {  	[sflag:s9] =	ssyncset.done $0x0  }
0xb2: {  	[sflag:s9] =	ssyncadd.s32 $0xFFFFFB00  }
0xb3: {  	[spmem:s3] =	stream.indirect.scatter.add.f32 [tilespmem:s20], [sflag:$0x2], $0x10, s0, s11, $0xb8;
	[tilespmem:$0x5500] =	vst v63  }
0xb4: {  	_ =	swait.ge [sflag:s9], $0x500  }
0xb5: {  	[sflag:s9] =	ssyncset.done $0x0  }
0xb6: {  	[sflag:s9] =	ssyncadd.s32 $0xFFFFFB00  }
0xb7: {  	[spmem:s3] =	stream.indirect.scatter.add.f32 [tilespmem:s22], [sflag:$0x2], $0x10, s2, s11, $0xb8;
	[tilespmem:$0x5500] =	vst v63  }
0xb8: {  	p0 =	sne.s32 s6, $0x4B0;
	_ =	swait.ge [sflag:s9], $0x500  }
.Ltmp0:
0xb9: {  	[sflag:s9] =	ssyncset.done $0x0;
	(pc) =	sbr.rel @p0 .LBB2_2-.Ltmp0, $4  }
0xba: {  	[sflag:s9] =	ssyncadd.s32 $0xFFFFFB00  }
0xbb: {  	[spmem:s3] =	stream.indirect.scatter.add.f32 [tilespmem:s25], [sflag:$0x2], $0x10, s5, s11, $0xb8;
	[tilespmem:$0x5500] =	vst v63  }
0xbc: {  	s7 =	smov.u32 s6;
	s6 =	sadd.s32 $0x50, s6;
	_ =	swait.ge [sflag:s9], $0x500  }
0xbd: {  	s24 =	smov.u32 s7;
	s8 =	rddreg [dreg:$0x4];
	[sflag:s9] =	ssyncset.done $0x0  }
0xbe: {  	[sflag:s9] =	ssyncadd.s32 $0xFFFFFB00;
	s6 =	sadd.s32 s24, s8  }
0xbf: {  	[tilespmem:s4], [sflag:$0x2] =	stream.linear.gather [hbm4b:s6+s4], $0x280, $0x38;
	[tilespmem:$0x5500] =	vst v63  }
0xc0: {  	_ =	swait.ge [sflag:s9], $0x280  }
0xc1: {  	s8 =	rddreg [dreg:$0x5];
	[sflag:s9] =	ssyncset.done $0x0  }
0xc2: {  	s6 =	sadd.s32 s24, s8;
	[sflag:s9] =	ssyncadd.s32 $0xFFFFFD80  }
0xc3: {  	[tilespmem:s10], [sflag:$0x2] =	stream.linear.gather [hbm4b:s6+s4], $0x280, $0x38;
	[tilespmem:$0x5500] =	vst v63  }
0xc4: {  	_ =	swait.ge [sflag:s9], $0x280  }
0xc5: {  	[sflag:s9] =	ssyncset.done $0x0  }
0xc6: {  	[sflag:s9] =	ssyncadd.s32 $0xFFFFFD80  }
0xc7: {  	[tilespmem:s12], [sflag:$0x1] =	stream.indirect.gather [hbm4b:s1+s11], $0x10, s4, s11, $0xb8;
	[tilespmem:$0x5500] =	vst v63  }
0xc8: {  	_ = 	snop  }
0xc9: {  	[tilespmem:s13], [sflag:$0x1] =	stream.indirect.gather [hbm4b:s1+s11], $0x10, s11, s11, $0xb8;
	[tilespmem:$0x5500] =	vst v63  }
0xca: {  	s24 =	rddreg [dreg:$0x6]  }
0xcb: {  	[tilespmem:s14], [sflag:$0x1] =	stream.indirect.gather [hbm4b:s1+s11], $0x10, s24, s11, $0xb8;
	[tilespmem:$0x5500] =	vst v63  }
0xcc: {  	_ = 	snop  }
0xcd: {  	[tilespmem:s16], [sflag:$0x1] =	stream.indirect.gather [hbm4b:s1+s11], $0x10, s15, s11, $0xb8;
	[tilespmem:$0x5500] =	vst v63  }
0xce: {  	_ = 	snop  }
0xcf: {  	[tilespmem:s18], [sflag:$0x1] =	stream.indirect.gather [hbm4b:s1+s11], $0x10, s17, s11, $0xb8;
	[tilespmem:$0x5500] =	vst v63  }
0xd0: {  	_ = 	snop  }
0xd1: {  	[tilespmem:s20], [sflag:$0x1] =	stream.indirect.gather [hbm4b:s1+s11], $0x10, s19, s11, $0xb8;
	[tilespmem:$0x5500] =	vst v63  }
0xd2: {  	_ = 	snop  }
0xd3: {  	[tilespmem:s22], [sflag:$0x1] =	stream.indirect.gather [hbm4b:s1+s11], $0x10, s21, s11, $0xb8;
	[tilespmem:$0x5500] =	vst v63  }
0xd4: {  	_ = 	snop  }
0xd5: {  	[tilespmem:s25], [sflag:$0x1] =	stream.indirect.gather [hbm4b:s1+s11], $0x10, s23, s11, $0xb8;
	[tilespmem:$0x5500] =	vst v63  }
0xd6: {  	_ =	swait.ge [sflag:s26], $0x500  }
0xd7: {  	[sflag:s26] =	ssyncset.done $0x0  }
0xd8: {  	[sflag:s26] =	ssyncadd.s32 $0xFFFFFB00  }
0xd9: {  	_ =	swait.ge [sflag:s26], $0x500  }
0xda: {  	[sflag:s26] =	ssyncset.done $0x0  }
0xdb: {  	[sflag:s26] =	ssyncadd.s32 $0xFFFFFB00  }
0xdc: {  	_ =	swait.ge [sflag:s26], $0x500  }
0xdd: {  	[sflag:s26] =	ssyncset.done $0x0  }
0xde: {  	[sflag:s26] =	ssyncadd.s32 $0xFFFFFB00  }
0xdf: {  	_ =	swait.ge [sflag:s26], $0x500  }
0xe0: {  	[sflag:s26] =	ssyncset.done $0x0  }
0xe1: {  	[sflag:s26] =	ssyncadd.s32 $0xFFFFFB00  }
0xe2: {  	_ =	swait.ge [sflag:s26], $0x500  }
0xe3: {  	[sflag:s26] =	ssyncset.done $0x0  }
0xe4: {  	[sflag:s26] =	ssyncadd.s32 $0xFFFFFB00  }
0xe5: {  	_ =	swait.ge [sflag:s26], $0x500  }
0xe6: {  	[sflag:s26] =	ssyncset.done $0x0  }
0xe7: {  	[sflag:s26] =	ssyncadd.s32 $0xFFFFFB00  }
0xe8: {  	_ =	swait.ge [sflag:s26], $0x500  }
0xe9: {  	[sflag:s26] =	ssyncset.done $0x0  }
0xea: {  	[sflag:s26] =	ssyncadd.s32 $0xFFFFFB00  }
0xeb: {  	_ =	swait.ge [sflag:s26], $0x500  }
0xec: {  	[sflag:s26] =	ssyncset.done $0x0  }
0xed: {  	[sflag:s26] =	ssyncadd.s32 $0xFFFFFB00  }
0xee: {  	[spmem:s3] =	stream.indirect.scatter.add.f32 [tilespmem:s12], [sflag:$0x2], $0x10, s10, s11, $0xb8;
	[tilespmem:$0x5500] =	vst v63  }
0xef: {  	_ =	swait.ge [sflag:s9], $0x500  }
0xf0: {  	[sflag:s9] =	ssyncset.done $0x0  }
0xf1: {  	[sflag:s9] =	ssyncadd.s32 $0xFFFFFB00  }
0xf2: {  	[spmem:s3] =	stream.indirect.scatter.add.f32 [tilespmem:s13], [sflag:$0x2], $0x10, s28, s11, $0xb8;
	[tilespmem:$0x5500] =	vst v63  }
0xf3: {  	_ =	swait.ge [sflag:s9], $0x500  }
0xf4: {  	[sflag:s9] =	ssyncset.done $0x0  }
0xf5: {  	[sflag:s9] =	ssyncadd.s32 $0xFFFFFB00  }
0xf6: {  	[spmem:s3] =	stream.indirect.scatter.add.f32 [tilespmem:s14], [sflag:$0x2], $0x10, s29, s11, $0xb8;
	[tilespmem:$0x5500] =	vst v63  }
0xf7: {  	_ =	swait.ge [sflag:s9], $0x500  }
0xf8: {  	[sflag:s9] =	ssyncset.done $0x0  }
0xf9: {  	[sflag:s9] =	ssyncadd.s32 $0xFFFFFB00  }
0xfa: {  	[spmem:s3] =	stream.indirect.scatter.add.f32 [tilespmem:s16], [sflag:$0x2], $0x10, s30, s11, $0xb8;
	[tilespmem:$0x5500] =	vst v63  }
0xfb: {  	_ =	swait.ge [sflag:s9], $0x500  }
0xfc: {  	[sflag:s9] =	ssyncset.done $0x0  }
0xfd: {  	[sflag:s9] =	ssyncadd.s32 $0xFFFFFB00  }
0xfe: {  	[spmem:s3] =	stream.indirect.scatter.add.f32 [tilespmem:s18], [sflag:$0x2], $0x10, s31, s11, $0xb8;
	[tilespmem:$0x5500] =	vst v63  }
0xff: {  	_ =	swait.ge [sflag:s9], $0x500  }
0x100: {  	[sflag:s9] =	ssyncset.done $0x0  }
0x101: {  	[sflag:s9] =	ssyncadd.s32 $0xFFFFFB00  }
0x102: {  	[spmem:s3] =	stream.indirect.scatter.add.f32 [tilespmem:s20], [sflag:$0x2], $0x10, s0, s11, $0xb8;
	[tilespmem:$0x5500] =	vst v63  }
0x103: {  	_ =	swait.ge [sflag:s9], $0x500  }
0x104: {  	[sflag:s9] =	ssyncset.done $0x0  }
0x105: {  	[sflag:s9] =	ssyncadd.s32 $0xFFFFFB00  }
0x106: {  	[spmem:s3] =	stream.indirect.scatter.add.f32 [tilespmem:s22], [sflag:$0x2], $0x10, s2, s11, $0xb8;
	[tilespmem:$0x5500] =	vst v63  }
0x107: {  	_ =	swait.ge [sflag:s9], $0x500  }
0x108: {  	[sflag:s9] =	ssyncset.done $0x0  }
0x109: {  	[sflag:s9] =	ssyncadd.s32 $0xFFFFFB00  }
0x10a: {  	[spmem:s3] =	stream.indirect.scatter.add.f32 [tilespmem:s25], [sflag:$0x2], $0x10, s5, s11, $0xb8;
	[tilespmem:$0x5500] =	vst v63  }
0x10b: {  	_ =	swait.ge [sflag:s9], $0x500  }
0x10c: {  	[sflag:s9] =	ssyncset.done $0x0  }
0x10d: {  	[sflag:s9] =	ssyncadd.s32 $0xFFFFFB00  }
0x10e: {  	[bflag:$0x0] =	sbarrier.arrive $0xFFFF  }
0x10f: {  	s24 =	rddreg [dreg:$0x8]  }
0x110: {  	s8 =	rddreg [dreg:$0xa]  }
0x111: {  	s7 =	rddreg [dreg:$0xb]  }
0x112: {  	[hbm:s7], [sflag:s24] =	dma.local [spmem:s8], $0x500  }
0x113: {  	_ =	swait.ge [sflag:s9], $0x500  }
0x114: {  	s7 =	rddreg [dreg:$0xc]  }
0x115: {  	s6 =	rddreg [dreg:$0x9];
	s7 =	sadd.s32 $0x1, s7  }
0x116: {  	p0 =	sne.s32 s7, s6  }
.Ltmp1:
0x117: {  	_ = 	snop;
	(pc) =	sbr.rel @p0 .LBB2_1-.Ltmp1, $3  }
0x118: {  	_ =	sdelay $0x1  }
0x119: {  	[sflag:s9] =	ssyncset.done $0x0  }
0x11a: {  	[sflag:s9] =	ssyncadd.s32 $0xFFFFFB00  }
0x11b: {  	_ =	sfence.sel $0x180000  }
0x11c: {  	[bflag:$0x0] =	sbarrier.arrive $0xFFFF  }
0x11d: {  	_ =	strace $0x9000004D  }
0x11e: {  	s0 =	stileid.u32;
	[bflag:$0x2] =	sbarrier.arrive $0xFFFF  }
0x11f: {  	p0 =	sne.s32 s0, $0x0;
	s0 =	rddreg [dreg:$0x3]  }
0x120: {  	s0 =	sadd.s32 @!p0 $0x100000, s0  }
0x121: {  	[sflag:s0] =	ssyncadd.tile.s32 @!p0 $0x1;
	_ =	shalt  }
.Lfunc_end2:
_tile_overlayer_lowered:
.L_overlay_start_2:
0x122: {  	(tag) =	ssettag $0x2  }
0x123: {  	s0 =	rddreg [dreg:$0x0];
	s2 =	stileid.u32  }
0x124: {  	s1 =	rddreg [dreg:$0x1];
	p0 =	sne.s32 s2, $0x0  }
0x125: {  	s3 =	rddreg [dreg:$0x2];
	[bflag:$0x3] =	sbarrier.arrive $0xFFFF;
	s2 =	simm.s32 @!p0 $0x1C02  }
0x126: {  	[timem:s3], [sflag:s2] =	dma.local @!p0 [hbm:s0], s1  }
0x127: {  	s0 =	simm.s32 @!p0 $0x2  }
0x128: {  	_ =	swait.ge @!p0 [sflag:s0], s1  }
0x129: {  	s1 =	ssub.s32 @!p0 $0x0, s1;
	[sflag:s0] =	ssyncset.done @!p0 $0x0  }
0x12a: {  	[sflag:s0] =	ssyncadd.s32 @!p0 s1  }
0x12b: {  	[bflag:$0x3] =	sbarrier.arrive $0xFFFF  }
0x12c: {  	_ =	shalt  }

// kernel: kernel.8.cloned.1.call-start
scs
__scs_entry_jumppad:
0x0: {  	(pc) =	sbr.rel $0x88, $3  }
0x1: {  	(tag) =	ssettag $0x0;
	lr =	simm.s32 $0x1  }
0x2: {  	[smem:$0x3F99] =	sst lr;
	_ =	strace $0xD0000000  }
0x3: {  	_ = 	snop  }
0x4: {  	_ = 	snop  }
0x5: {  	_ = 	snop  }
0x6: {  	_ = 	snop  }
0x7: {  	_ = 	snop  }
__scs_overlays_trampoline_lowered:
0x8: {  	[smem:$0x3FA8] =	sst s0  }
0x9: {  	[smem:$0x3FA9] =	sst s1  }
0xa: {  	[smem:$0x3FAA] =	sst s2  }
0xb: {  	[smem:$0x3FAB] =	sst s3  }
0xc: {  	[smem:$0x3FAC] =	sst s4  }
0xd: {  	[smem:$0x3FAD] =	sst s5  }
0xe: {  	[smem:$0x3FAE] =	sst s6  }
0xf: {  	[smem:$0x3FAF] =	sst s7  }
0x10: {  	[smem:$0x3FB0] =	sst s8  }
0x11: {  	[smem:$0x3FB1] =	sst s9;
	s0 =	simm.s32 @!p0 $0x0  }
0x12: {  	s1 =	sld [smem:$0x3F97];
	s0 =	simm.s32 @p0 $0x1  }
0x13: {  	[smem:$0x3FB2] =	sst s0;
	s0 =	simm.s32 @!p1 $0x0  }
0x14: {  	s2 =	sld [smem:$0x3F96];
	s0 =	simm.s32 @p1 $0x1  }
0x15: {  	[smem:$0x3FB3] =	sst s0;
	s0 =	simm.s32 @!p2 $0x0  }
0x16: {  	s3 =	sld [smem:$0x3FDB];
	s0 =	simm.s32 @p2 $0x1  }
0x17: {  	s4 =	simm.s32 $0x1BF5;
	[smem:$0x3FB5] =	sst s0  }
0x18: {  	s0 =	sld [smem:$0x3F98];
	_ =	swait.ge [sflag:s4], $0x0  }
0x19: {  	s7 =	sld [smem:$0x3F99]  }
0x1a: {  	s8 =	sadd.s32 $0xFFFFE003, lr  }
0x1b: {  	s9 =	sadd.s32 $0xFFFFFEF7, lr;
	s5 =	simm.s32 $0xFFFFFFFF;
	p2 =	slt.u32 s8, $0xFFFFF086  }
0x1c: {  	p1 =	slt.u32 s9, $0xF7A;
	s5 =	simm.s32 @!p2 $0x0  }
0x1d: {  	s5 =	simm.s32 @p1 $0x1;
	p0 =	seq.s32 s7, s2  }
0x1e: {  	s7 =	smul.u32 @!p0 $0xF7A, s2;
	p2 =	seq.s32 @!p0 s5, $0x0  }
0x1f: {  	s9 =	smul.u32 $0xF7A, s1;
	s8 =	simm.s32 @!p0 $0x1BF5;
	p2 =	por !p2, p0  }
0x20: {  	[sflag:s8] =	ssyncset.s32 @!p0 $0xFFFFF086;
	s6 =	sadd.s32 @!p0 s3, s7;
	s7 =	simm.s32 @!p0 $0x108  }
0x21: {  	s3 =	sadd.s32 s3, s9;
	s6 =	sadd.s32 @!p0 $0x88, s6;
	s7 =	simm.s32 @p2 $0x1082  }
0x22: {  	[simem:s7], [sflag:s8] =	dma.local @!p0 [hbm:s6], $0xF7A  }
0x23: {  	s9 =	sor.u32 $0xD0000000, s2;
	s6 =	simm.s32 $0x108;
	_ =	swait.ge @!p0 [sflag:s8], $0x0  }
0x24: {  	s3 =	sadd.s32 $0x88, s3;
	s6 =	simm.s32 @!p1 $0x1082;
	[sflag:s4] =	ssyncset.s32 $0xFFFFF086  }
0x25: {  	[simem:s6], [sflag:s4] =	dma.local [hbm:s3], $0xF7A  }
0x26: {  	[smem:$0x3F99] =	sst s1;
	(tag) =	ssettag s2;
	_ =	strace s9  }
0x27: {  	s1 =	sld [smem:$0x3FA9]  }
0x28: {  	s2 =	sld [smem:$0x3FAA]  }
0x29: {  	s4 =	sld [smem:$0x3FAC]  }
0x2a: {  	p0 =	seq.s32 s5, $0x0;
	s5 =	sld [smem:$0x3FAD]  }
0x2b: {  	s6 =	sld [smem:$0x3FAE]  }
0x2c: {  	s7 =	sld [smem:$0x3FAF]  }
0x2d: {  	s3 =	simm.s32 $0x108;
	s8 =	sld [smem:$0x3FB0]  }
0x2e: {  	s3 =	simm.s32 @!p0 $0x1082;
	s9 =	sld [smem:$0x3FB1]  }
0x2f: {  	lr =	sadd.s32 s0, s3;
	s0 =	sld [smem:$0x3FA8]  }
0x30: {  	s3 =	sld [smem:$0x3FAB]  }
0x31: {  	[smem:$0x3FB4] =	sst s10  }
0x32: {  	s10 =	sld [smem:$0x3FB2];
	_ =	sdelay $0x3  }
0x33: {  	p0 =	seq.s32 s10, $0x1;
	s10 =	sld [smem:$0x3FB4];
	_ =	sdelay $0x3  }
0x34: {  	[smem:$0x3FB4] =	sst s10  }
0x35: {  	s10 =	sld [smem:$0x3FB3];
	_ =	sdelay $0x3  }
0x36: {  	p1 =	seq.s32 s10, $0x1;
	s10 =	sld [smem:$0x3FB4];
	_ =	sdelay $0x3  }
0x37: {  	[smem:$0x3FB4] =	sst s10  }
0x38: {  	s10 =	sld [smem:$0x3FB5]  }
0x39: {  	_ = 	snop;
	(pc) =	sbr.ind lr, $3  }
0x3a: {  	_ = 	snop  }
0x3b: {  	_ = 	snop  }
0x3c: {  	p2 =	seq.s32 s10, $0x1;
	s10 =	sld [smem:$0x3FB4]  }
0x3d: {  	_ =	shalt  }
0x3e: {  	_ =	shalt  }
0x3f: {  	_ =	shalt  }
0x40: {  	_ =	shalt  }
0x41: {  	_ =	shalt  }
0x42: {  	_ =	shalt  }
0x43: {  	_ =	shalt  }
0x44: {  	_ =	shalt  }
0x45: {  	_ =	shalt  }
0x46: {  	_ =	shalt  }
0x47: {  	_ =	shalt  }
0x48: {  	_ =	shalt  }
0x49: {  	_ =	shalt  }
0x4a: {  	_ =	shalt  }
0x4b: {  	_ =	shalt  }
0x4c: {  	_ =	shalt  }
0x4d: {  	_ =	shalt  }
0x4e: {  	_ =	shalt  }
0x4f: {  	_ =	shalt  }
0x50: {  	_ =	shalt  }
0x51: {  	_ =	shalt  }
0x52: {  	_ =	shalt  }
0x53: {  	_ =	shalt  }
0x54: {  	_ =	shalt  }
0x55: {  	_ =	shalt  }
0x56: {  	_ =	shalt  }
0x57: {  	_ =	shalt  }
0x58: {  	_ =	shalt  }
0x59: {  	_ =	shalt  }
0x5a: {  	_ =	shalt  }
0x5b: {  	_ =	shalt  }
0x5c: {  	_ =	shalt  }
0x5d: {  	_ =	shalt  }
0x5e: {  	_ =	shalt  }
0x5f: {  	_ =	shalt  }
0x60: {  	_ =	shalt  }
0x61: {  	_ =	shalt  }
0x62: {  	_ =	shalt  }
0x63: {  	_ =	shalt  }
0x64: {  	_ =	shalt  }
0x65: {  	_ =	shalt  }
0x66: {  	_ =	shalt  }
0x67: {  	_ =	shalt  }
0x68: {  	_ =	shalt  }
0x69: {  	_ =	shalt  }
0x6a: {  	_ =	shalt  }
0x6b: {  	_ =	shalt  }
0x6c: {  	_ =	shalt  }
0x6d: {  	_ =	shalt  }
0x6e: {  	_ =	shalt  }
0x6f: {  	_ =	shalt  }
0x70: {  	_ =	shalt  }
0x71: {  	_ =	shalt  }
0x72: {  	_ =	shalt  }
0x73: {  	_ =	shalt  }
0x74: {  	_ =	shalt  }
0x75: {  	_ =	shalt  }
0x76: {  	_ =	shalt  }
0x77: {  	_ =	shalt  }
0x78: {  	_ =	shalt  }
0x79: {  	_ =	shalt  }
0x7a: {  	_ =	shalt  }
0x7b: {  	_ =	shalt  }
0x7c: {  	_ =	shalt  }
0x7d: {  	_ =	shalt  }
0x7e: {  	_ =	shalt  }
0x7f: {  	_ =	shalt  }
0x80: {  	_ =	shalt  }
0x81: {  	_ =	shalt  }
0x82: {  	_ =	shalt  }
0x83: {  	_ =	shalt  }
0x84: {  	_ =	shalt  }
0x85: {  	_ =	shalt  }
0x86: {  	_ =	shalt  }
0x87: {  	_ =	shalt  }
.Lfunc_end0:
.L_simem_size_0:
called_computation_lowered:
.L_overlay_start_0:
0x88: {  	s2 =	sld [smem:$0x3FD9]  }
0x89: {  	s3 =	sld [smem:$0x3FFE];
	_ =	sdelay $0x1  }
0x8a: {  	s1 =	srdreg.scid  }
0x8b: {  	s0 =	sand.u32 $0x1, s1  }
0x8c: {  	s16 =	sshll.u32 s0, $0xA;
	s2 =	sadd.s32 s3, s2  }
0x8d: {  	s2 =	sadd.s32 s2, s16  }
0x8e: {  	[smem:$0x3FC0] =	sst s2  }
0x8f: {  	_ = 	snop  }
0x90: {  	(tm) =	ssettm $0x1  }
0x91: {  	s17 =	sld [smem:$0x3FFB];
	_ =	sdelay $0x3  }
0x92: {  	_ =	strace s17  }
0x93: {  	s2 =	sld [smem:$0x3FFC];
	_ =	sdelay $0x3  }
0x94: {  	_ =	strace s2  }
0x95: {  	s2 =	sld [smem:$0x3FFD];
	_ =	sdelay $0x3  }
0x96: {  	_ =	strace s2  }
0x97: {  	_ =	strace $0x8FFFFFFF  }
0x98: {  	s18 =	sld [smem:$0x3FDB];
	_ =	sdelay $0x1  }
0x99: {  	s19 =	simm.s32 $_scs_section_size  }
0x9a: {  	s4 =	simm.s32 $_size__tile_overlayer_lowered;
	s5 =	simm.s32 $_tile_overlayer_lowered  }
0x9b: {  	s22 =	simm.s32 $0x1BFF;
	s21 =	sshll.u32 s5, $0x1;
	s2 =	sadd.s32 s19, s18  }
0x9c: {  	s6 =	simm.s32 $0x0;
	s20 =	sshll.u32 s4, $0x1;
	s4 =	sadd.s32 s21, s2  }
0x9d: {  	[timem:s6], [sflag:s22] =	dma.local [hbm:s4], s20  }
0x9e: {  	_ =	swait.ge [sflag:s22], s20  }
0x9f: {  	s3 =	ssub.s32 $0x0, s20;
	[sflag:s22] =	ssyncset.done $0x0  }
0xa0: {  	[sflag:s22] =	ssyncadd.s32 s3;
	_ =	sdelay $0x1  }
0xa1: {  	s23 =	simm.s32 $0x1B8B  }
0xa2: {  	_ =	swait.ge [sflag:s23], $0x1  }
0xa3: {  	[sflag:s23] =	ssyncset.done $0x0  }
0xa4: {  	s25 =	simm.s32 $0x1B8E;
	s24 =	sld [smem:$0x3FFE];
	[sflag:s23] =	ssyncadd.s32 $0xFFFFFFFF  }
0xa5: {  	s26 =	simm.s32 $execute0_lowered;
	[smem:$0x3FD2] =	sst s25  }
0xa6: {  	s4 =	sshll.u32 s26, $0x1;
	_ =	strace $0x80000046;
	[dreg:$0x1] =	wrdreg $0xFFFFFFFF  }
0xa7: {  	s28 =	simm.s32 $_size_execute0_lowered;
	s2 =	sadd.s32 s2, s4;
	[dreg:$0x0] =	wrdreg $0x0  }
0xa8: {  	s4 =	sshll.u32 s28, $0x1;
	[dreg:$0x2] =	wrdreg s2  }
0xa9: {  	[dreg:$0x3] =	wrdreg s4  }
0xaa: {  	[dreg:$0x4] =	wrdreg $0xC0  }
0xab: {  	_ =	task [dreg:s6], $0x5FFFF  }
0xac: {  	[dreg:$0x1] =	wrdreg $0xFFFFFFFF  }
0xad: {  	[dreg:$0x0] =	wrdreg $0x60  }
0xae: {  	[dreg:$0x2] =	wrdreg s24  }
0xaf: {  	[dreg:$0x3] =	wrdreg $0x7800  }
0xb0: {  	[dreg:$0x4] =	wrdreg $0x9  }
0xb1: {  	_ =	task.clear_ibuf [dreg:s6], $0x5FFFF;
	_ =	strace $0x90000046  }
0xb2: {  	s29 =	simm.s32 $0x9;
	_ =	strace $0x80000048  }
0xb3: {  	_ =	swait.ge [sflag:s29], $0x1  }
0xb4: {  	[sflag:s29] =	ssyncadd.s32 $0xFFFFFFFF  }
0xb5: {  	_ =	strace $0x90000048  }
0xb6: {  	_ =	sfence  }
0xb7: {  	s30 =	sld [smem:$0x0];
	_ =	sdelay $0x2  }
0xb8: {  	s31 =	sshll.u32 s1, $0xD;
	s1 =	sshrl.u32 s1, $0x2  }
0xb9: {  	s3 =	sand.u32 $0x4000, s31;
	s1 =	sadd.s32 s1, s30  }
0xba: {  	s0 =	sor.u32 s3, s0;
	s1 =	sshll.u32 s1, $0x11  }
0xbb: {  	s0 =	sor.u32 s1, s0  }
0xbc: {  	s0 =	sadd.s32 $0x8F2B, s0  }
0xbd: {  	[sflag:s0] =	ssyncadd.remote.s32 $0x1  }
0xbe: {  	_ =	sfence.sel $0xFFFF  }
0xbf: {  	[dreg:$0x0] =	wrdreg $0xFFFFFFFF;
	(pc) =	sbr.abs _section_cstart, $3  }
0xc0: {  	[dreg:$0x1] =	wrdreg $0xFFFFFFFF  }
0xc1: {  	_ =	task.clear_ibuf [dreg:s6], $0x2FFFF;
	_ =	strace $0x9FFFFFFF  }
0xc2: {  	(tm) =	ssettm $0x7FFFFFFF  }
0xc3: {  	_ =	shalt  }
tec
execute0_lowered:
.L_overlay_start_1:
0x0: {  	(tag) =	ssettag $0x1  }
0x1: {  	s4 =	rddreg [dreg:$0x0]  }
0x2: {  	s2 =	rddreg [dreg:$0x1]  }
0x3: {  	s0 =	rddreg [dreg:$0x2];
	s1 =	stileid.u32  }
0x4: {  	s3 =	simm.s32 $0x0;
	s6 =	srdreg.scid;
	s12 =	simm.s32 $0xA0  }
0x5: {  	s13 =	simm.s32 $0xF0;
	s14 =	simm.s32 $0x140;
	s15 =	simm.s32 $0x190  }
0x6: {  	s16 =	simm.s32 $0x1E0;
	s17 =	simm.s32 $0x230;
	s5 =	smul.u32 $0x2800, s1  }
0x7: {  	[smem:$0x7FF] =	sst s3;
	s7 =	smul.u32 $0xA00, s1;
	s6 =	sand.u32 $0x1, s6  }
0x8: {  	s31 =	sshll.u32 s1, $0x6;
	_ =	strace $0x80000047;
	s8 =	smul.u32 $0x5000, s6  }
0x9: {  	s10 =	ssub.s32 $0x2, s6;
	s6 =	smul.u32 $0x500, s6;
	s18 =	sshrl.u32 s5, $0x3  }
0xa: {  	s7 =	sadd.s32 s7, s4;
	s30 =	sshrl.u32 s10, $0x1;
	s11 =	sadd.s32 s5, s2  }
0xb: {  	s5 =	sor.u32 $0x1C01, s31;
	s9 =	sadd.s32 s18, s4;
	s8 =	sadd.s32 s8, s4  }
0xc: {  	s10 =	ssub.s32 s10, s30;
	s7 =	sadd.s32 s6, s7;
	s4 =	sadd.s32 $0xC400, s9  }
0xd: {  	s19 =	sadd.s32 $0x11400, s8;
	s6 =	smax.u32 s10, $0x1;
	s7 =	sadd.s32 $0x2400, s7  }
0xe: {  	s8 =	sshrl.u32 s11, $0x3;
	s9 =	simm.s32 $0x1;
	s10 =	simm.s32 $0x50  }
0xf: {  	v0 =	vimm.f32 $1.000000000e+00;
	s11 =	simm.s32 $0x280;
	s18 =	sadd.s32 s18, s19;
	s19 =	simm.s32 $0x0  }
.LBB2_1:
0x10: {  	[tilespmem:$0x280] =	vst v0  }
0x11: {  	[tilespmem:$0x290] =	vst v0  }
0x12: {  	[tilespmem:$0x2A0] =	vst v0  }
0x13: {  	[tilespmem:$0x2B0] =	vst v0  }
0x14: {  	[tilespmem:$0x2C0] =	vst v0  }
0x15: {  	[tilespmem:$0x2D0] =	vst v0  }
0x16: {  	[tilespmem:$0x2E0] =	vst v0  }
0x17: {  	[tilespmem:$0x2F0] =	vst v0  }
0x18: {  	[tilespmem:$0x300] =	vst v0  }
0x19: {  	[tilespmem:$0x310] =	vst v0  }
0x1a: {  	[tilespmem:$0x320] =	vst v0  }
0x1b: {  	[tilespmem:$0x330] =	vst v0  }
0x1c: {  	[tilespmem:$0x340] =	vst v0  }
0x1d: {  	[tilespmem:$0x350] =	vst v0  }
0x1e: {  	[tilespmem:$0x360] =	vst v0  }
0x1f: {  	[tilespmem:$0x370] =	vst v0  }
0x20: {  	[tilespmem:$0x380] =	vst v0  }
0x21: {  	[tilespmem:$0x390] =	vst v0  }
0x22: {  	[tilespmem:$0x3A0] =	vst v0  }
0x23: {  	[tilespmem:$0x3B0] =	vst v0  }
0x24: {  	[tilespmem:$0x3C0] =	vst v0  }
0x25: {  	[tilespmem:$0x3D0] =	vst v0  }
0x26: {  	[tilespmem:$0x3E0] =	vst v0  }
0x27: {  	[tilespmem:$0x3F0] =	vst v0  }
0x28: {  	[tilespmem:$0x400] =	vst v0  }
0x29: {  	[tilespmem:$0x410] =	vst v0  }
0x2a: {  	[tilespmem:$0x420] =	vst v0  }
0x2b: {  	[tilespmem:$0x430] =	vst v0  }
0x2c: {  	[tilespmem:$0x440] =	vst v0  }
0x2d: {  	[tilespmem:$0x450] =	vst v0  }
0x2e: {  	[tilespmem:$0x460] =	vst v0  }
0x2f: {  	[tilespmem:$0x470] =	vst v0  }
0x30: {  	[tilespmem:$0x480] =	vst v0  }
0x31: {  	[tilespmem:$0x490] =	vst v0  }
0x32: {  	[tilespmem:$0x4A0] =	vst v0  }
0x33: {  	[tilespmem:$0x4B0] =	vst v0  }
0x34: {  	[tilespmem:$0x4C0] =	vst v0  }
0x35: {  	[tilespmem:$0x4D0] =	vst v0  }
0x36: {  	[tilespmem:$0x4E0] =	vst v0  }
0x37: {  	[tilespmem:$0x4F0] =	vst v0  }
0x38: {  	[tilespmem:$0x500] =	vst v0  }
0x39: {  	[tilespmem:$0x510] =	vst v0  }
0x3a: {  	[tilespmem:$0x520] =	vst v0  }
0x3b: {  	[tilespmem:$0x530] =	vst v0  }
0x3c: {  	[tilespmem:$0x540] =	vst v0  }
0x3d: {  	[tilespmem:$0x550] =	vst v0  }
0x3e: {  	[tilespmem:$0x560] =	vst v0  }
0x3f: {  	[tilespmem:$0x570] =	vst v0  }
0x40: {  	[tilespmem:$0x580] =	vst v0  }
0x41: {  	[tilespmem:$0x590] =	vst v0  }
0x42: {  	[tilespmem:$0x5A0] =	vst v0  }
0x43: {  	[tilespmem:$0x5B0] =	vst v0  }
0x44: {  	[tilespmem:$0x5C0] =	vst v0  }
0x45: {  	[tilespmem:$0x5D0] =	vst v0  }
0x46: {  	[tilespmem:$0x5E0] =	vst v0  }
0x47: {  	[tilespmem:$0x5F0] =	vst v0  }
0x48: {  	[tilespmem:$0x600] =	vst v0  }
0x49: {  	[tilespmem:$0x610] =	vst v0  }
0x4a: {  	[tilespmem:$0x620] =	vst v0  }
0x4b: {  	[tilespmem:$0x630] =	vst v0  }
0x4c: {  	[tilespmem:$0x640] =	vst v0  }
0x4d: {  	[tilespmem:$0x650] =	vst v0  }
0x4e: {  	[tilespmem:$0x660] =	vst v0  }
0x4f: {  	[tilespmem:$0x670] =	vst v0  }
0x50: {  	[tilespmem:$0x680] =	vst v0  }
0x51: {  	[tilespmem:$0x690] =	vst v0  }
0x52: {  	[tilespmem:$0x6A0] =	vst v0  }
0x53: {  	[tilespmem:$0x6B0] =	vst v0  }
0x54: {  	[tilespmem:$0x6C0] =	vst v0  }
0x55: {  	[tilespmem:$0x6D0] =	vst v0  }
0x56: {  	[tilespmem:$0x6E0] =	vst v0  }
0x57: {  	[tilespmem:$0x6F0] =	vst v0  }
0x58: {  	[tilespmem:$0x700] =	vst v0  }
0x59: {  	[tilespmem:$0x710] =	vst v0  }
0x5a: {  	[tilespmem:$0x720] =	vst v0  }
0x5b: {  	[tilespmem:$0x730] =	vst v0  }
0x5c: {  	[tilespmem:$0x740] =	vst v0  }
0x5d: {  	[tilespmem:$0x750] =	vst v0  }
0x5e: {  	[tilespmem:$0x760] =	vst v0  }
0x5f: {  	[tilespmem:$0x770] =	vst v0  }
0x60: {  	[spmem:s8], [sflag:s5] =	dma.local [hbm:s4], $0x500  }
0x61: {  	_ =	swait.ge [sflag:s9], $0x500  }
0x62: {  	[sflag:s9] =	ssyncset.done $0x0  }
0x63: {  	[sflag:s9] =	ssyncadd.s32 $0xFFFFFB00  }
0x64: {  	s20 =	sadd.s32 $0x0, s7;
	[bflag:$0x0] =	sbarrier.arrive $0xFFFF  }
0x65: {  	[tilespmem:s3], [sflag:$0x1] =	stream.linear.gather [hbm4b:s20+s3], $0x280, $0x38;
	[tilespmem:$0x2F80] =	vst v63  }
0x66: {  	_ =	swait.ge [sflag:s9], $0x280  }
0x67: {  	[sflag:s9] =	ssyncset.done $0x0  }
0x68: {  	[sflag:s9] =	ssyncadd.s32 $0xFFFFFD80  }
0x69: {  	[spmem:s2] =	stream.indirect.scatter.add.f32 [tilespmem:s11], [sflag:$0x1], $0x10, s3, s10, $0xb8;
	[tilespmem:$0x2F80] =	vst v63  }
0x6a: {  	_ =	swait.ge [sflag:s9], $0x500  }
0x6b: {  	[sflag:s9] =	ssyncset.done $0x0  }
0x6c: {  	[sflag:s9] =	ssyncadd.s32 $0xFFFFFB00  }
0x6d: {  	[spmem:s2] =	stream.indirect.scatter.add.f32 [tilespmem:s11], [sflag:$0x1], $0x10, s10, s10, $0xb8;
	[tilespmem:$0x2F80] =	vst v63  }
0x6e: {  	_ =	swait.ge [sflag:s9], $0x500  }
0x6f: {  	[sflag:s9] =	ssyncset.done $0x0  }
0x70: {  	[sflag:s9] =	ssyncadd.s32 $0xFFFFFB00  }
0x71: {  	[spmem:s2] =	stream.indirect.scatter.add.f32 [tilespmem:s11], [sflag:$0x1], $0x10, s12, s10, $0xb8;
	[tilespmem:$0x2F80] =	vst v63  }
0x72: {  	_ =	swait.ge [sflag:s9], $0x500  }
0x73: {  	[sflag:s9] =	ssyncset.done $0x0  }
0x74: {  	[sflag:s9] =	ssyncadd.s32 $0xFFFFFB00  }
0x75: {  	[spmem:s2] =	stream.indirect.scatter.add.f32 [tilespmem:s11], [sflag:$0x1], $0x10, s13, s10, $0xb8;
	[tilespmem:$0x2F80] =	vst v63  }
0x76: {  	_ =	swait.ge [sflag:s9], $0x500  }
0x77: {  	[sflag:s9] =	ssyncset.done $0x0  }
0x78: {  	[sflag:s9] =	ssyncadd.s32 $0xFFFFFB00  }
0x79: {  	[spmem:s2] =	stream.indirect.scatter.add.f32 [tilespmem:s11], [sflag:$0x1], $0x10, s14, s10, $0xb8;
	[tilespmem:$0x2F80] =	vst v63  }
0x7a: {  	_ =	swait.ge [sflag:s9], $0x500  }
0x7b: {  	[sflag:s9] =	ssyncset.done $0x0  }
0x7c: {  	[sflag:s9] =	ssyncadd.s32 $0xFFFFFB00  }
0x7d: {  	[spmem:s2] =	stream.indirect.scatter.add.f32 [tilespmem:s11], [sflag:$0x1], $0x10, s15, s10, $0xb8;
	[tilespmem:$0x2F80] =	vst v63  }
0x7e: {  	_ =	swait.ge [sflag:s9], $0x500  }
0x7f: {  	[sflag:s9] =	ssyncset.done $0x0  }
0x80: {  	[sflag:s9] =	ssyncadd.s32 $0xFFFFFB00  }
0x81: {  	[spmem:s2] =	stream.indirect.scatter.add.f32 [tilespmem:s11], [sflag:$0x1], $0x10, s16, s10, $0xb8;
	[tilespmem:$0x2F80] =	vst v63  }
0x82: {  	_ =	swait.ge [sflag:s9], $0x500  }
0x83: {  	[sflag:s9] =	ssyncset.done $0x0  }
0x84: {  	[sflag:s9] =	ssyncadd.s32 $0xFFFFFB00  }
0x85: {  	[spmem:s2] =	stream.indirect.scatter.add.f32 [tilespmem:s11], [sflag:$0x1], $0x10, s17, s10, $0xb8;
	[tilespmem:$0x2F80] =	vst v63  }
0x86: {  	_ =	swait.ge [sflag:s9], $0x500  }
0x87: {  	s22 =	simm.s32 $0xA0;
	s20 =	simm.s32 $0x50;
	[sflag:s9] =	ssyncset.done $0x0  }
.LBB2_2:
0x88: {  	s23 =	sadd.s32 s20, s7  }
0x89: {  	[sflag:s9] =	ssyncadd.s32 $0xFFFFFB00;
	s20 =	smov.u32 s22;
	s21 =	sadd.s32 $0x50, s22  }
0x8a: {  	[tilespmem:s3], [sflag:$0x1] =	stream.linear.gather [hbm4b:s23+s3], $0x280, $0x38;
	[tilespmem:$0x2F80] =	vst v63  }
0x8b: {  	p0 =	sne.s32 s22, $0x4B0;
	_ =	swait.ge [sflag:s9], $0x280  }
0x8c: {  	[sflag:s9] =	ssyncset.done $0x0  }
0x8d: {  	[sflag:s9] =	ssyncadd.s32 $0xFFFFFD80  }
0x8e: {  	[spmem:s2] =	stream.indirect.scatter.add.f32 [tilespmem:s11], [sflag:$0x1], $0x10, s3, s10, $0xb8;
	[tilespmem:$0x2F80] =	vst v63  }
0x8f: {  	_ =	swait.ge [sflag:s9], $0x500  }
0x90: {  	[sflag:s9] =	ssyncset.done $0x0  }
0x91: {  	[sflag:s9] =	ssyncadd.s32 $0xFFFFFB00  }
0x92: {  	[spmem:s2] =	stream.indirect.scatter.add.f32 [tilespmem:s11], [sflag:$0x1], $0x10, s10, s10, $0xb8;
	[tilespmem:$0x2F80] =	vst v63  }
0x93: {  	_ =	swait.ge [sflag:s9], $0x500  }
0x94: {  	[sflag:s9] =	ssyncset.done $0x0  }
0x95: {  	[sflag:s9] =	ssyncadd.s32 $0xFFFFFB00  }
0x96: {  	[spmem:s2] =	stream.indirect.scatter.add.f32 [tilespmem:s11], [sflag:$0x1], $0x10, s12, s10, $0xb8;
	[tilespmem:$0x2F80] =	vst v63  }
0x97: {  	_ =	swait.ge [sflag:s9], $0x500  }
0x98: {  	[sflag:s9] =	ssyncset.done $0x0  }
0x99: {  	[sflag:s9] =	ssyncadd.s32 $0xFFFFFB00  }
0x9a: {  	[spmem:s2] =	stream.indirect.scatter.add.f32 [tilespmem:s11], [sflag:$0x1], $0x10, s13, s10, $0xb8;
	[tilespmem:$0x2F80] =	vst v63  }
0x9b: {  	_ =	swait.ge [sflag:s9], $0x500  }
0x9c: {  	[sflag:s9] =	ssyncset.done $0x0  }
0x9d: {  	[sflag:s9] =	ssyncadd.s32 $0xFFFFFB00  }
0x9e: {  	[spmem:s2] =	stream.indirect.scatter.add.f32 [tilespmem:s11], [sflag:$0x1], $0x10, s14, s10, $0xb8;
	[tilespmem:$0x2F80] =	vst v63  }
0x9f: {  	_ =	swait.ge [sflag:s9], $0x500  }
0xa0: {  	[sflag:s9] =	ssyncset.done $0x0  }
0xa1: {  	[sflag:s9] =	ssyncadd.s32 $0xFFFFFB00  }
0xa2: {  	[spmem:s2] =	stream.indirect.scatter.add.f32 [tilespmem:s11], [sflag:$0x1], $0x10, s15, s10, $0xb8;
	[tilespmem:$0x2F80] =	vst v63  }
0xa3: {  	_ =	swait.ge [sflag:s9], $0x500  }
0xa4: {  	[sflag:s9] =	ssyncset.done $0x0  }
0xa5: {  	[sflag:s9] =	ssyncadd.s32 $0xFFFFFB00  }
0xa6: {  	[spmem:s2] =	stream.indirect.scatter.add.f32 [tilespmem:s11], [sflag:$0x1], $0x10, s16, s10, $0xb8;
	[tilespmem:$0x2F80] =	vst v63  }
0xa7: {  	_ =	swait.ge [sflag:s9], $0x500  }
.Ltmp0:
0xa8: {  	[sflag:s9] =	ssyncset.done $0x0;
	(pc) =	sbr.rel @p0 .LBB2_2-.Ltmp0, $4  }
0xa9: {  	[sflag:s9] =	ssyncadd.s32 $0xFFFFFB00  }
0xaa: {  	[spmem:s2] =	stream.indirect.scatter.add.f32 [tilespmem:s11], [sflag:$0x1], $0x10, s17, s10, $0xb8;
	[tilespmem:$0x2F80] =	vst v63  }
0xab: {  	_ =	swait.ge [sflag:s9], $0x500  }
0xac: {  	s22 =	smov.u32 s21;
	[sflag:s9] =	ssyncset.done $0x0  }
0xad: {  	s20 =	sadd.s32 s20, s7;
	[sflag:s9] =	ssyncadd.s32 $0xFFFFFB00  }
0xae: {  	[tilespmem:s3], [sflag:$0x1] =	stream.linear.gather [hbm4b:s20+s3], $0x280, $0x38;
	[tilespmem:$0x2F80] =	vst v63  }
0xaf: {  	_ =	swait.ge [sflag:s9], $0x280  }
0xb0: {  	[sflag:s9] =	ssyncset.done $0x0  }
0xb1: {  	[sflag:s9] =	ssyncadd.s32 $0xFFFFFD80  }
0xb2: {  	[spmem:s2] =	stream.indirect.scatter.add.f32 [tilespmem:s11], [sflag:$0x1], $0x10, s3, s10, $0xb8;
	[tilespmem:$0x2F80] =	vst v63  }
0xb3: {  	_ =	swait.ge [sflag:s9], $0x500  }
0xb4: {  	[sflag:s9] =	ssyncset.done $0x0  }
0xb5: {  	[sflag:s9] =	ssyncadd.s32 $0xFFFFFB00  }
0xb6: {  	[spmem:s2] =	stream.indirect.scatter.add.f32 [tilespmem:s11], [sflag:$0x1], $0x10, s10, s10, $0xb8;
	[tilespmem:$0x2F80] =	vst v63  }
0xb7: {  	_ =	swait.ge [sflag:s9], $0x500  }
0xb8: {  	[sflag:s9] =	ssyncset.done $0x0  }
0xb9: {  	[sflag:s9] =	ssyncadd.s32 $0xFFFFFB00  }
0xba: {  	[spmem:s2] =	stream.indirect.scatter.add.f32 [tilespmem:s11], [sflag:$0x1], $0x10, s12, s10, $0xb8;
	[tilespmem:$0x2F80] =	vst v63  }
0xbb: {  	_ =	swait.ge [sflag:s9], $0x500  }
0xbc: {  	[sflag:s9] =	ssyncset.done $0x0  }
0xbd: {  	[sflag:s9] =	ssyncadd.s32 $0xFFFFFB00  }
0xbe: {  	[spmem:s2] =	stream.indirect.scatter.add.f32 [tilespmem:s11], [sflag:$0x1], $0x10, s13, s10, $0xb8;
	[tilespmem:$0x2F80] =	vst v63  }
0xbf: {  	_ =	swait.ge [sflag:s9], $0x500  }
0xc0: {  	[sflag:s9] =	ssyncset.done $0x0  }
0xc1: {  	[sflag:s9] =	ssyncadd.s32 $0xFFFFFB00  }
0xc2: {  	[spmem:s2] =	stream.indirect.scatter.add.f32 [tilespmem:s11], [sflag:$0x1], $0x10, s14, s10, $0xb8;
	[tilespmem:$0x2F80] =	vst v63  }
0xc3: {  	_ =	swait.ge [sflag:s9], $0x500  }
0xc4: {  	[sflag:s9] =	ssyncset.done $0x0  }
0xc5: {  	[sflag:s9] =	ssyncadd.s32 $0xFFFFFB00  }
0xc6: {  	[spmem:s2] =	stream.indirect.scatter.add.f32 [tilespmem:s11], [sflag:$0x1], $0x10, s15, s10, $0xb8;
	[tilespmem:$0x2F80] =	vst v63  }
0xc7: {  	_ =	swait.ge [sflag:s9], $0x500  }
0xc8: {  	[sflag:s9] =	ssyncset.done $0x0  }
0xc9: {  	[sflag:s9] =	ssyncadd.s32 $0xFFFFFB00  }
0xca: {  	[spmem:s2] =	stream.indirect.scatter.add.f32 [tilespmem:s11], [sflag:$0x1], $0x10, s16, s10, $0xb8;
	[tilespmem:$0x2F80] =	vst v63  }
0xcb: {  	_ =	swait.ge [sflag:s9], $0x500  }
0xcc: {  	[sflag:s9] =	ssyncset.done $0x0  }
0xcd: {  	[sflag:s9] =	ssyncadd.s32 $0xFFFFFB00  }
0xce: {  	[spmem:s2] =	stream.indirect.scatter.add.f32 [tilespmem:s11], [sflag:$0x1], $0x10, s17, s10, $0xb8;
	[tilespmem:$0x2F80] =	vst v63  }
0xcf: {  	_ =	swait.ge [sflag:s9], $0x500  }
0xd0: {  	s19 =	sadd.s32 $0x1, s19;
	[sflag:s9] =	ssyncset.done $0x0  }
0xd1: {  	p0 =	sne.s32 s19, s6;
	[sflag:s9] =	ssyncadd.s32 $0xFFFFFB00  }
.Ltmp1:
0xd2: {  	[bflag:$0x0] =	sbarrier.arrive $0xFFFF;
	(pc) =	sbr.rel @p0 .LBB2_1-.Ltmp1, $4  }
0xd3: {  	[hbm:s18], [sflag:s5] =	dma.local [spmem:s8], $0x500  }
0xd4: {  	_ =	swait.ge [sflag:s9], $0x500  }
0xd5: {  	[sflag:s9] =	ssyncset.done $0x0  }
0xd6: {  	[sflag:s9] =	ssyncadd.s32 $0xFFFFFB00  }
0xd7: {  	_ =	sfence.sel $0x180000  }
0xd8: {  	[bflag:$0x0] =	sbarrier.arrive $0xFFFF  }
0xd9: {  	p0 =	sne.s32 s1, $0x0;
	_ =	strace $0x90000047  }
0xda: {  	s0 =	sadd.s32 @!p0 $0x100000, s0;
	[bflag:$0x2] =	sbarrier.arrive $0xFFFF  }
0xdb: {  	[sflag:s0] =	ssyncadd.tile.s32 @!p0 $0x1;
	_ =	shalt  }
.Lfunc_end2:
_tile_overlayer_lowered:
.L_overlay_start_2:
0xdc: {  	(tag) =	ssettag $0x2  }
0xdd: {  	s0 =	rddreg [dreg:$0x0];
	s2 =	stileid.u32  }
0xde: {  	s1 =	rddreg [dreg:$0x1];
	p0 =	sne.s32 s2, $0x0  }
0xdf: {  	s3 =	rddreg [dreg:$0x2];
	[bflag:$0x3] =	sbarrier.arrive $0xFFFF;
	s2 =	simm.s32 @!p0 $0x1C01  }
0xe0: {  	[timem:s3], [sflag:s2] =	dma.local @!p0 [hbm:s0], s1  }
0xe1: {  	s0 =	simm.s32 @!p0 $0x1  }
0xe2: {  	_ =	swait.ge @!p0 [sflag:s0], s1  }
0xe3: {  	s1 =	ssub.s32 @!p0 $0x0, s1;
	[sflag:s0] =	ssyncset.done @!p0 $0x0  }
0xe4: {  	[sflag:s0] =	ssyncadd.s32 @!p0 s1  }
0xe5: {  	[bflag:$0x3] =	sbarrier.arrive $0xFFFF  }
0xe6: {  	_ =	shalt  }

</sc_bundles>
